<compile_context>
chip_gen: v7x
topology: tpu7x:2x2x1
jax: 0.10.2.dev20260603
libtpu: 0.0.44.dev20260713+nightly
codegen_flags: <defaults>
</compile_context>

<pallas_src>
import functools

import jax
import jax.numpy as jnp
from jax import lax
from jax.experimental import pallas as pl
from jax.experimental.pallas import tpu as pltpu
from jax.experimental.pallas import tpu_sc as plsc

_N = 207
_F = 2
_P = 12
_B = 12
_MID = _N * 5
_E = 1722
_BP = _B * _P
_C = _BP * _F
_CP = 512
_CH = _CP // 2

_NP = 208
_EP = 2048
_ET = _EP // 16

_PREC = jax.lax.Precision.HIGHEST


def _graph_prep_body(col_ref, xnm_ref, xs_ref, dis_ref):
    col = col_ref[...]
    ids = jax.lax.broadcasted_iota(jnp.int32, (_NP, _EP), 0)
    oh_col = (ids == col).astype(jnp.float32)
    deg = jnp.sum(oh_col, axis=1, keepdims=True)
    dis = jnp.where(deg > 0.0, jax.lax.rsqrt(deg), 0.0)
    dis_ref[...] = dis
    xs_ref[0:_NP, :] = xnm_ref[0:_NP, :] * dis
    xs_ref[_NP:, :] = xnm_ref[_NP:, :] * dis


def _fold_body(wz_ref, wh_ref, lz_ref, lh_ref,
               bz_ref, lzb_ref, bh_ref, lhb_ref,
               cz_ref, ch_ref, dz_ref, dh_ref):
    cz_ref[...] = jax.lax.dot_general(wz_ref[...], lz_ref[...],
                                      (((0,), (1,)), ((), ())),
                                      preferred_element_type=jnp.float32,
                                      precision=_PREC)
    ch_ref[...] = jax.lax.dot_general(wh_ref[...], lh_ref[...],
                                      (((0,), (1,)), ((), ())),
                                      preferred_element_type=jnp.float32,
                                      precision=_PREC)
    dz_ref[...] = jax.lax.dot_general(bz_ref[...], lz_ref[...],
                                      (((1,), (1,)), ((), ())),
                                      preferred_element_type=jnp.float32,
                                      precision=_PREC) + lzb_ref[...]
    dh_ref[...] = jax.lax.dot_general(bh_ref[...], lh_ref[...],
                                      (((1,), (1,)), ((), ())),
                                      preferred_element_type=jnp.float32,
                                      precision=_PREC) + lhb_ref[...]


def _sc_agg_body(row_hbm, col_hbm, xs_hbm, zero_hbm, y_hbm,
                 row_v, col_v, rows_v, acc, sem):
    c = lax.axis_index("c")
    s = lax.axis_index("s")
    base = s * _ET

    pltpu.sync_copy(zero_hbm, acc)
    pltpu.sync_copy(row_hbm.at[pl.ds(base, _ET)], row_v)
    pltpu.sync_copy(col_hbm.at[pl.ds(base, _ET)], col_v)

    def _adj(i, _):
        row_v[pl.ds(i * 16, 16)] = row_v[pl.ds(i * 16, 16)] + c * _NP
        return 0
    lax.fori_loop(0, _ET // 16, _adj, 0)

    pltpu.async_copy(xs_hbm.at[row_v], rows_v, sem).wait()

    lanes = jax.lax.broadcasted_iota(jnp.int32, (16,), 0)

    def _edge_group(g, _):
        for k in range(16):
            eidx = jnp.full((16,), g * 16 + k, jnp.int32)
            ce = plsc.load_gather(col_v, [eidx])
            for j in range(_CH // 16):
                cidx = lanes + (j * 16)
                vals = plsc.load_gather(rows_v, [eidx, cidx])
                plsc.addupdate_scatter(acc, [ce, cidx], vals)
        return 0
    lax.fori_loop(0, _ET // 16, _edge_group, 0)

    pltpu.sync_copy(acc, y_hbm.at[c * 16 + s])


def _reduce_body(yp_ref, dis_ref, y0_ref, y1_ref):
    h0 = jnp.sum(yp_ref[0:16], axis=0)
    h1 = jnp.sum(yp_ref[16:32], axis=0)
    yfull = jnp.concatenate([h0, h1[:, :_C - _CH]], axis=1) * dis_ref[...]
    y0_ref[...] = jnp.transpose(yfull[:, :_BP], (1, 0))
    y1_ref[...] = jnp.transpose(yfull[:, _BP:], (1, 0))


def _gate_body(y0_ref, y1_ref, cz_ref, ch_ref,
               dz_ref, dh_ref, att_ref, lin_ref, linb_ref, out_ref):
    att = att_ref[...]
    e = jnp.exp(att - jnp.max(att))
    w_all = e / jnp.sum(e)
    cz0 = cz_ref[0:1, :_MID]
    cz1 = cz_ref[1:2, :_MID]
    ch0 = ch_ref[0:1, :_MID]
    ch1 = ch_ref[1:2, :_MID]
    dzv = dz_ref[0:1, :_MID]
    dhv = dh_ref[0:1, :_MID]
    acc = jnp.zeros((_NP, _MID), jnp.float32)
    for p in range(_P):
        y0 = y0_ref[0, p]
        y1 = y1_ref[0, p]
        pz = y0 * cz0 + y1 * cz1 + dzv
        ph = y0 * ch0 + y1 * ch1 + dhv
        hp = (1.0 - jax.nn.sigmoid(pz)) * jnp.tanh(ph)
        acc = acc + w_all[0:1, p:p + 1] * hp
    h = jnp.maximum(acc, 0.0)
    o = jax.lax.dot_general(h, lin_ref[:, :_MID],
                            (((1,), (1,)), ((), ())),
                            preferred_element_type=jnp.float32,
                            precision=_PREC)
    out_ref[0] = jax.nn.sigmoid(o + linb_ref[...])


def kernel(x, edge_index, Wz, bz, Wr, br, Wh, bh, lzW, lzb, lrW, lrb,
           lhW, lhb, att, linW, linb):
    f32 = jnp.float32
    loop = jnp.arange(_N, dtype=edge_index.dtype)
    row = jnp.concatenate([edge_index[0], loop])
    col = jnp.concatenate([edge_index[1], loop])
    pad_e = _EP - row.shape[0]
    row = jnp.pad(row, (0, pad_e), constant_values=_N).astype(jnp.int32)
    col = jnp.pad(col, (0, pad_e), constant_values=_N).astype(jnp.int32)
    col2 = col.reshape(1, _EP)

    xnm = jnp.pad(x.transpose(1, 2, 0, 3).reshape(_N, _C),
                  ((0, _NP - _N), (0, _CP - _C)))
    xnm2 = jnp.concatenate([xnm[:, :_CH], xnm[:, _CH:]], axis=0)

    lz = lzW[:, :_MID]
    lh = lhW[:, :_MID]
    wz = Wz
    wh = Wh
    bz2 = bz.reshape(1, _MID)
    bh2 = bh.reshape(1, _MID)
    lzb2 = lzb.reshape(1, _MID)
    lhb2 = lhb.reshape(1, _MID)
    lin = linW
    linb2 = linb.reshape(1, _P)
    att2 = att.reshape(1, _P)

    xs, dis = pl.pallas_call(
        _graph_prep_body,
        out_shape=(
            jax.ShapeDtypeStruct((2 * _NP, _CH), f32),
            jax.ShapeDtypeStruct((_NP, 1), f32),
        ),
    )(col2, xnm2)

    cz, ch, dz, dh = pl.pallas_call(
        _fold_body,
        out_shape=(
            jax.ShapeDtypeStruct((_F, _MID), f32),
            jax.ShapeDtypeStruct((_F, _MID), f32),
            jax.ShapeDtypeStruct((1, _MID), f32),
            jax.ShapeDtypeStruct((1, _MID), f32),
        ),
    )(wz, wh, lz, lh, bz2, lzb2, bh2, lhb2)

    zero = jnp.zeros((_NP, _CH), f32)
    mesh = plsc.VectorSubcoreMesh(core_axis_name="c", subcore_axis_name="s")
    sc_agg = functools.partial(
        pl.kernel, mesh=mesh,
        out_type=jax.ShapeDtypeStruct((32, _NP, _CH), f32),
        scratch_types=[
            pltpu.VMEM((_ET,), jnp.int32),
            pltpu.VMEM((_ET,), jnp.int32),
            pltpu.VMEM((_ET, _CH), f32),
            pltpu.VMEM((_NP, _CH), f32),
            pltpu.SemaphoreType.DMA,
        ],
        compiler_params=pltpu.CompilerParams(needs_layout_passes=False),
    )(_sc_agg_body)
    ypart = sc_agg(row, col, xs, zero)

    y0t, y1t = pl.pallas_call(
        _reduce_body,
        out_shape=(
            jax.ShapeDtypeStruct((_BP, _NP), f32),
            jax.ShapeDtypeStruct((_BP, _NP), f32),
        ),
    )(ypart, dis)
    y0 = y0t.reshape(_B, _P, _NP, 1)
    y1 = y1t.reshape(_B, _P, _NP, 1)

    full = lambda s: pl.BlockSpec(s, lambda b: tuple(0 for _ in s))
    b_spec = pl.BlockSpec((1, _P, _NP, 1), lambda b: (b, 0, 0, 0))
    out3 = pl.pallas_call(
        _gate_body,
        grid=(_B,),
        in_specs=[
            b_spec, b_spec,
            full((_F, _MID)),
            full((_F, _MID)),
            full((1, _MID)),
            full((1, _MID)),
            full((1, _P)),
            full((_P, _MID)),
            full((1, _P)),
        ],
        out_specs=pl.BlockSpec((1, _NP, _P), lambda b: (b, 0, 0)),
        out_shape=jax.ShapeDtypeStruct((_B, _NP, _P), f32),
        compiler_params=pltpu.CompilerParams(
            dimension_semantics=("arbitrary",)),
    )(y0, y1, cz, ch, dz, dh, att2, lin, linb2)

    return out3[:, :_N, :]

# --- scband reference (transcript-rebuilt; emitter-appended) ---
"""Pipeline reference for scband-tgnnpo-25778393710960 (READ-ONLY COPY).

The authoritative reference and input builder live on the scoring server;
editing this copy changes nothing except your own understanding.
"""

import jax, jax.numpy as jnp
import numpy as np

N = 207
F_IN = 2
PERIODS = 12
MID = N * 5  # 1035
E = 1722


def _gcn_norm(edge_index):
    # gcn_norm with add_self_loops=True, improved=False, all edge weights = 1
    loop = jnp.arange(N, dtype=edge_index.dtype)
    row = jnp.concatenate([edge_index[0], loop])
    col = jnp.concatenate([edge_index[1], loop])
    w = jnp.ones(row.shape[0], jnp.float32)
    deg = jnp.zeros(N, jnp.float32).at[col].add(w)
    dis = jnp.where(deg > 0, deg ** -0.5, 0.0)
    norm = dis[row] * w * dis[col]
    return row, col, norm


def _gcn_conv(x, W, b, row, col, norm):
    # x: [B, N, F]; PyG GCNConv: lin -> propagate(gather/scatter-add along node dim) -> +bias
    xw = x @ W.T
    msg = xw[:, row, :] * norm[None, :, None]
    out = jnp.zeros((x.shape[0], N, W.shape[0]), x.dtype).at[:, col, :].add(msg)
    return out + b


def _tgcn_cell(X, H, row, col, norm, Wz, bz, Wr, br, Wh, bh, lzW, lzb, lrW, lrb, lhW, lhb):
    Z = jax.nn.sigmoid(jnp.concatenate([_gcn_conv(X, Wz, bz, row, col, norm), H], axis=2) @ lzW.T + lzb)
    R = jax.nn.sigmoid(jnp.concatenate([_gcn_conv(X, Wr, br, row, col, norm), H], axis=2) @ lrW.T + lrb)
    Ht = jnp.tanh(jnp.concatenate([_gcn_conv(X, Wh, bh, row, col, norm), H * R], axis=2) @ lhW.T + lhb)
    return Z * H + (1.0 - Z) * Ht


def setup_inputs(seed: int = 0):
    key = jax.random.key(seed)
    ks = jax.random.split(key, 20)
    x = jax.random.normal(ks[0], (PERIODS, N, F_IN, PERIODS), jnp.float32)
    edge_index = jax.random.randint(ks[1], (2, E), 0, N, dtype=jnp.int32)
    s = 0.05
    inp = {"x": x, "edge_index": edge_index}
    inp["Wz"] = jax.random.normal(ks[2], (MID, F_IN), jnp.float32) * s
    inp["bz"] = jnp.zeros((MID,), jnp.float32)
    inp["Wr"] = jax.random.normal(ks[3], (MID, F_IN), jnp.float32) * s
    inp["br"] = jnp.zeros((MID,), jnp.float32)
    inp["Wh"] = jax.random.normal(ks[4], (MID, F_IN), jnp.float32) * s
    inp["bh"] = jnp.zeros((MID,), jnp.float32)
    inp["lzW"] = jax.random.normal(ks[5], (MID, 2 * MID), jnp.float32) * s
    inp["lzb"] = jnp.zeros((MID,), jnp.float32)
    inp["lrW"] = jax.random.normal(ks[6], (MID, 2 * MID), jnp.float32) * s
    inp["lrb"] = jnp.zeros((MID,), jnp.float32)
    inp["lhW"] = jax.random.normal(ks[7], (MID, 2 * MID), jnp.float32) * s
    inp["lhb"] = jnp.zeros((MID,), jnp.float32)
    inp["att"] = jax.random.uniform(ks[8], (PERIODS,), jnp.float32)
    inp["linW"] = jax.random.normal(ks[9], (PERIODS, MID), jnp.float32) * s
    inp["linb"] = jnp.zeros((PERIODS,), jnp.float32)
    return inp


def reference(x, edge_index, Wz, bz, Wr, br, Wh, bh, lzW, lzb, lrW, lrb, lhW, lhb, att, linW, linb):
    row, col, norm = _gcn_norm(edge_index)
    B = x.shape[0]
    probs = jax.nn.softmax(att)
    H0 = jnp.zeros((B, N, MID), jnp.float32)  # A3TGCN2 passes H=None each period
    H_accum = jnp.zeros((B, N, MID), jnp.float32)
    for p in range(PERIODS):
        Hp = _tgcn_cell(x[:, :, :, p], H0, row, col, norm, Wz, bz, Wr, br, Wh, bh, lzW, lzb, lrW, lrb, lhW, lhb)
        H_accum = H_accum + probs[p] * Hp
    h = jax.nn.relu(H_accum)
    h = h @ linW.T + linb
    return jax.nn.sigmoid(h)

if __name__ == "__main__":
    import jax
    _d = setup_inputs()
    print(jax.jit(kernel)(*tuple(_d.values())))

</pallas_src>

<mosaic_0001>
#map = affine_map<(d0, d1) -> (0)>
#map1 = affine_map<(d0, d1) -> (0, 0)>
#map2 = affine_map<(d0, d1) -> (0, 0, 0)>
module attributes {stable_mosaic.version = 14 : i64} {
  func.func @_sc_agg_body(%arg0: i32, %arg1: i32, %arg2: memref<2048xi32, #tpu.memory_space<hbm>>, %arg3: memref<2048xi32, #tpu.memory_space<hbm>>, %arg4: memref<416x256xf32, #tpu.memory_space<hbm>>, %arg5: memref<208x256xf32, #tpu.memory_space<hbm>>, %arg6: memref<32x208x256xf32, #tpu.memory_space<hbm>>, %arg7: memref<128xi32, #tpu.memory_space<vmem>>, %arg8: memref<128xi32, #tpu.memory_space<vmem>>, %arg9: memref<128x256xf32, #tpu.memory_space<vmem>>, %arg10: memref<208x256xf32, #tpu.memory_space<vmem>>, %arg11: memref<!tpu.dma_semaphore, #tpu.memory_space<semaphore_mem>>) attributes {dimension_semantics = [#tpu.dimension_semantics<core_parallel>, #tpu.dimension_semantics<subcore_parallel>], iteration_bounds = array<i64: 2, 16>, scalar_prefetch = 0 : i64, scratch_operands = 5 : i64, tpu.core_type = #tpu.core_type<sc_vector_subcore>, window_params = [{transform_indices = #map}, {transform_indices = #map}, {transform_indices = #map1}, {transform_indices = #map1}, {transform_indices = #map2}]} {
    %mul3A = arith.constant 128 : i32
    %mul3A_0 = arith.muli %arg1, %mul3A : i32
    "tpu.region"() ({
      %run_scoped3A = tpu.sem_alloc : memref<!tpu.dma_semaphore, #tpu.memory_space<semaphore_mem>>
      tpu.enqueue_dma source(%arg5 : memref<208x256xf32, #tpu.memory_space<hbm>>) target(%arg10 : memref<208x256xf32, #tpu.memory_space<vmem>>) target_semaphore(%run_scoped3A : memref<!tpu.dma_semaphore, #tpu.memory_space<semaphore_mem>>)
      tpu.wait_dma2 semaphore(%run_scoped3A : memref<!tpu.dma_semaphore, #tpu.memory_space<semaphore_mem>>) src(%arg5 : memref<208x256xf32, #tpu.memory_space<hbm>>) dst(%arg10 : memref<208x256xf32, #tpu.memory_space<vmem>>)
      tpu.yield
    }) : () -> ()
    "tpu.region"() ({
      %run_scoped3A = tpu.sem_alloc : memref<!tpu.dma_semaphore, #tpu.memory_space<semaphore_mem>>
      %dma_start3A_20 = tpu.memref_slice %arg2[%mul3A_0] : memref<2048xi32, #tpu.memory_space<hbm>> -> memref<128xi32, #tpu.memory_space<hbm>>
      %dma_start3A_21 = tpu.memref_slice %arg2[%mul3A_0] : memref<2048xi32, #tpu.memory_space<hbm>> -> memref<128xi32, #tpu.memory_space<hbm>>
      tpu.enqueue_dma source(%dma_start3A_21 : memref<128xi32, #tpu.memory_space<hbm>>) target(%arg7 : memref<128xi32, #tpu.memory_space<vmem>>) target_semaphore(%run_scoped3A : memref<!tpu.dma_semaphore, #tpu.memory_space<semaphore_mem>>)
      %dma_wait3A_22 = tpu.memref_slice %arg2[%mul3A_0] : memref<2048xi32, #tpu.memory_space<hbm>> -> memref<128xi32, #tpu.memory_space<hbm>>
      %dma_wait3A_23 = tpu.memref_slice %arg2[%mul3A_0] : memref<2048xi32, #tpu.memory_space<hbm>> -> memref<128xi32, #tpu.memory_space<hbm>>
      tpu.wait_dma2 semaphore(%run_scoped3A : memref<!tpu.dma_semaphore, #tpu.memory_space<semaphore_mem>>) src(%dma_wait3A_23 : memref<128xi32, #tpu.memory_space<hbm>>) dst(%arg7 : memref<128xi32, #tpu.memory_space<vmem>>)
      tpu.yield
    }) : () -> ()
    "tpu.region"() ({
      %run_scoped3A = tpu.sem_alloc : memref<!tpu.dma_semaphore, #tpu.memory_space<semaphore_mem>>
      %dma_start3A_20 = tpu.memref_slice %arg3[%mul3A_0] : memref<2048xi32, #tpu.memory_space<hbm>> -> memref<128xi32, #tpu.memory_space<hbm>>
      %dma_start3A_21 = tpu.memref_slice %arg3[%mul3A_0] : memref<2048xi32, #tpu.memory_space<hbm>> -> memref<128xi32, #tpu.memory_space<hbm>>
      tpu.enqueue_dma source(%dma_start3A_21 : memref<128xi32, #tpu.memory_space<hbm>>) target(%arg8 : memref<128xi32, #tpu.memory_space<vmem>>) target_semaphore(%run_scoped3A : memref<!tpu.dma_semaphore, #tpu.memory_space<semaphore_mem>>)
      %dma_wait3A_22 = tpu.memref_slice %arg3[%mul3A_0] : memref<2048xi32, #tpu.memory_space<hbm>> -> memref<128xi32, #tpu.memory_space<hbm>>
      %dma_wait3A_23 = tpu.memref_slice %arg3[%mul3A_0] : memref<2048xi32, #tpu.memory_space<hbm>> -> memref<128xi32, #tpu.memory_space<hbm>>
      tpu.wait_dma2 semaphore(%run_scoped3A : memref<!tpu.dma_semaphore, #tpu.memory_space<semaphore_mem>>) src(%dma_wait3A_23 : memref<128xi32, #tpu.memory_space<hbm>>) dst(%arg8 : memref<128xi32, #tpu.memory_space<vmem>>)
      tpu.yield
    }) : () -> ()
    %scan3A = arith.constant 0 : i32
    %scan3A_1 = arith.constant 0 : i32
    %scan3A_2 = arith.constant 8 : i32
    %scan3A_3 = arith.addi %scan3A_1, %scan3A_2 : i32
    %scan3A_4 = arith.constant 1 : i32
    %scan3A_5 = scf.for %scan3A_20 = %scan3A_1 to %scan3A_3 step %scan3A_4 iter_args(%scan3A_21 = %scan3A) -> (i32)  : i32 {
      %mul3A_22 = arith.constant 16 : i32
      %mul3A_23 = arith.muli %scan3A_20, %mul3A_22 : i32
      %get3A = arith.index_cast %mul3A_23 : i32 to index
      %get3A_24 = tpu.vector_load %arg7[%get3A] {strides = array<i32>} : memref<128xi32, #tpu.memory_space<vmem>>, vector<16xi32>,
      %mul3A_25 = arith.constant 208 : i32
      %mul3A_26 = arith.muli %arg0, %mul3A_25 : i32
      %add3A_27 = vector.broadcast %mul3A_26 : i32 to vector<16xi32>
      %add3A_28 = arith.addi %get3A_24, %add3A_27 : vector<16xi32>
      %mul3A_29 = arith.constant 16 : i32
      %mul3A_30 = arith.muli %scan3A_20, %mul3A_29 : i32
      %swap3A = arith.index_cast %mul3A_30 : i32 to index
      %swap3A_31 = tpu.vector_load %arg7[%swap3A] {strides = array<i32>} : memref<128xi32, #tpu.memory_space<vmem>>, vector<16xi32>,
      tpu.vector_store %arg7[%swap3A], %add3A_28 {strides = array<i32>} : memref<128xi32, #tpu.memory_space<vmem>>, vector<16xi32>,
      %scan3A_32 = arith.constant 0 : i32
      scf.yield %scan3A_32 : i32
    }
    %scan3A_6 = arith.constant 8 : i32
    %dma_start3A = arith.constant 0 : i32
    %dma_start3A_7 = arith.constant 0 : i32
    %dma_start3A_8 = tpu.memref_slice %arg4[%dma_start3A, %dma_start3A_7] : memref<416x256xf32, #tpu.memory_space<hbm>> -> memref<416x256xf32, #tpu.memory_space<hbm>>
    tpu.enqueue_indirect_dma source(%dma_start3A_8 : memref<416x256xf32, #tpu.memory_space<hbm>>) target(%arg9 : memref<128x256xf32, #tpu.memory_space<vmem>>) offsets(%arg7 : memref<128xi32, #tpu.memory_space<vmem>>) semaphore(%arg11 : memref<!tpu.dma_semaphore, #tpu.memory_space<semaphore_mem>>)
    %dma_wait3A = arith.constant 0 : i32
    %dma_wait3A_9 = arith.constant 0 : i32
    %dma_wait3A_10 = tpu.memref_slice %arg4[%dma_wait3A, %dma_wait3A_9] : memref<416x256xf32, #tpu.memory_space<hbm>> -> memref<416x256xf32, #tpu.memory_space<hbm>>
    tpu.wait_indirect_dma semaphore(%arg11 : memref<!tpu.dma_semaphore, #tpu.memory_space<semaphore_mem>>) src(%dma_wait3A_10 : memref<416x256xf32, #tpu.memory_space<hbm>>) dst(%arg9 : memref<128x256xf32, #tpu.memory_space<vmem>>)
    %iota3A = tpu.iota {dimensions = array<i32: 0>} : vector<16xi32>
    %scan3A_11 = arith.constant 0 : i32
    %scan3A_12 = arith.constant 0 : i32
    %scan3A_13 = arith.constant 8 : i32
    %scan3A_14 = arith.addi %scan3A_12, %scan3A_13 : i32
    %scan3A_15 = arith.constant 1 : i32
    %scan3A_16 = scf.for %scan3A_20 = %scan3A_12 to %scan3A_14 step %scan3A_15 iter_args(%scan3A_21 = %scan3A_11) -> (i32)  : i32 {
      %mul3A_22 = arith.constant 16 : i32
      %mul3A_23 = arith.muli %scan3A_20, %mul3A_22 : i32
      %add3A_24 = arith.constant 0 : i32
      %add3A_25 = arith.addi %mul3A_23, %add3A_24 : i32
      %broadcast_in_dim3A = vector.broadcast %add3A_25 : i32 to vector<16xi32>
      %gather3A = tpu.vector_load_idx %arg8[%broadcast_in_dim3A] : memref<128xi32, #tpu.memory_space<vmem>>[vector<16xi32>], vector<16xi32>,
      %add3A_26 = arith.constant 0 : i32
      %add3A_27 = vector.broadcast %add3A_26 : i32 to vector<16xi32>
      %add3A_28 = arith.addi %iota3A, %add3A_27 : vector<16xi32>
      %gather3A_29 = tpu.vector_load_idx %arg9[%broadcast_in_dim3A, %add3A_28] : memref<128x256xf32, #tpu.memory_space<vmem>>[vector<16xi32>, vector<16xi32>], vector<16xf32>,
      tpu.vector_store_idx %arg10[%gather3A, %add3A_28], %gather3A_29 {add = true} : memref<208x256xf32, #tpu.memory_space<vmem>>[vector<16xi32>, vector<16xi32>], vector<16xf32>,
      %add3A_30 = arith.constant 16 : i32
      %add3A_31 = vector.broadcast %add3A_30 : i32 to vector<16xi32>
      %add3A_32 = arith.addi %iota3A, %add3A_31 : vector<16xi32>
      %gather3A_33 = tpu.vector_load_idx %arg9[%broadcast_in_dim3A, %add3A_32] : memref<128x256xf32, #tpu.memory_space<vmem>>[vector<16xi32>, vector<16xi32>], vector<16xf32>,
      tpu.vector_store_idx %arg10[%gather3A, %add3A_32], %gather3A_33 {add = true} : memref<208x256xf32, #tpu.memory_space<vmem>>[vector<16xi32>, vector<16xi32>], vector<16xf32>,
      %add3A_34 = arith.constant 32 : i32
      %add3A_35 = vector.broadcast %add3A_34 : i32 to vector<16xi32>
      %add3A_36 = arith.addi %iota3A, %add3A_35 : vector<16xi32>
      %gather3A_37 = tpu.vector_load_idx %arg9[%broadcast_in_dim3A, %add3A_36] : memref<128x256xf32, #tpu.memory_space<vmem>>[vector<16xi32>, vector<16xi32>], vector<16xf32>,
      tpu.vector_store_idx %arg10[%gather3A, %add3A_36], %gather3A_37 {add = true} : memref<208x256xf32, #tpu.memory_space<vmem>>[vector<16xi32>, vector<16xi32>], vector<16xf32>,
      %add3A_38 = arith.constant 48 : i32
      %add3A_39 = vector.broadcast %add3A_38 : i32 to vector<16xi32>
      %add3A_40 = arith.addi %iota3A, %add3A_39 : vector<16xi32>
      %gather3A_41 = tpu.vector_load_idx %arg9[%broadcast_in_dim3A, %add3A_40] : memref<128x256xf32, #tpu.memory_space<vmem>>[vector<16xi32>, vector<16xi32>], vector<16xf32>,
      tpu.vector_store_idx %arg10[%gather3A, %add3A_40], %gather3A_41 {add = true} : memref<208x256xf32, #tpu.memory_space<vmem>>[vector<16xi32>, vector<16xi32>], vector<16xf32>,
      %add3A_42 = arith.constant 64 : i32
      %add3A_43 = vector.broadcast %add3A_42 : i32 to vector<16xi32>
      %add3A_44 = arith.addi %iota3A, %add3A_43 : vector<16xi32>
      %gather3A_45 = tpu.vector_load_idx %arg9[%broadcast_in_dim3A, %add3A_44] : memref<128x256xf32, #tpu.memory_space<vmem>>[vector<16xi32>, vector<16xi32>], vector<16xf32>,
      tpu.vector_store_idx %arg10[%gather3A, %add3A_44], %gather3A_45 {add = true} : memref<208x256xf32, #tpu.memory_space<vmem>>[vector<16xi32>, vector<16xi32>], vector<16xf32>,
      %add3A_46 = arith.constant 80 : i32
      %add3A_47 = vector.broadcast %add3A_46 : i32 to vector<16xi32>
      %add3A_48 = arith.addi %iota3A, %add3A_47 : vector<16xi32>
      %gather3A_49 = tpu.vector_load_idx %arg9[%broadcast_in_dim3A, %add3A_48] : memref<128x256xf32, #tpu.memory_space<vmem>>[vector<16xi32>, vector<16xi32>], vector<16xf32>,
      tpu.vector_store_idx %arg10[%gather3A, %add3A_48], %gather3A_49 {add = true} : memref<208x256xf32, #tpu.memory_space<vmem>>[vector<16xi32>, vector<16xi32>], vector<16xf32>,
      %add3A_50 = arith.constant 96 : i32
      %add3A_51 = vector.broadcast %add3A_50 : i32 to vector<16xi32>
      %add3A_52 = arith.addi %iota3A, %add3A_51 : vector<16xi32>
      %gather3A_53 = tpu.vector_load_idx %arg9[%broadcast_in_dim3A, %add3A_52] : memref<128x256xf32, #tpu.memory_space<vmem>>[vector<16xi32>, vector<16xi32>], vector<16xf32>,
      tpu.vector_store_idx %arg10[%gather3A, %add3A_52], %gather3A_53 {add = true} : memref<208x256xf32, #tpu.memory_space<vmem>>[vector<16xi32>, vector<16xi32>], vector<16xf32>,
      %add3A_54 = arith.constant 112 : i32
      %add3A_55 = vector.broadcast %add3A_54 : i32 to vector<16xi32>
      %add3A_56 = arith.addi %iota3A, %add3A_55 : vector<16xi32>
      %gather3A_57 = tpu.vector_load_idx %arg9[%broadcast_in_dim3A, %add3A_56] : memref<128x256xf32, #tpu.memory_space<vmem>>[vector<16xi32>, vector<16xi32>], vector<16xf32>,
      tpu.vector_store_idx %arg10[%gather3A, %add3A_56], %gather3A_57 {add = true} : memref<208x256xf32, #tpu.memory_space<vmem>>[vector<16xi32>, vector<16xi32>], vector<16xf32>,
      %add3A_58 = arith.constant 128 : i32
      %add3A_59 = vector.broadcast %add3A_58 : i32 to vector<16xi32>
      %add3A_60 = arith.addi %iota3A, %add3A_59 : vector<16xi32>
      %gather3A_61 = tpu.vector_load_idx %arg9[%broadcast_in_dim3A, %add3A_60] : memref<128x256xf32, #tpu.memory_space<vmem>>[vector<16xi32>, vector<16xi32>], vector<16xf32>,
      tpu.vector_store_idx %arg10[%gather3A, %add3A_60], %gather3A_61 {add = true} : memref<208x256xf32, #tpu.memory_space<vmem>>[vector<16xi32>, vector<16xi32>], vector<16xf32>,
      %add3A_62 = arith.constant 144 : i32
      %add3A_63 = vector.broadcast %add3A_62 : i32 to vector<16xi32>
      %add3A_64 = arith.addi %iota3A, %add3A_63 : vector<16xi32>
      %gather3A_65 = tpu.vector_load_idx %arg9[%broadcast_in_dim3A, %add3A_64] : memref<128x256xf32, #tpu.memory_space<vmem>>[vector<16xi32>, vector<16xi32>], vector<16xf32>,
      tpu.vector_store_idx %arg10[%gather3A, %add3A_64], %gather3A_65 {add = true} : memref<208x256xf32, #tpu.memory_space<vmem>>[vector<16xi32>, vector<16xi32>], vector<16xf32>,
      %add3A_66 = arith.constant 160 : i32
      %add3A_67 = vector.broadcast %add3A_66 : i32 to vector<16xi32>
      %add3A_68 = arith.addi %iota3A, %add3A_67 : vector<16xi32>
      %gather3A_69 = tpu.vector_load_idx %arg9[%broadcast_in_dim3A, %add3A_68] : memref<128x256xf32, #tpu.memory_space<vmem>>[vector<16xi32>, vector<16xi32>], vector<16xf32>,
      tpu.vector_store_idx %arg10[%gather3A, %add3A_68], %gather3A_69 {add = true} : memref<208x256xf32, #tpu.memory_space<vmem>>[vector<16xi32>, vector<16xi32>], vector<16xf32>,
      %add3A_70 = arith.constant 176 : i32
      %add3A_71 = vector.broadcast %add3A_70 : i32 to vector<16xi32>
      %add3A_72 = arith.addi %iota3A, %add3A_71 : vector<16xi32>
      %gather3A_73 = tpu.vector_load_idx %arg9[%broadcast_in_dim3A, %add3A_72] : memref<128x256xf32, #tpu.memory_space<vmem>>[vector<16xi32>, vector<16xi32>], vector<16xf32>,
      tpu.vector_store_idx %arg10[%gather3A, %add3A_72], %gather3A_73 {add = true} : memref<208x256xf32, #tpu.memory_space<vmem>>[vector<16xi32>, vector<16xi32>], vector<16xf32>,
      %add3A_74 = arith.constant 192 : i32
      %add3A_75 = vector.broadcast %add3A_74 : i32 to vector<16xi32>
      %add3A_76 = arith.addi %iota3A, %add3A_75 : vector<16xi32>
      %gather3A_77 = tpu.vector_load_idx %arg9[%broadcast_in_dim3A, %add3A_76] : memref<128x256xf32, #tpu.memory_space<vmem>>[vector<16xi32>, vector<16xi32>], vector<16xf32>,
      tpu.vector_store_idx %arg10[%gather3A, %add3A_76], %gather3A_77 {add = true} : memref<208x256xf32, #tpu.memory_space<vmem>>[vector<16xi32>, vector<16xi32>], vector<16xf32>,
      %add3A_78 = arith.constant 208 : i32
      %add3A_79 = vector.broadcast %add3A_78 : i32 to vector<16xi32>
      %add3A_80 = arith.addi %iota3A, %add3A_79 : vector<16xi32>
      %gather3A_81 = tpu.vector_load_idx %arg9[%broadcast_in_dim3A, %add3A_80] : memref<128x256xf32, #tpu.memory_space<vmem>>[vector<16xi32>, vector<16xi32>], vector<16xf32>,
      tpu.vector_store_idx %arg10[%gather3A, %add3A_80], %gather3A_81 {add = true} : memref<208x256xf32, #tpu.memory_space<vmem>>[vector<16xi32>, vector<16xi32>], vector<16xf32>,
      %add3A_82 = arith.constant 224 : i32
      %add3A_83 = vector.broadcast %add3A_82 : i32 to vector<16xi32>
      %add3A_84 = arith.addi %iota3A, %add3A_83 : vector<16xi32>
      %gather3A_85 = tpu.vector_load_idx %arg9[%broadcast_in_dim3A, %add3A_84] : memref<128x256xf32, #tpu.memory_space<vmem>>[vector<16xi32>, vector<16xi32>], vector<16xf32>,
      tpu.vector_store_idx %arg10[%gather3A, %add3A_84], %gather3A_85 {add = true} : memref<208x256xf32, #tpu.memory_space<vmem>>[vector<16xi32>, vector<16xi32>], vector<16xf32>,
      %add3A_86 = arith.constant 240 : i32
      %add3A_87 = vector.broadcast %add3A_86 : i32 to vector<16xi32>
      %add3A_88 = arith.addi %iota3A, %add3A_87 : vector<16xi32>
      %gather3A_89 = tpu.vector_load_idx %arg9[%broadcast_in_dim3A, %add3A_88] : memref<128x256xf32, #tpu.memory_space<vmem>>[vector<16xi32>, vector<16xi32>], vector<16xf32>,
      tpu.vector_store_idx %arg10[%gather3A, %add3A_88], %gather3A_89 {add = true} : memref<208x256xf32, #tpu.memory_space<vmem>>[vector<16xi32>, vector<16xi32>], vector<16xf32>,
      %mul3A_90 = arith.constant 16 : i32
      %mul3A_91 = arith.muli %scan3A_20, %mul3A_90 : i32
      %add3A_92 = arith.constant 1 : i32
      %add3A_93 = arith.addi %mul3A_91, %add3A_92 : i32
      %broadcast_in_dim3A_94 = vector.broadcast %add3A_93 : i32 to vector<16xi32>
      %gather3A_95 = tpu.vector_load_idx %arg8[%broadcast_in_dim3A_94] : memref<128xi32, #tpu.memory_space<vmem>>[vector<16xi32>], vector<16xi32>,
      %add3A_96 = arith.constant 0 : i32
      %add3A_97 = vector.broadcast %add3A_96 : i32 to vector<16xi32>
      %add3A_98 = arith.addi %iota3A, %add3A_97 : vector<16xi32>
      %gather3A_99 = tpu.vector_load_idx %arg9[%broadcast_in_dim3A_94, %add3A_98] : memref<128x256xf32, #tpu.memory_space<vmem>>[vector<16xi32>, vector<16xi32>], vector<16xf32>,
      tpu.vector_store_idx %arg10[%gather3A_95, %add3A_98], %gather3A_99 {add = true} : memref<208x256xf32, #tpu.memory_space<vmem>>[vector<16xi32>, vector<16xi32>], vector<16xf32>,
      %add3A_100 = arith.constant 16 : i32
      %add3A_101 = vector.broadcast %add3A_100 : i32 to vector<16xi32>
      %add3A_102 = arith.addi %iota3A, %add3A_101 : vector<16xi32>
      %gather3A_103 = tpu.vector_load_idx %arg9[%broadcast_in_dim3A_94, %add3A_102] : memref<128x256xf32, #tpu.memory_space<vmem>>[vector<16xi32>, vector<16xi32>], vector<16xf32>,
      tpu.vector_store_idx %arg10[%gather3A_95, %add3A_102], %gather3A_103 {add = true} : memref<208x256xf32, #tpu.memory_space<vmem>>[vector<16xi32>, vector<16xi32>], vector<16xf32>,
      %add3A_104 = arith.constant 32 : i32
      %add3A_105 = vector.broadcast %add3A_104 : i32 to vector<16xi32>
      %add3A_106 = arith.addi %iota3A, %add3A_105 : vector<16xi32>
      %gather3A_107 = tpu.vector_load_idx %arg9[%broadcast_in_dim3A_94, %add3A_106] : memref<128x256xf32, #tpu.memory_space<vmem>>[vector<16xi32>, vector<16xi32>], vector<16xf32>,
      tpu.vector_store_idx %arg10[%gather3A_95, %add3A_106], %gather3A_107 {add = true} : memref<208x256xf32, #tpu.memory_space<vmem>>[vector<16xi32>, vector<16xi32>], vector<16xf32>,
      %add3A_108 = arith.constant 48 : i32
      %add3A_109 = vector.broadcast %add3A_108 : i32 to vector<16xi32>
      %add3A_110 = arith.addi %iota3A, %add3A_109 : vector<16xi32>
      %gather3A_111 = tpu.vector_load_idx %arg9[%broadcast_in_dim3A_94, %add3A_110] : memref<128x256xf32, #tpu.memory_space<vmem>>[vector<16xi32>, vector<16xi32>], vector<16xf32>,
      tpu.vector_store_idx %arg10[%gather3A_95, %add3A_110], %gather3A_111 {add = true} : memref<208x256xf32, #tpu.memory_space<vmem>>[vector<16xi32>, vector<16xi32>], vector<16xf32>,
      %add3A_112 = arith.constant 64 : i32
      %add3A_113 = vector.broadcast %add3A_112 : i32 to vector<16xi32>
      %add3A_114 = arith.addi %iota3A, %add3A_113 : vector<16xi32>
      %gather3A_115 = tpu.vector_load_idx %arg9[%broadcast_in_dim3A_94, %add3A_114] : memref<128x256xf32, #tpu.memory_space<vmem>>[vector<16xi32>, vector<16xi32>], vector<16xf32>,
      tpu.vector_store_idx %arg10[%gather3A_95, %add3A_114], %gather3A_115 {add = true} : memref<208x256xf32, #tpu.memory_space<vmem>>[vector<16xi32>, vector<16xi32>], vector<16xf32>,
      %add3A_116 = arith.constant 80 : i32
      %add3A_117 = vector.broadcast %add3A_116 : i32 to vector<16xi32>
      %add3A_118 = arith.addi %iota3A, %add3A_117 : vector<16xi32>
      %gather3A_119 = tpu.vector_load_idx %arg9[%broadcast_in_dim3A_94, %add3A_118] : memref<128x256xf32, #tpu.memory_space<vmem>>[vector<16xi32>, vector<16xi32>], vector<16xf32>,
      tpu.vector_store_idx %arg10[%gather3A_95, %add3A_118], %gather3A_119 {add = true} : memref<208x256xf32, #tpu.memory_space<vmem>>[vector<16xi32>, vector<16xi32>], vector<16xf32>,
      %add3A_120 = arith.constant 96 : i32
      %add3A_121 = vector.broadcast %add3A_120 : i32 to vector<16xi32>
      %add3A_122 = arith.addi %iota3A, %add3A_121 : vector<16xi32>
      %gather3A_123 = tpu.vector_load_idx %arg9[%broadcast_in_dim3A_94, %add3A_122] : memref<128x256xf32, #tpu.memory_space<vmem>>[vector<16xi32>, vector<16xi32>], vector<16xf32>,
      tpu.vector_store_idx %arg10[%gather3A_95, %add3A_122], %gather3A_123 {add = true} : memref<208x256xf32, #tpu.memory_space<vmem>>[vector<16xi32>, vector<16xi32>], vector<16xf32>,
      %add3A_124 = arith.constant 112 : i32
      %add3A_125 = vector.broadcast %add3A_124 : i32 to vector<16xi32>
      %add3A_126 = arith.addi %iota3A, %add3A_125 : vector<16xi32>
      %gather3A_127 = tpu.vector_load_idx %arg9[%broadcast_in_dim3A_94, %add3A_126] : memref<128x256xf32, #tpu.memory_space<vmem>>[vector<16xi32>, vector<16xi32>], vector<16xf32>,
      tpu.vector_store_idx %arg10[%gather3A_95, %add3A_126], %gather3A_127 {add = true} : memref<208x256xf32, #tpu.memory_space<vmem>>[vector<16xi32>, vector<16xi32>], vector<16xf32>,
      %add3A_128 = arith.constant 128 : i32
      %add3A_129 = vector.broadcast %add3A_128 : i32 to vector<16xi32>
      %add3A_130 = arith.addi %iota3A, %add3A_129 : vector<16xi32>
      %gather3A_131 = tpu.vector_load_idx %arg9[%broadcast_in_dim3A_94, %add3A_130] : memref<128x256xf32, #tpu.memory_space<vmem>>[vector<16xi32>, vector<16xi32>], vector<16xf32>,
      tpu.vector_store_idx %arg10[%gather3A_95, %add3A_130], %gather3A_131 {add = true} : memref<208x256xf32, #tpu.memory_space<vmem>>[vector<16xi32>, vector<16xi32>], vector<16xf32>,
      %add3A_132 = arith.constant 144 : i32
      %add3A_133 = vector.broadcast %add3A_132 : i32 to vector<16xi32>
      %add3A_134 = arith.addi %iota3A, %add3A_133 : vector<16xi32>
      %gather3A_135 = tpu.vector_load_idx %arg9[%broadcast_in_dim3A_94, %add3A_134] : memref<128x256xf32, #tpu.memory_space<vmem>>[vector<16xi32>, vector<16xi32>], vector<16xf32>,
      tpu.vector_store_idx %arg10[%gather3A_95, %add3A_134], %gather3A_135 {add = true} : memref<208x256xf32, #tpu.memory_space<vmem>>[vector<16xi32>, vector<16xi32>], vector<16xf32>,
      %add3A_136 = arith.constant 160 : i32
      %add3A_137 = vector.broadcast %add3A_136 : i32 to vector<16xi32>
      %add3A_138 = arith.addi %iota3A, %add3A_137 : vector<16xi32>
      %gather3A_139 = tpu.vector_load_idx %arg9[%broadcast_in_dim3A_94, %add3A_138] : memref<128x256xf32, #tpu.memory_space<vmem>>[vector<16xi32>, vector<16xi32>], vector<16xf32>,
      tpu.vector_store_idx %arg10[%gather3A_95, %add3A_138], %gather3A_139 {add = true} : memref<208x256xf32, #tpu.memory_space<vmem>>[vector<16xi32>, vector<16xi32>], vector<16xf32>,
      %add3A_140 = arith.constant 176 : i32
      %add3A_141 = vector.broadcast %add3A_140 : i32 to vector<16xi32>
      %add3A_142 = arith.addi %iota3A, %add3A_141 : vector<16xi32>
      %gather3A_143 = tpu.vector_load_idx %arg9[%broadcast_in_dim3A_94, %add3A_142] : memref<128x256xf32, #tpu.memory_space<vmem>>[vector<16xi32>, vector<16xi32>], vector<16xf32>,
      tpu.vector_store_idx %arg10[%gather3A_95, %add3A_142], %gather3A_143 {add = true} : memref<208x256xf32, #tpu.memory_space<vmem>>[vector<16xi32>, vector<16xi32>], vector<16xf32>,
      %add3A_144 = arith.constant 192 : i32
      %add3A_145 = vector.broadcast %add3A_144 : i32 to vector<16xi32>
      %add3A_146 = arith.addi %iota3A, %add3A_145 : vector<16xi32>
      %gather3A_147 = tpu.vector_load_idx %arg9[%broadcast_in_dim3A_94, %add3A_146] : memref<128x256xf32, #tpu.memory_space<vmem>>[vector<16xi32>, vector<16xi32>], vector<16xf32>,
      tpu.vector_store_idx %arg10[%gather3A_95, %add3A_146], %gather3A_147 {add = true} : memref<208x256xf32, #tpu.memory_space<vmem>>[vector<16xi32>, vector<16xi32>], vector<16xf32>,
      %add3A_148 = arith.constant 208 : i32
      %add3A_149 = vector.broadcast %add3A_148 : i32 to vector<16xi32>
      %add3A_150 = arith.addi %iota3A, %add3A_149 : vector<16xi32>
      %gather3A_151 = tpu.vector_load_idx %arg9[%broadcast_in_dim3A_94, %add3A_150] : memref<128x256xf32, #tpu.memory_space<vmem>>[vector<16xi32>, vector<16xi32>], vector<16xf32>,
      tpu.vector_store_idx %arg10[%gather3A_95, %add3A_150], %gather3A_151 {add = true} : memref<208x256xf32, #tpu.memory_space<vmem>>[vector<16xi32>, vector<16xi32>], vector<16xf32>,
      %add3A_152 = arith.constant 224 : i32
      %add3A_153 = vector.broadcast %add3A_152 : i32 to vector<16xi32>
      %add3A_154 = arith.addi %iota3A, %add3A_153 : vector<16xi32>
      %gather3A_155 = tpu.vector_load_idx %arg9[%broadcast_in_dim3A_94, %add3A_154] : memref<128x256xf32, #tpu.memory_space<vmem>>[vector<16xi32>, vector<16xi32>], vector<16xf32>,
      tpu.vector_store_idx %arg10[%gather3A_95, %add3A_154], %gather3A_155 {add = true} : memref<208x256xf32, #tpu.memory_space<vmem>>[vector<16xi32>, vector<16xi32>], vector<16xf32>,
      %add3A_156 = arith.constant 240 : i32
      %add3A_157 = vector.broadcast %add3A_156 : i32 to vector<16xi32>
      %add3A_158 = arith.addi %iota3A, %add3A_157 : vector<16xi32>
      %gather3A_159 = tpu.vector_load_idx %arg9[%broadcast_in_dim3A_94, %add3A_158] : memref<128x256xf32, #tpu.memory_space<vmem>>[vector<16xi32>, vector<16xi32>], vector<16xf32>,
      tpu.vector_store_idx %arg10[%gather3A_95, %add3A_158], %gather3A_159 {add = true} : memref<208x256xf32, #tpu.memory_space<vmem>>[vector<16xi32>, vector<16xi32>], vector<16xf32>,
      %mul3A_160 = arith.constant 16 : i32
      %mul3A_161 = arith.muli %scan3A_20, %mul3A_160 : i32
      %add3A_162 = arith.constant 2 : i32
      %add3A_163 = arith.addi %mul3A_161, %add3A_162 : i32
      %broadcast_in_dim3A_164 = vector.broadcast %add3A_163 : i32 to vector<16xi32>
      %gather3A_165 = tpu.vector_load_idx %arg8[%broadcast_in_dim3A_164] : memref<128xi32, #tpu.memory_space<vmem>>[vector<16xi32>], vector<16xi32>,
      %add3A_166 = arith.constant 0 : i32
      %add3A_167 = vector.broadcast %add3A_166 : i32 to vector<16xi32>
      %add3A_168 = arith.addi %iota3A, %add3A_167 : vector<16xi32>
      %gather3A_169 = tpu.vector_load_idx %arg9[%broadcast_in_dim3A_164, %add3A_168] : memref<128x256xf32, #tpu.memory_space<vmem>>[vector<16xi32>, vector<16xi32>], vector<16xf32>,
      tpu.vector_store_idx %arg10[%gather3A_165, %add3A_168], %gather3A_169 {add = true} : memref<208x256xf32, #tpu.memory_space<vmem>>[vector<16xi32>, vector<16xi32>], vector<16xf32>,
      %add3A_170 = arith.constant 16 : i32
      %add3A_171 = vector.broadcast %add3A_170 : i32 to vector<16xi32>
      %add3A_172 = arith.addi %iota3A, %add3A_171 : vector<16xi32>
      %gather3A_173 = tpu.vector_load_idx %arg9[%broadcast_in_dim3A_164, %add3A_172] : memref<128x256xf32, #tpu.memory_space<vmem>>[vector<16xi32>, vector<16xi32>], vector<16xf32>,
      tpu.vector_store_idx %arg10[%gather3A_165, %add3A_172], %gather3A_173 {add = true} : memref<208x256xf32, #tpu.memory_space<vmem>>[vector<16xi32>, vector<16xi32>], vector<16xf32>,
      %add3A_174 = arith.constant 32 : i32
      %add3A_175 = vector.broadcast %add3A_174 : i32 to vector<16xi32>
      %add3A_176 = arith.addi %iota3A, %add3A_175 : vector<16xi32>
      %gather3A_177 = tpu.vector_load_idx %arg9[%broadcast_in_dim3A_164, %add3A_176] : memref<128x256xf32, #tpu.memory_space<vmem>>[vector<16xi32>, vector<16xi32>], vector<16xf32>,
      tpu.vector_store_idx %arg10[%gather3A_165, %add3A_176], %gather3A_177 {add = true} : memref<208x256xf32, #tpu.memory_space<vmem>>[vector<16xi32>, vector<16xi32>], vector<16xf32>,
      %add3A_178 = arith.constant 48 : i32
      %add3A_179 = vector.broadcast %add3A_178 : i32 to vector<16xi32>
      %add3A_180 = arith.addi %iota3A, %add3A_179 : vector<16xi32>
      %gather3A_181 = tpu.vector_load_idx %arg9[%broadcast_in_dim3A_164, %add3A_180] : memref<128x256xf32, #tpu.memory_space<vmem>>[vector<16xi32>, vector<16xi32>], vector<16xf32>,
      tpu.vector_store_idx %arg10[%gather3A_165, %add3A_180], %gather3A_181 {add = true} : memref<208x256xf32, #tpu.memory_space<vmem>>[vector<16xi32>, vector<16xi32>], vector<16xf32>,
      %add3A_182 = arith.constant 64 : i32
      %add3A_183 = vector.broadcast %add3A_182 : i32 to vector<16xi32>
      %add3A_184 = arith.addi %iota3A, %add3A_183 : vector<16xi32>
      %gather3A_185 = tpu.vector_load_idx %arg9[%broadcast_in_dim3A_164, %add3A_184] : memref<128x256xf32, #tpu.memory_space<vmem>>[vector<16xi32>, vector<16xi32>], vector<16xf32>,
      tpu.vector_store_idx %arg10[%gather3A_165, %add3A_184], %gather3A_185 {add = true} : memref<208x256xf32, #tpu.memory_space<vmem>>[vector<16xi32>, vector<16xi32>], vector<16xf32>,
      %add3A_186 = arith.constant 80 : i32
      %add3A_187 = vector.broadcast %add3A_186 : i32 to vector<16xi32>
      %add3A_188 = arith.addi %iota3A, %add3A_187 : vector<16xi32>
      %gather3A_189 = tpu.vector_load_idx %arg9[%broadcast_in_dim3A_164, %add3A_188] : memref<128x256xf32, #tpu.memory_space<vmem>>[vector<16xi32>, vector<16xi32>], vector<16xf32>,
      tpu.vector_store_idx %arg10[%gather3A_165, %add3A_188], %gather3A_189 {add = true} : memref<208x256xf32, #tpu.memory_space<vmem>>[vector<16xi32>, vector<16xi32>], vector<16xf32>,
      %add3A_190 = arith.constant 96 : i32
      %add3A_191 = vector.broadcast %add3A_190 : i32 to vector<16xi32>
      %add3A_192 = arith.addi %iota3A, %add3A_191 : vector<16xi32>
      %gather3A_193 = tpu.vector_load_idx %arg9[%broadcast_in_dim3A_164, %add3A_192] : memref<128x256xf32, #tpu.memory_space<vmem>>[vector<16xi32>, vector<16xi32>], vector<16xf32>,
      tpu.vector_store_idx %arg10[%gather3A_165, %add3A_192], %gather3A_193 {add = true} : memref<208x256xf32, #tpu.memory_space<vmem>>[vector<16xi32>, vector<16xi32>], vector<16xf32>,
      %add3A_194 = arith.constant 112 : i32
      %add3A_195 = vector.broadcast %add3A_194 : i32 to vector<16xi32>
      %add3A_196 = arith.addi %iota3A, %add3A_195 : vector<16xi32>
      %gather3A_197 = tpu.vector_load_idx %arg9[%broadcast_in_dim3A_164, %add3A_196] : memref<128x256xf32, #tpu.memory_space<vmem>>[vector<16xi32>, vector<16xi32>], vector<16xf32>,
      tpu.vector_store_idx %arg10[%gather3A_165, %add3A_196], %gather3A_197 {add = true} : memref<208x256xf32, #tpu.memory_space<vmem>>[vector<16xi32>, vector<16xi32>], vector<16xf32>,
      %add3A_198 = arith.constant 128 : i32
      %add3A_199 = vector.broadcast %add3A_198 : i32 to vector<16xi32>
      %add3A_200 = arith.addi %iota3A, %add3A_199 : vector<16xi32>
      %gather3A_201 = tpu.vector_load_idx %arg9[%broadcast_in_dim3A_164, %add3A_200] : memref<128x256xf32, #tpu.memory_space<vmem>>[vector<16xi32>, vector<16xi32>], vector<16xf32>,
      tpu.vector_store_idx %arg10[%gather3A_165, %add3A_200], %gather3A_201 {add = true} : memref<208x256xf32, #tpu.memory_space<vmem>>[vector<16xi32>, vector<16xi32>], vector<16xf32>,
      %add3A_202 = arith.constant 144 : i32
      %add3A_203 = vector.broadcast %add3A_202 : i32 to vector<16xi32>
      %add3A_204 = arith.addi %iota3A, %add3A_203 : vector<16xi32>
      %gather3A_205 = tpu.vector_load_idx %arg9[%broadcast_in_dim3A_164, %add3A_204] : memref<128x256xf32, #tpu.memory_space<vmem>>[vector<16xi32>, vector<16xi32>], vector<16xf32>,
      tpu.vector_store_idx %arg10[%gather3A_165, %add3A_204], %gather3A_205 {add = true} : memref<208x256xf32, #tpu.memory_space<vmem>>[vector<16xi32>, vector<16xi32>], vector<16xf32>,
      %add3A_206 = arith.constant 160 : i32
      %add3A_207 = vector.broadcast %add3A_206 : i32 to vector<16xi32>
      %add3A_208 = arith.addi %iota3A, %add3A_207 : vector<16xi32>
      %gather3A_209 = tpu.vector_load_idx %arg9[%broadcast_in_dim3A_164, %add3A_208] : memref<128x256xf32, #tpu.memory_space<vmem>>[vector<16xi32>, vector<16xi32>], vector<16xf32>,
      tpu.vector_store_idx %arg10[%gather3A_165, %add3A_208], %gather3A_209 {add = true} : memref<208x256xf32, #tpu.memory_space<vmem>>[vector<16xi32>, vector<16xi32>], vector<16xf32>,
      %add3A_210 = arith.constant 176 : i32
      %add3A_211 = vector.broadcast %add3A_210 : i32 to vector<16xi32>
      %add3A_212 = arith.addi %iota3A, %add3A_211 : vector<16xi32>
      %gather3A_213 = tpu.vector_load_idx %arg9[%broadcast_in_dim3A_164, %add3A_212] : memref<128x256xf32, #tpu.memory_space<vmem>>[vector<16xi32>, vector<16xi32>], vector<16xf32>,
      tpu.vector_store_idx %arg10[%gather3A_165, %add3A_212], %gather3A_213 {add = true} : memref<208x256xf32, #tpu.memory_space<vmem>>[vector<16xi32>, vector<16xi32>], vector<16xf32>,
      %add3A_214 = arith.constant 192 : i32
      %add3A_215 = vector.broadcast %add3A_214 : i32 to vector<16xi32>
      %add3A_216 = arith.addi %iota3A, %add3A_215 : vector<16xi32>
      %gather3A_217 = tpu.vector_load_idx %arg9[%broadcast_in_dim3A_164, %add3A_216] : memref<128x256xf32, #tpu.memory_space<vmem>>[vector<16xi32>, vector<16xi32>], vector<16xf32>,
      tpu.vector_store_idx %arg10[%gather3A_165, %add3A_216], %gather3A_217 {add = true} : memref<208x256xf32, #tpu.memory_space<vmem>>[vector<16xi32>, vector<16xi32>], vector<16xf32>,
      %add3A_218 = arith.constant 208 : i32
      %add3A_219 = vector.broadcast %add3A_218 : i32 to vector<16xi32>
      %add3A_220 = arith.addi %iota3A, %add3A_219 : vector<16xi32>
      %gather3A_221 = tpu.vector_load_idx %arg9[%broadcast_in_dim3A_164, %add3A_220] : memref<128x256xf32, #tpu.memory_space<vmem>>[vector<16xi32>, vector<16xi32>], vector<16xf32>,
      tpu.vector_store_idx %arg10[%gather3A_165, %add3A_220], %gather3A_221 {add = true} : memref<208x256xf32, #tpu.memory_space<vmem>>[vector<16xi32>, vector<16xi32>], vector<16xf32>,
      %add3A_222 = arith.constant 224 : i32
      %add3A_223 = vector.broadcast %add3A_222 : i32 to vector<16xi32>
      %add3A_224 = arith.addi %iota3A, %add3A_223 : vector<16xi32>
      %gather3A_225 = tpu.vector_load_idx %arg9[%broadcast_in_dim3A_164, %add3A_224] : memref<128x256xf32, #tpu.memory_space<vmem>>[vector<16xi32>, vector<16xi32>], vector<16xf32>,
      tpu.vector_store_idx %arg10[%gather3A_165, %add3A_224], %gather3A_225 {add = true} : memref<208x256xf32, #tpu.memory_space<vmem>>[vector<16xi32>, vector<16xi32>], vector<16xf32>,
      %add3A_226 = arith.constant 240 : i32
      %add3A_227 = vector.broadcast %add3A_226 : i32 to vector<16xi32>
      %add3A_228 = arith.addi %iota3A, %add3A_227 : vector<16xi32>
      %gather3A_229 = tpu.vector_load_idx %arg9[%broadcast_in_dim3A_164, %add3A_228] : memref<128x256xf32, #tpu.memory_space<vmem>>[vector<16xi32>, vector<16xi32>], vector<16xf32>,
      tpu.vector_store_idx %arg10[%gather3A_165, %add3A_228], %gather3A_229 {add = true} : memref<208x256xf32, #tpu.memory_space<vmem>>[vector<16xi32>, vector<16xi32>], vector<16xf32>,
      %mul3A_230 = arith.constant 16 : i32
      %mul3A_231 = arith.muli %scan3A_20, %mul3A_230 : i32
      %add3A_232 = arith.constant 3 : i32
      %add3A_233 = arith.addi %mul3A_231, %add3A_232 : i32
      %broadcast_in_dim3A_234 = vector.broadcast %add3A_233 : i32 to vector<16xi32>
      %gather3A_235 = tpu.vector_load_idx %arg8[%broadcast_in_dim3A_234] : memref<128xi32, #tpu.memory_space<vmem>>[vector<16xi32>], vector<16xi32>,
      %add3A_236 = arith.constant 0 : i32
      %add3A_237 = vector.broadcast %add3A_236 : i32 to vector<16xi32>
      %add3A_238 = arith.addi %iota3A, %add3A_237 : vector<16xi32>
      %gather3A_239 = tpu.vector_load_idx %arg9[%broadcast_in_dim3A_234, %add3A_238] : memref<128x256xf32, #tpu.memory_space<vmem>>[vector<16xi32>, vector<16xi32>], vector<16xf32>,
      tpu.vector_store_idx %arg10[%gather3A_235, %add3A_238], %gather3A_239 {add = true} : memref<208x256xf32, #tpu.memory_space<vmem>>[vector<16xi32>, vector<16xi32>], vector<16xf32>,
      %add3A_240 = arith.constant 16 : i32
      %add3A_241 = vector.broadcast %add3A_240 : i32 to vector<16xi32>
      %add3A_242 = arith.addi %iota3A, %add3A_241 : vector<16xi32>
      %gather3A_243 = tpu.vector_load_idx %arg9[%broadcast_in_dim3A_234, %add3A_242] : memref<128x256xf32, #tpu.memory_space<vmem>>[vector<16xi32>, vector<16xi32>], vector<16xf32>,
      tpu.vector_store_idx %arg10[%gather3A_235, %add3A_242], %gather3A_243 {add = true} : memref<208x256xf32, #tpu.memory_space<vmem>>[vector<16xi32>, vector<16xi32>], vector<16xf32>,
      %add3A_244 = arith.constant 32 : i32
      %add3A_245 = vector.broadcast %add3A_244 : i32 to vector<16xi32>
      %add3A_246 = arith.addi %iota3A, %add3A_245 : vector<16xi32>
      %gather3A_247 = tpu.vector_load_idx %arg9[%broadcast_in_dim3A_234, %add3A_246] : memref<128x256xf32, #tpu.memory_space<vmem>>[vector<16xi32>, vector<16xi32>], vector<16xf32>,
      tpu.vector_store_idx %arg10[%gather3A_235, %add3A_246], %gather3A_247 {add = true} : memref<208x256xf32, #tpu.memory_space<vmem>>[vector<16xi32>, vector<16xi32>], vector<16xf32>,
      %add3A_248 = arith.constant 48 : i32
      %add3A_249 = vector.broadcast %add3A_248 : i32 to vector<16xi32>
      %add3A_250 = arith.addi %iota3A, %add3A_249 : vector<16xi32>
      %gather3A_251 = tpu.vector_load_idx %arg9[%broadcast_in_dim3A_234, %add3A_250] : memref<128x256xf32, #tpu.memory_space<vmem>>[vector<16xi32>, vector<16xi32>], vector<16xf32>,
      tpu.vector_store_idx %arg10[%gather3A_235, %add3A_250], %gather3A_251 {add = true} : memref<208x256xf32, #tpu.memory_space<vmem>>[vector<16xi32>, vector<16xi32>], vector<16xf32>,
      %add3A_252 = arith.constant 64 : i32
      %add3A_253 = vector.broadcast %add3A_252 : i32 to vector<16xi32>
      %add3A_254 = arith.addi %iota3A, %add3A_253 : vector<16xi32>
      %gather3A_255 = tpu.vector_load_idx %arg9[%broadcast_in_dim3A_234, %add3A_254] : memref<128x256xf32, #tpu.memory_space<vmem>>[vector<16xi32>, vector<16xi32>], vector<16xf32>,
      tpu.vector_store_idx %arg10[%gather3A_235, %add3A_254], %gather3A_255 {add = true} : memref<208x256xf32, #tpu.memory_space<vmem>>[vector<16xi32>, vector<16xi32>], vector<16xf32>,
      %add3A_256 = arith.constant 80 : i32
      %add3A_257 = vector.broadcast %add3A_256 : i32 to vector<16xi32>
      %add3A_258 = arith.addi %iota3A, %add3A_257 : vector<16xi32>
      %gather3A_259 = tpu.vector_load_idx %arg9[%broadcast_in_dim3A_234, %add3A_258] : memref<128x256xf32, #tpu.memory_space<vmem>>[vector<16xi32>, vector<16xi32>], vector<16xf32>,
      tpu.vector_store_idx %arg10[%gather3A_235, %add3A_258], %gather3A_259 {add = true} : memref<208x256xf32, #tpu.memory_space<vmem>>[vector<16xi32>, vector<16xi32>], vector<16xf32>,
      %add3A_260 = arith.constant 96 : i32
      %add3A_261 = vector.broadcast %add3A_260 : i32 to vector<16xi32>
      %add3A_262 = arith.addi %iota3A, %add3A_261 : vector<16xi32>
      %gather3A_263 = tpu.vector_load_idx %arg9[%broadcast_in_dim3A_234, %add3A_262] : memref<128x256xf32, #tpu.memory_space<vmem>>[vector<16xi32>, vector<16xi32>], vector<16xf32>,
      tpu.vector_store_idx %arg10[%gather3A_235, %add3A_262], %gather3A_263 {add = true} : memref<208x256xf32, #tpu.memory_space<vmem>>[vector<16xi32>, vector<16xi32>], vector<16xf32>,
      %add3A_264 = arith.constant 112 : i32
      %add3A_265 = vector.broadcast %add3A_264 : i32 to vector<16xi32>
      %add3A_266 = arith.addi %iota3A, %add3A_265 : vector<16xi32>
      %gather3A_267 = tpu.vector_load_idx %arg9[%broadcast_in_dim3A_234, %add3A_266] : memref<128x256xf32, #tpu.memory_space<vmem>>[vector<16xi32>, vector<16xi32>], vector<16xf32>,
      tpu.vector_store_idx %arg10[%gather3A_235, %add3A_266], %gather3A_267 {add = true} : memref<208x256xf32, #tpu.memory_space<vmem>>[vector<16xi32>, vector<16xi32>], vector<16xf32>,
      %add3A_268 = arith.constant 128 : i32
      %add3A_269 = vector.broadcast %add3A_268 : i32 to vector<16xi32>
      %add3A_270 = arith.addi %iota3A, %add3A_269 : vector<16xi32>
      %gather3A_271 = tpu.vector_load_idx %arg9[%broadcast_in_dim3A_234, %add3A_270] : memref<128x256xf32, #tpu.memory_space<vmem>>[vector<16xi32>, vector<16xi32>], vector<16xf32>,
      tpu.vector_store_idx %arg10[%gather3A_235, %add3A_270], %gather3A_271 {add = true} : memref<208x256xf32, #tpu.memory_space<vmem>>[vector<16xi32>, vector<16xi32>], vector<16xf32>,
      %add3A_272 = arith.constant 144 : i32
      %add3A_273 = vector.broadcast %add3A_272 : i32 to vector<16xi32>
      %add3A_274 = arith.addi %iota3A, %add3A_273 : vector<16xi32>
      %gather3A_275 = tpu.vector_load_idx %arg9[%broadcast_in_dim3A_234, %add3A_274] : memref<128x256xf32, #tpu.memory_space<vmem>>[vector<16xi32>, vector<16xi32>], vector<16xf32>,
      tpu.vector_store_idx %arg10[%gather3A_235, %add3A_274], %gather3A_275 {add = true} : memref<208x256xf32, #tpu.memory_space<vmem>>[vector<16xi32>, vector<16xi32>], vector<16xf32>,
      %add3A_276 = arith.constant 160 : i32
      %add3A_277 = vector.broadcast %add3A_276 : i32 to vector<16xi32>
      %add3A_278 = arith.addi %iota3A, %add3A_277 : vector<16xi32>
      %gather3A_279 = tpu.vector_load_idx %arg9[%broadcast_in_dim3A_234, %add3A_278] : memref<128x256xf32, #tpu.memory_space<vmem>>[vector<16xi32>, vector<16xi32>], vector<16xf32>,
      tpu.vector_store_idx %arg10[%gather3A_235, %add3A_278], %gather3A_279 {add = true} : memref<208x256xf32, #tpu.memory_space<vmem>>[vector<16xi32>, vector<16xi32>], vector<16xf32>,
      %add3A_280 = arith.constant 176 : i32
      %add3A_281 = vector.broadcast %add3A_280 : i32 to vector<16xi32>
      %add3A_282 = arith.addi %iota3A, %add3A_281 : vector<16xi32>
      %gather3A_283 = tpu.vector_load_idx %arg9[%broadcast_in_dim3A_234, %add3A_282] : memref<128x256xf32, #tpu.memory_space<vmem>>[vector<16xi32>, vector<16xi32>], vector<16xf32>,
      tpu.vector_store_idx %arg10[%gather3A_235, %add3A_282], %gather3A_283 {add = true} : memref<208x256xf32, #tpu.memory_space<vmem>>[vector<16xi32>, vector<16xi32>], vector<16xf32>,
      %add3A_284 = arith.constant 192 : i32
      %add3A_285 = vector.broadcast %add3A_284 : i32 to vector<16xi32>
      %add3A_286 = arith.addi %iota3A, %add3A_285 : vector<16xi32>
      %gather3A_287 = tpu.vector_load_idx %arg9[%broadcast_in_dim3A_234, %add3A_286] : memref<128x256xf32, #tpu.memory_space<vmem>>[vector<16xi32>, vector<16xi32>], vector<16xf32>,
      tpu.vector_store_idx %arg10[%gather3A_235, %add3A_286], %gather3A_287 {add = true} : memref<208x256xf32, #tpu.memory_space<vmem>>[vector<16xi32>, vector<16xi32>], vector<16xf32>,
      %add3A_288 = arith.constant 208 : i32
      %add3A_289 = vector.broadcast %add3A_288 : i32 to vector<16xi32>
      %add3A_290 = arith.addi %iota3A, %add3A_289 : vector<16xi32>
      %gather3A_291 = tpu.vector_load_idx %arg9[%broadcast_in_dim3A_234, %add3A_290] : memref<128x256xf32, #tpu.memory_space<vmem>>[vector<16xi32>, vector<16xi32>], vector<16xf32>,
      tpu.vector_store_idx %arg10[%gather3A_235, %add3A_290], %gather3A_291 {add = true} : memref<208x256xf32, #tpu.memory_space<vmem>>[vector<16xi32>, vector<16xi32>], vector<16xf32>,
      %add3A_292 = arith.constant 224 : i32
      %add3A_293 = vector.broadcast %add3A_292 : i32 to vector<16xi32>
      %add3A_294 = arith.addi %iota3A, %add3A_293 : vector<16xi32>
      %gather3A_295 = tpu.vector_load_idx %arg9[%broadcast_in_dim3A_234, %add3A_294] : memref<128x256xf32, #tpu.memory_space<vmem>>[vector<16xi32>, vector<16xi32>], vector<16xf32>,
      tpu.vector_store_idx %arg10[%gather3A_235, %add3A_294], %gather3A_295 {add = true} : memref<208x256xf32, #tpu.memory_space<vmem>>[vector<16xi32>, vector<16xi32>], vector<16xf32>,
      %add3A_296 = arith.constant 240 : i32
      %add3A_297 = vector.broadcast %add3A_296 : i32 to vector<16xi32>
      %add3A_298 = arith.addi %iota3A, %add3A_297 : vector<16xi32>
      %gather3A_299 = tpu.vector_load_idx %arg9[%broadcast_in_dim3A_234, %add3A_298] : memref<128x256xf32, #tpu.memory_space<vmem>>[vector<16xi32>, vector<16xi32>], vector<16xf32>,
      tpu.vector_store_idx %arg10[%gather3A_235, %add3A_298], %gather3A_299 {add = true} : memref<208x256xf32, #tpu.memory_space<vmem>>[vector<16xi32>, vector<16xi32>], vector<16xf32>,
      %mul3A_300 = arith.constant 16 : i32
      %mul3A_301 = arith.muli %scan3A_20, %mul3A_300 : i32
      %add3A_302 = arith.constant 4 : i32
      %add3A_303 = arith.addi %mul3A_301, %add3A_302 : i32
      %broadcast_in_dim3A_304 = vector.broadcast %add3A_303 : i32 to vector<16xi32>
      %gather3A_305 = tpu.vector_load_idx %arg8[%broadcast_in_dim3A_304] : memref<128xi32, #tpu.memory_space<vmem>>[vector<16xi32>], vector<16xi32>,
      %add3A_306 = arith.constant 0 : i32
      %add3A_307 = vector.broadcast %add3A_306 : i32 to vector<16xi32>
      %add3A_308 = arith.addi %iota3A, %add3A_307 : vector<16xi32>
      %gather3A_309 = tpu.vector_load_idx %arg9[%broadcast_in_dim3A_304, %add3A_308] : memref<128x256xf32, #tpu.memory_space<vmem>>[vector<16xi32>, vector<16xi32>], vector<16xf32>,
      tpu.vector_store_idx %arg10[%gather3A_305, %add3A_308], %gather3A_309 {add = true} : memref<208x256xf32, #tpu.memory_space<vmem>>[vector<16xi32>, vector<16xi32>], vector<16xf32>,
      %add3A_310 = arith.constant 16 : i32
      %add3A_311 = vector.broadcast %add3A_310 : i32 to vector<16xi32>
      %add3A_312 = arith.addi %iota3A, %add3A_311 : vector<16xi32>
      %gather3A_313 = tpu.vector_load_idx %arg9[%broadcast_in_dim3A_304, %add3A_312] : memref<128x256xf32, #tpu.memory_space<vmem>>[vector<16xi32>, vector<16xi32>], vector<16xf32>,
      tpu.vector_store_idx %arg10[%gather3A_305, %add3A_312], %gather3A_313 {add = true} : memref<208x256xf32, #tpu.memory_space<vmem>>[vector<16xi32>, vector<16xi32>], vector<16xf32>,
      %add3A_314 = arith.constant 32 : i32
      %add3A_315 = vector.broadcast %add3A_314 : i32 to vector<16xi32>
      %add3A_316 = arith.addi %iota3A, %add3A_315 : vector<16xi32>
      %gather3A_317 = tpu.vector_load_idx %arg9[%broadcast_in_dim3A_304, %add3A_316] : memref<128x256xf32, #tpu.memory_space<vmem>>[vector<16xi32>, vector<16xi32>], vector<16xf32>,
      tpu.vector_store_idx %arg10[%gather3A_305, %add3A_316], %gather3A_317 {add = true} : memref<208x256xf32, #tpu.memory_space<vmem>>[vector<16xi32>, vector<16xi32>], vector<16xf32>,
      %add3A_318 = arith.constant 48 : i32
      %add3A_319 = vector.broadcast %add3A_318 : i32 to vector<16xi32>
      %add3A_320 = arith.addi %iota3A, %add3A_319 : vector<16xi32>
      %gather3A_321 = tpu.vector_load_idx %arg9[%broadcast_in_dim3A_304, %add3A_320] : memref<128x256xf32, #tpu.memory_space<vmem>>[vector<16xi32>, vector<16xi32>], vector<16xf32>,
      tpu.vector_store_idx %arg10[%gather3A_305, %add3A_320], %gather3A_321 {add = true} : memref<208x256xf32, #tpu.memory_space<vmem>>[vector<16xi32>, vector<16xi32>], vector<16xf32>,
      %add3A_322 = arith.constant 64 : i32
      %add3A_323 = vector.broadcast %add3A_322 : i32 to vector<16xi32>
      %add3A_324 = arith.addi %iota3A, %add3A_323 : vector<16xi32>
      %gather3A_325 = tpu.vector_load_idx %arg9[%broadcast_in_dim3A_304, %add3A_324] : memref<128x256xf32, #tpu.memory_space<vmem>>[vector<16xi32>, vector<16xi32>], vector<16xf32>,
      tpu.vector_store_idx %arg10[%gather3A_305, %add3A_324], %gather3A_325 {add = true} : memref<208x256xf32, #tpu.memory_space<vmem>>[vector<16xi32>, vector<16xi32>], vector<16xf32>,
      %add3A_326 = arith.constant 80 : i32
      %add3A_327 = vector.broadcast %add3A_326 : i32 to vector<16xi32>
      %add3A_328 = arith.addi %iota3A, %add3A_327 : vector<16xi32>
      %gather3A_329 = tpu.vector_load_idx %arg9[%broadcast_in_dim3A_304, %add3A_328] : memref<128x256xf32, #tpu.memory_space<vmem>>[vector<16xi32>, vector<16xi32>], vector<16xf32>,
      tpu.vector_store_idx %arg10[%gather3A_305, %add3A_328], %gather3A_329 {add = true} : memref<208x256xf32, #tpu.memory_space<vmem>>[vector<16xi32>, vector<16xi32>], vector<16xf32>,
      %add3A_330 = arith.constant 96 : i32
      %add3A_331 = vector.broadcast %add3A_330 : i32 to vector<16xi32>
      %add3A_332 = arith.addi %iota3A, %add3A_331 : vector<16xi32>
      %gather3A_333 = tpu.vector_load_idx %arg9[%broadcast_in_dim3A_304, %add3A_332] : memref<128x256xf32, #tpu.memory_space<vmem>>[vector<16xi32>, vector<16xi32>], vector<16xf32>,
      tpu.vector_store_idx %arg10[%gather3A_305, %add3A_332], %gather3A_333 {add = true} : memref<208x256xf32, #tpu.memory_space<vmem>>[vector<16xi32>, vector<16xi32>], vector<16xf32>,
      %add3A_334 = arith.constant 112 : i32
      %add3A_335 = vector.broadcast %add3A_334 : i32 to vector<16xi32>
      %add3A_336 = arith.addi %iota3A, %add3A_335 : vector<16xi32>
      %gather3A_337 = tpu.vector_load_idx %arg9[%broadcast_in_dim3A_304, %add3A_336] : memref<128x256xf32, #tpu.memory_space<vmem>>[vector<16xi32>, vector<16xi32>], vector<16xf32>,
      tpu.vector_store_idx %arg10[%gather3A_305, %add3A_336], %gather3A_337 {add = true} : memref<208x256xf32, #tpu.memory_space<vmem>>[vector<16xi32>, vector<16xi32>], vector<16xf32>,
      %add3A_338 = arith.constant 128 : i32
      %add3A_339 = vector.broadcast %add3A_338 : i32 to vector<16xi32>
      %add3A_340 = arith.addi %iota3A, %add3A_339 : vector<16xi32>
      %gather3A_341 = tpu.vector_load_idx %arg9[%broadcast_in_dim3A_304, %add3A_340] : memref<128x256xf32, #tpu.memory_space<vmem>>[vector<16xi32>, vector<16xi32>], vector<16xf32>,
      tpu.vector_store_idx %arg10[%gather3A_305, %add3A_340], %gather3A_341 {add = true} : memref<208x256xf32, #tpu.memory_space<vmem>>[vector<16xi32>, vector<16xi32>], vector<16xf32>,
      %add3A_342 = arith.constant 144 : i32
      %add3A_343 = vector.broadcast %add3A_342 : i32 to vector<16xi32>
      %add3A_344 = arith.addi %iota3A, %add3A_343 : vector<16xi32>
      %gather3A_345 = tpu.vector_load_idx %arg9[%broadcast_in_dim3A_304, %add3A_344] : memref<128x256xf32, #tpu.memory_space<vmem>>[vector<16xi32>, vector<16xi32>], vector<16xf32>,
      tpu.vector_store_idx %arg10[%gather3A_305, %add3A_344], %gather3A_345 {add = true} : memref<208x256xf32, #tpu.memory_space<vmem>>[vector<16xi32>, vector<16xi32>], vector<16xf32>,
      %add3A_346 = arith.constant 160 : i32
      %add3A_347 = vector.broadcast %add3A_346 : i32 to vector<16xi32>
      %add3A_348 = arith.addi %iota3A, %add3A_347 : vector<16xi32>
      %gather3A_349 = tpu.vector_load_idx %arg9[%broadcast_in_dim3A_304, %add3A_348] : memref<128x256xf32, #tpu.memory_space<vmem>>[vector<16xi32>, vector<16xi32>], vector<16xf32>,
      tpu.vector_store_idx %arg10[%gather3A_305, %add3A_348], %gather3A_349 {add = true} : memref<208x256xf32, #tpu.memory_space<vmem>>[vector<16xi32>, vector<16xi32>], vector<16xf32>,
      %add3A_350 = arith.constant 176 : i32
      %add3A_351 = vector.broadcast %add3A_350 : i32 to vector<16xi32>
      %add3A_352 = arith.addi %iota3A, %add3A_351 : vector<16xi32>
      %gather3A_353 = tpu.vector_load_idx %arg9[%broadcast_in_dim3A_304, %add3A_352] : memref<128x256xf32, #tpu.memory_space<vmem>>[vector<16xi32>, vector<16xi32>], vector<16xf32>,
      tpu.vector_store_idx %arg10[%gather3A_305, %add3A_352], %gather3A_353 {add = true} : memref<208x256xf32, #tpu.memory_space<vmem>>[vector<16xi32>, vector<16xi32>], vector<16xf32>,
      %add3A_354 = arith.constant 192 : i32
      %add3A_355 = vector.broadcast %add3A_354 : i32 to vector<16xi32>
      %add3A_356 = arith.addi %iota3A, %add3A_355 : vector<16xi32>
      %gather3A_357 = tpu.vector_load_idx %arg9[%broadcast_in_dim3A_304, %add3A_356] : memref<128x256xf32, #tpu.memory_space<vmem>>[vector<16xi32>, vector<16xi32>], vector<16xf32>,
      tpu.vector_store_idx %arg10[%gather3A_305, %add3A_356], %gather3A_357 {add = true} : memref<208x256xf32, #tpu.memory_space<vmem>>[vector<16xi32>, vector<16xi32>], vector<16xf32>,
      %add3A_358 = arith.constant 208 : i32
      %add3A_359 = vector.broadcast %add3A_358 : i32 to vector<16xi32>
      %add3A_360 = arith.addi %iota3A, %add3A_359 : vector<16xi32>
      %gather3A_361 = tpu.vector_load_idx %arg9[%broadcast_in_dim3A_304, %add3A_360] : memref<128x256xf32, #tpu.memory_space<vmem>>[vector<16xi32>, vector<16xi32>], vector<16xf32>,
      tpu.vector_store_idx %arg10[%gather3A_305, %add3A_360], %gather3A_361 {add = true} : memref<208x256xf32, #tpu.memory_space<vmem>>[vector<16xi32>, vector<16xi32>], vector<16xf32>,
      %add3A_362 = arith.constant 224 : i32
      %add3A_363 = vector.broadcast %add3A_362 : i32 to vector<16xi32>
      %add3A_364 = arith.addi %iota3A, %add3A_363 : vector<16xi32>
      %gather3A_365 = tpu.vector_load_idx %arg9[%broadcast_in_dim3A_304, %add3A_364] : memref<128x256xf32, #tpu.memory_space<vmem>>[vector<16xi32>, vector<16xi32>], vector<16xf32>,
      tpu.vector_store_idx %arg10[%gather3A_305, %add3A_364], %gather3A_365 {add = true} : memref<208x256xf32, #tpu.memory_space<vmem>>[vector<16xi32>, vector<16xi32>], vector<16xf32>,
      %add3A_366 = arith.constant 240 : i32
      %add3A_367 = vector.broadcast %add3A_366 : i32 to vector<16xi32>
      %add3A_368 = arith.addi %iota3A, %add3A_367 : vector<16xi32>
      %gather3A_369 = tpu.vector_load_idx %arg9[%broadcast_in_dim3A_304, %add3A_368] : memref<128x256xf32, #tpu.memory_space<vmem>>[vector<16xi32>, vector<16xi32>], vector<16xf32>,
      tpu.vector_store_idx %arg10[%gather3A_305, %add3A_368], %gather3A_369 {add = true} : memref<208x256xf32, #tpu.memory_space<vmem>>[vector<16xi32>, vector<16xi32>], vector<16xf32>,
      %mul3A_370 = arith.constant 16 : i32
      %mul3A_371 = arith.muli %scan3A_20, %mul3A_370 : i32
      %add3A_372 = arith.constant 5 : i32
      %add3A_373 = arith.addi %mul3A_371, %add3A_372 : i32
      %broadcast_in_dim3A_374 = vector.broadcast %add3A_373 : i32 to vector<16xi32>
      %gather3A_375 = tpu.vector_load_idx %arg8[%broadcast_in_dim3A_374] : memref<128xi32, #tpu.memory_space<vmem>>[vector<16xi32>], vector<16xi32>,
      %add3A_376 = arith.constant 0 : i32
      %add3A_377 = vector.broadcast %add3A_376 : i32 to vector<16xi32>
      %add3A_378 = arith.addi %iota3A, %add3A_377 : vector<16xi32>
      %gather3A_379 = tpu.vector_load_idx %arg9[%broadcast_in_dim3A_374, %add3A_378] : memref<128x256xf32, #tpu.memory_space<vmem>>[vector<16xi32>, vector<16xi32>], vector<16xf32>,
      tpu.vector_store_idx %arg10[%gather3A_375, %add3A_378], %gather3A_379 {add = true} : memref<208x256xf32, #tpu.memory_space<vmem>>[vector<16xi32>, vector<16xi32>], vector<16xf32>,
      %add3A_380 = arith.constant 16 : i32
      %add3A_381 = vector.broadcast %add3A_380 : i32 to vector<16xi32>
      %add3A_382 = arith.addi %iota3A, %add3A_381 : vector<16xi32>
      %gather3A_383 = tpu.vector_load_idx %arg9[%broadcast_in_dim3A_374, %add3A_382] : memref<128x256xf32, #tpu.memory_space<vmem>>[vector<16xi32>, vector<16xi32>], vector<16xf32>,
      tpu.vector_store_idx %arg10[%gather3A_375, %add3A_382], %gather3A_383 {add = true} : memref<208x256xf32, #tpu.memory_space<vmem>>[vector<16xi32>, vector<16xi32>], vector<16xf32>,
      %add3A_384 = arith.constant 32 : i32
      %add3A_385 = vector.broadcast %add3A_384 : i32 to vector<16xi32>
      %add3A_386 = arith.addi %iota3A, %add3A_385 : vector<16xi32>
      %gather3A_387 = tpu.vector_load_idx %arg9[%broadcast_in_dim3A_374, %add3A_386] : memref<128x256xf32, #tpu.memory_space<vmem>>[vector<16xi32>, vector<16xi32>], vector<16xf32>,
      tpu.vector_store_idx %arg10[%gather3A_375, %add3A_386], %gather3A_387 {add = true} : memref<208x256xf32, #tpu.memory_space<vmem>>[vector<16xi32>, vector<16xi32>], vector<16xf32>,
      %add3A_388 = arith.constant 48 : i32
      %add3A_389 = vector.broadcast %add3A_388 : i32 to vector<16xi32>
      %add3A_390 = arith.addi %iota3A, %add3A_389 : vector<16xi32>
      %gather3A_391 = tpu.vector_load_idx %arg9[%broadcast_in_dim3A_374, %add3A_390] : memref<128x256xf32, #tpu.memory_space<vmem>>[vector<16xi32>, vector<16xi32>], vector<16xf32>,
      tpu.vector_store_idx %arg10[%gather3A_375, %add3A_390], %gather3A_391 {add = true} : memref<208x256xf32, #tpu.memory_space<vmem>>[vector<16xi32>, vector<16xi32>], vector<16xf32>,
      %add3A_392 = arith.constant 64 : i32
      %add3A_393 = vector.broadcast %add3A_392 : i32 to vector<16xi32>
      %add3A_394 = arith.addi %iota3A, %add3A_393 : vector<16xi32>
      %gather3A_395 = tpu.vector_load_idx %arg9[%broadcast_in_dim3A_374, %add3A_394] : memref<128x256xf32, #tpu.memory_space<vmem>>[vector<16xi32>, vector<16xi32>], vector<16xf32>,
      tpu.vector_store_idx %arg10[%gather3A_375, %add3A_394], %gather3A_395 {add = true} : memref<208x256xf32, #tpu.memory_space<vmem>>[vector<16xi32>, vector<16xi32>], vector<16xf32>,
      %add3A_396 = arith.constant 80 : i32
      %add3A_397 = vector.broadcast %add3A_396 : i32 to vector<16xi32>
      %add3A_398 = arith.addi %iota3A, %add3A_397 : vector<16xi32>
      %gather3A_399 = tpu.vector_load_idx %arg9[%broadcast_in_dim3A_374, %add3A_398] : memref<128x256xf32, #tpu.memory_space<vmem>>[vector<16xi32>, vector<16xi32>], vector<16xf32>,
      tpu.vector_store_idx %arg10[%gather3A_375, %add3A_398], %gather3A_399 {add = true} : memref<208x256xf32, #tpu.memory_space<vmem>>[vector<16xi32>, vector<16xi32>], vector<16xf32>,
      %add3A_400 = arith.constant 96 : i32
      %add3A_401 = vector.broadcast %add3A_400 : i32 to vector<16xi32>
      %add3A_402 = arith.addi %iota3A, %add3A_401 : vector<16xi32>
      %gather3A_403 = tpu.vector_load_idx %arg9[%broadcast_in_dim3A_374, %add3A_402] : memref<128x256xf32, #tpu.memory_space<vmem>>[vector<16xi32>, vector<16xi32>], vector<16xf32>,
      tpu.vector_store_idx %arg10[%gather3A_375, %add3A_402], %gather3A_403 {add = true} : memref<208x256xf32, #tpu.memory_space<vmem>>[vector<16xi32>, vector<16xi32>], vector<16xf32>,
      %add3A_404 = arith.constant 112 : i32
      %add3A_405 = vector.broadcast %add3A_404 : i32 to vector<16xi32>
      %add3A_406 = arith.addi %iota3A, %add3A_405 : vector<16xi32>
      %gather3A_407 = tpu.vector_load_idx %arg9[%broadcast_in_dim3A_374, %add3A_406] : memref<128x256xf32, #tpu.memory_space<vmem>>[vector<16xi32>, vector<16xi32>], vector<16xf32>,
      tpu.vector_store_idx %arg10[%gather3A_375, %add3A_406], %gather3A_407 {add = true} : memref<208x256xf32, #tpu.memory_space<vmem>>[vector<16xi32>, vector<16xi32>], vector<16xf32>,
      %add3A_408 = arith.constant 128 : i32
      %add3A_409 = vector.broadcast %add3A_408 : i32 to vector<16xi32>
      %add3A_410 = arith.addi %iota3A, %add3A_409 : vector<16xi32>
      %gather3A_411 = tpu.vector_load_idx %arg9[%broadcast_in_dim3A_374, %add3A_410] : memref<128x256xf32, #tpu.memory_space<vmem>>[vector<16xi32>, vector<16xi32>], vector<16xf32>,
      tpu.vector_store_idx %arg10[%gather3A_375, %add3A_410], %gather3A_411 {add = true} : memref<208x256xf32, #tpu.memory_space<vmem>>[vector<16xi32>, vector<16xi32>], vector<16xf32>,
      %add3A_412 = arith.constant 144 : i32
      %add3A_413 = vector.broadcast %add3A_412 : i32 to vector<16xi32>
      %add3A_414 = arith.addi %iota3A, %add3A_413 : vector<16xi32>
      %gather3A_415 = tpu.vector_load_idx %arg9[%broadcast_in_dim3A_374, %add3A_414] : memref<128x256xf32, #tpu.memory_space<vmem>>[vector<16xi32>, vector<16xi32>], vector<16xf32>,
      tpu.vector_store_idx %arg10[%gather3A_375, %add3A_414], %gather3A_415 {add = true} : memref<208x256xf32, #tpu.memory_space<vmem>>[vector<16xi32>, vector<16xi32>], vector<16xf32>,
      %add3A_416 = arith.constant 160 : i32
      %add3A_417 = vector.broadcast %add3A_416 : i32 to vector<16xi32>
      %add3A_418 = arith.addi %iota3A, %add3A_417 : vector<16xi32>
      %gather3A_419 = tpu.vector_load_idx %arg9[%broadcast_in_dim3A_374, %add3A_418] : memref<128x256xf32, #tpu.memory_space<vmem>>[vector<16xi32>, vector<16xi32>], vector<16xf32>,
      tpu.vector_store_idx %arg10[%gather3A_375, %add3A_418], %gather3A_419 {add = true} : memref<208x256xf32, #tpu.memory_space<vmem>>[vector<16xi32>, vector<16xi32>], vector<16xf32>,
      %add3A_420 = arith.constant 176 : i32
      %add3A_421 = vector.broadcast %add3A_420 : i32 to vector<16xi32>
      %add3A_422 = arith.addi %iota3A, %add3A_421 : vector<16xi32>
      %gather3A_423 = tpu.vector_load_idx %arg9[%broadcast_in_dim3A_374, %add3A_422] : memref<128x256xf32, #tpu.memory_space<vmem>>[vector<16xi32>, vector<16xi32>], vector<16xf32>,
      tpu.vector_store_idx %arg10[%gather3A_375, %add3A_422], %gather3A_423 {add = true} : memref<208x256xf32, #tpu.memory_space<vmem>>[vector<16xi32>, vector<16xi32>], vector<16xf32>,
      %add3A_424 = arith.constant 192 : i32
      %add3A_425 = vector.broadcast %add3A_424 : i32 to vector<16xi32>
      %add3A_426 = arith.addi %iota3A, %add3A_425 : vector<16xi32>
      %gather3A_427 = tpu.vector_load_idx %arg9[%broadcast_in_dim3A_374, %add3A_426] : memref<128x256xf32, #tpu.memory_space<vmem>>[vector<16xi32>, vector<16xi32>], vector<16xf32>,
      tpu.vector_store_idx %arg10[%gather3A_375, %add3A_426], %gather3A_427 {add = true} : memref<208x256xf32, #tpu.memory_space<vmem>>[vector<16xi32>, vector<16xi32>], vector<16xf32>,
      %add3A_428 = arith.constant 208 : i32
      %add3A_429 = vector.broadcast %add3A_428 : i32 to vector<16xi32>
      %add3A_430 = arith.addi %iota3A, %add3A_429 : vector<16xi32>
      %gather3A_431 = tpu.vector_load_idx %arg9[%broadcast_in_dim3A_374, %add3A_430] : memref<128x256xf32, #tpu.memory_space<vmem>>[vector<16xi32>, vector<16xi32>], vector<16xf32>,
      tpu.vector_store_idx %arg10[%gather3A_375, %add3A_430], %gather3A_431 {add = true} : memref<208x256xf32, #tpu.memory_space<vmem>>[vector<16xi32>, vector<16xi32>], vector<16xf32>,
      %add3A_432 = arith.constant 224 : i32
      %add3A_433 = vector.broadcast %add3A_432 : i32 to vector<16xi32>
      %add3A_434 = arith.addi %iota3A, %add3A_433 : vector<16xi32>
      %gather3A_435 = tpu.vector_load_idx %arg9[%broadcast_in_dim3A_374, %add3A_434] : memref<128x256xf32, #tpu.memory_space<vmem>>[vector<16xi32>, vector<16xi32>], vector<16xf32>,
      tpu.vector_store_idx %arg10[%gather3A_375, %add3A_434], %gather3A_435 {add = true} : memref<208x256xf32, #tpu.memory_space<vmem>>[vector<16xi32>, vector<16xi32>], vector<16xf32>,
      %add3A_436 = arith.constant 240 : i32
      %add3A_437 = vector.broadcast %add3A_436 : i32 to vector<16xi32>
      %add3A_438 = arith.addi %iota3A, %add3A_437 : vector<16xi32>
      %gather3A_439 = tpu.vector_load_idx %arg9[%broadcast_in_dim3A_374, %add3A_438] : memref<128x256xf32, #tpu.memory_space<vmem>>[vector<16xi32>, vector<16xi32>], vector<16xf32>,
      tpu.vector_store_idx %arg10[%gather3A_375, %add3A_438], %gather3A_439 {add = true} : memref<208x256xf32, #tpu.memory_space<vmem>>[vector<16xi32>, vector<16xi32>], vector<16xf32>,
      %mul3A_440 = arith.constant 16 : i32
      %mul3A_441 = arith.muli %scan3A_20, %mul3A_440 : i32
      %add3A_442 = arith.constant 6 : i32
      %add3A_443 = arith.addi %mul3A_441, %add3A_442 : i32
      %broadcast_in_dim3A_444 = vector.broadcast %add3A_443 : i32 to vector<16xi32>
      %gather3A_445 = tpu.vector_load_idx %arg8[%broadcast_in_dim3A_444] : memref<128xi32, #tpu.memory_space<vmem>>[vector<16xi32>], vector<16xi32>,
      %add3A_446 = arith.constant 0 : i32
      %add3A_447 = vector.broadcast %add3A_446 : i32 to vector<16xi32>
      %add3A_448 = arith.addi %iota3A, %add3A_447 : vector<16xi32>
      %gather3A_449 = tpu.vector_load_idx %arg9[%broadcast_in_dim3A_444, %add3A_448] : memref<128x256xf32, #tpu.memory_space<vmem>>[vector<16xi32>, vector<16xi32>], vector<16xf32>,
      tpu.vector_store_idx %arg10[%gather3A_445, %add3A_448], %gather3A_449 {add = true} : memref<208x256xf32, #tpu.memory_space<vmem>>[vector<16xi32>, vector<16xi32>], vector<16xf32>,
      %add3A_450 = arith.constant 16 : i32
      %add3A_451 = vector.broadcast %add3A_450 : i32 to vector<16xi32>
      %add3A_452 = arith.addi %iota3A, %add3A_451 : vector<16xi32>
      %gather3A_453 = tpu.vector_load_idx %arg9[%broadcast_in_dim3A_444, %add3A_452] : memref<128x256xf32, #tpu.memory_space<vmem>>[vector<16xi32>, vector<16xi32>], vector<16xf32>,
      tpu.vector_store_idx %arg10[%gather3A_445, %add3A_452], %gather3A_453 {add = true} : memref<208x256xf32, #tpu.memory_space<vmem>>[vector<16xi32>, vector<16xi32>], vector<16xf32>,
      %add3A_454 = arith.constant 32 : i32
      %add3A_455 = vector.broadcast %add3A_454 : i32 to vector<16xi32>
      %add3A_456 = arith.addi %iota3A, %add3A_455 : vector<16xi32>
      %gather3A_457 = tpu.vector_load_idx %arg9[%broadcast_in_dim3A_444, %add3A_456] : memref<128x256xf32, #tpu.memory_space<vmem>>[vector<16xi32>, vector<16xi32>], vector<16xf32>,
      tpu.vector_store_idx %arg10[%gather3A_445, %add3A_456], %gather3A_457 {add = true} : memref<208x256xf32, #tpu.memory_space<vmem>>[vector<16xi32>, vector<16xi32>], vector<16xf32>,
      %add3A_458 = arith.constant 48 : i32
      %add3A_459 = vector.broadcast %add3A_458 : i32 to vector<16xi32>
      %add3A_460 = arith.addi %iota3A, %add3A_459 : vector<16xi32>
      %gather3A_461 = tpu.vector_load_idx %arg9[%broadcast_in_dim3A_444, %add3A_460] : memref<128x256xf32, #tpu.memory_space<vmem>>[vector<16xi32>, vector<16xi32>], vector<16xf32>,
      tpu.vector_store_idx %arg10[%gather3A_445, %add3A_460], %gather3A_461 {add = true} : memref<208x256xf32, #tpu.memory_space<vmem>>[vector<16xi32>, vector<16xi32>], vector<16xf32>,
      %add3A_462 = arith.constant 64 : i32
      %add3A_463 = vector.broadcast %add3A_462 : i32 to vector<16xi32>
      %add3A_464 = arith.addi %iota3A, %add3A_463 : vector<16xi32>
      %gather3A_465 = tpu.vector_load_idx %arg9[%broadcast_in_dim3A_444, %add3A_464] : memref<128x256xf32, #tpu.memory_space<vmem>>[vector<16xi32>, vector<16xi32>], vector<16xf32>,
      tpu.vector_store_idx %arg10[%gather3A_445, %add3A_464], %gather3A_465 {add = true} : memref<208x256xf32, #tpu.memory_space<vmem>>[vector<16xi32>, vector<16xi32>], vector<16xf32>,
      %add3A_466 = arith.constant 80 : i32
      %add3A_467 = vector.broadcast %add3A_466 : i32 to vector<16xi32>
      %add3A_468 = arith.addi %iota3A, %add3A_467 : vector<16xi32>
      %gather3A_469 = tpu.vector_load_idx %arg9[%broadcast_in_dim3A_444, %add3A_468] : memref<128x256xf32, #tpu.memory_space<vmem>>[vector<16xi32>, vector<16xi32>], vector<16xf32>,
      tpu.vector_store_idx %arg10[%gather3A_445, %add3A_468], %gather3A_469 {add = true} : memref<208x256xf32, #tpu.memory_space<vmem>>[vector<16xi32>, vector<16xi32>], vector<16xf32>,
      %add3A_470 = arith.constant 96 : i32
      %add3A_471 = vector.broadcast %add3A_470 : i32 to vector<16xi32>
      %add3A_472 = arith.addi %iota3A, %add3A_471 : vector<16xi32>
      %gather3A_473 = tpu.vector_load_idx %arg9[%broadcast_in_dim3A_444, %add3A_472] : memref<128x256xf32, #tpu.memory_space<vmem>>[vector<16xi32>, vector<16xi32>], vector<16xf32>,
      tpu.vector_store_idx %arg10[%gather3A_445, %add3A_472], %gather3A_473 {add = true} : memref<208x256xf32, #tpu.memory_space<vmem>>[vector<16xi32>, vector<16xi32>], vector<16xf32>,
      %add3A_474 = arith.constant 112 : i32
      %add3A_475 = vector.broadcast %add3A_474 : i32 to vector<16xi32>
      %add3A_476 = arith.addi %iota3A, %add3A_475 : vector<16xi32>
      %gather3A_477 = tpu.vector_load_idx %arg9[%broadcast_in_dim3A_444, %add3A_476] : memref<128x256xf32, #tpu.memory_space<vmem>>[vector<16xi32>, vector<16xi32>], vector<16xf32>,
      tpu.vector_store_idx %arg10[%gather3A_445, %add3A_476], %gather3A_477 {add = true} : memref<208x256xf32, #tpu.memory_space<vmem>>[vector<16xi32>, vector<16xi32>], vector<16xf32>,
      %add3A_478 = arith.constant 128 : i32
      %add3A_479 = vector.broadcast %add3A_478 : i32 to vector<16xi32>
      %add3A_480 = arith.addi %iota3A, %add3A_479 : vector<16xi32>
      %gather3A_481 = tpu.vector_load_idx %arg9[%broadcast_in_dim3A_444, %add3A_480] : memref<128x256xf32, #tpu.memory_space<vmem>>[vector<16xi32>, vector<16xi32>], vector<16xf32>,
      tpu.vector_store_idx %arg10[%gather3A_445, %add3A_480], %gather3A_481 {add = true} : memref<208x256xf32, #tpu.memory_space<vmem>>[vector<16xi32>, vector<16xi32>], vector<16xf32>,
      %add3A_482 = arith.constant 144 : i32
      %add3A_483 = vector.broadcast %add3A_482 : i32 to vector<16xi32>
      %add3A_484 = arith.addi %iota3A, %add3A_483 : vector<16xi32>
      %gather3A_485 = tpu.vector_load_idx %arg9[%broadcast_in_dim3A_444, %add3A_484] : memref<128x256xf32, #tpu.memory_space<vmem>>[vector<16xi32>, vector<16xi32>], vector<16xf32>,
      tpu.vector_store_idx %arg10[%gather3A_445, %add3A_484], %gather3A_485 {add = true} : memref<208x256xf32, #tpu.memory_space<vmem>>[vector<16xi32>, vector<16xi32>], vector<16xf32>,
      %add3A_486 = arith.constant 160 : i32
      %add3A_487 = vector.broadcast %add3A_486 : i32 to vector<16xi32>
      %add3A_488 = arith.addi %iota3A, %add3A_487 : vector<16xi32>
      %gather3A_489 = tpu.vector_load_idx %arg9[%broadcast_in_dim3A_444, %add3A_488] : memref<128x256xf32, #tpu.memory_space<vmem>>[vector<16xi32>, vector<16xi32>], vector<16xf32>,
      tpu.vector_store_idx %arg10[%gather3A_445, %add3A_488], %gather3A_489 {add = true} : memref<208x256xf32, #tpu.memory_space<vmem>>[vector<16xi32>, vector<16xi32>], vector<16xf32>,
      %add3A_490 = arith.constant 176 : i32
      %add3A_491 = vector.broadcast %add3A_490 : i32 to vector<16xi32>
      %add3A_492 = arith.addi %iota3A, %add3A_491 : vector<16xi32>
      %gather3A_493 = tpu.vector_load_idx %arg9[%broadcast_in_dim3A_444, %add3A_492] : memref<128x256xf32, #tpu.memory_space<vmem>>[vector<16xi32>, vector<16xi32>], vector<16xf32>,
      tpu.vector_store_idx %arg10[%gather3A_445, %add3A_492], %gather3A_493 {add = true} : memref<208x256xf32, #tpu.memory_space<vmem>>[vector<16xi32>, vector<16xi32>], vector<16xf32>,
      %add3A_494 = arith.constant 192 : i32
      %add3A_495 = vector.broadcast %add3A_494 : i32 to vector<16xi32>
      %add3A_496 = arith.addi %iota3A, %add3A_495 : vector<16xi32>
      %gather3A_497 = tpu.vector_load_idx %arg9[%broadcast_in_dim3A_444, %add3A_496] : memref<128x256xf32, #tpu.memory_space<vmem>>[vector<16xi32>, vector<16xi32>], vector<16xf32>,
      tpu.vector_store_idx %arg10[%gather3A_445, %add3A_496], %gather3A_497 {add = true} : memref<208x256xf32, #tpu.memory_space<vmem>>[vector<16xi32>, vector<16xi32>], vector<16xf32>,
      %add3A_498 = arith.constant 208 : i32
      %add3A_499 = vector.broadcast %add3A_498 : i32 to vector<16xi32>
      %add3A_500 = arith.addi %iota3A, %add3A_499 : vector<16xi32>
      %gather3A_501 = tpu.vector_load_idx %arg9[%broadcast_in_dim3A_444, %add3A_500] : memref<128x256xf32, #tpu.memory_space<vmem>>[vector<16xi32>, vector<16xi32>], vector<16xf32>,
      tpu.vector_store_idx %arg10[%gather3A_445, %add3A_500], %gather3A_501 {add = true} : memref<208x256xf32, #tpu.memory_space<vmem>>[vector<16xi32>, vector<16xi32>], vector<16xf32>,
      %add3A_502 = arith.constant 224 : i32
      %add3A_503 = vector.broadcast %add3A_502 : i32 to vector<16xi32>
      %add3A_504 = arith.addi %iota3A, %add3A_503 : vector<16xi32>
      %gather3A_505 = tpu.vector_load_idx %arg9[%broadcast_in_dim3A_444, %add3A_504] : memref<128x256xf32, #tpu.memory_space<vmem>>[vector<16xi32>, vector<16xi32>], vector<16xf32>,
      tpu.vector_store_idx %arg10[%gather3A_445, %add3A_504], %gather3A_505 {add = true} : memref<208x256xf32, #tpu.memory_space<vmem>>[vector<16xi32>, vector<16xi32>], vector<16xf32>,
      %add3A_506 = arith.constant 240 : i32
      %add3A_507 = vector.broadcast %add3A_506 : i32 to vector<16xi32>
      %add3A_508 = arith.addi %iota3A, %add3A_507 : vector<16xi32>
      %gather3A_509 = tpu.vector_load_idx %arg9[%broadcast_in_dim3A_444, %add3A_508] : memref<128x256xf32, #tpu.memory_space<vmem>>[vector<16xi32>, vector<16xi32>], vector<16xf32>,
      tpu.vector_store_idx %arg10[%gather3A_445, %add3A_508], %gather3A_509 {add = true} : memref<208x256xf32, #tpu.memory_space<vmem>>[vector<16xi32>, vector<16xi32>], vector<16xf32>,
      %mul3A_510 = arith.constant 16 : i32
      %mul3A_511 = arith.muli %scan3A_20, %mul3A_510 : i32
      %add3A_512 = arith.constant 7 : i32
      %add3A_513 = arith.addi %mul3A_511, %add3A_512 : i32
      %broadcast_in_dim3A_514 = vector.broadcast %add3A_513 : i32 to vector<16xi32>
      %gather3A_515 = tpu.vector_load_idx %arg8[%broadcast_in_dim3A_514] : memref<128xi32, #tpu.memory_space<vmem>>[vector<16xi32>], vector<16xi32>,
      %add3A_516 = arith.constant 0 : i32
      %add3A_517 = vector.broadcast %add3A_516 : i32 to vector<16xi32>
      %add3A_518 = arith.addi %iota3A, %add3A_517 : vector<16xi32>
      %gather3A_519 = tpu.vector_load_idx %arg9[%broadcast_in_dim3A_514, %add3A_518] : memref<128x256xf32, #tpu.memory_space<vmem>>[vector<16xi32>, vector<16xi32>], vector<16xf32>,
      tpu.vector_store_idx %arg10[%gather3A_515, %add3A_518], %gather3A_519 {add = true} : memref<208x256xf32, #tpu.memory_space<vmem>>[vector<16xi32>, vector<16xi32>], vector<16xf32>,
      %add3A_520 = arith.constant 16 : i32
      %add3A_521 = vector.broadcast %add3A_520 : i32 to vector<16xi32>
      %add3A_522 = arith.addi %iota3A, %add3A_521 : vector<16xi32>
      %gather3A_523 = tpu.vector_load_idx %arg9[%broadcast_in_dim3A_514, %add3A_522] : memref<128x256xf32, #tpu.memory_space<vmem>>[vector<16xi32>, vector<16xi32>], vector<16xf32>,
      tpu.vector_store_idx %arg10[%gather3A_515, %add3A_522], %gather3A_523 {add = true} : memref<208x256xf32, #tpu.memory_space<vmem>>[vector<16xi32>, vector<16xi32>], vector<16xf32>,
      %add3A_524 = arith.constant 32 : i32
      %add3A_525 = vector.broadcast %add3A_524 : i32 to vector<16xi32>
      %add3A_526 = arith.addi %iota3A, %add3A_525 : vector<16xi32>
      %gather3A_527 = tpu.vector_load_idx %arg9[%broadcast_in_dim3A_514, %add3A_526] : memref<128x256xf32, #tpu.memory_space<vmem>>[vector<16xi32>, vector<16xi32>], vector<16xf32>,
      tpu.vector_store_idx %arg10[%gather3A_515, %add3A_526], %gather3A_527 {add = true} : memref<208x256xf32, #tpu.memory_space<vmem>>[vector<16xi32>, vector<16xi32>], vector<16xf32>,
      %add3A_528 = arith.constant 48 : i32
      %add3A_529 = vector.broadcast %add3A_528 : i32 to vector<16xi32>
      %add3A_530 = arith.addi %iota3A, %add3A_529 : vector<16xi32>
      %gather3A_531 = tpu.vector_load_idx %arg9[%broadcast_in_dim3A_514, %add3A_530] : memref<128x256xf32, #tpu.memory_space<vmem>>[vector<16xi32>, vector<16xi32>], vector<16xf32>,
      tpu.vector_store_idx %arg10[%gather3A_515, %add3A_530], %gather3A_531 {add = true} : memref<208x256xf32, #tpu.memory_space<vmem>>[vector<16xi32>, vector<16xi32>], vector<16xf32>,
      %add3A_532 = arith.constant 64 : i32
      %add3A_533 = vector.broadcast %add3A_532 : i32 to vector<16xi32>
      %add3A_534 = arith.addi %iota3A, %add3A_533 : vector<16xi32>
      %gather3A_535 = tpu.vector_load_idx %arg9[%broadcast_in_dim3A_514, %add3A_534] : memref<128x256xf32, #tpu.memory_space<vmem>>[vector<16xi32>, vector<16xi32>], vector<16xf32>,
      tpu.vector_store_idx %arg10[%gather3A_515, %add3A_534], %gather3A_535 {add = true} : memref<208x256xf32, #tpu.memory_space<vmem>>[vector<16xi32>, vector<16xi32>], vector<16xf32>,
      %add3A_536 = arith.constant 80 : i32
      %add3A_537 = vector.broadcast %add3A_536 : i32 to vector<16xi32>
      %add3A_538 = arith.addi %iota3A, %add3A_537 : vector<16xi32>
      %gather3A_539 = tpu.vector_load_idx %arg9[%broadcast_in_dim3A_514, %add3A_538] : memref<128x256xf32, #tpu.memory_space<vmem>>[vector<16xi32>, vector<16xi32>], vector<16xf32>,
      tpu.vector_store_idx %arg10[%gather3A_515, %add3A_538], %gather3A_539 {add = true} : memref<208x256xf32, #tpu.memory_space<vmem>>[vector<16xi32>, vector<16xi32>], vector<16xf32>,
      %add3A_540 = arith.constant 96 : i32
      %add3A_541 = vector.broadcast %add3A_540 : i32 to vector<16xi32>
      %add3A_542 = arith.addi %iota3A, %add3A_541 : vector<16xi32>
      %gather3A_543 = tpu.vector_load_idx %arg9[%broadcast_in_dim3A_514, %add3A_542] : memref<128x256xf32, #tpu.memory_space<vmem>>[vector<16xi32>, vector<16xi32>], vector<16xf32>,
      tpu.vector_store_idx %arg10[%gather3A_515, %add3A_542], %gather3A_543 {add = true} : memref<208x256xf32, #tpu.memory_space<vmem>>[vector<16xi32>, vector<16xi32>], vector<16xf32>,
      %add3A_544 = arith.constant 112 : i32
      %add3A_545 = vector.broadcast %add3A_544 : i32 to vector<16xi32>
      %add3A_546 = arith.addi %iota3A, %add3A_545 : vector<16xi32>
      %gather3A_547 = tpu.vector_load_idx %arg9[%broadcast_in_dim3A_514, %add3A_546] : memref<128x256xf32, #tpu.memory_space<vmem>>[vector<16xi32>, vector<16xi32>], vector<16xf32>,
      tpu.vector_store_idx %arg10[%gather3A_515, %add3A_546], %gather3A_547 {add = true} : memref<208x256xf32, #tpu.memory_space<vmem>>[vector<16xi32>, vector<16xi32>], vector<16xf32>,
      %add3A_548 = arith.constant 128 : i32
      %add3A_549 = vector.broadcast %add3A_548 : i32 to vector<16xi32>
      %add3A_550 = arith.addi %iota3A, %add3A_549 : vector<16xi32>
      %gather3A_551 = tpu.vector_load_idx %arg9[%broadcast_in_dim3A_514, %add3A_550] : memref<128x256xf32, #tpu.memory_space<vmem>>[vector<16xi32>, vector<16xi32>], vector<16xf32>,
      tpu.vector_store_idx %arg10[%gather3A_515, %add3A_550], %gather3A_551 {add = true} : memref<208x256xf32, #tpu.memory_space<vmem>>[vector<16xi32>, vector<16xi32>], vector<16xf32>,
      %add3A_552 = arith.constant 144 : i32
      %add3A_553 = vector.broadcast %add3A_552 : i32 to vector<16xi32>
      %add3A_554 = arith.addi %iota3A, %add3A_553 : vector<16xi32>
      %gather3A_555 = tpu.vector_load_idx %arg9[%broadcast_in_dim3A_514, %add3A_554] : memref<128x256xf32, #tpu.memory_space<vmem>>[vector<16xi32>, vector<16xi32>], vector<16xf32>,
      tpu.vector_store_idx %arg10[%gather3A_515, %add3A_554], %gather3A_555 {add = true} : memref<208x256xf32, #tpu.memory_space<vmem>>[vector<16xi32>, vector<16xi32>], vector<16xf32>,
      %add3A_556 = arith.constant 160 : i32
      %add3A_557 = vector.broadcast %add3A_556 : i32 to vector<16xi32>
      %add3A_558 = arith.addi %iota3A, %add3A_557 : vector<16xi32>
      %gather3A_559 = tpu.vector_load_idx %arg9[%broadcast_in_dim3A_514, %add3A_558] : memref<128x256xf32, #tpu.memory_space<vmem>>[vector<16xi32>, vector<16xi32>], vector<16xf32>,
      tpu.vector_store_idx %arg10[%gather3A_515, %add3A_558], %gather3A_559 {add = true} : memref<208x256xf32, #tpu.memory_space<vmem>>[vector<16xi32>, vector<16xi32>], vector<16xf32>,
      %add3A_560 = arith.constant 176 : i32
      %add3A_561 = vector.broadcast %add3A_560 : i32 to vector<16xi32>
      %add3A_562 = arith.addi %iota3A, %add3A_561 : vector<16xi32>
      %gather3A_563 = tpu.vector_load_idx %arg9[%broadcast_in_dim3A_514, %add3A_562] : memref<128x256xf32, #tpu.memory_space<vmem>>[vector<16xi32>, vector<16xi32>], vector<16xf32>,
      tpu.vector_store_idx %arg10[%gather3A_515, %add3A_562], %gather3A_563 {add = true} : memref<208x256xf32, #tpu.memory_space<vmem>>[vector<16xi32>, vector<16xi32>], vector<16xf32>,
      %add3A_564 = arith.constant 192 : i32
      %add3A_565 = vector.broadcast %add3A_564 : i32 to vector<16xi32>
      %add3A_566 = arith.addi %iota3A, %add3A_565 : vector<16xi32>
      %gather3A_567 = tpu.vector_load_idx %arg9[%broadcast_in_dim3A_514, %add3A_566] : memref<128x256xf32, #tpu.memory_space<vmem>>[vector<16xi32>, vector<16xi32>], vector<16xf32>,
      tpu.vector_store_idx %arg10[%gather3A_515, %add3A_566], %gather3A_567 {add = true} : memref<208x256xf32, #tpu.memory_space<vmem>>[vector<16xi32>, vector<16xi32>], vector<16xf32>,
      %add3A_568 = arith.constant 208 : i32
      %add3A_569 = vector.broadcast %add3A_568 : i32 to vector<16xi32>
      %add3A_570 = arith.addi %iota3A, %add3A_569 : vector<16xi32>
      %gather3A_571 = tpu.vector_load_idx %arg9[%broadcast_in_dim3A_514, %add3A_570] : memref<128x256xf32, #tpu.memory_space<vmem>>[vector<16xi32>, vector<16xi32>], vector<16xf32>,
      tpu.vector_store_idx %arg10[%gather3A_515, %add3A_570], %gather3A_571 {add = true} : memref<208x256xf32, #tpu.memory_space<vmem>>[vector<16xi32>, vector<16xi32>], vector<16xf32>,
      %add3A_572 = arith.constant 224 : i32
      %add3A_573 = vector.broadcast %add3A_572 : i32 to vector<16xi32>
      %add3A_574 = arith.addi %iota3A, %add3A_573 : vector<16xi32>
      %gather3A_575 = tpu.vector_load_idx %arg9[%broadcast_in_dim3A_514, %add3A_574] : memref<128x256xf32, #tpu.memory_space<vmem>>[vector<16xi32>, vector<16xi32>], vector<16xf32>,
      tpu.vector_store_idx %arg10[%gather3A_515, %add3A_574], %gather3A_575 {add = true} : memref<208x256xf32, #tpu.memory_space<vmem>>[vector<16xi32>, vector<16xi32>], vector<16xf32>,
      %add3A_576 = arith.constant 240 : i32
      %add3A_577 = vector.broadcast %add3A_576 : i32 to vector<16xi32>
      %add3A_578 = arith.addi %iota3A, %add3A_577 : vector<16xi32>
      %gather3A_579 = tpu.vector_load_idx %arg9[%broadcast_in_dim3A_514, %add3A_578] : memref<128x256xf32, #tpu.memory_space<vmem>>[vector<16xi32>, vector<16xi32>], vector<16xf32>,
      tpu.vector_store_idx %arg10[%gather3A_515, %add3A_578], %gather3A_579 {add = true} : memref<208x256xf32, #tpu.memory_space<vmem>>[vector<16xi32>, vector<16xi32>], vector<16xf32>,
      %mul3A_580 = arith.constant 16 : i32
      %mul3A_581 = arith.muli %scan3A_20, %mul3A_580 : i32
      %add3A_582 = arith.constant 8 : i32
      %add3A_583 = arith.addi %mul3A_581, %add3A_582 : i32
      %broadcast_in_dim3A_584 = vector.broadcast %add3A_583 : i32 to vector<16xi32>
      %gather3A_585 = tpu.vector_load_idx %arg8[%broadcast_in_dim3A_584] : memref<128xi32, #tpu.memory_space<vmem>>[vector<16xi32>], vector<16xi32>,
      %add3A_586 = arith.constant 0 : i32
      %add3A_587 = vector.broadcast %add3A_586 : i32 to vector<16xi32>
      %add3A_588 = arith.addi %iota3A, %add3A_587 : vector<16xi32>
      %gather3A_589 = tpu.vector_load_idx %arg9[%broadcast_in_dim3A_584, %add3A_588] : memref<128x256xf32, #tpu.memory_space<vmem>>[vector<16xi32>, vector<16xi32>], vector<16xf32>,
      tpu.vector_store_idx %arg10[%gather3A_585, %add3A_588], %gather3A_589 {add = true} : memref<208x256xf32, #tpu.memory_space<vmem>>[vector<16xi32>, vector<16xi32>], vector<16xf32>,
      %add3A_590 = arith.constant 16 : i32
      %add3A_591 = vector.broadcast %add3A_590 : i32 to vector<16xi32>
      %add3A_592 = arith.addi %iota3A, %add3A_591 : vector<16xi32>
      %gather3A_593 = tpu.vector_load_idx %arg9[%broadcast_in_dim3A_584, %add3A_592] : memref<128x256xf32, #tpu.memory_space<vmem>>[vector<16xi32>, vector<16xi32>], vector<16xf32>,
      tpu.vector_store_idx %arg10[%gather3A_585, %add3A_592], %gather3A_593 {add = true} : memref<208x256xf32, #tpu.memory_space<vmem>>[vector<16xi32>, vector<16xi32>], vector<16xf32>,
      %add3A_594 = arith.constant 32 : i32
      %add3A_595 = vector.broadcast %add3A_594 : i32 to vector<16xi32>
      %add3A_596 = arith.addi %iota3A, %add3A_595 : vector<16xi32>
      %gather3A_597 = tpu.vector_load_idx %arg9[%broadcast_in_dim3A_584, %add3A_596] : memref<128x256xf32, #tpu.memory_space<vmem>>[vector<16xi32>, vector<16xi32>], vector<16xf32>,
      tpu.vector_store_idx %arg10[%gather3A_585, %add3A_596], %gather3A_597 {add = true} : memref<208x256xf32, #tpu.memory_space<vmem>>[vector<16xi32>, vector<16xi32>], vector<16xf32>,
      %add3A_598 = arith.constant 48 : i32
      %add3A_599 = vector.broadcast %add3A_598 : i32 to vector<16xi32>
      %add3A_600 = arith.addi %iota3A, %add3A_599 : vector<16xi32>
      %gather3A_601 = tpu.vector_load_idx %arg9[%broadcast_in_dim3A_584, %add3A_600] : memref<128x256xf32, #tpu.memory_space<vmem>>[vector<16xi32>, vector<16xi32>], vector<16xf32>,
      tpu.vector_store_idx %arg10[%gather3A_585, %add3A_600], %gather3A_601 {add = true} : memref<208x256xf32, #tpu.memory_space<vmem>>[vector<16xi32>, vector<16xi32>], vector<16xf32>,
      %add3A_602 = arith.constant 64 : i32
      %add3A_603 = vector.broadcast %add3A_602 : i32 to vector<16xi32>
      %add3A_604 = arith.addi %iota3A, %add3A_603 : vector<16xi32>
      %gather3A_605 = tpu.vector_load_idx %arg9[%broadcast_in_dim3A_584, %add3A_604] : memref<128x256xf32, #tpu.memory_space<vmem>>[vector<16xi32>, vector<16xi32>], vector<16xf32>,
      tpu.vector_store_idx %arg10[%gather3A_585, %add3A_604], %gather3A_605 {add = true} : memref<208x256xf32, #tpu.memory_space<vmem>>[vector<16xi32>, vector<16xi32>], vector<16xf32>,
      %add3A_606 = arith.constant 80 : i32
      %add3A_607 = vector.broadcast %add3A_606 : i32 to vector<16xi32>
      %add3A_608 = arith.addi %iota3A, %add3A_607 : vector<16xi32>
      %gather3A_609 = tpu.vector_load_idx %arg9[%broadcast_in_dim3A_584, %add3A_608] : memref<128x256xf32, #tpu.memory_space<vmem>>[vector<16xi32>, vector<16xi32>], vector<16xf32>,
      tpu.vector_store_idx %arg10[%gather3A_585, %add3A_608], %gather3A_609 {add = true} : memref<208x256xf32, #tpu.memory_space<vmem>>[vector<16xi32>, vector<16xi32>], vector<16xf32>,
      %add3A_610 = arith.constant 96 : i32
      %add3A_611 = vector.broadcast %add3A_610 : i32 to vector<16xi32>
      %add3A_612 = arith.addi %iota3A, %add3A_611 : vector<16xi32>
      %gather3A_613 = tpu.vector_load_idx %arg9[%broadcast_in_dim3A_584, %add3A_612] : memref<128x256xf32, #tpu.memory_space<vmem>>[vector<16xi32>, vector<16xi32>], vector<16xf32>,
      tpu.vector_store_idx %arg10[%gather3A_585, %add3A_612], %gather3A_613 {add = true} : memref<208x256xf32, #tpu.memory_space<vmem>>[vector<16xi32>, vector<16xi32>], vector<16xf32>,
      %add3A_614 = arith.constant 112 : i32
      %add3A_615 = vector.broadcast %add3A_614 : i32 to vector<16xi32>
      %add3A_616 = arith.addi %iota3A, %add3A_615 : vector<16xi32>
      %gather3A_617 = tpu.vector_load_idx %arg9[%broadcast_in_dim3A_584, %add3A_616] : memref<128x256xf32, #tpu.memory_space<vmem>>[vector<16xi32>, vector<16xi32>], vector<16xf32>,
      tpu.vector_store_idx %arg10[%gather3A_585, %add3A_616], %gather3A_617 {add = true} : memref<208x256xf32, #tpu.memory_space<vmem>>[vector<16xi32>, vector<16xi32>], vector<16xf32>,
      %add3A_618 = arith.constant 128 : i32
      %add3A_619 = vector.broadcast %add3A_618 : i32 to vector<16xi32>
      %add3A_620 = arith.addi %iota3A, %add3A_619 : vector<16xi32>
      %gather3A_621 = tpu.vector_load_idx %arg9[%broadcast_in_dim3A_584, %add3A_620] : memref<128x256xf32, #tpu.memory_space<vmem>>[vector<16xi32>, vector<16xi32>], vector<16xf32>,
      tpu.vector_store_idx %arg10[%gather3A_585, %add3A_620], %gather3A_621 {add = true} : memref<208x256xf32, #tpu.memory_space<vmem>>[vector<16xi32>, vector<16xi32>], vector<16xf32>,
      %add3A_622 = arith.constant 144 : i32
      %add3A_623 = vector.broadcast %add3A_622 : i32 to vector<16xi32>
      %add3A_624 = arith.addi %iota3A, %add3A_623 : vector<16xi32>
      %gather3A_625 = tpu.vector_load_idx %arg9[%broadcast_in_dim3A_584, %add3A_624] : memref<128x256xf32, #tpu.memory_space<vmem>>[vector<16xi32>, vector<16xi32>], vector<16xf32>,
      tpu.vector_store_idx %arg10[%gather3A_585, %add3A_624], %gather3A_625 {add = true} : memref<208x256xf32, #tpu.memory_space<vmem>>[vector<16xi32>, vector<16xi32>], vector<16xf32>,
      %add3A_626 = arith.constant 160 : i32
      %add3A_627 = vector.broadcast %add3A_626 : i32 to vector<16xi32>
      %add3A_628 = arith.addi %iota3A, %add3A_627 : vector<16xi32>
      %gather3A_629 = tpu.vector_load_idx %arg9[%broadcast_in_dim3A_584, %add3A_628] : memref<128x256xf32, #tpu.memory_space<vmem>>[vector<16xi32>, vector<16xi32>], vector<16xf32>,
      tpu.vector_store_idx %arg10[%gather3A_585, %add3A_628], %gather3A_629 {add = true} : memref<208x256xf32, #tpu.memory_space<vmem>>[vector<16xi32>, vector<16xi32>], vector<16xf32>,
      %add3A_630 = arith.constant 176 : i32
      %add3A_631 = vector.broadcast %add3A_630 : i32 to vector<16xi32>
      %add3A_632 = arith.addi %iota3A, %add3A_631 : vector<16xi32>
      %gather3A_633 = tpu.vector_load_idx %arg9[%broadcast_in_dim3A_584, %add3A_632] : memref<128x256xf32, #tpu.memory_space<vmem>>[vector<16xi32>, vector<16xi32>], vector<16xf32>,
      tpu.vector_store_idx %arg10[%gather3A_585, %add3A_632], %gather3A_633 {add = true} : memref<208x256xf32, #tpu.memory_space<vmem>>[vector<16xi32>, vector<16xi32>], vector<16xf32>,
      %add3A_634 = arith.constant 192 : i32
      %add3A_635 = vector.broadcast %add3A_634 : i32 to vector<16xi32>
      %add3A_636 = arith.addi %iota3A, %add3A_635 : vector<16xi32>
      %gather3A_637 = tpu.vector_load_idx %arg9[%broadcast_in_dim3A_584, %add3A_636] : memref<128x256xf32, #tpu.memory_space<vmem>>[vector<16xi32>, vector<16xi32>], vector<16xf32>,
      tpu.vector_store_idx %arg10[%gather3A_585, %add3A_636], %gather3A_637 {add = true} : memref<208x256xf32, #tpu.memory_space<vmem>>[vector<16xi32>, vector<16xi32>], vector<16xf32>,
      %add3A_638 = arith.constant 208 : i32
      %add3A_639 = vector.broadcast %add3A_638 : i32 to vector<16xi32>
      %add3A_640 = arith.addi %iota3A, %add3A_639 : vector<16xi32>
      %gather3A_641 = tpu.vector_load_idx %arg9[%broadcast_in_dim3A_584, %add3A_640] : memref<128x256xf32, #tpu.memory_space<vmem>>[vector<16xi32>, vector<16xi32>], vector<16xf32>,
      tpu.vector_store_idx %arg10[%gather3A_585, %add3A_640], %gather3A_641 {add = true} : memref<208x256xf32, #tpu.memory_space<vmem>>[vector<16xi32>, vector<16xi32>], vector<16xf32>,
      %add3A_642 = arith.constant 224 : i32
      %add3A_643 = vector.broadcast %add3A_642 : i32 to vector<16xi32>
      %add3A_644 = arith.addi %iota3A, %add3A_643 : vector<16xi32>
      %gather3A_645 = tpu.vector_load_idx %arg9[%broadcast_in_dim3A_584, %add3A_644] : memref<128x256xf32, #tpu.memory_space<vmem>>[vector<16xi32>, vector<16xi32>], vector<16xf32>,
      tpu.vector_store_idx %arg10[%gather3A_585, %add3A_644], %gather3A_645 {add = true} : memref<208x256xf32, #tpu.memory_space<vmem>>[vector<16xi32>, vector<16xi32>], vector<16xf32>,
      %add3A_646 = arith.constant 240 : i32
      %add3A_647 = vector.broadcast %add3A_646 : i32 to vector<16xi32>
      %add3A_648 = arith.addi %iota3A, %add3A_647 : vector<16xi32>
      %gather3A_649 = tpu.vector_load_idx %arg9[%broadcast_in_dim3A_584, %add3A_648] : memref<128x256xf32, #tpu.memory_space<vmem>>[vector<16xi32>, vector<16xi32>], vector<16xf32>,
      tpu.vector_store_idx %arg10[%gather3A_585, %add3A_648], %gather3A_649 {add = true} : memref<208x256xf32, #tpu.memory_space<vmem>>[vector<16xi32>, vector<16xi32>], vector<16xf32>,
      %mul3A_650 = arith.constant 16 : i32
      %mul3A_651 = arith.muli %scan3A_20, %mul3A_650 : i32
      %add3A_652 = arith.constant 9 : i32
      %add3A_653 = arith.addi %mul3A_651, %add3A_652 : i32
      %broadcast_in_dim3A_654 = vector.broadcast %add3A_653 : i32 to vector<16xi32>
      %gather3A_655 = tpu.vector_load_idx %arg8[%broadcast_in_dim3A_654] : memref<128xi32, #tpu.memory_space<vmem>>[vector<16xi32>], vector<16xi32>,
      %add3A_656 = arith.constant 0 : i32
      %add3A_657 = vector.broadcast %add3A_656 : i32 to vector<16xi32>
      %add3A_658 = arith.addi %iota3A, %add3A_657 : vector<16xi32>
      %gather3A_659 = tpu.vector_load_idx %arg9[%broadcast_in_dim3A_654, %add3A_658] : memref<128x256xf32, #tpu.memory_space<vmem>>[vector<16xi32>, vector<16xi32>], vector<16xf32>,
      tpu.vector_store_idx %arg10[%gather3A_655, %add3A_658], %gather3A_659 {add = true} : memref<208x256xf32, #tpu.memory_space<vmem>>[vector<16xi32>, vector<16xi32>], vector<16xf32>,
      %add3A_660 = arith.constant 16 : i32
      %add3A_661 = vector.broadcast %add3A_660 : i32 to vector<16xi32>
      %add3A_662 = arith.addi %iota3A, %add3A_661 : vector<16xi32>
      %gather3A_663 = tpu.vector_load_idx %arg9[%broadcast_in_dim3A_654, %add3A_662] : memref<128x256xf32, #tpu.memory_space<vmem>>[vector<16xi32>, vector<16xi32>], vector<16xf32>,
      tpu.vector_store_idx %arg10[%gather3A_655, %add3A_662], %gather3A_663 {add = true} : memref<208x256xf32, #tpu.memory_space<vmem>>[vector<16xi32>, vector<16xi32>], vector<16xf32>,
      %add3A_664 = arith.constant 32 : i32
      %add3A_665 = vector.broadcast %add3A_664 : i32 to vector<16xi32>
      %add3A_666 = arith.addi %iota3A, %add3A_665 : vector<16xi32>
      %gather3A_667 = tpu.vector_load_idx %arg9[%broadcast_in_dim3A_654, %add3A_666] : memref<128x256xf32, #tpu.memory_space<vmem>>[vector<16xi32>, vector<16xi32>], vector<16xf32>,
      tpu.vector_store_idx %arg10[%gather3A_655, %add3A_666], %gather3A_667 {add = true} : memref<208x256xf32, #tpu.memory_space<vmem>>[vector<16xi32>, vector<16xi32>], vector<16xf32>,
      %add3A_668 = arith.constant 48 : i32
      %add3A_669 = vector.broadcast %add3A_668 : i32 to vector<16xi32>
      %add3A_670 = arith.addi %iota3A, %add3A_669 : vector<16xi32>
      %gather3A_671 = tpu.vector_load_idx %arg9[%broadcast_in_dim3A_654, %add3A_670] : memref<128x256xf32, #tpu.memory_space<vmem>>[vector<16xi32>, vector<16xi32>], vector<16xf32>,
      tpu.vector_store_idx %arg10[%gather3A_655, %add3A_670], %gather3A_671 {add = true} : memref<208x256xf32, #tpu.memory_space<vmem>>[vector<16xi32>, vector<16xi32>], vector<16xf32>,
      %add3A_672 = arith.constant 64 : i32
      %add3A_673 = vector.broadcast %add3A_672 : i32 to vector<16xi32>
      %add3A_674 = arith.addi %iota3A, %add3A_673 : vector<16xi32>
      %gather3A_675 = tpu.vector_load_idx %arg9[%broadcast_in_dim3A_654, %add3A_674] : memref<128x256xf32, #tpu.memory_space<vmem>>[vector<16xi32>, vector<16xi32>], vector<16xf32>,
      tpu.vector_store_idx %arg10[%gather3A_655, %add3A_674], %gather3A_675 {add = true} : memref<208x256xf32, #tpu.memory_space<vmem>>[vector<16xi32>, vector<16xi32>], vector<16xf32>,
      %add3A_676 = arith.constant 80 : i32
      %add3A_677 = vector.broadcast %add3A_676 : i32 to vector<16xi32>
      %add3A_678 = arith.addi %iota3A, %add3A_677 : vector<16xi32>
      %gather3A_679 = tpu.vector_load_idx %arg9[%broadcast_in_dim3A_654, %add3A_678] : memref<128x256xf32, #tpu.memory_space<vmem>>[vector<16xi32>, vector<16xi32>], vector<16xf32>,
      tpu.vector_store_idx %arg10[%gather3A_655, %add3A_678], %gather3A_679 {add = true} : memref<208x256xf32, #tpu.memory_space<vmem>>[vector<16xi32>, vector<16xi32>], vector<16xf32>,
      %add3A_680 = arith.constant 96 : i32
      %add3A_681 = vector.broadcast %add3A_680 : i32 to vector<16xi32>
      %add3A_682 = arith.addi %iota3A, %add3A_681 : vector<16xi32>
      %gather3A_683 = tpu.vector_load_idx %arg9[%broadcast_in_dim3A_654, %add3A_682] : memref<128x256xf32, #tpu.memory_space<vmem>>[vector<16xi32>, vector<16xi32>], vector<16xf32>,
      tpu.vector_store_idx %arg10[%gather3A_655, %add3A_682], %gather3A_683 {add = true} : memref<208x256xf32, #tpu.memory_space<vmem>>[vector<16xi32>, vector<16xi32>], vector<16xf32>,
      %add3A_684 = arith.constant 112 : i32
      %add3A_685 = vector.broadcast %add3A_684 : i32 to vector<16xi32>
      %add3A_686 = arith.addi %iota3A, %add3A_685 : vector<16xi32>
      %gather3A_687 = tpu.vector_load_idx %arg9[%broadcast_in_dim3A_654, %add3A_686] : memref<128x256xf32, #tpu.memory_space<vmem>>[vector<16xi32>, vector<16xi32>], vector<16xf32>,
      tpu.vector_store_idx %arg10[%gather3A_655, %add3A_686], %gather3A_687 {add = true} : memref<208x256xf32, #tpu.memory_space<vmem>>[vector<16xi32>, vector<16xi32>], vector<16xf32>,
      %add3A_688 = arith.constant 128 : i32
      %add3A_689 = vector.broadcast %add3A_688 : i32 to vector<16xi32>
      %add3A_690 = arith.addi %iota3A, %add3A_689 : vector<16xi32>
      %gather3A_691 = tpu.vector_load_idx %arg9[%broadcast_in_dim3A_654, %add3A_690] : memref<128x256xf32, #tpu.memory_space<vmem>>[vector<16xi32>, vector<16xi32>], vector<16xf32>,
      tpu.vector_store_idx %arg10[%gather3A_655, %add3A_690], %gather3A_691 {add = true} : memref<208x256xf32, #tpu.memory_space<vmem>>[vector<16xi32>, vector<16xi32>], vector<16xf32>,
      %add3A_692 = arith.constant 144 : i32
      %add3A_693 = vector.broadcast %add3A_692 : i32 to vector<16xi32>
      %add3A_694 = arith.addi %iota3A, %add3A_693 : vector<16xi32>
      %gather3A_695 = tpu.vector_load_idx %arg9[%broadcast_in_dim3A_654, %add3A_694] : memref<128x256xf32, #tpu.memory_space<vmem>>[vector<16xi32>, vector<16xi32>], vector<16xf32>,
      tpu.vector_store_idx %arg10[%gather3A_655, %add3A_694], %gather3A_695 {add = true} : memref<208x256xf32, #tpu.memory_space<vmem>>[vector<16xi32>, vector<16xi32>], vector<16xf32>,
      %add3A_696 = arith.constant 160 : i32
      %add3A_697 = vector.broadcast %add3A_696 : i32 to vector<16xi32>
      %add3A_698 = arith.addi %iota3A, %add3A_697 : vector<16xi32>
      %gather3A_699 = tpu.vector_load_idx %arg9[%broadcast_in_dim3A_654, %add3A_698] : memref<128x256xf32, #tpu.memory_space<vmem>>[vector<16xi32>, vector<16xi32>], vector<16xf32>,
      tpu.vector_store_idx %arg10[%gather3A_655, %add3A_698], %gather3A_699 {add = true} : memref<208x256xf32, #tpu.memory_space<vmem>>[vector<16xi32>, vector<16xi32>], vector<16xf32>,
      %add3A_700 = arith.constant 176 : i32
      %add3A_701 = vector.broadcast %add3A_700 : i32 to vector<16xi32>
      %add3A_702 = arith.addi %iota3A, %add3A_701 : vector<16xi32>
      %gather3A_703 = tpu.vector_load_idx %arg9[%broadcast_in_dim3A_654, %add3A_702] : memref<128x256xf32, #tpu.memory_space<vmem>>[vector<16xi32>, vector<16xi32>], vector<16xf32>,
      tpu.vector_store_idx %arg10[%gather3A_655, %add3A_702], %gather3A_703 {add = true} : memref<208x256xf32, #tpu.memory_space<vmem>>[vector<16xi32>, vector<16xi32>], vector<16xf32>,
      %add3A_704 = arith.constant 192 : i32
      %add3A_705 = vector.broadcast %add3A_704 : i32 to vector<16xi32>
      %add3A_706 = arith.addi %iota3A, %add3A_705 : vector<16xi32>
      %gather3A_707 = tpu.vector_load_idx %arg9[%broadcast_in_dim3A_654, %add3A_706] : memref<128x256xf32, #tpu.memory_space<vmem>>[vector<16xi32>, vector<16xi32>], vector<16xf32>,
      tpu.vector_store_idx %arg10[%gather3A_655, %add3A_706], %gather3A_707 {add = true} : memref<208x256xf32, #tpu.memory_space<vmem>>[vector<16xi32>, vector<16xi32>], vector<16xf32>,
      %add3A_708 = arith.constant 208 : i32
      %add3A_709 = vector.broadcast %add3A_708 : i32 to vector<16xi32>
      %add3A_710 = arith.addi %iota3A, %add3A_709 : vector<16xi32>
      %gather3A_711 = tpu.vector_load_idx %arg9[%broadcast_in_dim3A_654, %add3A_710] : memref<128x256xf32, #tpu.memory_space<vmem>>[vector<16xi32>, vector<16xi32>], vector<16xf32>,
      tpu.vector_store_idx %arg10[%gather3A_655, %add3A_710], %gather3A_711 {add = true} : memref<208x256xf32, #tpu.memory_space<vmem>>[vector<16xi32>, vector<16xi32>], vector<16xf32>,
      %add3A_712 = arith.constant 224 : i32
      %add3A_713 = vector.broadcast %add3A_712 : i32 to vector<16xi32>
      %add3A_714 = arith.addi %iota3A, %add3A_713 : vector<16xi32>
      %gather3A_715 = tpu.vector_load_idx %arg9[%broadcast_in_dim3A_654, %add3A_714] : memref<128x256xf32, #tpu.memory_space<vmem>>[vector<16xi32>, vector<16xi32>], vector<16xf32>,
      tpu.vector_store_idx %arg10[%gather3A_655, %add3A_714], %gather3A_715 {add = true} : memref<208x256xf32, #tpu.memory_space<vmem>>[vector<16xi32>, vector<16xi32>], vector<16xf32>,
      %add3A_716 = arith.constant 240 : i32
      %add3A_717 = vector.broadcast %add3A_716 : i32 to vector<16xi32>
      %add3A_718 = arith.addi %iota3A, %add3A_717 : vector<16xi32>
      %gather3A_719 = tpu.vector_load_idx %arg9[%broadcast_in_dim3A_654, %add3A_718] : memref<128x256xf32, #tpu.memory_space<vmem>>[vector<16xi32>, vector<16xi32>], vector<16xf32>,
      tpu.vector_store_idx %arg10[%gather3A_655, %add3A_718], %gather3A_719 {add = true} : memref<208x256xf32, #tpu.memory_space<vmem>>[vector<16xi32>, vector<16xi32>], vector<16xf32>,
      %mul3A_720 = arith.constant 16 : i32
      %mul3A_721 = arith.muli %scan3A_20, %mul3A_720 : i32
      %add3A_722 = arith.constant 10 : i32
      %add3A_723 = arith.addi %mul3A_721, %add3A_722 : i32
      %broadcast_in_dim3A_724 = vector.broadcast %add3A_723 : i32 to vector<16xi32>
      %gather3A_725 = tpu.vector_load_idx %arg8[%broadcast_in_dim3A_724] : memref<128xi32, #tpu.memory_space<vmem>>[vector<16xi32>], vector<16xi32>,
      %add3A_726 = arith.constant 0 : i32
      %add3A_727 = vector.broadcast %add3A_726 : i32 to vector<16xi32>
      %add3A_728 = arith.addi %iota3A, %add3A_727 : vector<16xi32>
      %gather3A_729 = tpu.vector_load_idx %arg9[%broadcast_in_dim3A_724, %add3A_728] : memref<128x256xf32, #tpu.memory_space<vmem>>[vector<16xi32>, vector<16xi32>], vector<16xf32>,
      tpu.vector_store_idx %arg10[%gather3A_725, %add3A_728], %gather3A_729 {add = true} : memref<208x256xf32, #tpu.memory_space<vmem>>[vector<16xi32>, vector<16xi32>], vector<16xf32>,
      %add3A_730 = arith.constant 16 : i32
      %add3A_731 = vector.broadcast %add3A_730 : i32 to vector<16xi32>
      %add3A_732 = arith.addi %iota3A, %add3A_731 : vector<16xi32>
      %gather3A_733 = tpu.vector_load_idx %arg9[%broadcast_in_dim3A_724, %add3A_732] : memref<128x256xf32, #tpu.memory_space<vmem>>[vector<16xi32>, vector<16xi32>], vector<16xf32>,
      tpu.vector_store_idx %arg10[%gather3A_725, %add3A_732], %gather3A_733 {add = true} : memref<208x256xf32, #tpu.memory_space<vmem>>[vector<16xi32>, vector<16xi32>], vector<16xf32>,
      %add3A_734 = arith.constant 32 : i32
      %add3A_735 = vector.broadcast %add3A_734 : i32 to vector<16xi32>
      %add3A_736 = arith.addi %iota3A, %add3A_735 : vector<16xi32>
      %gather3A_737 = tpu.vector_load_idx %arg9[%broadcast_in_dim3A_724, %add3A_736] : memref<128x256xf32, #tpu.memory_space<vmem>>[vector<16xi32>, vector<16xi32>], vector<16xf32>,
      tpu.vector_store_idx %arg10[%gather3A_725, %add3A_736], %gather3A_737 {add = true} : memref<208x256xf32, #tpu.memory_space<vmem>>[vector<16xi32>, vector<16xi32>], vector<16xf32>,
      %add3A_738 = arith.constant 48 : i32
      %add3A_739 = vector.broadcast %add3A_738 : i32 to vector<16xi32>
      %add3A_740 = arith.addi %iota3A, %add3A_739 : vector<16xi32>
      %gather3A_741 = tpu.vector_load_idx %arg9[%broadcast_in_dim3A_724, %add3A_740] : memref<128x256xf32, #tpu.memory_space<vmem>>[vector<16xi32>, vector<16xi32>], vector<16xf32>,
      tpu.vector_store_idx %arg10[%gather3A_725, %add3A_740], %gather3A_741 {add = true} : memref<208x256xf32, #tpu.memory_space<vmem>>[vector<16xi32>, vector<16xi32>], vector<16xf32>,
      %add3A_742 = arith.constant 64 : i32
      %add3A_743 = vector.broadcast %add3A_742 : i32 to vector<16xi32>
      %add3A_744 = arith.addi %iota3A, %add3A_743 : vector<16xi32>
      %gather3A_745 = tpu.vector_load_idx %arg9[%broadcast_in_dim3A_724, %add3A_744] : memref<128x256xf32, #tpu.memory_space<vmem>>[vector<16xi32>, vector<16xi32>], vector<16xf32>,
      tpu.vector_store_idx %arg10[%gather3A_725, %add3A_744], %gather3A_745 {add = true} : memref<208x256xf32, #tpu.memory_space<vmem>>[vector<16xi32>, vector<16xi32>], vector<16xf32>,
      %add3A_746 = arith.constant 80 : i32
      %add3A_747 = vector.broadcast %add3A_746 : i32 to vector<16xi32>
      %add3A_748 = arith.addi %iota3A, %add3A_747 : vector<16xi32>
      %gather3A_749 = tpu.vector_load_idx %arg9[%broadcast_in_dim3A_724, %add3A_748] : memref<128x256xf32, #tpu.memory_space<vmem>>[vector<16xi32>, vector<16xi32>], vector<16xf32>,
      tpu.vector_store_idx %arg10[%gather3A_725, %add3A_748], %gather3A_749 {add = true} : memref<208x256xf32, #tpu.memory_space<vmem>>[vector<16xi32>, vector<16xi32>], vector<16xf32>,
      %add3A_750 = arith.constant 96 : i32
      %add3A_751 = vector.broadcast %add3A_750 : i32 to vector<16xi32>
      %add3A_752 = arith.addi %iota3A, %add3A_751 : vector<16xi32>
      %gather3A_753 = tpu.vector_load_idx %arg9[%broadcast_in_dim3A_724, %add3A_752] : memref<128x256xf32, #tpu.memory_space<vmem>>[vector<16xi32>, vector<16xi32>], vector<16xf32>,
      tpu.vector_store_idx %arg10[%gather3A_725, %add3A_752], %gather3A_753 {add = true} : memref<208x256xf32, #tpu.memory_space<vmem>>[vector<16xi32>, vector<16xi32>], vector<16xf32>,
      %add3A_754 = arith.constant 112 : i32
      %add3A_755 = vector.broadcast %add3A_754 : i32 to vector<16xi32>
      %add3A_756 = arith.addi %iota3A, %add3A_755 : vector<16xi32>
      %gather3A_757 = tpu.vector_load_idx %arg9[%broadcast_in_dim3A_724, %add3A_756] : memref<128x256xf32, #tpu.memory_space<vmem>>[vector<16xi32>, vector<16xi32>], vector<16xf32>,
      tpu.vector_store_idx %arg10[%gather3A_725, %add3A_756], %gather3A_757 {add = true} : memref<208x256xf32, #tpu.memory_space<vmem>>[vector<16xi32>, vector<16xi32>], vector<16xf32>,
      %add3A_758 = arith.constant 128 : i32
      %add3A_759 = vector.broadcast %add3A_758 : i32 to vector<16xi32>
      %add3A_760 = arith.addi %iota3A, %add3A_759 : vector<16xi32>
      %gather3A_761 = tpu.vector_load_idx %arg9[%broadcast_in_dim3A_724, %add3A_760] : memref<128x256xf32, #tpu.memory_space<vmem>>[vector<16xi32>, vector<16xi32>], vector<16xf32>,
      tpu.vector_store_idx %arg10[%gather3A_725, %add3A_760], %gather3A_761 {add = true} : memref<208x256xf32, #tpu.memory_space<vmem>>[vector<16xi32>, vector<16xi32>], vector<16xf32>,
      %add3A_762 = arith.constant 144 : i32
      %add3A_763 = vector.broadcast %add3A_762 : i32 to vector<16xi32>
      %add3A_764 = arith.addi %iota3A, %add3A_763 : vector<16xi32>
      %gather3A_765 = tpu.vector_load_idx %arg9[%broadcast_in_dim3A_724, %add3A_764] : memref<128x256xf32, #tpu.memory_space<vmem>>[vector<16xi32>, vector<16xi32>], vector<16xf32>,
      tpu.vector_store_idx %arg10[%gather3A_725, %add3A_764], %gather3A_765 {add = true} : memref<208x256xf32, #tpu.memory_space<vmem>>[vector<16xi32>, vector<16xi32>], vector<16xf32>,
      %add3A_766 = arith.constant 160 : i32
      %add3A_767 = vector.broadcast %add3A_766 : i32 to vector<16xi32>
      %add3A_768 = arith.addi %iota3A, %add3A_767 : vector<16xi32>
      %gather3A_769 = tpu.vector_load_idx %arg9[%broadcast_in_dim3A_724, %add3A_768] : memref<128x256xf32, #tpu.memory_space<vmem>>[vector<16xi32>, vector<16xi32>], vector<16xf32>,
      tpu.vector_store_idx %arg10[%gather3A_725, %add3A_768], %gather3A_769 {add = true} : memref<208x256xf32, #tpu.memory_space<vmem>>[vector<16xi32>, vector<16xi32>], vector<16xf32>,
      %add3A_770 = arith.constant 176 : i32
      %add3A_771 = vector.broadcast %add3A_770 : i32 to vector<16xi32>
      %add3A_772 = arith.addi %iota3A, %add3A_771 : vector<16xi32>
      %gather3A_773 = tpu.vector_load_idx %arg9[%broadcast_in_dim3A_724, %add3A_772] : memref<128x256xf32, #tpu.memory_space<vmem>>[vector<16xi32>, vector<16xi32>], vector<16xf32>,
      tpu.vector_store_idx %arg10[%gather3A_725, %add3A_772], %gather3A_773 {add = true} : memref<208x256xf32, #tpu.memory_space<vmem>>[vector<16xi32>, vector<16xi32>], vector<16xf32>,
      %add3A_774 = arith.constant 192 : i32
      %add3A_775 = vector.broadcast %add3A_774 : i32 to vector<16xi32>
      %add3A_776 = arith.addi %iota3A, %add3A_775 : vector<16xi32>
      %gather3A_777 = tpu.vector_load_idx %arg9[%broadcast_in_dim3A_724, %add3A_776] : memref<128x256xf32, #tpu.memory_space<vmem>>[vector<16xi32>, vector<16xi32>], vector<16xf32>,
      tpu.vector_store_idx %arg10[%gather3A_725, %add3A_776], %gather3A_777 {add = true} : memref<208x256xf32, #tpu.memory_space<vmem>>[vector<16xi32>, vector<16xi32>], vector<16xf32>,
      %add3A_778 = arith.constant 208 : i32
      %add3A_779 = vector.broadcast %add3A_778 : i32 to vector<16xi32>
      %add3A_780 = arith.addi %iota3A, %add3A_779 : vector<16xi32>
      %gather3A_781 = tpu.vector_load_idx %arg9[%broadcast_in_dim3A_724, %add3A_780] : memref<128x256xf32, #tpu.memory_space<vmem>>[vector<16xi32>, vector<16xi32>], vector<16xf32>,
      tpu.vector_store_idx %arg10[%gather3A_725, %add3A_780], %gather3A_781 {add = true} : memref<208x256xf32, #tpu.memory_space<vmem>>[vector<16xi32>, vector<16xi32>], vector<16xf32>,
      %add3A_782 = arith.constant 224 : i32
      %add3A_783 = vector.broadcast %add3A_782 : i32 to vector<16xi32>
      %add3A_784 = arith.addi %iota3A, %add3A_783 : vector<16xi32>
      %gather3A_785 = tpu.vector_load_idx %arg9[%broadcast_in_dim3A_724, %add3A_784] : memref<128x256xf32, #tpu.memory_space<vmem>>[vector<16xi32>, vector<16xi32>], vector<16xf32>,
      tpu.vector_store_idx %arg10[%gather3A_725, %add3A_784], %gather3A_785 {add = true} : memref<208x256xf32, #tpu.memory_space<vmem>>[vector<16xi32>, vector<16xi32>], vector<16xf32>,
      %add3A_786 = arith.constant 240 : i32
      %add3A_787 = vector.broadcast %add3A_786 : i32 to vector<16xi32>
      %add3A_788 = arith.addi %iota3A, %add3A_787 : vector<16xi32>
      %gather3A_789 = tpu.vector_load_idx %arg9[%broadcast_in_dim3A_724, %add3A_788] : memref<128x256xf32, #tpu.memory_space<vmem>>[vector<16xi32>, vector<16xi32>], vector<16xf32>,
      tpu.vector_store_idx %arg10[%gather3A_725, %add3A_788], %gather3A_789 {add = true} : memref<208x256xf32, #tpu.memory_space<vmem>>[vector<16xi32>, vector<16xi32>], vector<16xf32>,
      %mul3A_790 = arith.constant 16 : i32
      %mul3A_791 = arith.muli %scan3A_20, %mul3A_790 : i32
      %add3A_792 = arith.constant 11 : i32
      %add3A_793 = arith.addi %mul3A_791, %add3A_792 : i32
      %broadcast_in_dim3A_794 = vector.broadcast %add3A_793 : i32 to vector<16xi32>
      %gather3A_795 = tpu.vector_load_idx %arg8[%broadcast_in_dim3A_794] : memref<128xi32, #tpu.memory_space<vmem>>[vector<16xi32>], vector<16xi32>,
      %add3A_796 = arith.constant 0 : i32
      %add3A_797 = vector.broadcast %add3A_796 : i32 to vector<16xi32>
      %add3A_798 = arith.addi %iota3A, %add3A_797 : vector<16xi32>
      %gather3A_799 = tpu.vector_load_idx %arg9[%broadcast_in_dim3A_794, %add3A_798] : memref<128x256xf32, #tpu.memory_space<vmem>>[vector<16xi32>, vector<16xi32>], vector<16xf32>,
      tpu.vector_store_idx %arg10[%gather3A_795, %add3A_798], %gather3A_799 {add = true} : memref<208x256xf32, #tpu.memory_space<vmem>>[vector<16xi32>, vector<16xi32>], vector<16xf32>,
      %add3A_800 = arith.constant 16 : i32
      %add3A_801 = vector.broadcast %add3A_800 : i32 to vector<16xi32>
      %add3A_802 = arith.addi %iota3A, %add3A_801 : vector<16xi32>
      %gather3A_803 = tpu.vector_load_idx %arg9[%broadcast_in_dim3A_794, %add3A_802] : memref<128x256xf32, #tpu.memory_space<vmem>>[vector<16xi32>, vector<16xi32>], vector<16xf32>,
      tpu.vector_store_idx %arg10[%gather3A_795, %add3A_802], %gather3A_803 {add = true} : memref<208x256xf32, #tpu.memory_space<vmem>>[vector<16xi32>, vector<16xi32>], vector<16xf32>,
      %add3A_804 = arith.constant 32 : i32
      %add3A_805 = vector.broadcast %add3A_804 : i32 to vector<16xi32>
      %add3A_806 = arith.addi %iota3A, %add3A_805 : vector<16xi32>
      %gather3A_807 = tpu.vector_load_idx %arg9[%broadcast_in_dim3A_794, %add3A_806] : memref<128x256xf32, #tpu.memory_space<vmem>>[vector<16xi32>, vector<16xi32>], vector<16xf32>,
      tpu.vector_store_idx %arg10[%gather3A_795, %add3A_806], %gather3A_807 {add = true} : memref<208x256xf32, #tpu.memory_space<vmem>>[vector<16xi32>, vector<16xi32>], vector<16xf32>,
      %add3A_808 = arith.constant 48 : i32
      %add3A_809 = vector.broadcast %add3A_808 : i32 to vector<16xi32>
      %add3A_810 = arith.addi %iota3A, %add3A_809 : vector<16xi32>
      %gather3A_811 = tpu.vector_load_idx %arg9[%broadcast_in_dim3A_794, %add3A_810] : memref<128x256xf32, #tpu.memory_space<vmem>>[vector<16xi32>, vector<16xi32>], vector<16xf32>,
      tpu.vector_store_idx %arg10[%gather3A_795, %add3A_810], %gather3A_811 {add = true} : memref<208x256xf32, #tpu.memory_space<vmem>>[vector<16xi32>, vector<16xi32>], vector<16xf32>,
      %add3A_812 = arith.constant 64 : i32
      %add3A_813 = vector.broadcast %add3A_812 : i32 to vector<16xi32>
      %add3A_814 = arith.addi %iota3A, %add3A_813 : vector<16xi32>
      %gather3A_815 = tpu.vector_load_idx %arg9[%broadcast_in_dim3A_794, %add3A_814] : memref<128x256xf32, #tpu.memory_space<vmem>>[vector<16xi32>, vector<16xi32>], vector<16xf32>,
      tpu.vector_store_idx %arg10[%gather3A_795, %add3A_814], %gather3A_815 {add = true} : memref<208x256xf32, #tpu.memory_space<vmem>>[vector<16xi32>, vector<16xi32>], vector<16xf32>,
      %add3A_816 = arith.constant 80 : i32
      %add3A_817 = vector.broadcast %add3A_816 : i32 to vector<16xi32>
      %add3A_818 = arith.addi %iota3A, %add3A_817 : vector<16xi32>
      %gather3A_819 = tpu.vector_load_idx %arg9[%broadcast_in_dim3A_794, %add3A_818] : memref<128x256xf32, #tpu.memory_space<vmem>>[vector<16xi32>, vector<16xi32>], vector<16xf32>,
      tpu.vector_store_idx %arg10[%gather3A_795, %add3A_818], %gather3A_819 {add = true} : memref<208x256xf32, #tpu.memory_space<vmem>>[vector<16xi32>, vector<16xi32>], vector<16xf32>,
      %add3A_820 = arith.constant 96 : i32
      %add3A_821 = vector.broadcast %add3A_820 : i32 to vector<16xi32>
      %add3A_822 = arith.addi %iota3A, %add3A_821 : vector<16xi32>
      %gather3A_823 = tpu.vector_load_idx %arg9[%broadcast_in_dim3A_794, %add3A_822] : memref<128x256xf32, #tpu.memory_space<vmem>>[vector<16xi32>, vector<16xi32>], vector<16xf32>,
      tpu.vector_store_idx %arg10[%gather3A_795, %add3A_822], %gather3A_823 {add = true} : memref<208x256xf32, #tpu.memory_space<vmem>>[vector<16xi32>, vector<16xi32>], vector<16xf32>,
      %add3A_824 = arith.constant 112 : i32
      %add3A_825 = vector.broadcast %add3A_824 : i32 to vector<16xi32>
      %add3A_826 = arith.addi %iota3A, %add3A_825 : vector<16xi32>
      %gather3A_827 = tpu.vector_load_idx %arg9[%broadcast_in_dim3A_794, %add3A_826] : memref<128x256xf32, #tpu.memory_space<vmem>>[vector<16xi32>, vector<16xi32>], vector<16xf32>,
      tpu.vector_store_idx %arg10[%gather3A_795, %add3A_826], %gather3A_827 {add = true} : memref<208x256xf32, #tpu.memory_space<vmem>>[vector<16xi32>, vector<16xi32>], vector<16xf32>,
      %add3A_828 = arith.constant 128 : i32
      %add3A_829 = vector.broadcast %add3A_828 : i32 to vector<16xi32>
      %add3A_830 = arith.addi %iota3A, %add3A_829 : vector<16xi32>
      %gather3A_831 = tpu.vector_load_idx %arg9[%broadcast_in_dim3A_794, %add3A_830] : memref<128x256xf32, #tpu.memory_space<vmem>>[vector<16xi32>, vector<16xi32>], vector<16xf32>,
      tpu.vector_store_idx %arg10[%gather3A_795, %add3A_830], %gather3A_831 {add = true} : memref<208x256xf32, #tpu.memory_space<vmem>>[vector<16xi32>, vector<16xi32>], vector<16xf32>,
      %add3A_832 = arith.constant 144 : i32
      %add3A_833 = vector.broadcast %add3A_832 : i32 to vector<16xi32>
      %add3A_834 = arith.addi %iota3A, %add3A_833 : vector<16xi32>
      %gather3A_835 = tpu.vector_load_idx %arg9[%broadcast_in_dim3A_794, %add3A_834] : memref<128x256xf32, #tpu.memory_space<vmem>>[vector<16xi32>, vector<16xi32>], vector<16xf32>,
      tpu.vector_store_idx %arg10[%gather3A_795, %add3A_834], %gather3A_835 {add = true} : memref<208x256xf32, #tpu.memory_space<vmem>>[vector<16xi32>, vector<16xi32>], vector<16xf32>,
      %add3A_836 = arith.constant 160 : i32
      %add3A_837 = vector.broadcast %add3A_836 : i32 to vector<16xi32>
      %add3A_838 = arith.addi %iota3A, %add3A_837 : vector<16xi32>
      %gather3A_839 = tpu.vector_load_idx %arg9[%broadcast_in_dim3A_794, %add3A_838] : memref<128x256xf32, #tpu.memory_space<vmem>>[vector<16xi32>, vector<16xi32>], vector<16xf32>,
      tpu.vector_store_idx %arg10[%gather3A_795, %add3A_838], %gather3A_839 {add = true} : memref<208x256xf32, #tpu.memory_space<vmem>>[vector<16xi32>, vector<16xi32>], vector<16xf32>,
      %add3A_840 = arith.constant 176 : i32
      %add3A_841 = vector.broadcast %add3A_840 : i32 to vector<16xi32>
      %add3A_842 = arith.addi %iota3A, %add3A_841 : vector<16xi32>
      %gather3A_843 = tpu.vector_load_idx %arg9[%broadcast_in_dim3A_794, %add3A_842] : memref<128x256xf32, #tpu.memory_space<vmem>>[vector<16xi32>, vector<16xi32>], vector<16xf32>,
      tpu.vector_store_idx %arg10[%gather3A_795, %add3A_842], %gather3A_843 {add = true} : memref<208x256xf32, #tpu.memory_space<vmem>>[vector<16xi32>, vector<16xi32>], vector<16xf32>,
      %add3A_844 = arith.constant 192 : i32
      %add3A_845 = vector.broadcast %add3A_844 : i32 to vector<16xi32>
      %add3A_846 = arith.addi %iota3A, %add3A_845 : vector<16xi32>
      %gather3A_847 = tpu.vector_load_idx %arg9[%broadcast_in_dim3A_794, %add3A_846] : memref<128x256xf32, #tpu.memory_space<vmem>>[vector<16xi32>, vector<16xi32>], vector<16xf32>,
      tpu.vector_store_idx %arg10[%gather3A_795, %add3A_846], %gather3A_847 {add = true} : memref<208x256xf32, #tpu.memory_space<vmem>>[vector<16xi32>, vector<16xi32>], vector<16xf32>,
      %add3A_848 = arith.constant 208 : i32
      %add3A_849 = vector.broadcast %add3A_848 : i32 to vector<16xi32>
      %add3A_850 = arith.addi %iota3A, %add3A_849 : vector<16xi32>
      %gather3A_851 = tpu.vector_load_idx %arg9[%broadcast_in_dim3A_794, %add3A_850] : memref<128x256xf32, #tpu.memory_space<vmem>>[vector<16xi32>, vector<16xi32>], vector<16xf32>,
      tpu.vector_store_idx %arg10[%gather3A_795, %add3A_850], %gather3A_851 {add = true} : memref<208x256xf32, #tpu.memory_space<vmem>>[vector<16xi32>, vector<16xi32>], vector<16xf32>,
      %add3A_852 = arith.constant 224 : i32
      %add3A_853 = vector.broadcast %add3A_852 : i32 to vector<16xi32>
      %add3A_854 = arith.addi %iota3A, %add3A_853 : vector<16xi32>
      %gather3A_855 = tpu.vector_load_idx %arg9[%broadcast_in_dim3A_794, %add3A_854] : memref<128x256xf32, #tpu.memory_space<vmem>>[vector<16xi32>, vector<16xi32>], vector<16xf32>,
      tpu.vector_store_idx %arg10[%gather3A_795, %add3A_854], %gather3A_855 {add = true} : memref<208x256xf32, #tpu.memory_space<vmem>>[vector<16xi32>, vector<16xi32>], vector<16xf32>,
      %add3A_856 = arith.constant 240 : i32
      %add3A_857 = vector.broadcast %add3A_856 : i32 to vector<16xi32>
      %add3A_858 = arith.addi %iota3A, %add3A_857 : vector<16xi32>
      %gather3A_859 = tpu.vector_load_idx %arg9[%broadcast_in_dim3A_794, %add3A_858] : memref<128x256xf32, #tpu.memory_space<vmem>>[vector<16xi32>, vector<16xi32>], vector<16xf32>,
      tpu.vector_store_idx %arg10[%gather3A_795, %add3A_858], %gather3A_859 {add = true} : memref<208x256xf32, #tpu.memory_space<vmem>>[vector<16xi32>, vector<16xi32>], vector<16xf32>,
      %mul3A_860 = arith.constant 16 : i32
      %mul3A_861 = arith.muli %scan3A_20, %mul3A_860 : i32
      %add3A_862 = arith.constant 12 : i32
      %add3A_863 = arith.addi %mul3A_861, %add3A_862 : i32
      %broadcast_in_dim3A_864 = vector.broadcast %add3A_863 : i32 to vector<16xi32>
      %gather3A_865 = tpu.vector_load_idx %arg8[%broadcast_in_dim3A_864] : memref<128xi32, #tpu.memory_space<vmem>>[vector<16xi32>], vector<16xi32>,
      %add3A_866 = arith.constant 0 : i32
      %add3A_867 = vector.broadcast %add3A_866 : i32 to vector<16xi32>
      %add3A_868 = arith.addi %iota3A, %add3A_867 : vector<16xi32>
      %gather3A_869 = tpu.vector_load_idx %arg9[%broadcast_in_dim3A_864, %add3A_868] : memref<128x256xf32, #tpu.memory_space<vmem>>[vector<16xi32>, vector<16xi32>], vector<16xf32>,
      tpu.vector_store_idx %arg10[%gather3A_865, %add3A_868], %gather3A_869 {add = true} : memref<208x256xf32, #tpu.memory_space<vmem>>[vector<16xi32>, vector<16xi32>], vector<16xf32>,
      %add3A_870 = arith.constant 16 : i32
      %add3A_871 = vector.broadcast %add3A_870 : i32 to vector<16xi32>
      %add3A_872 = arith.addi %iota3A, %add3A_871 : vector<16xi32>
      %gather3A_873 = tpu.vector_load_idx %arg9[%broadcast_in_dim3A_864, %add3A_872] : memref<128x256xf32, #tpu.memory_space<vmem>>[vector<16xi32>, vector<16xi32>], vector<16xf32>,
      tpu.vector_store_idx %arg10[%gather3A_865, %add3A_872], %gather3A_873 {add = true} : memref<208x256xf32, #tpu.memory_space<vmem>>[vector<16xi32>, vector<16xi32>], vector<16xf32>,
      %add3A_874 = arith.constant 32 : i32
      %add3A_875 = vector.broadcast %add3A_874 : i32 to vector<16xi32>
      %add3A_876 = arith.addi %iota3A, %add3A_875 : vector<16xi32>
      %gather3A_877 = tpu.vector_load_idx %arg9[%broadcast_in_dim3A_864, %add3A_876] : memref<128x256xf32, #tpu.memory_space<vmem>>[vector<16xi32>, vector<16xi32>], vector<16xf32>,
      tpu.vector_store_idx %arg10[%gather3A_865, %add3A_876], %gather3A_877 {add = true} : memref<208x256xf32, #tpu.memory_space<vmem>>[vector<16xi32>, vector<16xi32>], vector<16xf32>,
      %add3A_878 = arith.constant 48 : i32
      %add3A_879 = vector.broadcast %add3A_878 : i32 to vector<16xi32>
      %add3A_880 = arith.addi %iota3A, %add3A_879 : vector<16xi32>
      %gather3A_881 = tpu.vector_load_idx %arg9[%broadcast_in_dim3A_864, %add3A_880] : memref<128x256xf32, #tpu.memory_space<vmem>>[vector<16xi32>, vector<16xi32>], vector<16xf32>,
      tpu.vector_store_idx %arg10[%gather3A_865, %add3A_880], %gather3A_881 {add = true} : memref<208x256xf32, #tpu.memory_space<vmem>>[vector<16xi32>, vector<16xi32>], vector<16xf32>,
      %add3A_882 = arith.constant 64 : i32
      %add3A_883 = vector.broadcast %add3A_882 : i32 to vector<16xi32>
      %add3A_884 = arith.addi %iota3A, %add3A_883 : vector<16xi32>
      %gather3A_885 = tpu.vector_load_idx %arg9[%broadcast_in_dim3A_864, %add3A_884] : memref<128x256xf32, #tpu.memory_space<vmem>>[vector<16xi32>, vector<16xi32>], vector<16xf32>,
      tpu.vector_store_idx %arg10[%gather3A_865, %add3A_884], %gather3A_885 {add = true} : memref<208x256xf32, #tpu.memory_space<vmem>>[vector<16xi32>, vector<16xi32>], vector<16xf32>,
      %add3A_886 = arith.constant 80 : i32
      %add3A_887 = vector.broadcast %add3A_886 : i32 to vector<16xi32>
      %add3A_888 = arith.addi %iota3A, %add3A_887 : vector<16xi32>
      %gather3A_889 = tpu.vector_load_idx %arg9[%broadcast_in_dim3A_864, %add3A_888] : memref<128x256xf32, #tpu.memory_space<vmem>>[vector<16xi32>, vector<16xi32>], vector<16xf32>,
      tpu.vector_store_idx %arg10[%gather3A_865, %add3A_888], %gather3A_889 {add = true} : memref<208x256xf32, #tpu.memory_space<vmem>>[vector<16xi32>, vector<16xi32>], vector<16xf32>,
      %add3A_890 = arith.constant 96 : i32
      %add3A_891 = vector.broadcast %add3A_890 : i32 to vector<16xi32>
      %add3A_892 = arith.addi %iota3A, %add3A_891 : vector<16xi32>
      %gather3A_893 = tpu.vector_load_idx %arg9[%broadcast_in_dim3A_864, %add3A_892] : memref<128x256xf32, #tpu.memory_space<vmem>>[vector<16xi32>, vector<16xi32>], vector<16xf32>,
      tpu.vector_store_idx %arg10[%gather3A_865, %add3A_892], %gather3A_893 {add = true} : memref<208x256xf32, #tpu.memory_space<vmem>>[vector<16xi32>, vector<16xi32>], vector<16xf32>,
      %add3A_894 = arith.constant 112 : i32
      %add3A_895 = vector.broadcast %add3A_894 : i32 to vector<16xi32>
      %add3A_896 = arith.addi %iota3A, %add3A_895 : vector<16xi32>
      %gather3A_897 = tpu.vector_load_idx %arg9[%broadcast_in_dim3A_864, %add3A_896] : memref<128x256xf32, #tpu.memory_space<vmem>>[vector<16xi32>, vector<16xi32>], vector<16xf32>,
      tpu.vector_store_idx %arg10[%gather3A_865, %add3A_896], %gather3A_897 {add = true} : memref<208x256xf32, #tpu.memory_space<vmem>>[vector<16xi32>, vector<16xi32>], vector<16xf32>,
      %add3A_898 = arith.constant 128 : i32
      %add3A_899 = vector.broadcast %add3A_898 : i32 to vector<16xi32>
      %add3A_900 = arith.addi %iota3A, %add3A_899 : vector<16xi32>
      %gather3A_901 = tpu.vector_load_idx %arg9[%broadcast_in_dim3A_864, %add3A_900] : memref<128x256xf32, #tpu.memory_space<vmem>>[vector<16xi32>, vector<16xi32>], vector<16xf32>,
      tpu.vector_store_idx %arg10[%gather3A_865, %add3A_900], %gather3A_901 {add = true} : memref<208x256xf32, #tpu.memory_space<vmem>>[vector<16xi32>, vector<16xi32>], vector<16xf32>,
      %add3A_902 = arith.constant 144 : i32
      %add3A_903 = vector.broadcast %add3A_902 : i32 to vector<16xi32>
      %add3A_904 = arith.addi %iota3A, %add3A_903 : vector<16xi32>
      %gather3A_905 = tpu.vector_load_idx %arg9[%broadcast_in_dim3A_864, %add3A_904] : memref<128x256xf32, #tpu.memory_space<vmem>>[vector<16xi32>, vector<16xi32>], vector<16xf32>,
      tpu.vector_store_idx %arg10[%gather3A_865, %add3A_904], %gather3A_905 {add = true} : memref<208x256xf32, #tpu.memory_space<vmem>>[vector<16xi32>, vector<16xi32>], vector<16xf32>,
      %add3A_906 = arith.constant 160 : i32
      %add3A_907 = vector.broadcast %add3A_906 : i32 to vector<16xi32>
      %add3A_908 = arith.addi %iota3A, %add3A_907 : vector<16xi32>
      %gather3A_909 = tpu.vector_load_idx %arg9[%broadcast_in_dim3A_864, %add3A_908] : memref<128x256xf32, #tpu.memory_space<vmem>>[vector<16xi32>, vector<16xi32>], vector<16xf32>,
      tpu.vector_store_idx %arg10[%gather3A_865, %add3A_908], %gather3A_909 {add = true} : memref<208x256xf32, #tpu.memory_space<vmem>>[vector<16xi32>, vector<16xi32>], vector<16xf32>,
      %add3A_910 = arith.constant 176 : i32
      %add3A_911 = vector.broadcast %add3A_910 : i32 to vector<16xi32>
      %add3A_912 = arith.addi %iota3A, %add3A_911 : vector<16xi32>
      %gather3A_913 = tpu.vector_load_idx %arg9[%broadcast_in_dim3A_864, %add3A_912] : memref<128x256xf32, #tpu.memory_space<vmem>>[vector<16xi32>, vector<16xi32>], vector<16xf32>,
      tpu.vector_store_idx %arg10[%gather3A_865, %add3A_912], %gather3A_913 {add = true} : memref<208x256xf32, #tpu.memory_space<vmem>>[vector<16xi32>, vector<16xi32>], vector<16xf32>,
      %add3A_914 = arith.constant 192 : i32
      %add3A_915 = vector.broadcast %add3A_914 : i32 to vector<16xi32>
      %add3A_916 = arith.addi %iota3A, %add3A_915 : vector<16xi32>
      %gather3A_917 = tpu.vector_load_idx %arg9[%broadcast_in_dim3A_864, %add3A_916] : memref<128x256xf32, #tpu.memory_space<vmem>>[vector<16xi32>, vector<16xi32>], vector<16xf32>,
      tpu.vector_store_idx %arg10[%gather3A_865, %add3A_916], %gather3A_917 {add = true} : memref<208x256xf32, #tpu.memory_space<vmem>>[vector<16xi32>, vector<16xi32>], vector<16xf32>,
      %add3A_918 = arith.constant 208 : i32
      %add3A_919 = vector.broadcast %add3A_918 : i32 to vector<16xi32>
      %add3A_920 = arith.addi %iota3A, %add3A_919 : vector<16xi32>
      %gather3A_921 = tpu.vector_load_idx %arg9[%broadcast_in_dim3A_864, %add3A_920] : memref<128x256xf32, #tpu.memory_space<vmem>>[vector<16xi32>, vector<16xi32>], vector<16xf32>,
      tpu.vector_store_idx %arg10[%gather3A_865, %add3A_920], %gather3A_921 {add = true} : memref<208x256xf32, #tpu.memory_space<vmem>>[vector<16xi32>, vector<16xi32>], vector<16xf32>,
      %add3A_922 = arith.constant 224 : i32
      %add3A_923 = vector.broadcast %add3A_922 : i32 to vector<16xi32>
      %add3A_924 = arith.addi %iota3A, %add3A_923 : vector<16xi32>
      %gather3A_925 = tpu.vector_load_idx %arg9[%broadcast_in_dim3A_864, %add3A_924] : memref<128x256xf32, #tpu.memory_space<vmem>>[vector<16xi32>, vector<16xi32>], vector<16xf32>,
      tpu.vector_store_idx %arg10[%gather3A_865, %add3A_924], %gather3A_925 {add = true} : memref<208x256xf32, #tpu.memory_space<vmem>>[vector<16xi32>, vector<16xi32>], vector<16xf32>,
      %add3A_926 = arith.constant 240 : i32
      %add3A_927 = vector.broadcast %add3A_926 : i32 to vector<16xi32>
      %add3A_928 = arith.addi %iota3A, %add3A_927 : vector<16xi32>
      %gather3A_929 = tpu.vector_load_idx %arg9[%broadcast_in_dim3A_864, %add3A_928] : memref<128x256xf32, #tpu.memory_space<vmem>>[vector<16xi32>, vector<16xi32>], vector<16xf32>,
      tpu.vector_store_idx %arg10[%gather3A_865, %add3A_928], %gather3A_929 {add = true} : memref<208x256xf32, #tpu.memory_space<vmem>>[vector<16xi32>, vector<16xi32>], vector<16xf32>,
      %mul3A_930 = arith.constant 16 : i32
      %mul3A_931 = arith.muli %scan3A_20, %mul3A_930 : i32
      %add3A_932 = arith.constant 13 : i32
      %add3A_933 = arith.addi %mul3A_931, %add3A_932 : i32
      %broadcast_in_dim3A_934 = vector.broadcast %add3A_933 : i32 to vector<16xi32>
      %gather3A_935 = tpu.vector_load_idx %arg8[%broadcast_in_dim3A_934] : memref<128xi32, #tpu.memory_space<vmem>>[vector<16xi32>], vector<16xi32>,
      %add3A_936 = arith.constant 0 : i32
      %add3A_937 = vector.broadcast %add3A_936 : i32 to vector<16xi32>
      %add3A_938 = arith.addi %iota3A, %add3A_937 : vector<16xi32>
      %gather3A_939 = tpu.vector_load_idx %arg9[%broadcast_in_dim3A_934, %add3A_938] : memref<128x256xf32, #tpu.memory_space<vmem>>[vector<16xi32>, vector<16xi32>], vector<16xf32>,
      tpu.vector_store_idx %arg10[%gather3A_935, %add3A_938], %gather3A_939 {add = true} : memref<208x256xf32, #tpu.memory_space<vmem>>[vector<16xi32>, vector<16xi32>], vector<16xf32>,
      %add3A_940 = arith.constant 16 : i32
      %add3A_941 = vector.broadcast %add3A_940 : i32 to vector<16xi32>
      %add3A_942 = arith.addi %iota3A, %add3A_941 : vector<16xi32>
      %gather3A_943 = tpu.vector_load_idx %arg9[%broadcast_in_dim3A_934, %add3A_942] : memref<128x256xf32, #tpu.memory_space<vmem>>[vector<16xi32>, vector<16xi32>], vector<16xf32>,
      tpu.vector_store_idx %arg10[%gather3A_935, %add3A_942], %gather3A_943 {add = true} : memref<208x256xf32, #tpu.memory_space<vmem>>[vector<16xi32>, vector<16xi32>], vector<16xf32>,
      %add3A_944 = arith.constant 32 : i32
      %add3A_945 = vector.broadcast %add3A_944 : i32 to vector<16xi32>
      %add3A_946 = arith.addi %iota3A, %add3A_945 : vector<16xi32>
      %gather3A_947 = tpu.vector_load_idx %arg9[%broadcast_in_dim3A_934, %add3A_946] : memref<128x256xf32, #tpu.memory_space<vmem>>[vector<16xi32>, vector<16xi32>], vector<16xf32>,
      tpu.vector_store_idx %arg10[%gather3A_935, %add3A_946], %gather3A_947 {add = true} : memref<208x256xf32, #tpu.memory_space<vmem>>[vector<16xi32>, vector<16xi32>], vector<16xf32>,
      %add3A_948 = arith.constant 48 : i32
      %add3A_949 = vector.broadcast %add3A_948 : i32 to vector<16xi32>
      %add3A_950 = arith.addi %iota3A, %add3A_949 : vector<16xi32>
      %gather3A_951 = tpu.vector_load_idx %arg9[%broadcast_in_dim3A_934, %add3A_950] : memref<128x256xf32, #tpu.memory_space<vmem>>[vector<16xi32>, vector<16xi32>], vector<16xf32>,
      tpu.vector_store_idx %arg10[%gather3A_935, %add3A_950], %gather3A_951 {add = true} : memref<208x256xf32, #tpu.memory_space<vmem>>[vector<16xi32>, vector<16xi32>], vector<16xf32>,
      %add3A_952 = arith.constant 64 : i32
      %add3A_953 = vector.broadcast %add3A_952 : i32 to vector<16xi32>
      %add3A_954 = arith.addi %iota3A, %add3A_953 : vector<16xi32>
      %gather3A_955 = tpu.vector_load_idx %arg9[%broadcast_in_dim3A_934, %add3A_954] : memref<128x256xf32, #tpu.memory_space<vmem>>[vector<16xi32>, vector<16xi32>], vector<16xf32>,
      tpu.vector_store_idx %arg10[%gather3A_935, %add3A_954], %gather3A_955 {add = true} : memref<208x256xf32, #tpu.memory_space<vmem>>[vector<16xi32>, vector<16xi32>], vector<16xf32>,
      %add3A_956 = arith.constant 80 : i32
      %add3A_957 = vector.broadcast %add3A_956 : i32 to vector<16xi32>
      %add3A_958 = arith.addi %iota3A, %add3A_957 : vector<16xi32>
      %gather3A_959 = tpu.vector_load_idx %arg9[%broadcast_in_dim3A_934, %add3A_958] : memref<128x256xf32, #tpu.memory_space<vmem>>[vector<16xi32>, vector<16xi32>], vector<16xf32>,
      tpu.vector_store_idx %arg10[%gather3A_935, %add3A_958], %gather3A_959 {add = true} : memref<208x256xf32, #tpu.memory_space<vmem>>[vector<16xi32>, vector<16xi32>], vector<16xf32>,
      %add3A_960 = arith.constant 96 : i32
      %add3A_961 = vector.broadcast %add3A_960 : i32 to vector<16xi32>
      %add3A_962 = arith.addi %iota3A, %add3A_961 : vector<16xi32>
      %gather3A_963 = tpu.vector_load_idx %arg9[%broadcast_in_dim3A_934, %add3A_962] : memref<128x256xf32, #tpu.memory_space<vmem>>[vector<16xi32>, vector<16xi32>], vector<16xf32>,
      tpu.vector_store_idx %arg10[%gather3A_935, %add3A_962], %gather3A_963 {add = true} : memref<208x256xf32, #tpu.memory_space<vmem>>[vector<16xi32>, vector<16xi32>], vector<16xf32>,
      %add3A_964 = arith.constant 112 : i32
      %add3A_965 = vector.broadcast %add3A_964 : i32 to vector<16xi32>
      %add3A_966 = arith.addi %iota3A, %add3A_965 : vector<16xi32>
      %gather3A_967 = tpu.vector_load_idx %arg9[%broadcast_in_dim3A_934, %add3A_966] : memref<128x256xf32, #tpu.memory_space<vmem>>[vector<16xi32>, vector<16xi32>], vector<16xf32>,
      tpu.vector_store_idx %arg10[%gather3A_935, %add3A_966], %gather3A_967 {add = true} : memref<208x256xf32, #tpu.memory_space<vmem>>[vector<16xi32>, vector<16xi32>], vector<16xf32>,
      %add3A_968 = arith.constant 128 : i32
      %add3A_969 = vector.broadcast %add3A_968 : i32 to vector<16xi32>
      %add3A_970 = arith.addi %iota3A, %add3A_969 : vector<16xi32>
      %gather3A_971 = tpu.vector_load_idx %arg9[%broadcast_in_dim3A_934, %add3A_970] : memref<128x256xf32, #tpu.memory_space<vmem>>[vector<16xi32>, vector<16xi32>], vector<16xf32>,
      tpu.vector_store_idx %arg10[%gather3A_935, %add3A_970], %gather3A_971 {add = true} : memref<208x256xf32, #tpu.memory_space<vmem>>[vector<16xi32>, vector<16xi32>], vector<16xf32>,
      %add3A_972 = arith.constant 144 : i32
      %add3A_973 = vector.broadcast %add3A_972 : i32 to vector<16xi32>
      %add3A_974 = arith.addi %iota3A, %add3A_973 : vector<16xi32>
      %gather3A_975 = tpu.vector_load_idx %arg9[%broadcast_in_dim3A_934, %add3A_974] : memref<128x256xf32, #tpu.memory_space<vmem>>[vector<16xi32>, vector<16xi32>], vector<16xf32>,
      tpu.vector_store_idx %arg10[%gather3A_935, %add3A_974], %gather3A_975 {add = true} : memref<208x256xf32, #tpu.memory_space<vmem>>[vector<16xi32>, vector<16xi32>], vector<16xf32>,
      %add3A_976 = arith.constant 160 : i32
      %add3A_977 = vector.broadcast %add3A_976 : i32 to vector<16xi32>
      %add3A_978 = arith.addi %iota3A, %add3A_977 : vector<16xi32>
      %gather3A_979 = tpu.vector_load_idx %arg9[%broadcast_in_dim3A_934, %add3A_978] : memref<128x256xf32, #tpu.memory_space<vmem>>[vector<16xi32>, vector<16xi32>], vector<16xf32>,
      tpu.vector_store_idx %arg10[%gather3A_935, %add3A_978], %gather3A_979 {add = true} : memref<208x256xf32, #tpu.memory_space<vmem>>[vector<16xi32>, vector<16xi32>], vector<16xf32>,
      %add3A_980 = arith.constant 176 : i32
      %add3A_981 = vector.broadcast %add3A_980 : i32 to vector<16xi32>
      %add3A_982 = arith.addi %iota3A, %add3A_981 : vector<16xi32>
      %gather3A_983 = tpu.vector_load_idx %arg9[%broadcast_in_dim3A_934, %add3A_982] : memref<128x256xf32, #tpu.memory_space<vmem>>[vector<16xi32>, vector<16xi32>], vector<16xf32>,
      tpu.vector_store_idx %arg10[%gather3A_935, %add3A_982], %gather3A_983 {add = true} : memref<208x256xf32, #tpu.memory_space<vmem>>[vector<16xi32>, vector<16xi32>], vector<16xf32>,
      %add3A_984 = arith.constant 192 : i32
      %add3A_985 = vector.broadcast %add3A_984 : i32 to vector<16xi32>
      %add3A_986 = arith.addi %iota3A, %add3A_985 : vector<16xi32>
      %gather3A_987 = tpu.vector_load_idx %arg9[%broadcast_in_dim3A_934, %add3A_986] : memref<128x256xf32, #tpu.memory_space<vmem>>[vector<16xi32>, vector<16xi32>], vector<16xf32>,
      tpu.vector_store_idx %arg10[%gather3A_935, %add3A_986], %gather3A_987 {add = true} : memref<208x256xf32, #tpu.memory_space<vmem>>[vector<16xi32>, vector<16xi32>], vector<16xf32>,
      %add3A_988 = arith.constant 208 : i32
      %add3A_989 = vector.broadcast %add3A_988 : i32 to vector<16xi32>
      %add3A_990 = arith.addi %iota3A, %add3A_989 : vector<16xi32>
      %gather3A_991 = tpu.vector_load_idx %arg9[%broadcast_in_dim3A_934, %add3A_990] : memref<128x256xf32, #tpu.memory_space<vmem>>[vector<16xi32>, vector<16xi32>], vector<16xf32>,
      tpu.vector_store_idx %arg10[%gather3A_935, %add3A_990], %gather3A_991 {add = true} : memref<208x256xf32, #tpu.memory_space<vmem>>[vector<16xi32>, vector<16xi32>], vector<16xf32>,
      %add3A_992 = arith.constant 224 : i32
      %add3A_993 = vector.broadcast %add3A_992 : i32 to vector<16xi32>
      %add3A_994 = arith.addi %iota3A, %add3A_993 : vector<16xi32>
      %gather3A_995 = tpu.vector_load_idx %arg9[%broadcast_in_dim3A_934, %add3A_994] : memref<128x256xf32, #tpu.memory_space<vmem>>[vector<16xi32>, vector<16xi32>], vector<16xf32>,
      tpu.vector_store_idx %arg10[%gather3A_935, %add3A_994], %gather3A_995 {add = true} : memref<208x256xf32, #tpu.memory_space<vmem>>[vector<16xi32>, vector<16xi32>], vector<16xf32>,
      %add3A_996 = arith.constant 240 : i32
      %add3A_997 = vector.broadcast %add3A_996 : i32 to vector<16xi32>
      %add3A_998 = arith.addi %iota3A, %add3A_997 : vector<16xi32>
      %gather3A_999 = tpu.vector_load_idx %arg9[%broadcast_in_dim3A_934, %add3A_998] : memref<128x256xf32, #tpu.memory_space<vmem>>[vector<16xi32>, vector<16xi32>], vector<16xf32>,
      tpu.vector_store_idx %arg10[%gather3A_935, %add3A_998], %gather3A_999 {add = true} : memref<208x256xf32, #tpu.memory_space<vmem>>[vector<16xi32>, vector<16xi32>], vector<16xf32>,
      %mul3A_1000 = arith.constant 16 : i32
      %mul3A_1001 = arith.muli %scan3A_20, %mul3A_1000 : i32
      %add3A_1002 = arith.constant 14 : i32
      %add3A_1003 = arith.addi %mul3A_1001, %add3A_1002 : i32
      %broadcast_in_dim3A_1004 = vector.broadcast %add3A_1003 : i32 to vector<16xi32>
      %gather3A_1005 = tpu.vector_load_idx %arg8[%broadcast_in_dim3A_1004] : memref<128xi32, #tpu.memory_space<vmem>>[vector<16xi32>], vector<16xi32>,
      %add3A_1006 = arith.constant 0 : i32
      %add3A_1007 = vector.broadcast %add3A_1006 : i32 to vector<16xi32>
      %add3A_1008 = arith.addi %iota3A, %add3A_1007 : vector<16xi32>
      %gather3A_1009 = tpu.vector_load_idx %arg9[%broadcast_in_dim3A_1004, %add3A_1008] : memref<128x256xf32, #tpu.memory_space<vmem>>[vector<16xi32>, vector<16xi32>], vector<16xf32>,
      tpu.vector_store_idx %arg10[%gather3A_1005, %add3A_1008], %gather3A_1009 {add = true} : memref<208x256xf32, #tpu.memory_space<vmem>>[vector<16xi32>, vector<16xi32>], vector<16xf32>,
      %add3A_1010 = arith.constant 16 : i32
      %add3A_1011 = vector.broadcast %add3A_1010 : i32 to vector<16xi32>
      %add3A_1012 = arith.addi %iota3A, %add3A_1011 : vector<16xi32>
      %gather3A_1013 = tpu.vector_load_idx %arg9[%broadcast_in_dim3A_1004, %add3A_1012] : memref<128x256xf32, #tpu.memory_space<vmem>>[vector<16xi32>, vector<16xi32>], vector<16xf32>,
      tpu.vector_store_idx %arg10[%gather3A_1005, %add3A_1012], %gather3A_1013 {add = true} : memref<208x256xf32, #tpu.memory_space<vmem>>[vector<16xi32>, vector<16xi32>], vector<16xf32>,
      %add3A_1014 = arith.constant 32 : i32
      %add3A_1015 = vector.broadcast %add3A_1014 : i32 to vector<16xi32>
      %add3A_1016 = arith.addi %iota3A, %add3A_1015 : vector<16xi32>
      %gather3A_1017 = tpu.vector_load_idx %arg9[%broadcast_in_dim3A_1004, %add3A_1016] : memref<128x256xf32, #tpu.memory_space<vmem>>[vector<16xi32>, vector<16xi32>], vector<16xf32>,
      tpu.vector_store_idx %arg10[%gather3A_1005, %add3A_1016], %gather3A_1017 {add = true} : memref<208x256xf32, #tpu.memory_space<vmem>>[vector<16xi32>, vector<16xi32>], vector<16xf32>,
      %add3A_1018 = arith.constant 48 : i32
      %add3A_1019 = vector.broadcast %add3A_1018 : i32 to vector<16xi32>
      %add3A_1020 = arith.addi %iota3A, %add3A_1019 : vector<16xi32>
      %gather3A_1021 = tpu.vector_load_idx %arg9[%broadcast_in_dim3A_1004, %add3A_1020] : memref<128x256xf32, #tpu.memory_space<vmem>>[vector<16xi32>, vector<16xi32>], vector<16xf32>,
      tpu.vector_store_idx %arg10[%gather3A_1005, %add3A_1020], %gather3A_1021 {add = true} : memref<208x256xf32, #tpu.memory_space<vmem>>[vector<16xi32>, vector<16xi32>], vector<16xf32>,
      %add3A_1022 = arith.constant 64 : i32
      %add3A_1023 = vector.broadcast %add3A_1022 : i32 to vector<16xi32>
      %add3A_1024 = arith.addi %iota3A, %add3A_1023 : vector<16xi32>
      %gather3A_1025 = tpu.vector_load_idx %arg9[%broadcast_in_dim3A_1004, %add3A_1024] : memref<128x256xf32, #tpu.memory_space<vmem>>[vector<16xi32>, vector<16xi32>], vector<16xf32>,
      tpu.vector_store_idx %arg10[%gather3A_1005, %add3A_1024], %gather3A_1025 {add = true} : memref<208x256xf32, #tpu.memory_space<vmem>>[vector<16xi32>, vector<16xi32>], vector<16xf32>,
      %add3A_1026 = arith.constant 80 : i32
      %add3A_1027 = vector.broadcast %add3A_1026 : i32 to vector<16xi32>
      %add3A_1028 = arith.addi %iota3A, %add3A_1027 : vector<16xi32>
      %gather3A_1029 = tpu.vector_load_idx %arg9[%broadcast_in_dim3A_1004, %add3A_1028] : memref<128x256xf32, #tpu.memory_space<vmem>>[vector<16xi32>, vector<16xi32>], vector<16xf32>,
      tpu.vector_store_idx %arg10[%gather3A_1005, %add3A_1028], %gather3A_1029 {add = true} : memref<208x256xf32, #tpu.memory_space<vmem>>[vector<16xi32>, vector<16xi32>], vector<16xf32>,
      %add3A_1030 = arith.constant 96 : i32
      %add3A_1031 = vector.broadcast %add3A_1030 : i32 to vector<16xi32>
      %add3A_1032 = arith.addi %iota3A, %add3A_1031 : vector<16xi32>
      %gather3A_1033 = tpu.vector_load_idx %arg9[%broadcast_in_dim3A_1004, %add3A_1032] : memref<128x256xf32, #tpu.memory_space<vmem>>[vector<16xi32>, vector<16xi32>], vector<16xf32>,
      tpu.vector_store_idx %arg10[%gather3A_1005, %add3A_1032], %gather3A_1033 {add = true} : memref<208x256xf32, #tpu.memory_space<vmem>>[vector<16xi32>, vector<16xi32>], vector<16xf32>,
      %add3A_1034 = arith.constant 112 : i32
      %add3A_1035 = vector.broadcast %add3A_1034 : i32 to vector<16xi32>
      %add3A_1036 = arith.addi %iota3A, %add3A_1035 : vector<16xi32>
      %gather3A_1037 = tpu.vector_load_idx %arg9[%broadcast_in_dim3A_1004, %add3A_1036] : memref<128x256xf32, #tpu.memory_space<vmem>>[vector<16xi32>, vector<16xi32>], vector<16xf32>,
      tpu.vector_store_idx %arg10[%gather3A_1005, %add3A_1036], %gather3A_1037 {add = true} : memref<208x256xf32, #tpu.memory_space<vmem>>[vector<16xi32>, vector<16xi32>], vector<16xf32>,
      %add3A_1038 = arith.constant 128 : i32
      %add3A_1039 = vector.broadcast %add3A_1038 : i32 to vector<16xi32>
      %add3A_1040 = arith.addi %iota3A, %add3A_1039 : vector<16xi32>
      %gather3A_1041 = tpu.vector_load_idx %arg9[%broadcast_in_dim3A_1004, %add3A_1040] : memref<128x256xf32, #tpu.memory_space<vmem>>[vector<16xi32>, vector<16xi32>], vector<16xf32>,
      tpu.vector_store_idx %arg10[%gather3A_1005, %add3A_1040], %gather3A_1041 {add = true} : memref<208x256xf32, #tpu.memory_space<vmem>>[vector<16xi32>, vector<16xi32>], vector<16xf32>,
      %add3A_1042 = arith.constant 144 : i32
      %add3A_1043 = vector.broadcast %add3A_1042 : i32 to vector<16xi32>
      %add3A_1044 = arith.addi %iota3A, %add3A_1043 : vector<16xi32>
      %gather3A_1045 = tpu.vector_load_idx %arg9[%broadcast_in_dim3A_1004, %add3A_1044] : memref<128x256xf32, #tpu.memory_space<vmem>>[vector<16xi32>, vector<16xi32>], vector<16xf32>,
      tpu.vector_store_idx %arg10[%gather3A_1005, %add3A_1044], %gather3A_1045 {add = true} : memref<208x256xf32, #tpu.memory_space<vmem>>[vector<16xi32>, vector<16xi32>], vector<16xf32>,
      %add3A_1046 = arith.constant 160 : i32
      %add3A_1047 = vector.broadcast %add3A_1046 : i32 to vector<16xi32>
      %add3A_1048 = arith.addi %iota3A, %add3A_1047 : vector<16xi32>
      %gather3A_1049 = tpu.vector_load_idx %arg9[%broadcast_in_dim3A_1004, %add3A_1048] : memref<128x256xf32, #tpu.memory_space<vmem>>[vector<16xi32>, vector<16xi32>], vector<16xf32>,
      tpu.vector_store_idx %arg10[%gather3A_1005, %add3A_1048], %gather3A_1049 {add = true} : memref<208x256xf32, #tpu.memory_space<vmem>>[vector<16xi32>, vector<16xi32>], vector<16xf32>,
      %add3A_1050 = arith.constant 176 : i32
      %add3A_1051 = vector.broadcast %add3A_1050 : i32 to vector<16xi32>
      %add3A_1052 = arith.addi %iota3A, %add3A_1051 : vector<16xi32>
      %gather3A_1053 = tpu.vector_load_idx %arg9[%broadcast_in_dim3A_1004, %add3A_1052] : memref<128x256xf32, #tpu.memory_space<vmem>>[vector<16xi32>, vector<16xi32>], vector<16xf32>,
      tpu.vector_store_idx %arg10[%gather3A_1005, %add3A_1052], %gather3A_1053 {add = true} : memref<208x256xf32, #tpu.memory_space<vmem>>[vector<16xi32>, vector<16xi32>], vector<16xf32>,
      %add3A_1054 = arith.constant 192 : i32
      %add3A_1055 = vector.broadcast %add3A_1054 : i32 to vector<16xi32>
      %add3A_1056 = arith.addi %iota3A, %add3A_1055 : vector<16xi32>
      %gather3A_1057 = tpu.vector_load_idx %arg9[%broadcast_in_dim3A_1004, %add3A_1056] : memref<128x256xf32, #tpu.memory_space<vmem>>[vector<16xi32>, vector<16xi32>], vector<16xf32>,
      tpu.vector_store_idx %arg10[%gather3A_1005, %add3A_1056], %gather3A_1057 {add = true} : memref<208x256xf32, #tpu.memory_space<vmem>>[vector<16xi32>, vector<16xi32>], vector<16xf32>,
      %add3A_1058 = arith.constant 208 : i32
      %add3A_1059 = vector.broadcast %add3A_1058 : i32 to vector<16xi32>
      %add3A_1060 = arith.addi %iota3A, %add3A_1059 : vector<16xi32>
      %gather3A_1061 = tpu.vector_load_idx %arg9[%broadcast_in_dim3A_1004, %add3A_1060] : memref<128x256xf32, #tpu.memory_space<vmem>>[vector<16xi32>, vector<16xi32>], vector<16xf32>,
      tpu.vector_store_idx %arg10[%gather3A_1005, %add3A_1060], %gather3A_1061 {add = true} : memref<208x256xf32, #tpu.memory_space<vmem>>[vector<16xi32>, vector<16xi32>], vector<16xf32>,
      %add3A_1062 = arith.constant 224 : i32
      %add3A_1063 = vector.broadcast %add3A_1062 : i32 to vector<16xi32>
      %add3A_1064 = arith.addi %iota3A, %add3A_1063 : vector<16xi32>
      %gather3A_1065 = tpu.vector_load_idx %arg9[%broadcast_in_dim3A_1004, %add3A_1064] : memref<128x256xf32, #tpu.memory_space<vmem>>[vector<16xi32>, vector<16xi32>], vector<16xf32>,
      tpu.vector_store_idx %arg10[%gather3A_1005, %add3A_1064], %gather3A_1065 {add = true} : memref<208x256xf32, #tpu.memory_space<vmem>>[vector<16xi32>, vector<16xi32>], vector<16xf32>,
      %add3A_1066 = arith.constant 240 : i32
      %add3A_1067 = vector.broadcast %add3A_1066 : i32 to vector<16xi32>
      %add3A_1068 = arith.addi %iota3A, %add3A_1067 : vector<16xi32>
      %gather3A_1069 = tpu.vector_load_idx %arg9[%broadcast_in_dim3A_1004, %add3A_1068] : memref<128x256xf32, #tpu.memory_space<vmem>>[vector<16xi32>, vector<16xi32>], vector<16xf32>,
      tpu.vector_store_idx %arg10[%gather3A_1005, %add3A_1068], %gather3A_1069 {add = true} : memref<208x256xf32, #tpu.memory_space<vmem>>[vector<16xi32>, vector<16xi32>], vector<16xf32>,
      %mul3A_1070 = arith.constant 16 : i32
      %mul3A_1071 = arith.muli %scan3A_20, %mul3A_1070 : i32
      %add3A_1072 = arith.constant 15 : i32
      %add3A_1073 = arith.addi %mul3A_1071, %add3A_1072 : i32
      %broadcast_in_dim3A_1074 = vector.broadcast %add3A_1073 : i32 to vector<16xi32>
      %gather3A_1075 = tpu.vector_load_idx %arg8[%broadcast_in_dim3A_1074] : memref<128xi32, #tpu.memory_space<vmem>>[vector<16xi32>], vector<16xi32>,
      %add3A_1076 = arith.constant 0 : i32
      %add3A_1077 = vector.broadcast %add3A_1076 : i32 to vector<16xi32>
      %add3A_1078 = arith.addi %iota3A, %add3A_1077 : vector<16xi32>
      %gather3A_1079 = tpu.vector_load_idx %arg9[%broadcast_in_dim3A_1074, %add3A_1078] : memref<128x256xf32, #tpu.memory_space<vmem>>[vector<16xi32>, vector<16xi32>], vector<16xf32>,
      tpu.vector_store_idx %arg10[%gather3A_1075, %add3A_1078], %gather3A_1079 {add = true} : memref<208x256xf32, #tpu.memory_space<vmem>>[vector<16xi32>, vector<16xi32>], vector<16xf32>,
      %add3A_1080 = arith.constant 16 : i32
      %add3A_1081 = vector.broadcast %add3A_1080 : i32 to vector<16xi32>
      %add3A_1082 = arith.addi %iota3A, %add3A_1081 : vector<16xi32>
      %gather3A_1083 = tpu.vector_load_idx %arg9[%broadcast_in_dim3A_1074, %add3A_1082] : memref<128x256xf32, #tpu.memory_space<vmem>>[vector<16xi32>, vector<16xi32>], vector<16xf32>,
      tpu.vector_store_idx %arg10[%gather3A_1075, %add3A_1082], %gather3A_1083 {add = true} : memref<208x256xf32, #tpu.memory_space<vmem>>[vector<16xi32>, vector<16xi32>], vector<16xf32>,
      %add3A_1084 = arith.constant 32 : i32
      %add3A_1085 = vector.broadcast %add3A_1084 : i32 to vector<16xi32>
      %add3A_1086 = arith.addi %iota3A, %add3A_1085 : vector<16xi32>
      %gather3A_1087 = tpu.vector_load_idx %arg9[%broadcast_in_dim3A_1074, %add3A_1086] : memref<128x256xf32, #tpu.memory_space<vmem>>[vector<16xi32>, vector<16xi32>], vector<16xf32>,
      tpu.vector_store_idx %arg10[%gather3A_1075, %add3A_1086], %gather3A_1087 {add = true} : memref<208x256xf32, #tpu.memory_space<vmem>>[vector<16xi32>, vector<16xi32>], vector<16xf32>,
      %add3A_1088 = arith.constant 48 : i32
      %add3A_1089 = vector.broadcast %add3A_1088 : i32 to vector<16xi32>
      %add3A_1090 = arith.addi %iota3A, %add3A_1089 : vector<16xi32>
      %gather3A_1091 = tpu.vector_load_idx %arg9[%broadcast_in_dim3A_1074, %add3A_1090] : memref<128x256xf32, #tpu.memory_space<vmem>>[vector<16xi32>, vector<16xi32>], vector<16xf32>,
      tpu.vector_store_idx %arg10[%gather3A_1075, %add3A_1090], %gather3A_1091 {add = true} : memref<208x256xf32, #tpu.memory_space<vmem>>[vector<16xi32>, vector<16xi32>], vector<16xf32>,
      %add3A_1092 = arith.constant 64 : i32
      %add3A_1093 = vector.broadcast %add3A_1092 : i32 to vector<16xi32>
      %add3A_1094 = arith.addi %iota3A, %add3A_1093 : vector<16xi32>
      %gather3A_1095 = tpu.vector_load_idx %arg9[%broadcast_in_dim3A_1074, %add3A_1094] : memref<128x256xf32, #tpu.memory_space<vmem>>[vector<16xi32>, vector<16xi32>], vector<16xf32>,
      tpu.vector_store_idx %arg10[%gather3A_1075, %add3A_1094], %gather3A_1095 {add = true} : memref<208x256xf32, #tpu.memory_space<vmem>>[vector<16xi32>, vector<16xi32>], vector<16xf32>,
      %add3A_1096 = arith.constant 80 : i32
      %add3A_1097 = vector.broadcast %add3A_1096 : i32 to vector<16xi32>
      %add3A_1098 = arith.addi %iota3A, %add3A_1097 : vector<16xi32>
      %gather3A_1099 = tpu.vector_load_idx %arg9[%broadcast_in_dim3A_1074, %add3A_1098] : memref<128x256xf32, #tpu.memory_space<vmem>>[vector<16xi32>, vector<16xi32>], vector<16xf32>,
      tpu.vector_store_idx %arg10[%gather3A_1075, %add3A_1098], %gather3A_1099 {add = true} : memref<208x256xf32, #tpu.memory_space<vmem>>[vector<16xi32>, vector<16xi32>], vector<16xf32>,
      %add3A_1100 = arith.constant 96 : i32
      %add3A_1101 = vector.broadcast %add3A_1100 : i32 to vector<16xi32>
      %add3A_1102 = arith.addi %iota3A, %add3A_1101 : vector<16xi32>
      %gather3A_1103 = tpu.vector_load_idx %arg9[%broadcast_in_dim3A_1074, %add3A_1102] : memref<128x256xf32, #tpu.memory_space<vmem>>[vector<16xi32>, vector<16xi32>], vector<16xf32>,
      tpu.vector_store_idx %arg10[%gather3A_1075, %add3A_1102], %gather3A_1103 {add = true} : memref<208x256xf32, #tpu.memory_space<vmem>>[vector<16xi32>, vector<16xi32>], vector<16xf32>,
      %add3A_1104 = arith.constant 112 : i32
      %add3A_1105 = vector.broadcast %add3A_1104 : i32 to vector<16xi32>
      %add3A_1106 = arith.addi %iota3A, %add3A_1105 : vector<16xi32>
      %gather3A_1107 = tpu.vector_load_idx %arg9[%broadcast_in_dim3A_1074, %add3A_1106] : memref<128x256xf32, #tpu.memory_space<vmem>>[vector<16xi32>, vector<16xi32>], vector<16xf32>,
      tpu.vector_store_idx %arg10[%gather3A_1075, %add3A_1106], %gather3A_1107 {add = true} : memref<208x256xf32, #tpu.memory_space<vmem>>[vector<16xi32>, vector<16xi32>], vector<16xf32>,
      %add3A_1108 = arith.constant 128 : i32
      %add3A_1109 = vector.broadcast %add3A_1108 : i32 to vector<16xi32>
      %add3A_1110 = arith.addi %iota3A, %add3A_1109 : vector<16xi32>
      %gather3A_1111 = tpu.vector_load_idx %arg9[%broadcast_in_dim3A_1074, %add3A_1110] : memref<128x256xf32, #tpu.memory_space<vmem>>[vector<16xi32>, vector<16xi32>], vector<16xf32>,
      tpu.vector_store_idx %arg10[%gather3A_1075, %add3A_1110], %gather3A_1111 {add = true} : memref<208x256xf32, #tpu.memory_space<vmem>>[vector<16xi32>, vector<16xi32>], vector<16xf32>,
      %add3A_1112 = arith.constant 144 : i32
      %add3A_1113 = vector.broadcast %add3A_1112 : i32 to vector<16xi32>
      %add3A_1114 = arith.addi %iota3A, %add3A_1113 : vector<16xi32>
      %gather3A_1115 = tpu.vector_load_idx %arg9[%broadcast_in_dim3A_1074, %add3A_1114] : memref<128x256xf32, #tpu.memory_space<vmem>>[vector<16xi32>, vector<16xi32>], vector<16xf32>,
      tpu.vector_store_idx %arg10[%gather3A_1075, %add3A_1114], %gather3A_1115 {add = true} : memref<208x256xf32, #tpu.memory_space<vmem>>[vector<16xi32>, vector<16xi32>], vector<16xf32>,
      %add3A_1116 = arith.constant 160 : i32
      %add3A_1117 = vector.broadcast %add3A_1116 : i32 to vector<16xi32>
      %add3A_1118 = arith.addi %iota3A, %add3A_1117 : vector<16xi32>
      %gather3A_1119 = tpu.vector_load_idx %arg9[%broadcast_in_dim3A_1074, %add3A_1118] : memref<128x256xf32, #tpu.memory_space<vmem>>[vector<16xi32>, vector<16xi32>], vector<16xf32>,
      tpu.vector_store_idx %arg10[%gather3A_1075, %add3A_1118], %gather3A_1119 {add = true} : memref<208x256xf32, #tpu.memory_space<vmem>>[vector<16xi32>, vector<16xi32>], vector<16xf32>,
      %add3A_1120 = arith.constant 176 : i32
      %add3A_1121 = vector.broadcast %add3A_1120 : i32 to vector<16xi32>
      %add3A_1122 = arith.addi %iota3A, %add3A_1121 : vector<16xi32>
      %gather3A_1123 = tpu.vector_load_idx %arg9[%broadcast_in_dim3A_1074, %add3A_1122] : memref<128x256xf32, #tpu.memory_space<vmem>>[vector<16xi32>, vector<16xi32>], vector<16xf32>,
      tpu.vector_store_idx %arg10[%gather3A_1075, %add3A_1122], %gather3A_1123 {add = true} : memref<208x256xf32, #tpu.memory_space<vmem>>[vector<16xi32>, vector<16xi32>], vector<16xf32>,
      %add3A_1124 = arith.constant 192 : i32
      %add3A_1125 = vector.broadcast %add3A_1124 : i32 to vector<16xi32>
      %add3A_1126 = arith.addi %iota3A, %add3A_1125 : vector<16xi32>
      %gather3A_1127 = tpu.vector_load_idx %arg9[%broadcast_in_dim3A_1074, %add3A_1126] : memref<128x256xf32, #tpu.memory_space<vmem>>[vector<16xi32>, vector<16xi32>], vector<16xf32>,
      tpu.vector_store_idx %arg10[%gather3A_1075, %add3A_1126], %gather3A_1127 {add = true} : memref<208x256xf32, #tpu.memory_space<vmem>>[vector<16xi32>, vector<16xi32>], vector<16xf32>,
      %add3A_1128 = arith.constant 208 : i32
      %add3A_1129 = vector.broadcast %add3A_1128 : i32 to vector<16xi32>
      %add3A_1130 = arith.addi %iota3A, %add3A_1129 : vector<16xi32>
      %gather3A_1131 = tpu.vector_load_idx %arg9[%broadcast_in_dim3A_1074, %add3A_1130] : memref<128x256xf32, #tpu.memory_space<vmem>>[vector<16xi32>, vector<16xi32>], vector<16xf32>,
      tpu.vector_store_idx %arg10[%gather3A_1075, %add3A_1130], %gather3A_1131 {add = true} : memref<208x256xf32, #tpu.memory_space<vmem>>[vector<16xi32>, vector<16xi32>], vector<16xf32>,
      %add3A_1132 = arith.constant 224 : i32
      %add3A_1133 = vector.broadcast %add3A_1132 : i32 to vector<16xi32>
      %add3A_1134 = arith.addi %iota3A, %add3A_1133 : vector<16xi32>
      %gather3A_1135 = tpu.vector_load_idx %arg9[%broadcast_in_dim3A_1074, %add3A_1134] : memref<128x256xf32, #tpu.memory_space<vmem>>[vector<16xi32>, vector<16xi32>], vector<16xf32>,
      tpu.vector_store_idx %arg10[%gather3A_1075, %add3A_1134], %gather3A_1135 {add = true} : memref<208x256xf32, #tpu.memory_space<vmem>>[vector<16xi32>, vector<16xi32>], vector<16xf32>,
      %add3A_1136 = arith.constant 240 : i32
      %add3A_1137 = vector.broadcast %add3A_1136 : i32 to vector<16xi32>
      %add3A_1138 = arith.addi %iota3A, %add3A_1137 : vector<16xi32>
      %gather3A_1139 = tpu.vector_load_idx %arg9[%broadcast_in_dim3A_1074, %add3A_1138] : memref<128x256xf32, #tpu.memory_space<vmem>>[vector<16xi32>, vector<16xi32>], vector<16xf32>,
      tpu.vector_store_idx %arg10[%gather3A_1075, %add3A_1138], %gather3A_1139 {add = true} : memref<208x256xf32, #tpu.memory_space<vmem>>[vector<16xi32>, vector<16xi32>], vector<16xf32>,
      %scan3A_1140 = arith.constant 0 : i32
      scf.yield %scan3A_1140 : i32
    }
    %scan3A_17 = arith.constant 8 : i32
    %mul3A_18 = arith.constant 16 : i32
    %mul3A_19 = arith.muli %arg0, %mul3A_18 : i32
    %add3A = arith.addi %mul3A_19, %arg1 : i32
    "tpu.region"() ({
      %run_scoped3A = tpu.sem_alloc : memref<!tpu.dma_semaphore, #tpu.memory_space<semaphore_mem>>
      %dma_start3A_20 = arith.constant 0 : i32
      %dma_start3A_21 = arith.constant 0 : i32
      %dma_start3A_22 = tpu.memref_slice %arg6[%add3A, %dma_start3A_20, %dma_start3A_21] : memref<32x208x256xf32, #tpu.memory_space<hbm>> -> memref<1x208x256xf32, #tpu.memory_space<hbm>>
      %dma_start3A_23 = tpu.memref_squeeze %dma_start3A_22 : memref<1x208x256xf32, #tpu.memory_space<hbm>> -> memref<208x256xf32, #tpu.memory_space<hbm>>
      %dma_start3A_24 = arith.constant 0 : i32
      %dma_start3A_25 = arith.constant 0 : i32
      %dma_start3A_26 = tpu.memref_slice %arg6[%add3A, %dma_start3A_24, %dma_start3A_25] : memref<32x208x256xf32, #tpu.memory_space<hbm>> -> memref<1x208x256xf32, #tpu.memory_space<hbm>>
      %dma_start3A_27 = tpu.memref_squeeze %dma_start3A_26 : memref<1x208x256xf32, #tpu.memory_space<hbm>> -> memref<208x256xf32, #tpu.memory_space<hbm>>
      tpu.enqueue_dma source(%arg10 : memref<208x256xf32, #tpu.memory_space<vmem>>) target(%dma_start3A_27 : memref<208x256xf32, #tpu.memory_space<hbm>>) target_semaphore(%run_scoped3A : memref<!tpu.dma_semaphore, #tpu.memory_space<semaphore_mem>>)
      %dma_wait3A_28 = arith.constant 0 : i32
      %dma_wait3A_29 = arith.constant 0 : i32
      %dma_wait3A_30 = tpu.memref_slice %arg6[%add3A, %dma_wait3A_28, %dma_wait3A_29] : memref<32x208x256xf32, #tpu.memory_space<hbm>> -> memref<1x208x256xf32, #tpu.memory_space<hbm>>
      %dma_wait3A_31 = tpu.memref_squeeze %dma_wait3A_30 : memref<1x208x256xf32, #tpu.memory_space<hbm>> -> memref<208x256xf32, #tpu.memory_space<hbm>>
      %dma_wait3A_32 = arith.constant 0 : i32
      %dma_wait3A_33 = arith.constant 0 : i32
      %dma_wait3A_34 = tpu.memref_slice %arg6[%add3A, %dma_wait3A_32, %dma_wait3A_33] : memref<32x208x256xf32, #tpu.memory_space<hbm>> -> memref<1x208x256xf32, #tpu.memory_space<hbm>>
      %dma_wait3A_35 = tpu.memref_squeeze %dma_wait3A_34 : memref<1x208x256xf32, #tpu.memory_space<hbm>> -> memref<208x256xf32, #tpu.memory_space<hbm>>
      tpu.wait_dma2 semaphore(%run_scoped3A : memref<!tpu.dma_semaphore, #tpu.memory_space<semaphore_mem>>) src(%arg10 : memref<208x256xf32, #tpu.memory_space<vmem>>) dst(%dma_wait3A_35 : memref<208x256xf32, #tpu.memory_space<hbm>>)
      tpu.yield
    }) : () -> ()
    return
  }
}

module attributes {stable_mosaic.version = 14 : i64} {
  func.func @_graph_prep_body(%arg0: memref<1x2048xi32, #tpu.memory_space<vmem>>, %arg1: memref<416x256xf32, #tpu.memory_space<vmem>>, %arg2: memref<416x256xf32, #tpu.memory_space<vmem>>, %arg3: memref<208x1xf32, #tpu.memory_space<vmem>>) attributes {dimension_semantics = [], scalar_prefetch = 0 : i64, scratch_operands = 0 : i64, tpu.core_type = #tpu.core_type<tc>} {
    %get3A = arith.constant 0 : index
    %get3A_0 = arith.constant 0 : index
    %get3A_1 = vector.load %arg0[%get3A, %get3A_0] : memref<1x2048xi32, #tpu.memory_space<vmem>>, vector<1x2048xi32>
    %iota3A = tpu.iota {dimensions = array<i32: 0>} : vector<208x2048xi32>
    %eq3A = vector.broadcast %get3A_1 : vector<1x2048xi32> to vector<208x2048xi32>
    %eq3A_2 = arith.cmpi eq, %iota3A, %eq3A : vector<208x2048xi32>
    %convert_element_type3A = arith.extui %eq3A_2 : vector<208x2048xi1> to vector<208x2048xi32>
    %convert_element_type3A_3 = arith.sitofp %convert_element_type3A : vector<208x2048xi32> to vector<208x2048xf32>
    %reduce_sum3A = arith.constant dense<0.000000e+00> : vector<208xf32>
    %reduce_sum3A_4 = vector.multi_reduction <add>, %convert_element_type3A_3, %reduce_sum3A [1] : vector<208x2048xf32> to vector<208xf32>
    %broadcast_in_dim3A = vector.shape_cast %reduce_sum3A_4 : vector<208xf32> to vector<208x1xf32>
    %gt3A = arith.constant 0.000000e+00 : f32
    %gt3A_5 = vector.broadcast %gt3A : f32 to vector<208x1xf32>
    %gt3A_6 = arith.cmpf ogt, %broadcast_in_dim3A, %gt3A_5 : vector<208x1xf32>
    %rsqrt3A = math.rsqrt %broadcast_in_dim3A : vector<208x1xf32>
    %jit3A = arith.constant 0.000000e+00 : f32
    %broadcast_in_dim3A_7 = vector.broadcast %jit3A : f32 to vector<208x1xf32>
    %select_n3A = arith.select %gt3A_6, %rsqrt3A, %broadcast_in_dim3A_7 : vector<208x1xi1>, vector<208x1xf32>
    %swap3A = arith.constant 0 : index
    %swap3A_8 = arith.constant 0 : index
    %swap3A_9 = vector.load %arg3[%swap3A, %swap3A_8] : memref<208x1xf32, #tpu.memory_space<vmem>>, vector<208x1xf32>
    tpu.vector_store %arg3[%swap3A, %swap3A_8], %select_n3A {strides = array<i32>} : memref<208x1xf32, #tpu.memory_space<vmem>>, vector<208x1xf32>,
    %get3A_10 = arith.constant 0 : index
    %get3A_11 = arith.constant 0 : index
    %get3A_12 = vector.load %arg1[%get3A_10, %get3A_11] : memref<416x256xf32, #tpu.memory_space<vmem>>, vector<208x256xf32>
    %mul3A = vector.broadcast %select_n3A : vector<208x1xf32> to vector<208x256xf32>
    %mul3A_13 = arith.mulf %get3A_12, %mul3A : vector<208x256xf32>
    %swap3A_14 = arith.constant 0 : index
    %swap3A_15 = arith.constant 0 : index
    %swap3A_16 = vector.load %arg2[%swap3A_14, %swap3A_15] : memref<416x256xf32, #tpu.memory_space<vmem>>, vector<208x256xf32>
    tpu.vector_store %arg2[%swap3A_14, %swap3A_15], %mul3A_13 {strides = array<i32>} : memref<416x256xf32, #tpu.memory_space<vmem>>, vector<208x256xf32>,
    %get3A_17 = arith.constant 208 : index
    %get3A_18 = arith.constant 0 : index
    %get3A_19 = vector.load %arg1[%get3A_17, %get3A_18] : memref<416x256xf32, #tpu.memory_space<vmem>>, vector<208x256xf32>
    %mul3A_20 = vector.broadcast %select_n3A : vector<208x1xf32> to vector<208x256xf32>
    %mul3A_21 = arith.mulf %get3A_19, %mul3A_20 : vector<208x256xf32>
    %swap3A_22 = arith.constant 208 : index
    %swap3A_23 = arith.constant 0 : index
    %swap3A_24 = vector.load %arg2[%swap3A_22, %swap3A_23] : memref<416x256xf32, #tpu.memory_space<vmem>>, vector<208x256xf32>
    tpu.vector_store %arg2[%swap3A_22, %swap3A_23], %mul3A_21 {strides = array<i32>} : memref<416x256xf32, #tpu.memory_space<vmem>>, vector<208x256xf32>,
    return
  }
}

module attributes {stable_mosaic.version = 14 : i64} {
  func.func @_fold_body(%arg0: memref<1035x2xf32, #tpu.memory_space<vmem>>, %arg1: memref<1035x2xf32, #tpu.memory_space<vmem>>, %arg2: memref<1035x1035xf32, #tpu.memory_space<vmem>>, %arg3: memref<1035x1035xf32, #tpu.memory_space<vmem>>, %arg4: memref<1x1035xf32, #tpu.memory_space<vmem>>, %arg5: memref<1x1035xf32, #tpu.memory_space<vmem>>, %arg6: memref<1x1035xf32, #tpu.memory_space<vmem>>, %arg7: memref<1x1035xf32, #tpu.memory_space<vmem>>, %arg8: memref<2x1035xf32, #tpu.memory_space<vmem>>, %arg9: memref<2x1035xf32, #tpu.memory_space<vmem>>, %arg10: memref<1x1035xf32, #tpu.memory_space<vmem>>, %arg11: memref<1x1035xf32, #tpu.memory_space<vmem>>) attributes {dimension_semantics = [], scalar_prefetch = 0 : i64, scratch_operands = 0 : i64, tpu.core_type = #tpu.core_type<tc>} {
    %get3A = arith.constant 0 : index
    %get3A_0 = arith.constant 0 : index
    %get3A_1 = vector.load %arg0[%get3A, %get3A_0] : memref<1035x2xf32, #tpu.memory_space<vmem>>, vector<1035x2xf32>
    %get3A_2 = arith.constant 0 : index
    %get3A_3 = arith.constant 0 : index
    %get3A_4 = vector.load %arg2[%get3A_2, %get3A_3] : memref<1035x1035xf32, #tpu.memory_space<vmem>>, vector<1035x1035xf32>
    %dot_general3A = arith.constant dense<0.000000e+00> : vector<2x1035xf32>
    %dot_general3A_5 = tpu.matmul %get3A_1, %get3A_4, %dot_general3A {dimension_numbers = #tpu.dot_dimension_numbers<[0], [1], [1], [0], [0, 1, 1, 0], [], []>, precision = #tpu.contract_precision<fp32>, transpose_lhs_hint = false} : vector<1035x2xf32>, vector<1035x1035xf32>, vector<2x1035xf32> -> vector<2x1035xf32>
    %swap3A = arith.constant 0 : index
    %swap3A_6 = arith.constant 0 : index
    %swap3A_7 = vector.load %arg8[%swap3A, %swap3A_6] : memref<2x1035xf32, #tpu.memory_space<vmem>>, vector<2x1035xf32>
    tpu.vector_store %arg8[%swap3A, %swap3A_6], %dot_general3A_5 {strides = array<i32>} : memref<2x1035xf32, #tpu.memory_space<vmem>>, vector<2x1035xf32>,
    %get3A_8 = arith.constant 0 : index
    %get3A_9 = arith.constant 0 : index
    %get3A_10 = vector.load %arg1[%get3A_8, %get3A_9] : memref<1035x2xf32, #tpu.memory_space<vmem>>, vector<1035x2xf32>
    %get3A_11 = arith.constant 0 : index
    %get3A_12 = arith.constant 0 : index
    %get3A_13 = vector.load %arg3[%get3A_11, %get3A_12] : memref<1035x1035xf32, #tpu.memory_space<vmem>>, vector<1035x1035xf32>
    %dot_general3A_14 = arith.constant dense<0.000000e+00> : vector<2x1035xf32>
    %dot_general3A_15 = tpu.matmul %get3A_10, %get3A_13, %dot_general3A_14 {dimension_numbers = #tpu.dot_dimension_numbers<[0], [1], [1], [0], [0, 1, 1, 0], [], []>, precision = #tpu.contract_precision<fp32>, transpose_lhs_hint = false} : vector<1035x2xf32>, vector<1035x1035xf32>, vector<2x1035xf32> -> vector<2x1035xf32>
    %swap3A_16 = arith.constant 0 : index
    %swap3A_17 = arith.constant 0 : index
    %swap3A_18 = vector.load %arg9[%swap3A_16, %swap3A_17] : memref<2x1035xf32, #tpu.memory_space<vmem>>, vector<2x1035xf32>
    tpu.vector_store %arg9[%swap3A_16, %swap3A_17], %dot_general3A_15 {strides = array<i32>} : memref<2x1035xf32, #tpu.memory_space<vmem>>, vector<2x1035xf32>,
    %get3A_19 = arith.constant 0 : index
    %get3A_20 = arith.constant 0 : index
    %get3A_21 = vector.load %arg4[%get3A_19, %get3A_20] : memref<1x1035xf32, #tpu.memory_space<vmem>>, vector<1x1035xf32>
    %get3A_22 = arith.constant 0 : index
    %get3A_23 = arith.constant 0 : index
    %get3A_24 = vector.load %arg2[%get3A_22, %get3A_23] : memref<1035x1035xf32, #tpu.memory_space<vmem>>, vector<1035x1035xf32>
    %dot_general3A_25 = arith.constant dense<0.000000e+00> : vector<1x1035xf32>
    %dot_general3A_26 = tpu.matmul %get3A_21, %get3A_24, %dot_general3A_25 {dimension_numbers = #tpu.dot_dimension_numbers<[1], [1], [0], [0], [0, 0, 1, 0], [], []>, precision = #tpu.contract_precision<fp32>, transpose_lhs_hint = false} : vector<1x1035xf32>, vector<1035x1035xf32>, vector<1x1035xf32> -> vector<1x1035xf32>
    %get3A_27 = arith.constant 0 : index
    %get3A_28 = arith.constant 0 : index
    %get3A_29 = vector.load %arg5[%get3A_27, %get3A_28] : memref<1x1035xf32, #tpu.memory_space<vmem>>, vector<1x1035xf32>
    %add3A = arith.addf %dot_general3A_26, %get3A_29 : vector<1x1035xf32>
    %swap3A_30 = arith.constant 0 : index
    %swap3A_31 = arith.constant 0 : index
    %swap3A_32 = vector.load %arg10[%swap3A_30, %swap3A_31] : memref<1x1035xf32, #tpu.memory_space<vmem>>, vector<1x1035xf32>
    tpu.vector_store %arg10[%swap3A_30, %swap3A_31], %add3A {strides = array<i32>} : memref<1x1035xf32, #tpu.memory_space<vmem>>, vector<1x1035xf32>,
    %get3A_33 = arith.constant 0 : index
    %get3A_34 = arith.constant 0 : index
    %get3A_35 = vector.load %arg6[%get3A_33, %get3A_34] : memref<1x1035xf32, #tpu.memory_space<vmem>>, vector<1x1035xf32>
    %get3A_36 = arith.constant 0 : index
    %get3A_37 = arith.constant 0 : index
    %get3A_38 = vector.load %arg3[%get3A_36, %get3A_37] : memref<1035x1035xf32, #tpu.memory_space<vmem>>, vector<1035x1035xf32>
    %dot_general3A_39 = arith.constant dense<0.000000e+00> : vector<1x1035xf32>
    %dot_general3A_40 = tpu.matmul %get3A_35, %get3A_38, %dot_general3A_39 {dimension_numbers = #tpu.dot_dimension_numbers<[1], [1], [0], [0], [0, 0, 1, 0], [], []>, precision = #tpu.contract_precision<fp32>, transpose_lhs_hint = false} : vector<1x1035xf32>, vector<1035x1035xf32>, vector<1x1035xf32> -> vector<1x1035xf32>
    %get3A_41 = arith.constant 0 : index
    %get3A_42 = arith.constant 0 : index
    %get3A_43 = vector.load %arg7[%get3A_41, %get3A_42] : memref<1x1035xf32, #tpu.memory_space<vmem>>, vector<1x1035xf32>
    %add3A_44 = arith.addf %dot_general3A_40, %get3A_43 : vector<1x1035xf32>
    %swap3A_45 = arith.constant 0 : index
    %swap3A_46 = arith.constant 0 : index
    %swap3A_47 = vector.load %arg11[%swap3A_45, %swap3A_46] : memref<1x1035xf32, #tpu.memory_space<vmem>>, vector<1x1035xf32>
    tpu.vector_store %arg11[%swap3A_45, %swap3A_46], %add3A_44 {strides = array<i32>} : memref<1x1035xf32, #tpu.memory_space<vmem>>, vector<1x1035xf32>,
    return
  }
}

module attributes {stable_mosaic.version = 14 : i64} {
  func.func @_reduce_body(%arg0: memref<32x208x256xf32, #tpu.memory_space<vmem>>, %arg1: memref<208x1xf32, #tpu.memory_space<vmem>>, %arg2: memref<144x208xf32, #tpu.memory_space<vmem>>, %arg3: memref<144x208xf32, #tpu.memory_space<vmem>>) attributes {dimension_semantics = [], scalar_prefetch = 0 : i64, scratch_operands = 0 : i64, tpu.core_type = #tpu.core_type<tc>} {
    %get3A = arith.constant 0 : index
    %get3A_0 = arith.constant 0 : index
    %get3A_1 = arith.constant 0 : index
    %get3A_2 = vector.load %arg0[%get3A, %get3A_0, %get3A_1] : memref<32x208x256xf32, #tpu.memory_space<vmem>>, vector<16x208x256xf32>
    %reduce_sum3A = arith.constant dense<0.000000e+00> : vector<208x256xf32>
    %reduce_sum3A_3 = vector.multi_reduction <add>, %get3A_2, %reduce_sum3A [0] : vector<16x208x256xf32> to vector<208x256xf32>
    %get3A_4 = arith.constant 16 : index
    %get3A_5 = arith.constant 0 : index
    %get3A_6 = arith.constant 0 : index
    %get3A_7 = vector.load %arg0[%get3A_4, %get3A_5, %get3A_6] : memref<32x208x256xf32, #tpu.memory_space<vmem>>, vector<16x208x256xf32>
    %reduce_sum3A_8 = arith.constant dense<0.000000e+00> : vector<208x256xf32>
    %reduce_sum3A_9 = vector.multi_reduction <add>, %get3A_7, %reduce_sum3A_8 [0] : vector<16x208x256xf32> to vector<208x256xf32>
    %slice3A = vector.extract_strided_slice %reduce_sum3A_9 {offsets = [0, 0], sizes = [208, 32], strides = [1, 1]} : vector<208x256xf32> to vector<208x32xf32>
    %concatenate3A = tpu.concatenate %reduce_sum3A_3, %slice3A in 1 : vector<208x256xf32>, vector<208x32xf32> -> vector<208x288xf32>
    %get3A_10 = arith.constant 0 : index
    %get3A_11 = arith.constant 0 : index
    %get3A_12 = vector.load %arg1[%get3A_10, %get3A_11] : memref<208x1xf32, #tpu.memory_space<vmem>>, vector<208x1xf32>
    %mul3A = vector.broadcast %get3A_12 : vector<208x1xf32> to vector<208x288xf32>
    %mul3A_13 = arith.mulf %concatenate3A, %mul3A : vector<208x288xf32>
    %slice3A_14 = vector.extract_strided_slice %mul3A_13 {offsets = [0, 0], sizes = [208, 144], strides = [1, 1]} : vector<208x288xf32> to vector<208x144xf32>
    %transpose3A = tpu.transpose %slice3A_14, [1, 0] : vector<208x144xf32> -> vector<144x208xf32>
    %swap3A = arith.constant 0 : index
    %swap3A_15 = arith.constant 0 : index
    %swap3A_16 = vector.load %arg2[%swap3A, %swap3A_15] : memref<144x208xf32, #tpu.memory_space<vmem>>, vector<144x208xf32>
    tpu.vector_store %arg2[%swap3A, %swap3A_15], %transpose3A {strides = array<i32>} : memref<144x208xf32, #tpu.memory_space<vmem>>, vector<144x208xf32>,
    %slice3A_17 = vector.extract_strided_slice %mul3A_13 {offsets = [0, 144], sizes = [208, 144], strides = [1, 1]} : vector<208x288xf32> to vector<208x144xf32>
    %transpose3A_18 = tpu.transpose %slice3A_17, [1, 0] : vector<208x144xf32> -> vector<144x208xf32>
    %swap3A_19 = arith.constant 0 : index
    %swap3A_20 = arith.constant 0 : index
    %swap3A_21 = vector.load %arg3[%swap3A_19, %swap3A_20] : memref<144x208xf32, #tpu.memory_space<vmem>>, vector<144x208xf32>
    tpu.vector_store %arg3[%swap3A_19, %swap3A_20], %transpose3A_18 {strides = array<i32>} : memref<144x208xf32, #tpu.memory_space<vmem>>, vector<144x208xf32>,
    return
  }
}

module attributes {stable_mosaic.version = 14 : i64} {
  func.func @_gate_body(%arg0: i32, %arg1: memref<1x12x208x1xf32, #tpu.memory_space<vmem>>, %arg2: memref<1x12x208x1xf32, #tpu.memory_space<vmem>>, %arg3: memref<2x1035xf32, #tpu.memory_space<vmem>>, %arg4: memref<2x1035xf32, #tpu.memory_space<vmem>>, %arg5: memref<1x1035xf32, #tpu.memory_space<vmem>>, %arg6: memref<1x1035xf32, #tpu.memory_space<vmem>>, %arg7: memref<1x12xf32, #tpu.memory_space<vmem>>, %arg8: memref<12x1035xf32, #tpu.memory_space<vmem>>, %arg9: memref<1x12xf32, #tpu.memory_space<vmem>>, %arg10: memref<1x208x12xf32, #tpu.memory_space<vmem>>) attributes {dimension_semantics = [#tpu.dimension_semantics<arbitrary>], iteration_bounds = array<i64: 12>, scalar_prefetch = 0 : i64, scratch_operands = 0 : i64, tpu.core_type = #tpu.core_type<tc>, window_params = [{transform_indices = @transform_0, window_bounds = array<i64: 1, 12, 208, 1>}, {transform_indices = @transform_1, window_bounds = array<i64: 1, 12, 208, 1>}, {pipeline_mode = #tpu.pipeline_mode<synchronous>, transform_indices = @transform_2, window_bounds = array<i64: 2, 1035>}, {pipeline_mode = #tpu.pipeline_mode<synchronous>, transform_indices = @transform_3, window_bounds = array<i64: 2, 1035>}, {pipeline_mode = #tpu.pipeline_mode<synchronous>, transform_indices = @transform_4, window_bounds = array<i64: 1, 1035>}, {pipeline_mode = #tpu.pipeline_mode<synchronous>, transform_indices = @transform_5, window_bounds = array<i64: 1, 1035>}, {pipeline_mode = #tpu.pipeline_mode<synchronous>, transform_indices = @transform_6, window_bounds = array<i64: 1, 12>}, {pipeline_mode = #tpu.pipeline_mode<synchronous>, transform_indices = @transform_7, window_bounds = array<i64: 12, 1035>}, {pipeline_mode = #tpu.pipeline_mode<synchronous>, transform_indices = @transform_8, window_bounds = array<i64: 1, 12>}, {transform_indices = @transform_9, window_bounds = array<i64: 1, 208, 12>}]} {
    %get3A = arith.constant 0 : index
    %get3A_0 = arith.constant 0 : index
    %get3A_1 = vector.load %arg7[%get3A, %get3A_0] : memref<1x12xf32, #tpu.memory_space<vmem>>, vector<1x12xf32>
    %reduce_max3A = vector.shape_cast %get3A_1 : vector<1x12xf32> to vector<1x1x12xf32>
    %reduce_max3A_2 = arith.constant dense<0xFF800000> : vector<1xf32>
    %reduce_max3A_3 = vector.multi_reduction <maximumf>, %reduce_max3A, %reduce_max3A_2 [1, 2] : vector<1x1x12xf32> to vector<1xf32>
    %reduce_max3A_4 = vector.shape_cast %reduce_max3A_3 : vector<1xf32> to vector<1x1x1xf32>
    %reduce_max3A_5 = vector.extract %reduce_max3A_4[0, 0, 0] : f32 from vector<1x1x1xf32>
    %sub3A = vector.broadcast %reduce_max3A_5 : f32 to vector<1x12xf32>
    %sub3A_6 = arith.subf %get3A_1, %sub3A : vector<1x12xf32>
    %exp3A = math.exp %sub3A_6 : vector<1x12xf32>
    %reduce_sum3A = vector.shape_cast %exp3A : vector<1x12xf32> to vector<1x1x12xf32>
    %reduce_sum3A_7 = arith.constant dense<0.000000e+00> : vector<1xf32>
    %reduce_sum3A_8 = vector.multi_reduction <add>, %reduce_sum3A, %reduce_sum3A_7 [1, 2] : vector<1x1x12xf32> to vector<1xf32>
    %reduce_sum3A_9 = vector.shape_cast %reduce_sum3A_8 : vector<1xf32> to vector<1x1x1xf32>
    %reduce_sum3A_10 = vector.extract %reduce_sum3A_9[0, 0, 0] : f32 from vector<1x1x1xf32>
    %div3A = vector.broadcast %reduce_sum3A_10 : f32 to vector<1x12xf32>
    %div3A_11 = arith.divf %exp3A, %div3A : vector<1x12xf32>
    %get3A_12 = arith.constant 0 : index
    %get3A_13 = arith.constant 0 : index
    %get3A_14 = vector.load %arg3[%get3A_12, %get3A_13] : memref<2x1035xf32, #tpu.memory_space<vmem>>, vector<1x1035xf32>
    %get3A_15 = arith.constant 1 : index
    %get3A_16 = arith.constant 0 : index
    %get3A_17 = vector.load %arg3[%get3A_15, %get3A_16] : memref<2x1035xf32, #tpu.memory_space<vmem>>, vector<1x1035xf32>
    %get3A_18 = arith.constant 0 : index
    %get3A_19 = arith.constant 0 : index
    %get3A_20 = vector.load %arg4[%get3A_18, %get3A_19] : memref<2x1035xf32, #tpu.memory_space<vmem>>, vector<1x1035xf32>
    %get3A_21 = arith.constant 1 : index
    %get3A_22 = arith.constant 0 : index
    %get3A_23 = vector.load %arg4[%get3A_21, %get3A_22] : memref<2x1035xf32, #tpu.memory_space<vmem>>, vector<1x1035xf32>
    %get3A_24 = arith.constant 0 : index
    %get3A_25 = arith.constant 0 : index
    %get3A_26 = vector.load %arg5[%get3A_24, %get3A_25] : memref<1x1035xf32, #tpu.memory_space<vmem>>, vector<1x1035xf32>
    %get3A_27 = arith.constant 0 : index
    %get3A_28 = arith.constant 0 : index
    %get3A_29 = vector.load %arg6[%get3A_27, %get3A_28] : memref<1x1035xf32, #tpu.memory_space<vmem>>, vector<1x1035xf32>
    %broadcast_in_dim3A = arith.constant 0.000000e+00 : f32
    %broadcast_in_dim3A_30 = vector.broadcast %broadcast_in_dim3A : f32 to vector<208x1035xf32>
    %get3A_31 = arith.constant 0 : index
    %get3A_32 = arith.constant 0 : index
    %get3A_33 = arith.constant 0 : index
    %get3A_34 = arith.constant 0 : index
    %get3A_35 = vector.load %arg1[%get3A_31, %get3A_32, %get3A_33, %get3A_34] : memref<1x12x208x1xf32, #tpu.memory_space<vmem>>, vector<1x1x208x1xf32>
    %get3A_36 = vector.shape_cast %get3A_35 : vector<1x1x208x1xf32> to vector<208x1xf32>
    %get3A_37 = arith.constant 0 : index
    %get3A_38 = arith.constant 0 : index
    %get3A_39 = arith.constant 0 : index
    %get3A_40 = arith.constant 0 : index
    %get3A_41 = vector.load %arg2[%get3A_37, %get3A_38, %get3A_39, %get3A_40] : memref<1x12x208x1xf32, #tpu.memory_space<vmem>>, vector<1x1x208x1xf32>
    %get3A_42 = vector.shape_cast %get3A_41 : vector<1x1x208x1xf32> to vector<208x1xf32>
    %mul3A = vector.broadcast %get3A_36 : vector<208x1xf32> to vector<208x1035xf32>
    %mul3A_43 = vector.broadcast %get3A_14 : vector<1x1035xf32> to vector<208x1035xf32>
    %mul3A_44 = arith.mulf %mul3A, %mul3A_43 : vector<208x1035xf32>
    %mul3A_45 = vector.broadcast %get3A_42 : vector<208x1xf32> to vector<208x1035xf32>
    %mul3A_46 = vector.broadcast %get3A_17 : vector<1x1035xf32> to vector<208x1035xf32>
    %mul3A_47 = arith.mulf %mul3A_45, %mul3A_46 : vector<208x1035xf32>
    %add3A = arith.addf %mul3A_44, %mul3A_47 : vector<208x1035xf32>
    %add3A_48 = vector.broadcast %get3A_26 : vector<1x1035xf32> to vector<208x1035xf32>
    %add3A_49 = arith.addf %add3A, %add3A_48 : vector<208x1035xf32>
    %mul3A_50 = vector.broadcast %get3A_36 : vector<208x1xf32> to vector<208x1035xf32>
    %mul3A_51 = vector.broadcast %get3A_20 : vector<1x1035xf32> to vector<208x1035xf32>
    %mul3A_52 = arith.mulf %mul3A_50, %mul3A_51 : vector<208x1035xf32>
    %mul3A_53 = vector.broadcast %get3A_42 : vector<208x1xf32> to vector<208x1035xf32>
    %mul3A_54 = vector.broadcast %get3A_23 : vector<1x1035xf32> to vector<208x1035xf32>
    %mul3A_55 = arith.mulf %mul3A_53, %mul3A_54 : vector<208x1035xf32>
    %add3A_56 = arith.addf %mul3A_52, %mul3A_55 : vector<208x1035xf32>
    %add3A_57 = vector.broadcast %get3A_29 : vector<1x1035xf32> to vector<208x1035xf32>
    %add3A_58 = arith.addf %add3A_56, %add3A_57 : vector<208x1035xf32>
    %logistic3A = arith.negf %add3A_49 : vector<208x1035xf32>
    %logistic3A_59 = math.exp %logistic3A : vector<208x1035xf32>
    %logistic3A_60 = arith.constant 1.000000e+00 : f32
    %logistic3A_61 = vector.broadcast %logistic3A_60 : f32 to vector<208x1035xf32>
    %logistic3A_62 = arith.addf %logistic3A_61, %logistic3A_59 : vector<208x1035xf32>
    %logistic3A_63 = arith.divf %logistic3A_61, %logistic3A_62 : vector<208x1035xf32>
    %sub3A_64 = arith.constant 1.000000e+00 : f32
    %sub3A_65 = vector.broadcast %sub3A_64 : f32 to vector<208x1035xf32>
    %sub3A_66 = arith.subf %sub3A_65, %logistic3A_63 : vector<208x1035xf32>
    %tanh3A = math.tanh %add3A_58 : vector<208x1035xf32>
    %mul3A_67 = arith.mulf %sub3A_66, %tanh3A : vector<208x1035xf32>
    %slice3A = vector.extract_strided_slice %div3A_11 {offsets = [0, 0], sizes = [1, 1], strides = [1, 1]} : vector<1x12xf32> to vector<1x1xf32>
    %mul3A_68 = vector.broadcast %slice3A : vector<1x1xf32> to vector<208x1035xf32>
    %mul3A_69 = arith.mulf %mul3A_68, %mul3A_67 : vector<208x1035xf32>
    %add3A_70 = arith.addf %broadcast_in_dim3A_30, %mul3A_69 : vector<208x1035xf32>
    %get3A_71 = arith.constant 0 : index
    %get3A_72 = arith.constant 1 : index
    %get3A_73 = arith.constant 0 : index
    %get3A_74 = arith.constant 0 : index
    %get3A_75 = vector.load %arg1[%get3A_71, %get3A_72, %get3A_73, %get3A_74] : memref<1x12x208x1xf32, #tpu.memory_space<vmem>>, vector<1x1x208x1xf32>
    %get3A_76 = vector.shape_cast %get3A_75 : vector<1x1x208x1xf32> to vector<208x1xf32>
    %get3A_77 = arith.constant 0 : index
    %get3A_78 = arith.constant 1 : index
    %get3A_79 = arith.constant 0 : index
    %get3A_80 = arith.constant 0 : index
    %get3A_81 = vector.load %arg2[%get3A_77, %get3A_78, %get3A_79, %get3A_80] : memref<1x12x208x1xf32, #tpu.memory_space<vmem>>, vector<1x1x208x1xf32>
    %get3A_82 = vector.shape_cast %get3A_81 : vector<1x1x208x1xf32> to vector<208x1xf32>
    %mul3A_83 = vector.broadcast %get3A_76 : vector<208x1xf32> to vector<208x1035xf32>
    %mul3A_84 = vector.broadcast %get3A_14 : vector<1x1035xf32> to vector<208x1035xf32>
    %mul3A_85 = arith.mulf %mul3A_83, %mul3A_84 : vector<208x1035xf32>
    %mul3A_86 = vector.broadcast %get3A_82 : vector<208x1xf32> to vector<208x1035xf32>
    %mul3A_87 = vector.broadcast %get3A_17 : vector<1x1035xf32> to vector<208x1035xf32>
    %mul3A_88 = arith.mulf %mul3A_86, %mul3A_87 : vector<208x1035xf32>
    %add3A_89 = arith.addf %mul3A_85, %mul3A_88 : vector<208x1035xf32>
    %add3A_90 = vector.broadcast %get3A_26 : vector<1x1035xf32> to vector<208x1035xf32>
    %add3A_91 = arith.addf %add3A_89, %add3A_90 : vector<208x1035xf32>
    %mul3A_92 = vector.broadcast %get3A_76 : vector<208x1xf32> to vector<208x1035xf32>
    %mul3A_93 = vector.broadcast %get3A_20 : vector<1x1035xf32> to vector<208x1035xf32>
    %mul3A_94 = arith.mulf %mul3A_92, %mul3A_93 : vector<208x1035xf32>
    %mul3A_95 = vector.broadcast %get3A_82 : vector<208x1xf32> to vector<208x1035xf32>
    %mul3A_96 = vector.broadcast %get3A_23 : vector<1x1035xf32> to vector<208x1035xf32>
    %mul3A_97 = arith.mulf %mul3A_95, %mul3A_96 : vector<208x1035xf32>
    %add3A_98 = arith.addf %mul3A_94, %mul3A_97 : vector<208x1035xf32>
    %add3A_99 = vector.broadcast %get3A_29 : vector<1x1035xf32> to vector<208x1035xf32>
    %add3A_100 = arith.addf %add3A_98, %add3A_99 : vector<208x1035xf32>
    %logistic3A_101 = arith.negf %add3A_91 : vector<208x1035xf32>
    %logistic3A_102 = math.exp %logistic3A_101 : vector<208x1035xf32>
    %logistic3A_103 = arith.constant 1.000000e+00 : f32
    %logistic3A_104 = vector.broadcast %logistic3A_103 : f32 to vector<208x1035xf32>
    %logistic3A_105 = arith.addf %logistic3A_104, %logistic3A_102 : vector<208x1035xf32>
    %logistic3A_106 = arith.divf %logistic3A_104, %logistic3A_105 : vector<208x1035xf32>
    %sub3A_107 = arith.constant 1.000000e+00 : f32
    %sub3A_108 = vector.broadcast %sub3A_107 : f32 to vector<208x1035xf32>
    %sub3A_109 = arith.subf %sub3A_108, %logistic3A_106 : vector<208x1035xf32>
    %tanh3A_110 = math.tanh %add3A_100 : vector<208x1035xf32>
    %mul3A_111 = arith.mulf %sub3A_109, %tanh3A_110 : vector<208x1035xf32>
    %slice3A_112 = vector.extract_strided_slice %div3A_11 {offsets = [0, 1], sizes = [1, 1], strides = [1, 1]} : vector<1x12xf32> to vector<1x1xf32>
    %mul3A_113 = vector.broadcast %slice3A_112 : vector<1x1xf32> to vector<208x1035xf32>
    %mul3A_114 = arith.mulf %mul3A_113, %mul3A_111 : vector<208x1035xf32>
    %add3A_115 = arith.addf %add3A_70, %mul3A_114 : vector<208x1035xf32>
    %get3A_116 = arith.constant 0 : index
    %get3A_117 = arith.constant 2 : index
    %get3A_118 = arith.constant 0 : index
    %get3A_119 = arith.constant 0 : index
    %get3A_120 = vector.load %arg1[%get3A_116, %get3A_117, %get3A_118, %get3A_119] : memref<1x12x208x1xf32, #tpu.memory_space<vmem>>, vector<1x1x208x1xf32>
    %get3A_121 = vector.shape_cast %get3A_120 : vector<1x1x208x1xf32> to vector<208x1xf32>
    %get3A_122 = arith.constant 0 : index
    %get3A_123 = arith.constant 2 : index
    %get3A_124 = arith.constant 0 : index
    %get3A_125 = arith.constant 0 : index
    %get3A_126 = vector.load %arg2[%get3A_122, %get3A_123, %get3A_124, %get3A_125] : memref<1x12x208x1xf32, #tpu.memory_space<vmem>>, vector<1x1x208x1xf32>
    %get3A_127 = vector.shape_cast %get3A_126 : vector<1x1x208x1xf32> to vector<208x1xf32>
    %mul3A_128 = vector.broadcast %get3A_121 : vector<208x1xf32> to vector<208x1035xf32>
    %mul3A_129 = vector.broadcast %get3A_14 : vector<1x1035xf32> to vector<208x1035xf32>
    %mul3A_130 = arith.mulf %mul3A_128, %mul3A_129 : vector<208x1035xf32>
    %mul3A_131 = vector.broadcast %get3A_127 : vector<208x1xf32> to vector<208x1035xf32>
    %mul3A_132 = vector.broadcast %get3A_17 : vector<1x1035xf32> to vector<208x1035xf32>
    %mul3A_133 = arith.mulf %mul3A_131, %mul3A_132 : vector<208x1035xf32>
    %add3A_134 = arith.addf %mul3A_130, %mul3A_133 : vector<208x1035xf32>
    %add3A_135 = vector.broadcast %get3A_26 : vector<1x1035xf32> to vector<208x1035xf32>
    %add3A_136 = arith.addf %add3A_134, %add3A_135 : vector<208x1035xf32>
    %mul3A_137 = vector.broadcast %get3A_121 : vector<208x1xf32> to vector<208x1035xf32>
    %mul3A_138 = vector.broadcast %get3A_20 : vector<1x1035xf32> to vector<208x1035xf32>
    %mul3A_139 = arith.mulf %mul3A_137, %mul3A_138 : vector<208x1035xf32>
    %mul3A_140 = vector.broadcast %get3A_127 : vector<208x1xf32> to vector<208x1035xf32>
    %mul3A_141 = vector.broadcast %get3A_23 : vector<1x1035xf32> to vector<208x1035xf32>
    %mul3A_142 = arith.mulf %mul3A_140, %mul3A_141 : vector<208x1035xf32>
    %add3A_143 = arith.addf %mul3A_139, %mul3A_142 : vector<208x1035xf32>
    %add3A_144 = vector.broadcast %get3A_29 : vector<1x1035xf32> to vector<208x1035xf32>
    %add3A_145 = arith.addf %add3A_143, %add3A_144 : vector<208x1035xf32>
    %logistic3A_146 = arith.negf %add3A_136 : vector<208x1035xf32>
    %logistic3A_147 = math.exp %logistic3A_146 : vector<208x1035xf32>
    %logistic3A_148 = arith.constant 1.000000e+00 : f32
    %logistic3A_149 = vector.broadcast %logistic3A_148 : f32 to vector<208x1035xf32>
    %logistic3A_150 = arith.addf %logistic3A_149, %logistic3A_147 : vector<208x1035xf32>
    %logistic3A_151 = arith.divf %logistic3A_149, %logistic3A_150 : vector<208x1035xf32>
    %sub3A_152 = arith.constant 1.000000e+00 : f32
    %sub3A_153 = vector.broadcast %sub3A_152 : f32 to vector<208x1035xf32>
    %sub3A_154 = arith.subf %sub3A_153, %logistic3A_151 : vector<208x1035xf32>
    %tanh3A_155 = math.tanh %add3A_145 : vector<208x1035xf32>
    %mul3A_156 = arith.mulf %sub3A_154, %tanh3A_155 : vector<208x1035xf32>
    %slice3A_157 = vector.extract_strided_slice %div3A_11 {offsets = [0, 2], sizes = [1, 1], strides = [1, 1]} : vector<1x12xf32> to vector<1x1xf32>
    %mul3A_158 = vector.broadcast %slice3A_157 : vector<1x1xf32> to vector<208x1035xf32>
    %mul3A_159 = arith.mulf %mul3A_158, %mul3A_156 : vector<208x1035xf32>
    %add3A_160 = arith.addf %add3A_115, %mul3A_159 : vector<208x1035xf32>
    %get3A_161 = arith.constant 0 : index
    %get3A_162 = arith.constant 3 : index
    %get3A_163 = arith.constant 0 : index
    %get3A_164 = arith.constant 0 : index
    %get3A_165 = vector.load %arg1[%get3A_161, %get3A_162, %get3A_163, %get3A_164] : memref<1x12x208x1xf32, #tpu.memory_space<vmem>>, vector<1x1x208x1xf32>
    %get3A_166 = vector.shape_cast %get3A_165 : vector<1x1x208x1xf32> to vector<208x1xf32>
    %get3A_167 = arith.constant 0 : index
    %get3A_168 = arith.constant 3 : index
    %get3A_169 = arith.constant 0 : index
    %get3A_170 = arith.constant 0 : index
    %get3A_171 = vector.load %arg2[%get3A_167, %get3A_168, %get3A_169, %get3A_170] : memref<1x12x208x1xf32, #tpu.memory_space<vmem>>, vector<1x1x208x1xf32>
    %get3A_172 = vector.shape_cast %get3A_171 : vector<1x1x208x1xf32> to vector<208x1xf32>
    %mul3A_173 = vector.broadcast %get3A_166 : vector<208x1xf32> to vector<208x1035xf32>
    %mul3A_174 = vector.broadcast %get3A_14 : vector<1x1035xf32> to vector<208x1035xf32>
    %mul3A_175 = arith.mulf %mul3A_173, %mul3A_174 : vector<208x1035xf32>
    %mul3A_176 = vector.broadcast %get3A_172 : vector<208x1xf32> to vector<208x1035xf32>
    %mul3A_177 = vector.broadcast %get3A_17 : vector<1x1035xf32> to vector<208x1035xf32>
    %mul3A_178 = arith.mulf %mul3A_176, %mul3A_177 : vector<208x1035xf32>
    %add3A_179 = arith.addf %mul3A_175, %mul3A_178 : vector<208x1035xf32>
    %add3A_180 = vector.broadcast %get3A_26 : vector<1x1035xf32> to vector<208x1035xf32>
    %add3A_181 = arith.addf %add3A_179, %add3A_180 : vector<208x1035xf32>
    %mul3A_182 = vector.broadcast %get3A_166 : vector<208x1xf32> to vector<208x1035xf32>
    %mul3A_183 = vector.broadcast %get3A_20 : vector<1x1035xf32> to vector<208x1035xf32>
    %mul3A_184 = arith.mulf %mul3A_182, %mul3A_183 : vector<208x1035xf32>
    %mul3A_185 = vector.broadcast %get3A_172 : vector<208x1xf32> to vector<208x1035xf32>
    %mul3A_186 = vector.broadcast %get3A_23 : vector<1x1035xf32> to vector<208x1035xf32>
    %mul3A_187 = arith.mulf %mul3A_185, %mul3A_186 : vector<208x1035xf32>
    %add3A_188 = arith.addf %mul3A_184, %mul3A_187 : vector<208x1035xf32>
    %add3A_189 = vector.broadcast %get3A_29 : vector<1x1035xf32> to vector<208x1035xf32>
    %add3A_190 = arith.addf %add3A_188, %add3A_189 : vector<208x1035xf32>
    %logistic3A_191 = arith.negf %add3A_181 : vector<208x1035xf32>
    %logistic3A_192 = math.exp %logistic3A_191 : vector<208x1035xf32>
    %logistic3A_193 = arith.constant 1.000000e+00 : f32
    %logistic3A_194 = vector.broadcast %logistic3A_193 : f32 to vector<208x1035xf32>
    %logistic3A_195 = arith.addf %logistic3A_194, %logistic3A_192 : vector<208x1035xf32>
    %logistic3A_196 = arith.divf %logistic3A_194, %logistic3A_195 : vector<208x1035xf32>
    %sub3A_197 = arith.constant 1.000000e+00 : f32
    %sub3A_198 = vector.broadcast %sub3A_197 : f32 to vector<208x1035xf32>
    %sub3A_199 = arith.subf %sub3A_198, %logistic3A_196 : vector<208x1035xf32>
    %tanh3A_200 = math.tanh %add3A_190 : vector<208x1035xf32>
    %mul3A_201 = arith.mulf %sub3A_199, %tanh3A_200 : vector<208x1035xf32>
    %slice3A_202 = vector.extract_strided_slice %div3A_11 {offsets = [0, 3], sizes = [1, 1], strides = [1, 1]} : vector<1x12xf32> to vector<1x1xf32>
    %mul3A_203 = vector.broadcast %slice3A_202 : vector<1x1xf32> to vector<208x1035xf32>
    %mul3A_204 = arith.mulf %mul3A_203, %mul3A_201 : vector<208x1035xf32>
    %add3A_205 = arith.addf %add3A_160, %mul3A_204 : vector<208x1035xf32>
    %get3A_206 = arith.constant 0 : index
    %get3A_207 = arith.constant 4 : index
    %get3A_208 = arith.constant 0 : index
    %get3A_209 = arith.constant 0 : index
    %get3A_210 = vector.load %arg1[%get3A_206, %get3A_207, %get3A_208, %get3A_209] : memref<1x12x208x1xf32, #tpu.memory_space<vmem>>, vector<1x1x208x1xf32>
    %get3A_211 = vector.shape_cast %get3A_210 : vector<1x1x208x1xf32> to vector<208x1xf32>
    %get3A_212 = arith.constant 0 : index
    %get3A_213 = arith.constant 4 : index
    %get3A_214 = arith.constant 0 : index
    %get3A_215 = arith.constant 0 : index
    %get3A_216 = vector.load %arg2[%get3A_212, %get3A_213, %get3A_214, %get3A_215] : memref<1x12x208x1xf32, #tpu.memory_space<vmem>>, vector<1x1x208x1xf32>
    %get3A_217 = vector.shape_cast %get3A_216 : vector<1x1x208x1xf32> to vector<208x1xf32>
    %mul3A_218 = vector.broadcast %get3A_211 : vector<208x1xf32> to vector<208x1035xf32>
    %mul3A_219 = vector.broadcast %get3A_14 : vector<1x1035xf32> to vector<208x1035xf32>
    %mul3A_220 = arith.mulf %mul3A_218, %mul3A_219 : vector<208x1035xf32>
    %mul3A_221 = vector.broadcast %get3A_217 : vector<208x1xf32> to vector<208x1035xf32>
    %mul3A_222 = vector.broadcast %get3A_17 : vector<1x1035xf32> to vector<208x1035xf32>
    %mul3A_223 = arith.mulf %mul3A_221, %mul3A_222 : vector<208x1035xf32>
    %add3A_224 = arith.addf %mul3A_220, %mul3A_223 : vector<208x1035xf32>
    %add3A_225 = vector.broadcast %get3A_26 : vector<1x1035xf32> to vector<208x1035xf32>
    %add3A_226 = arith.addf %add3A_224, %add3A_225 : vector<208x1035xf32>
    %mul3A_227 = vector.broadcast %get3A_211 : vector<208x1xf32> to vector<208x1035xf32>
    %mul3A_228 = vector.broadcast %get3A_20 : vector<1x1035xf32> to vector<208x1035xf32>
    %mul3A_229 = arith.mulf %mul3A_227, %mul3A_228 : vector<208x1035xf32>
    %mul3A_230 = vector.broadcast %get3A_217 : vector<208x1xf32> to vector<208x1035xf32>
    %mul3A_231 = vector.broadcast %get3A_23 : vector<1x1035xf32> to vector<208x1035xf32>
    %mul3A_232 = arith.mulf %mul3A_230, %mul3A_231 : vector<208x1035xf32>
    %add3A_233 = arith.addf %mul3A_229, %mul3A_232 : vector<208x1035xf32>
    %add3A_234 = vector.broadcast %get3A_29 : vector<1x1035xf32> to vector<208x1035xf32>
    %add3A_235 = arith.addf %add3A_233, %add3A_234 : vector<208x1035xf32>
    %logistic3A_236 = arith.negf %add3A_226 : vector<208x1035xf32>
    %logistic3A_237 = math.exp %logistic3A_236 : vector<208x1035xf32>
    %logistic3A_238 = arith.constant 1.000000e+00 : f32
    %logistic3A_239 = vector.broadcast %logistic3A_238 : f32 to vector<208x1035xf32>
    %logistic3A_240 = arith.addf %logistic3A_239, %logistic3A_237 : vector<208x1035xf32>
    %logistic3A_241 = arith.divf %logistic3A_239, %logistic3A_240 : vector<208x1035xf32>
    %sub3A_242 = arith.constant 1.000000e+00 : f32
    %sub3A_243 = vector.broadcast %sub3A_242 : f32 to vector<208x1035xf32>
    %sub3A_244 = arith.subf %sub3A_243, %logistic3A_241 : vector<208x1035xf32>
    %tanh3A_245 = math.tanh %add3A_235 : vector<208x1035xf32>
    %mul3A_246 = arith.mulf %sub3A_244, %tanh3A_245 : vector<208x1035xf32>
    %slice3A_247 = vector.extract_strided_slice %div3A_11 {offsets = [0, 4], sizes = [1, 1], strides = [1, 1]} : vector<1x12xf32> to vector<1x1xf32>
    %mul3A_248 = vector.broadcast %slice3A_247 : vector<1x1xf32> to vector<208x1035xf32>
    %mul3A_249 = arith.mulf %mul3A_248, %mul3A_246 : vector<208x1035xf32>
    %add3A_250 = arith.addf %add3A_205, %mul3A_249 : vector<208x1035xf32>
    %get3A_251 = arith.constant 0 : index
    %get3A_252 = arith.constant 5 : index
    %get3A_253 = arith.constant 0 : index
    %get3A_254 = arith.constant 0 : index
    %get3A_255 = vector.load %arg1[%get3A_251, %get3A_252, %get3A_253, %get3A_254] : memref<1x12x208x1xf32, #tpu.memory_space<vmem>>, vector<1x1x208x1xf32>
    %get3A_256 = vector.shape_cast %get3A_255 : vector<1x1x208x1xf32> to vector<208x1xf32>
    %get3A_257 = arith.constant 0 : index
    %get3A_258 = arith.constant 5 : index
    %get3A_259 = arith.constant 0 : index
    %get3A_260 = arith.constant 0 : index
    %get3A_261 = vector.load %arg2[%get3A_257, %get3A_258, %get3A_259, %get3A_260] : memref<1x12x208x1xf32, #tpu.memory_space<vmem>>, vector<1x1x208x1xf32>
    %get3A_262 = vector.shape_cast %get3A_261 : vector<1x1x208x1xf32> to vector<208x1xf32>
    %mul3A_263 = vector.broadcast %get3A_256 : vector<208x1xf32> to vector<208x1035xf32>
    %mul3A_264 = vector.broadcast %get3A_14 : vector<1x1035xf32> to vector<208x1035xf32>
    %mul3A_265 = arith.mulf %mul3A_263, %mul3A_264 : vector<208x1035xf32>
    %mul3A_266 = vector.broadcast %get3A_262 : vector<208x1xf32> to vector<208x1035xf32>
    %mul3A_267 = vector.broadcast %get3A_17 : vector<1x1035xf32> to vector<208x1035xf32>
    %mul3A_268 = arith.mulf %mul3A_266, %mul3A_267 : vector<208x1035xf32>
    %add3A_269 = arith.addf %mul3A_265, %mul3A_268 : vector<208x1035xf32>
    %add3A_270 = vector.broadcast %get3A_26 : vector<1x1035xf32> to vector<208x1035xf32>
    %add3A_271 = arith.addf %add3A_269, %add3A_270 : vector<208x1035xf32>
    %mul3A_272 = vector.broadcast %get3A_256 : vector<208x1xf32> to vector<208x1035xf32>
    %mul3A_273 = vector.broadcast %get3A_20 : vector<1x1035xf32> to vector<208x1035xf32>
    %mul3A_274 = arith.mulf %mul3A_272, %mul3A_273 : vector<208x1035xf32>
    %mul3A_275 = vector.broadcast %get3A_262 : vector<208x1xf32> to vector<208x1035xf32>
    %mul3A_276 = vector.broadcast %get3A_23 : vector<1x1035xf32> to vector<208x1035xf32>
    %mul3A_277 = arith.mulf %mul3A_275, %mul3A_276 : vector<208x1035xf32>
    %add3A_278 = arith.addf %mul3A_274, %mul3A_277 : vector<208x1035xf32>
    %add3A_279 = vector.broadcast %get3A_29 : vector<1x1035xf32> to vector<208x1035xf32>
    %add3A_280 = arith.addf %add3A_278, %add3A_279 : vector<208x1035xf32>
    %logistic3A_281 = arith.negf %add3A_271 : vector<208x1035xf32>
    %logistic3A_282 = math.exp %logistic3A_281 : vector<208x1035xf32>
    %logistic3A_283 = arith.constant 1.000000e+00 : f32
    %logistic3A_284 = vector.broadcast %logistic3A_283 : f32 to vector<208x1035xf32>
    %logistic3A_285 = arith.addf %logistic3A_284, %logistic3A_282 : vector<208x1035xf32>
    %logistic3A_286 = arith.divf %logistic3A_284, %logistic3A_285 : vector<208x1035xf32>
    %sub3A_287 = arith.constant 1.000000e+00 : f32
    %sub3A_288 = vector.broadcast %sub3A_287 : f32 to vector<208x1035xf32>
    %sub3A_289 = arith.subf %sub3A_288, %logistic3A_286 : vector<208x1035xf32>
    %tanh3A_290 = math.tanh %add3A_280 : vector<208x1035xf32>
    %mul3A_291 = arith.mulf %sub3A_289, %tanh3A_290 : vector<208x1035xf32>
    %slice3A_292 = vector.extract_strided_slice %div3A_11 {offsets = [0, 5], sizes = [1, 1], strides = [1, 1]} : vector<1x12xf32> to vector<1x1xf32>
    %mul3A_293 = vector.broadcast %slice3A_292 : vector<1x1xf32> to vector<208x1035xf32>
    %mul3A_294 = arith.mulf %mul3A_293, %mul3A_291 : vector<208x1035xf32>
    %add3A_295 = arith.addf %add3A_250, %mul3A_294 : vector<208x1035xf32>
    %get3A_296 = arith.constant 0 : index
    %get3A_297 = arith.constant 6 : index
    %get3A_298 = arith.constant 0 : index
    %get3A_299 = arith.constant 0 : index
    %get3A_300 = vector.load %arg1[%get3A_296, %get3A_297, %get3A_298, %get3A_299] : memref<1x12x208x1xf32, #tpu.memory_space<vmem>>, vector<1x1x208x1xf32>
    %get3A_301 = vector.shape_cast %get3A_300 : vector<1x1x208x1xf32> to vector<208x1xf32>
    %get3A_302 = arith.constant 0 : index
    %get3A_303 = arith.constant 6 : index
    %get3A_304 = arith.constant 0 : index
    %get3A_305 = arith.constant 0 : index
    %get3A_306 = vector.load %arg2[%get3A_302, %get3A_303, %get3A_304, %get3A_305] : memref<1x12x208x1xf32, #tpu.memory_space<vmem>>, vector<1x1x208x1xf32>
    %get3A_307 = vector.shape_cast %get3A_306 : vector<1x1x208x1xf32> to vector<208x1xf32>
    %mul3A_308 = vector.broadcast %get3A_301 : vector<208x1xf32> to vector<208x1035xf32>
    %mul3A_309 = vector.broadcast %get3A_14 : vector<1x1035xf32> to vector<208x1035xf32>
    %mul3A_310 = arith.mulf %mul3A_308, %mul3A_309 : vector<208x1035xf32>
    %mul3A_311 = vector.broadcast %get3A_307 : vector<208x1xf32> to vector<208x1035xf32>
    %mul3A_312 = vector.broadcast %get3A_17 : vector<1x1035xf32> to vector<208x1035xf32>
    %mul3A_313 = arith.mulf %mul3A_311, %mul3A_312 : vector<208x1035xf32>
    %add3A_314 = arith.addf %mul3A_310, %mul3A_313 : vector<208x1035xf32>
    %add3A_315 = vector.broadcast %get3A_26 : vector<1x1035xf32> to vector<208x1035xf32>
    %add3A_316 = arith.addf %add3A_314, %add3A_315 : vector<208x1035xf32>
    %mul3A_317 = vector.broadcast %get3A_301 : vector<208x1xf32> to vector<208x1035xf32>
    %mul3A_318 = vector.broadcast %get3A_20 : vector<1x1035xf32> to vector<208x1035xf32>
    %mul3A_319 = arith.mulf %mul3A_317, %mul3A_318 : vector<208x1035xf32>
    %mul3A_320 = vector.broadcast %get3A_307 : vector<208x1xf32> to vector<208x1035xf32>
    %mul3A_321 = vector.broadcast %get3A_23 : vector<1x1035xf32> to vector<208x1035xf32>
    %mul3A_322 = arith.mulf %mul3A_320, %mul3A_321 : vector<208x1035xf32>
    %add3A_323 = arith.addf %mul3A_319, %mul3A_322 : vector<208x1035xf32>
    %add3A_324 = vector.broadcast %get3A_29 : vector<1x1035xf32> to vector<208x1035xf32>
    %add3A_325 = arith.addf %add3A_323, %add3A_324 : vector<208x1035xf32>
    %logistic3A_326 = arith.negf %add3A_316 : vector<208x1035xf32>
    %logistic3A_327 = math.exp %logistic3A_326 : vector<208x1035xf32>
    %logistic3A_328 = arith.constant 1.000000e+00 : f32
    %logistic3A_329 = vector.broadcast %logistic3A_328 : f32 to vector<208x1035xf32>
    %logistic3A_330 = arith.addf %logistic3A_329, %logistic3A_327 : vector<208x1035xf32>
    %logistic3A_331 = arith.divf %logistic3A_329, %logistic3A_330 : vector<208x1035xf32>
    %sub3A_332 = arith.constant 1.000000e+00 : f32
    %sub3A_333 = vector.broadcast %sub3A_332 : f32 to vector<208x1035xf32>
    %sub3A_334 = arith.subf %sub3A_333, %logistic3A_331 : vector<208x1035xf32>
    %tanh3A_335 = math.tanh %add3A_325 : vector<208x1035xf32>
    %mul3A_336 = arith.mulf %sub3A_334, %tanh3A_335 : vector<208x1035xf32>
    %slice3A_337 = vector.extract_strided_slice %div3A_11 {offsets = [0, 6], sizes = [1, 1], strides = [1, 1]} : vector<1x12xf32> to vector<1x1xf32>
    %mul3A_338 = vector.broadcast %slice3A_337 : vector<1x1xf32> to vector<208x1035xf32>
    %mul3A_339 = arith.mulf %mul3A_338, %mul3A_336 : vector<208x1035xf32>
    %add3A_340 = arith.addf %add3A_295, %mul3A_339 : vector<208x1035xf32>
    %get3A_341 = arith.constant 0 : index
    %get3A_342 = arith.constant 7 : index
    %get3A_343 = arith.constant 0 : index
    %get3A_344 = arith.constant 0 : index
    %get3A_345 = vector.load %arg1[%get3A_341, %get3A_342, %get3A_343, %get3A_344] : memref<1x12x208x1xf32, #tpu.memory_space<vmem>>, vector<1x1x208x1xf32>
    %get3A_346 = vector.shape_cast %get3A_345 : vector<1x1x208x1xf32> to vector<208x1xf32>
    %get3A_347 = arith.constant 0 : index
    %get3A_348 = arith.constant 7 : index
    %get3A_349 = arith.constant 0 : index
    %get3A_350 = arith.constant 0 : index
    %get3A_351 = vector.load %arg2[%get3A_347, %get3A_348, %get3A_349, %get3A_350] : memref<1x12x208x1xf32, #tpu.memory_space<vmem>>, vector<1x1x208x1xf32>
    %get3A_352 = vector.shape_cast %get3A_351 : vector<1x1x208x1xf32> to vector<208x1xf32>
    %mul3A_353 = vector.broadcast %get3A_346 : vector<208x1xf32> to vector<208x1035xf32>
    %mul3A_354 = vector.broadcast %get3A_14 : vector<1x1035xf32> to vector<208x1035xf32>
    %mul3A_355 = arith.mulf %mul3A_353, %mul3A_354 : vector<208x1035xf32>
    %mul3A_356 = vector.broadcast %get3A_352 : vector<208x1xf32> to vector<208x1035xf32>
    %mul3A_357 = vector.broadcast %get3A_17 : vector<1x1035xf32> to vector<208x1035xf32>
    %mul3A_358 = arith.mulf %mul3A_356, %mul3A_357 : vector<208x1035xf32>
    %add3A_359 = arith.addf %mul3A_355, %mul3A_358 : vector<208x1035xf32>
    %add3A_360 = vector.broadcast %get3A_26 : vector<1x1035xf32> to vector<208x1035xf32>
    %add3A_361 = arith.addf %add3A_359, %add3A_360 : vector<208x1035xf32>
    %mul3A_362 = vector.broadcast %get3A_346 : vector<208x1xf32> to vector<208x1035xf32>
    %mul3A_363 = vector.broadcast %get3A_20 : vector<1x1035xf32> to vector<208x1035xf32>
    %mul3A_364 = arith.mulf %mul3A_362, %mul3A_363 : vector<208x1035xf32>
    %mul3A_365 = vector.broadcast %get3A_352 : vector<208x1xf32> to vector<208x1035xf32>
    %mul3A_366 = vector.broadcast %get3A_23 : vector<1x1035xf32> to vector<208x1035xf32>
    %mul3A_367 = arith.mulf %mul3A_365, %mul3A_366 : vector<208x1035xf32>
    %add3A_368 = arith.addf %mul3A_364, %mul3A_367 : vector<208x1035xf32>
    %add3A_369 = vector.broadcast %get3A_29 : vector<1x1035xf32> to vector<208x1035xf32>
    %add3A_370 = arith.addf %add3A_368, %add3A_369 : vector<208x1035xf32>
    %logistic3A_371 = arith.negf %add3A_361 : vector<208x1035xf32>
    %logistic3A_372 = math.exp %logistic3A_371 : vector<208x1035xf32>
    %logistic3A_373 = arith.constant 1.000000e+00 : f32
    %logistic3A_374 = vector.broadcast %logistic3A_373 : f32 to vector<208x1035xf32>
    %logistic3A_375 = arith.addf %logistic3A_374, %logistic3A_372 : vector<208x1035xf32>
    %logistic3A_376 = arith.divf %logistic3A_374, %logistic3A_375 : vector<208x1035xf32>
    %sub3A_377 = arith.constant 1.000000e+00 : f32
    %sub3A_378 = vector.broadcast %sub3A_377 : f32 to vector<208x1035xf32>
    %sub3A_379 = arith.subf %sub3A_378, %logistic3A_376 : vector<208x1035xf32>
    %tanh3A_380 = math.tanh %add3A_370 : vector<208x1035xf32>
    %mul3A_381 = arith.mulf %sub3A_379, %tanh3A_380 : vector<208x1035xf32>
    %slice3A_382 = vector.extract_strided_slice %div3A_11 {offsets = [0, 7], sizes = [1, 1], strides = [1, 1]} : vector<1x12xf32> to vector<1x1xf32>
    %mul3A_383 = vector.broadcast %slice3A_382 : vector<1x1xf32> to vector<208x1035xf32>
    %mul3A_384 = arith.mulf %mul3A_383, %mul3A_381 : vector<208x1035xf32>
    %add3A_385 = arith.addf %add3A_340, %mul3A_384 : vector<208x1035xf32>
    %get3A_386 = arith.constant 0 : index
    %get3A_387 = arith.constant 8 : index
    %get3A_388 = arith.constant 0 : index
    %get3A_389 = arith.constant 0 : index
    %get3A_390 = vector.load %arg1[%get3A_386, %get3A_387, %get3A_388, %get3A_389] : memref<1x12x208x1xf32, #tpu.memory_space<vmem>>, vector<1x1x208x1xf32>
    %get3A_391 = vector.shape_cast %get3A_390 : vector<1x1x208x1xf32> to vector<208x1xf32>
    %get3A_392 = arith.constant 0 : index
    %get3A_393 = arith.constant 8 : index
    %get3A_394 = arith.constant 0 : index
    %get3A_395 = arith.constant 0 : index
    %get3A_396 = vector.load %arg2[%get3A_392, %get3A_393, %get3A_394, %get3A_395] : memref<1x12x208x1xf32, #tpu.memory_space<vmem>>, vector<1x1x208x1xf32>
    %get3A_397 = vector.shape_cast %get3A_396 : vector<1x1x208x1xf32> to vector<208x1xf32>
    %mul3A_398 = vector.broadcast %get3A_391 : vector<208x1xf32> to vector<208x1035xf32>
    %mul3A_399 = vector.broadcast %get3A_14 : vector<1x1035xf32> to vector<208x1035xf32>
    %mul3A_400 = arith.mulf %mul3A_398, %mul3A_399 : vector<208x1035xf32>
    %mul3A_401 = vector.broadcast %get3A_397 : vector<208x1xf32> to vector<208x1035xf32>
    %mul3A_402 = vector.broadcast %get3A_17 : vector<1x1035xf32> to vector<208x1035xf32>
    %mul3A_403 = arith.mulf %mul3A_401, %mul3A_402 : vector<208x1035xf32>
    %add3A_404 = arith.addf %mul3A_400, %mul3A_403 : vector<208x1035xf32>
    %add3A_405 = vector.broadcast %get3A_26 : vector<1x1035xf32> to vector<208x1035xf32>
    %add3A_406 = arith.addf %add3A_404, %add3A_405 : vector<208x1035xf32>
    %mul3A_407 = vector.broadcast %get3A_391 : vector<208x1xf32> to vector<208x1035xf32>
    %mul3A_408 = vector.broadcast %get3A_20 : vector<1x1035xf32> to vector<208x1035xf32>
    %mul3A_409 = arith.mulf %mul3A_407, %mul3A_408 : vector<208x1035xf32>
    %mul3A_410 = vector.broadcast %get3A_397 : vector<208x1xf32> to vector<208x1035xf32>
    %mul3A_411 = vector.broadcast %get3A_23 : vector<1x1035xf32> to vector<208x1035xf32>
    %mul3A_412 = arith.mulf %mul3A_410, %mul3A_411 : vector<208x1035xf32>
    %add3A_413 = arith.addf %mul3A_409, %mul3A_412 : vector<208x1035xf32>
    %add3A_414 = vector.broadcast %get3A_29 : vector<1x1035xf32> to vector<208x1035xf32>
    %add3A_415 = arith.addf %add3A_413, %add3A_414 : vector<208x1035xf32>
    %logistic3A_416 = arith.negf %add3A_406 : vector<208x1035xf32>
    %logistic3A_417 = math.exp %logistic3A_416 : vector<208x1035xf32>
    %logistic3A_418 = arith.constant 1.000000e+00 : f32
    %logistic3A_419 = vector.broadcast %logistic3A_418 : f32 to vector<208x1035xf32>
    %logistic3A_420 = arith.addf %logistic3A_419, %logistic3A_417 : vector<208x1035xf32>
    %logistic3A_421 = arith.divf %logistic3A_419, %logistic3A_420 : vector<208x1035xf32>
    %sub3A_422 = arith.constant 1.000000e+00 : f32
    %sub3A_423 = vector.broadcast %sub3A_422 : f32 to vector<208x1035xf32>
    %sub3A_424 = arith.subf %sub3A_423, %logistic3A_421 : vector<208x1035xf32>
    %tanh3A_425 = math.tanh %add3A_415 : vector<208x1035xf32>
    %mul3A_426 = arith.mulf %sub3A_424, %tanh3A_425 : vector<208x1035xf32>
    %slice3A_427 = vector.extract_strided_slice %div3A_11 {offsets = [0, 8], sizes = [1, 1], strides = [1, 1]} : vector<1x12xf32> to vector<1x1xf32>
    %mul3A_428 = vector.broadcast %slice3A_427 : vector<1x1xf32> to vector<208x1035xf32>
    %mul3A_429 = arith.mulf %mul3A_428, %mul3A_426 : vector<208x1035xf32>
    %add3A_430 = arith.addf %add3A_385, %mul3A_429 : vector<208x1035xf32>
    %get3A_431 = arith.constant 0 : index
    %get3A_432 = arith.constant 9 : index
    %get3A_433 = arith.constant 0 : index
    %get3A_434 = arith.constant 0 : index
    %get3A_435 = vector.load %arg1[%get3A_431, %get3A_432, %get3A_433, %get3A_434] : memref<1x12x208x1xf32, #tpu.memory_space<vmem>>, vector<1x1x208x1xf32>
    %get3A_436 = vector.shape_cast %get3A_435 : vector<1x1x208x1xf32> to vector<208x1xf32>
    %get3A_437 = arith.constant 0 : index
    %get3A_438 = arith.constant 9 : index
    %get3A_439 = arith.constant 0 : index
    %get3A_440 = arith.constant 0 : index
    %get3A_441 = vector.load %arg2[%get3A_437, %get3A_438, %get3A_439, %get3A_440] : memref<1x12x208x1xf32, #tpu.memory_space<vmem>>, vector<1x1x208x1xf32>
    %get3A_442 = vector.shape_cast %get3A_441 : vector<1x1x208x1xf32> to vector<208x1xf32>
    %mul3A_443 = vector.broadcast %get3A_436 : vector<208x1xf32> to vector<208x1035xf32>
    %mul3A_444 = vector.broadcast %get3A_14 : vector<1x1035xf32> to vector<208x1035xf32>
    %mul3A_445 = arith.mulf %mul3A_443, %mul3A_444 : vector<208x1035xf32>
    %mul3A_446 = vector.broadcast %get3A_442 : vector<208x1xf32> to vector<208x1035xf32>
    %mul3A_447 = vector.broadcast %get3A_17 : vector<1x1035xf32> to vector<208x1035xf32>
    %mul3A_448 = arith.mulf %mul3A_446, %mul3A_447 : vector<208x1035xf32>
    %add3A_449 = arith.addf %mul3A_445, %mul3A_448 : vector<208x1035xf32>
    %add3A_450 = vector.broadcast %get3A_26 : vector<1x1035xf32> to vector<208x1035xf32>
    %add3A_451 = arith.addf %add3A_449, %add3A_450 : vector<208x1035xf32>
    %mul3A_452 = vector.broadcast %get3A_436 : vector<208x1xf32> to vector<208x1035xf32>
    %mul3A_453 = vector.broadcast %get3A_20 : vector<1x1035xf32> to vector<208x1035xf32>
    %mul3A_454 = arith.mulf %mul3A_452, %mul3A_453 : vector<208x1035xf32>
    %mul3A_455 = vector.broadcast %get3A_442 : vector<208x1xf32> to vector<208x1035xf32>
    %mul3A_456 = vector.broadcast %get3A_23 : vector<1x1035xf32> to vector<208x1035xf32>
    %mul3A_457 = arith.mulf %mul3A_455, %mul3A_456 : vector<208x1035xf32>
    %add3A_458 = arith.addf %mul3A_454, %mul3A_457 : vector<208x1035xf32>
    %add3A_459 = vector.broadcast %get3A_29 : vector<1x1035xf32> to vector<208x1035xf32>
    %add3A_460 = arith.addf %add3A_458, %add3A_459 : vector<208x1035xf32>
    %logistic3A_461 = arith.negf %add3A_451 : vector<208x1035xf32>
    %logistic3A_462 = math.exp %logistic3A_461 : vector<208x1035xf32>
    %logistic3A_463 = arith.constant 1.000000e+00 : f32
    %logistic3A_464 = vector.broadcast %logistic3A_463 : f32 to vector<208x1035xf32>
    %logistic3A_465 = arith.addf %logistic3A_464, %logistic3A_462 : vector<208x1035xf32>
    %logistic3A_466 = arith.divf %logistic3A_464, %logistic3A_465 : vector<208x1035xf32>
    %sub3A_467 = arith.constant 1.000000e+00 : f32
    %sub3A_468 = vector.broadcast %sub3A_467 : f32 to vector<208x1035xf32>
    %sub3A_469 = arith.subf %sub3A_468, %logistic3A_466 : vector<208x1035xf32>
    %tanh3A_470 = math.tanh %add3A_460 : vector<208x1035xf32>
    %mul3A_471 = arith.mulf %sub3A_469, %tanh3A_470 : vector<208x1035xf32>
    %slice3A_472 = vector.extract_strided_slice %div3A_11 {offsets = [0, 9], sizes = [1, 1], strides = [1, 1]} : vector<1x12xf32> to vector<1x1xf32>
    %mul3A_473 = vector.broadcast %slice3A_472 : vector<1x1xf32> to vector<208x1035xf32>
    %mul3A_474 = arith.mulf %mul3A_473, %mul3A_471 : vector<208x1035xf32>
    %add3A_475 = arith.addf %add3A_430, %mul3A_474 : vector<208x1035xf32>
    %get3A_476 = arith.constant 0 : index
    %get3A_477 = arith.constant 10 : index
    %get3A_478 = arith.constant 0 : index
    %get3A_479 = arith.constant 0 : index
    %get3A_480 = vector.load %arg1[%get3A_476, %get3A_477, %get3A_478, %get3A_479] : memref<1x12x208x1xf32, #tpu.memory_space<vmem>>, vector<1x1x208x1xf32>
    %get3A_481 = vector.shape_cast %get3A_480 : vector<1x1x208x1xf32> to vector<208x1xf32>
    %get3A_482 = arith.constant 0 : index
    %get3A_483 = arith.constant 10 : index
    %get3A_484 = arith.constant 0 : index
    %get3A_485 = arith.constant 0 : index
    %get3A_486 = vector.load %arg2[%get3A_482, %get3A_483, %get3A_484, %get3A_485] : memref<1x12x208x1xf32, #tpu.memory_space<vmem>>, vector<1x1x208x1xf32>
    %get3A_487 = vector.shape_cast %get3A_486 : vector<1x1x208x1xf32> to vector<208x1xf32>
    %mul3A_488 = vector.broadcast %get3A_481 : vector<208x1xf32> to vector<208x1035xf32>
    %mul3A_489 = vector.broadcast %get3A_14 : vector<1x1035xf32> to vector<208x1035xf32>
    %mul3A_490 = arith.mulf %mul3A_488, %mul3A_489 : vector<208x1035xf32>
    %mul3A_491 = vector.broadcast %get3A_487 : vector<208x1xf32> to vector<208x1035xf32>
    %mul3A_492 = vector.broadcast %get3A_17 : vector<1x1035xf32> to vector<208x1035xf32>
    %mul3A_493 = arith.mulf %mul3A_491, %mul3A_492 : vector<208x1035xf32>
    %add3A_494 = arith.addf %mul3A_490, %mul3A_493 : vector<208x1035xf32>
    %add3A_495 = vector.broadcast %get3A_26 : vector<1x1035xf32> to vector<208x1035xf32>
    %add3A_496 = arith.addf %add3A_494, %add3A_495 : vector<208x1035xf32>
    %mul3A_497 = vector.broadcast %get3A_481 : vector<208x1xf32> to vector<208x1035xf32>
    %mul3A_498 = vector.broadcast %get3A_20 : vector<1x1035xf32> to vector<208x1035xf32>
    %mul3A_499 = arith.mulf %mul3A_497, %mul3A_498 : vector<208x1035xf32>
    %mul3A_500 = vector.broadcast %get3A_487 : vector<208x1xf32> to vector<208x1035xf32>
    %mul3A_501 = vector.broadcast %get3A_23 : vector<1x1035xf32> to vector<208x1035xf32>
    %mul3A_502 = arith.mulf %mul3A_500, %mul3A_501 : vector<208x1035xf32>
    %add3A_503 = arith.addf %mul3A_499, %mul3A_502 : vector<208x1035xf32>
    %add3A_504 = vector.broadcast %get3A_29 : vector<1x1035xf32> to vector<208x1035xf32>
    %add3A_505 = arith.addf %add3A_503, %add3A_504 : vector<208x1035xf32>
    %logistic3A_506 = arith.negf %add3A_496 : vector<208x1035xf32>
    %logistic3A_507 = math.exp %logistic3A_506 : vector<208x1035xf32>
    %logistic3A_508 = arith.constant 1.000000e+00 : f32
    %logistic3A_509 = vector.broadcast %logistic3A_508 : f32 to vector<208x1035xf32>
    %logistic3A_510 = arith.addf %logistic3A_509, %logistic3A_507 : vector<208x1035xf32>
    %logistic3A_511 = arith.divf %logistic3A_509, %logistic3A_510 : vector<208x1035xf32>
    %sub3A_512 = arith.constant 1.000000e+00 : f32
    %sub3A_513 = vector.broadcast %sub3A_512 : f32 to vector<208x1035xf32>
    %sub3A_514 = arith.subf %sub3A_513, %logistic3A_511 : vector<208x1035xf32>
    %tanh3A_515 = math.tanh %add3A_505 : vector<208x1035xf32>
    %mul3A_516 = arith.mulf %sub3A_514, %tanh3A_515 : vector<208x1035xf32>
    %slice3A_517 = vector.extract_strided_slice %div3A_11 {offsets = [0, 10], sizes = [1, 1], strides = [1, 1]} : vector<1x12xf32> to vector<1x1xf32>
    %mul3A_518 = vector.broadcast %slice3A_517 : vector<1x1xf32> to vector<208x1035xf32>
    %mul3A_519 = arith.mulf %mul3A_518, %mul3A_516 : vector<208x1035xf32>
    %add3A_520 = arith.addf %add3A_475, %mul3A_519 : vector<208x1035xf32>
    %get3A_521 = arith.constant 0 : index
    %get3A_522 = arith.constant 11 : index
    %get3A_523 = arith.constant 0 : index
    %get3A_524 = arith.constant 0 : index
    %get3A_525 = vector.load %arg1[%get3A_521, %get3A_522, %get3A_523, %get3A_524] : memref<1x12x208x1xf32, #tpu.memory_space<vmem>>, vector<1x1x208x1xf32>
    %get3A_526 = vector.shape_cast %get3A_525 : vector<1x1x208x1xf32> to vector<208x1xf32>
    %get3A_527 = arith.constant 0 : index
    %get3A_528 = arith.constant 11 : index
    %get3A_529 = arith.constant 0 : index
    %get3A_530 = arith.constant 0 : index
    %get3A_531 = vector.load %arg2[%get3A_527, %get3A_528, %get3A_529, %get3A_530] : memref<1x12x208x1xf32, #tpu.memory_space<vmem>>, vector<1x1x208x1xf32>
    %get3A_532 = vector.shape_cast %get3A_531 : vector<1x1x208x1xf32> to vector<208x1xf32>
    %mul3A_533 = vector.broadcast %get3A_526 : vector<208x1xf32> to vector<208x1035xf32>
    %mul3A_534 = vector.broadcast %get3A_14 : vector<1x1035xf32> to vector<208x1035xf32>
    %mul3A_535 = arith.mulf %mul3A_533, %mul3A_534 : vector<208x1035xf32>
    %mul3A_536 = vector.broadcast %get3A_532 : vector<208x1xf32> to vector<208x1035xf32>
    %mul3A_537 = vector.broadcast %get3A_17 : vector<1x1035xf32> to vector<208x1035xf32>
    %mul3A_538 = arith.mulf %mul3A_536, %mul3A_537 : vector<208x1035xf32>
    %add3A_539 = arith.addf %mul3A_535, %mul3A_538 : vector<208x1035xf32>
    %add3A_540 = vector.broadcast %get3A_26 : vector<1x1035xf32> to vector<208x1035xf32>
    %add3A_541 = arith.addf %add3A_539, %add3A_540 : vector<208x1035xf32>
    %mul3A_542 = vector.broadcast %get3A_526 : vector<208x1xf32> to vector<208x1035xf32>
    %mul3A_543 = vector.broadcast %get3A_20 : vector<1x1035xf32> to vector<208x1035xf32>
    %mul3A_544 = arith.mulf %mul3A_542, %mul3A_543 : vector<208x1035xf32>
    %mul3A_545 = vector.broadcast %get3A_532 : vector<208x1xf32> to vector<208x1035xf32>
    %mul3A_546 = vector.broadcast %get3A_23 : vector<1x1035xf32> to vector<208x1035xf32>
    %mul3A_547 = arith.mulf %mul3A_545, %mul3A_546 : vector<208x1035xf32>
    %add3A_548 = arith.addf %mul3A_544, %mul3A_547 : vector<208x1035xf32>
    %add3A_549 = vector.broadcast %get3A_29 : vector<1x1035xf32> to vector<208x1035xf32>
    %add3A_550 = arith.addf %add3A_548, %add3A_549 : vector<208x1035xf32>
    %logistic3A_551 = arith.negf %add3A_541 : vector<208x1035xf32>
    %logistic3A_552 = math.exp %logistic3A_551 : vector<208x1035xf32>
    %logistic3A_553 = arith.constant 1.000000e+00 : f32
    %logistic3A_554 = vector.broadcast %logistic3A_553 : f32 to vector<208x1035xf32>
    %logistic3A_555 = arith.addf %logistic3A_554, %logistic3A_552 : vector<208x1035xf32>
    %logistic3A_556 = arith.divf %logistic3A_554, %logistic3A_555 : vector<208x1035xf32>
    %sub3A_557 = arith.constant 1.000000e+00 : f32
    %sub3A_558 = vector.broadcast %sub3A_557 : f32 to vector<208x1035xf32>
    %sub3A_559 = arith.subf %sub3A_558, %logistic3A_556 : vector<208x1035xf32>
    %tanh3A_560 = math.tanh %add3A_550 : vector<208x1035xf32>
    %mul3A_561 = arith.mulf %sub3A_559, %tanh3A_560 : vector<208x1035xf32>
    %slice3A_562 = vector.extract_strided_slice %div3A_11 {offsets = [0, 11], sizes = [1, 1], strides = [1, 1]} : vector<1x12xf32> to vector<1x1xf32>
    %mul3A_563 = vector.broadcast %slice3A_562 : vector<1x1xf32> to vector<208x1035xf32>
    %mul3A_564 = arith.mulf %mul3A_563, %mul3A_561 : vector<208x1035xf32>
    %add3A_565 = arith.addf %add3A_520, %mul3A_564 : vector<208x1035xf32>
    %max3A = arith.constant 0.000000e+00 : f32
    %max3A_566 = vector.broadcast %max3A : f32 to vector<208x1035xf32>
    %max3A_567 = arith.maximumf %add3A_565, %max3A_566 : vector<208x1035xf32>
    %get3A_568 = arith.constant 0 : index
    %get3A_569 = arith.constant 0 : index
    %get3A_570 = vector.load %arg8[%get3A_568, %get3A_569] : memref<12x1035xf32, #tpu.memory_space<vmem>>, vector<12x1035xf32>
    %dot_general3A = arith.constant dense<0.000000e+00> : vector<208x12xf32>
    %dot_general3A_571 = tpu.matmul %max3A_567, %get3A_570, %dot_general3A {dimension_numbers = #tpu.dot_dimension_numbers<[1], [1], [0], [0], [0, 0, 1, 0], [], []>, precision = #tpu.contract_precision<fp32>, transpose_lhs_hint = false} : vector<208x1035xf32>, vector<12x1035xf32>, vector<208x12xf32> -> vector<208x12xf32>
    %get3A_572 = arith.constant 0 : index
    %get3A_573 = arith.constant 0 : index
    %get3A_574 = vector.load %arg9[%get3A_572, %get3A_573] : memref<1x12xf32, #tpu.memory_space<vmem>>, vector<1x12xf32>
    %add3A_575 = vector.broadcast %get3A_574 : vector<1x12xf32> to vector<208x12xf32>
    %add3A_576 = arith.addf %dot_general3A_571, %add3A_575 : vector<208x12xf32>
    %logistic3A_577 = arith.negf %add3A_576 : vector<208x12xf32>
    %logistic3A_578 = math.exp %logistic3A_577 : vector<208x12xf32>
    %logistic3A_579 = arith.constant 1.000000e+00 : f32
    %logistic3A_580 = vector.broadcast %logistic3A_579 : f32 to vector<208x12xf32>
    %logistic3A_581 = arith.addf %logistic3A_580, %logistic3A_578 : vector<208x12xf32>
    %logistic3A_582 = arith.divf %logistic3A_580, %logistic3A_581 : vector<208x12xf32>
    %swap3A = arith.constant 0 : index
    %swap3A_583 = arith.constant 0 : index
    %swap3A_584 = arith.constant 0 : index
    %swap3A_585 = vector.load %arg10[%swap3A, %swap3A_583, %swap3A_584] : memref<1x208x12xf32, #tpu.memory_space<vmem>>, vector<1x208x12xf32>
    %swap3A_586 = vector.shape_cast %swap3A_585 : vector<1x208x12xf32> to vector<208x12xf32>
    %swap3A_587 = vector.shape_cast %logistic3A_582 : vector<208x12xf32> to vector<1x208x12xf32>
    tpu.vector_store %arg10[%swap3A, %swap3A_583, %swap3A_584], %swap3A_587 {strides = array<i32>} : memref<1x208x12xf32, #tpu.memory_space<vmem>>, vector<1x208x12xf32>,
    return
  }
  func.func @transform_0(%arg0: i32) -> (i32, i32, i32, i32) {
    %c0_i32 = arith.constant 0 : i32
    %c0_i32_0 = arith.constant 0 : i32
    %c0_i32_1 = arith.constant 0 : i32
    %c0_i32_2 = arith.constant 0 : i32
    return %arg0, %c0_i32, %c0_i32_0, %c0_i32_1 : i32, i32, i32, i32
  }
  func.func @transform_1(%arg0: i32) -> (i32, i32, i32, i32) {
    %c0_i32 = arith.constant 0 : i32
    %c0_i32_0 = arith.constant 0 : i32
    %c0_i32_1 = arith.constant 0 : i32
    %c0_i32_2 = arith.constant 0 : i32
    return %arg0, %c0_i32, %c0_i32_0, %c0_i32_1 : i32, i32, i32, i32
  }
  func.func @transform_2(%arg0: i32) -> (i32, i32) {
    %c0_i32 = arith.constant 0 : i32
    %c0_i32_0 = arith.constant 0 : i32
    %c0_i32_1 = arith.constant 0 : i32
    return %c0_i32, %c0_i32_0 : i32, i32
  }
  func.func @transform_3(%arg0: i32) -> (i32, i32) {
    %c0_i32 = arith.constant 0 : i32
    %c0_i32_0 = arith.constant 0 : i32
    %c0_i32_1 = arith.constant 0 : i32
    return %c0_i32, %c0_i32_0 : i32, i32
  }
  func.func @transform_4(%arg0: i32) -> (i32, i32) {
    %c0_i32 = arith.constant 0 : i32
    %c0_i32_0 = arith.constant 0 : i32
    %c0_i32_1 = arith.constant 0 : i32
    return %c0_i32, %c0_i32_0 : i32, i32
  }
  func.func @transform_5(%arg0: i32) -> (i32, i32) {
    %c0_i32 = arith.constant 0 : i32
    %c0_i32_0 = arith.constant 0 : i32
    %c0_i32_1 = arith.constant 0 : i32
    return %c0_i32, %c0_i32_0 : i32, i32
  }
  func.func @transform_6(%arg0: i32) -> (i32, i32) {
    %c0_i32 = arith.constant 0 : i32
    %c0_i32_0 = arith.constant 0 : i32
    %c0_i32_1 = arith.constant 0 : i32
    return %c0_i32, %c0_i32_0 : i32, i32
  }
  func.func @transform_7(%arg0: i32) -> (i32, i32) {
    %c0_i32 = arith.constant 0 : i32
    %c0_i32_0 = arith.constant 0 : i32
    %c0_i32_1 = arith.constant 0 : i32
    return %c0_i32, %c0_i32_0 : i32, i32
  }
  func.func @transform_8(%arg0: i32) -> (i32, i32) {
    %c0_i32 = arith.constant 0 : i32
    %c0_i32_0 = arith.constant 0 : i32
    %c0_i32_1 = arith.constant 0 : i32
    return %c0_i32, %c0_i32_0 : i32, i32
  }
  func.func @transform_9(%arg0: i32) -> (i32, i32, i32) {
    %c0_i32 = arith.constant 0 : i32
    %c0_i32_0 = arith.constant 0 : i32
    %c0_i32_1 = arith.constant 0 : i32
    return %arg0, %c0_i32, %c0_i32_0 : i32, i32, i32
  }
}

</mosaic_0001>

<sc_bundles>
// kernel: kernel.7.cloned.1.call-start
scs
__scs_entry_jumppad:
0x0: {  	(pc) =	sbr.rel $0x88, $3  }
0x1: {  	(tag) =	ssettag $0x0;
	lr =	simm.s32 $0x1  }
0x2: {  	[smem:$0x3F94] =	sst lr;
	_ =	strace $0xD0000000  }
0x3: {  	_ = 	snop  }
0x4: {  	_ = 	snop  }
0x5: {  	_ = 	snop  }
0x6: {  	_ = 	snop  }
0x7: {  	_ = 	snop  }
__scs_overlays_trampoline_lowered:
0x8: {  	[smem:$0x3FA3] =	sst s0  }
0x9: {  	[smem:$0x3FA4] =	sst s1  }
0xa: {  	[smem:$0x3FA5] =	sst s2  }
0xb: {  	[smem:$0x3FA6] =	sst s3  }
0xc: {  	[smem:$0x3FA7] =	sst s4  }
0xd: {  	[smem:$0x3FA8] =	sst s5  }
0xe: {  	[smem:$0x3FA9] =	sst s6  }
0xf: {  	[smem:$0x3FAA] =	sst s7  }
0x10: {  	[smem:$0x3FAB] =	sst s8  }
0x11: {  	[smem:$0x3FAC] =	sst s9;
	s0 =	simm.s32 @!p0 $0x0  }
0x12: {  	s1 =	sld [smem:$0x3F92];
	s0 =	simm.s32 @p0 $0x1  }
0x13: {  	[smem:$0x3FAD] =	sst s0;
	s0 =	simm.s32 @!p1 $0x0  }
0x14: {  	s2 =	sld [smem:$0x3F91];
	s0 =	simm.s32 @p1 $0x1  }
0x15: {  	[smem:$0x3FAE] =	sst s0;
	s0 =	simm.s32 @!p2 $0x0  }
0x16: {  	s3 =	sld [smem:$0x3FDB];
	s0 =	simm.s32 @p2 $0x1  }
0x17: {  	s4 =	simm.s32 $0x1BF5;
	[smem:$0x3FB0] =	sst s0  }
0x18: {  	s0 =	sld [smem:$0x3F93];
	_ =	swait.ge [sflag:s4], $0x0  }
0x19: {  	s7 =	sld [smem:$0x3F94]  }
0x1a: {  	s8 =	sadd.s32 $0xFFFFE003, lr  }
0x1b: {  	s9 =	sadd.s32 $0xFFFFFEF7, lr;
	s5 =	simm.s32 $0xFFFFFFFF;
	p2 =	slt.u32 s8, $0xFFFFF086  }
0x1c: {  	p1 =	slt.u32 s9, $0xF7A;
	s5 =	simm.s32 @!p2 $0x0  }
0x1d: {  	s5 =	simm.s32 @p1 $0x1;
	p0 =	seq.s32 s7, s2  }
0x1e: {  	s7 =	smul.u32 @!p0 $0xF7A, s2;
	p2 =	seq.s32 @!p0 s5, $0x0  }
0x1f: {  	s9 =	smul.u32 $0xF7A, s1;
	s8 =	simm.s32 @!p0 $0x1BF5;
	p2 =	por !p2, p0  }
0x20: {  	[sflag:s8] =	ssyncset.s32 @!p0 $0xFFFFF086;
	s6 =	sadd.s32 @!p0 s3, s7;
	s7 =	simm.s32 @!p0 $0x108  }
0x21: {  	s3 =	sadd.s32 s3, s9;
	s6 =	sadd.s32 @!p0 $0x88, s6;
	s7 =	simm.s32 @p2 $0x1082  }
0x22: {  	[simem:s7], [sflag:s8] =	dma.local @!p0 [hbm:s6], $0xF7A  }
0x23: {  	s9 =	sor.u32 $0xD0000000, s2;
	s6 =	simm.s32 $0x108;
	_ =	swait.ge @!p0 [sflag:s8], $0x0  }
0x24: {  	s3 =	sadd.s32 $0x88, s3;
	s6 =	simm.s32 @!p1 $0x1082;
	[sflag:s4] =	ssyncset.s32 $0xFFFFF086  }
0x25: {  	[simem:s6], [sflag:s4] =	dma.local [hbm:s3], $0xF7A  }
0x26: {  	[smem:$0x3F94] =	sst s1;
	(tag) =	ssettag s2;
	_ =	strace s9  }
0x27: {  	s1 =	sld [smem:$0x3FA4]  }
0x28: {  	s2 =	sld [smem:$0x3FA5]  }
0x29: {  	s4 =	sld [smem:$0x3FA7]  }
0x2a: {  	p0 =	seq.s32 s5, $0x0;
	s5 =	sld [smem:$0x3FA8]  }
0x2b: {  	s6 =	sld [smem:$0x3FA9]  }
0x2c: {  	s7 =	sld [smem:$0x3FAA]  }
0x2d: {  	s3 =	simm.s32 $0x108;
	s8 =	sld [smem:$0x3FAB]  }
0x2e: {  	s3 =	simm.s32 @!p0 $0x1082;
	s9 =	sld [smem:$0x3FAC]  }
0x2f: {  	lr =	sadd.s32 s0, s3;
	s0 =	sld [smem:$0x3FA3]  }
0x30: {  	s3 =	sld [smem:$0x3FA6]  }
0x31: {  	[smem:$0x3FAF] =	sst s10  }
0x32: {  	s10 =	sld [smem:$0x3FAD];
	_ =	sdelay $0x3  }
0x33: {  	p0 =	seq.s32 s10, $0x1;
	s10 =	sld [smem:$0x3FAF];
	_ =	sdelay $0x3  }
0x34: {  	[smem:$0x3FAF] =	sst s10  }
0x35: {  	s10 =	sld [smem:$0x3FAE];
	_ =	sdelay $0x3  }
0x36: {  	p1 =	seq.s32 s10, $0x1;
	s10 =	sld [smem:$0x3FAF];
	_ =	sdelay $0x3  }
0x37: {  	[smem:$0x3FAF] =	sst s10  }
0x38: {  	s10 =	sld [smem:$0x3FB0]  }
0x39: {  	_ = 	snop;
	(pc) =	sbr.ind lr, $3  }
0x3a: {  	_ = 	snop  }
0x3b: {  	_ = 	snop  }
0x3c: {  	p2 =	seq.s32 s10, $0x1;
	s10 =	sld [smem:$0x3FAF]  }
0x3d: {  	_ =	shalt  }
0x3e: {  	_ =	shalt  }
0x3f: {  	_ =	shalt  }
0x40: {  	_ =	shalt  }
0x41: {  	_ =	shalt  }
0x42: {  	_ =	shalt  }
0x43: {  	_ =	shalt  }
0x44: {  	_ =	shalt  }
0x45: {  	_ =	shalt  }
0x46: {  	_ =	shalt  }
0x47: {  	_ =	shalt  }
0x48: {  	_ =	shalt  }
0x49: {  	_ =	shalt  }
0x4a: {  	_ =	shalt  }
0x4b: {  	_ =	shalt  }
0x4c: {  	_ =	shalt  }
0x4d: {  	_ =	shalt  }
0x4e: {  	_ =	shalt  }
0x4f: {  	_ =	shalt  }
0x50: {  	_ =	shalt  }
0x51: {  	_ =	shalt  }
0x52: {  	_ =	shalt  }
0x53: {  	_ =	shalt  }
0x54: {  	_ =	shalt  }
0x55: {  	_ =	shalt  }
0x56: {  	_ =	shalt  }
0x57: {  	_ =	shalt  }
0x58: {  	_ =	shalt  }
0x59: {  	_ =	shalt  }
0x5a: {  	_ =	shalt  }
0x5b: {  	_ =	shalt  }
0x5c: {  	_ =	shalt  }
0x5d: {  	_ =	shalt  }
0x5e: {  	_ =	shalt  }
0x5f: {  	_ =	shalt  }
0x60: {  	_ =	shalt  }
0x61: {  	_ =	shalt  }
0x62: {  	_ =	shalt  }
0x63: {  	_ =	shalt  }
0x64: {  	_ =	shalt  }
0x65: {  	_ =	shalt  }
0x66: {  	_ =	shalt  }
0x67: {  	_ =	shalt  }
0x68: {  	_ =	shalt  }
0x69: {  	_ =	shalt  }
0x6a: {  	_ =	shalt  }
0x6b: {  	_ =	shalt  }
0x6c: {  	_ =	shalt  }
0x6d: {  	_ =	shalt  }
0x6e: {  	_ =	shalt  }
0x6f: {  	_ =	shalt  }
0x70: {  	_ =	shalt  }
0x71: {  	_ =	shalt  }
0x72: {  	_ =	shalt  }
0x73: {  	_ =	shalt  }
0x74: {  	_ =	shalt  }
0x75: {  	_ =	shalt  }
0x76: {  	_ =	shalt  }
0x77: {  	_ =	shalt  }
0x78: {  	_ =	shalt  }
0x79: {  	_ =	shalt  }
0x7a: {  	_ =	shalt  }
0x7b: {  	_ =	shalt  }
0x7c: {  	_ =	shalt  }
0x7d: {  	_ =	shalt  }
0x7e: {  	_ =	shalt  }
0x7f: {  	_ =	shalt  }
0x80: {  	_ =	shalt  }
0x81: {  	_ =	shalt  }
0x82: {  	_ =	shalt  }
0x83: {  	_ =	shalt  }
0x84: {  	_ =	shalt  }
0x85: {  	_ =	shalt  }
0x86: {  	_ =	shalt  }
0x87: {  	_ =	shalt  }
.Lfunc_end0:
.L_simem_size_0:
called_computation_lowered:
.L_overlay_start_0:
0x88: {  	s2 =	sld [smem:$0x3FD9]  }
0x89: {  	s3 =	sld [smem:$0x3FFE];
	_ =	sdelay $0x1  }
0x8a: {  	s1 =	srdreg.scid  }
0x8b: {  	s0 =	sand.u32 $0x1, s1  }
0x8c: {  	s17 =	sshll.u32 s0, $0xA;
	s2 =	sadd.s32 s3, s2  }
0x8d: {  	s2 =	sadd.s32 s2, s17  }
0x8e: {  	[smem:$0x3FBB] =	sst s2  }
0x8f: {  	_ = 	snop  }
0x90: {  	s2 =	sld [smem:$0x3FD0];
	(tm) =	ssettm $0x1  }
0x91: {  	s18 =	sld [smem:$0x3FFB];
	_ =	sdelay $0x3  }
0x92: {  	_ =	strace s18  }
0x93: {  	s3 =	sld [smem:$0x3FFC];
	_ =	sdelay $0x3  }
0x94: {  	_ =	strace s3  }
0x95: {  	s3 =	sld [smem:$0x3FFD];
	_ =	sdelay $0x3  }
0x96: {  	_ =	strace s3  }
0x97: {  	_ =	strace $0x8FFFFFFF  }
0x98: {  	s19 =	sld [smem:$0x3FDB];
	_ =	sdelay $0x1  }
0x99: {  	s4 =	simm.s32 $_scs_section_size  }
0x9a: {  	s5 =	simm.s32 $_size__tile_overlayer_lowered;
	s6 =	simm.s32 $_tile_overlayer_lowered  }
0x9b: {  	s22 =	simm.s32 $0x1BFF;
	s21 =	sshll.u32 s6, $0x1;
	s3 =	sadd.s32 s4, s19  }
0x9c: {  	s7 =	simm.s32 $0x0;
	s20 =	sshll.u32 s5, $0x1;
	s5 =	sadd.s32 s21, s3  }
0x9d: {  	[timem:s7], [sflag:s22] =	dma.local [hbm:s5], s20  }
0x9e: {  	_ =	swait.ge [sflag:s22], s20  }
0x9f: {  	s4 =	ssub.s32 $0x0, s20;
	[sflag:s22] =	ssyncset.done $0x0  }
0xa0: {  	[sflag:s22] =	ssyncadd.s32 s4;
	_ =	sdelay $0x1  }
0xa1: {  	s23 =	simm.s32 $0x1B8B  }
0xa2: {  	_ =	swait.ge [sflag:s23], $0x1  }
0xa3: {  	[sflag:s23] =	ssyncset.done $0x0  }
0xa4: {  	s25 =	simm.s32 $0x1B8E;
	s24 =	sld [smem:$0x3FFE];
	[sflag:s23] =	ssyncadd.s32 $0xFFFFFFFF  }
0xa5: {  	s26 =	simm.s32 $execute0_lowered;
	[smem:$0x3FD2] =	sst s25  }
0xa6: {  	s5 =	sshll.u32 s26, $0x1;
	_ =	strace $0x80000046;
	[dreg:$0x1] =	wrdreg $0xFFFFFFFF  }
0xa7: {  	s28 =	simm.s32 $_size_execute0_lowered;
	s3 =	sadd.s32 s3, s5;
	[dreg:$0x0] =	wrdreg $0x0  }
0xa8: {  	s5 =	sshll.u32 s28, $0x1;
	[dreg:$0x2] =	wrdreg s3  }
0xa9: {  	[dreg:$0x3] =	wrdreg s5  }
0xaa: {  	[dreg:$0x4] =	wrdreg $0xC0  }
0xab: {  	_ =	task [dreg:s7], $0x5FFFF  }
0xac: {  	[dreg:$0x1] =	wrdreg $0xFFFFFFFF  }
0xad: {  	[dreg:$0x0] =	wrdreg $0x60  }
0xae: {  	[dreg:$0x2] =	wrdreg s2  }
0xaf: {  	[dreg:$0x3] =	wrdreg s24  }
0xb0: {  	[dreg:$0x4] =	wrdreg $0x9  }
0xb1: {  	_ =	task.clear_ibuf [dreg:s7], $0x5FFFF;
	_ =	strace $0x90000046  }
0xb2: {  	s29 =	simm.s32 $0x9;
	_ =	strace $0x80000048  }
0xb3: {  	_ =	swait.ge [sflag:s29], $0x1  }
0xb4: {  	[sflag:s29] =	ssyncadd.s32 $0xFFFFFFFF  }
0xb5: {  	_ =	strace $0x90000048  }
0xb6: {  	_ =	sfence  }
0xb7: {  	s30 =	sld [smem:$0x0];
	_ =	sdelay $0x2  }
0xb8: {  	s31 =	sshll.u32 s1, $0xD;
	s1 =	sshrl.u32 s1, $0x2  }
0xb9: {  	s3 =	sand.u32 $0x4000, s31;
	s1 =	sadd.s32 s1, s30  }
0xba: {  	s0 =	sor.u32 s3, s0;
	s1 =	sshll.u32 s1, $0x11  }
0xbb: {  	s0 =	sor.u32 s1, s0  }
0xbc: {  	s0 =	sadd.s32 $0x8F2B, s0  }
0xbd: {  	[sflag:s0] =	ssyncadd.remote.s32 $0x1  }
0xbe: {  	_ =	sfence.sel $0xFFFF  }
0xbf: {  	[dreg:$0x0] =	wrdreg $0xFFFFFFFF;
	(pc) =	sbr.abs _section_cstart, $3  }
0xc0: {  	[dreg:$0x1] =	wrdreg $0xFFFFFFFF  }
0xc1: {  	_ =	task.clear_ibuf [dreg:s7], $0x2FFFF;
	_ =	strace $0x9FFFFFFF  }
0xc2: {  	(tm) =	ssettm $0x7FFFFFFF  }
0xc3: {  	_ =	shalt  }
tec
execute0_lowered:
.L_overlay_start_1:
0x0: {  	(tag) =	ssettag $0x1  }
0x1: {  	s0 =	srdreg.scid  }
0x2: {  	s3 =	sand.u32 $0x1, s0  }
0x3: {  	s0 =	smul.u32 $0xD0, s3;
	_ =	sdelay $0x1  }
0x4: {  	v16 =	vlaneseq.u32;
	v1 =	vmov s0  }
0x5: {  	[tilespmem:$0x1FEA0] =	vst v1;
	v1 =	vand.u32 $0x7, v16  }
0x6: {  	[tilespmem:$0x1FEB0] =	vst v1;
	v1 =	vshrl.u32 v16, $0x3  }
0x7: {  	v1 =	vmul.u32 $0x8, v1;
	_ =	sdelay $0x1  }
0x8: {  	s5 =	rddreg [dreg:$0x0];
	s1 =	simm.s32 $0x0;
	[tilespmem:$0x1FEC0] =	vst v1;
	v1 =	vor.u32 $0x8, v16  }
0x9: {  	[smem:$0x7FF] =	sst s1;
	v25 =	vor.u32 $0x490, v16;
	[tilespmem:$0x1FED0] =	vst v1  }
0xa: {  	s6 =	rddreg [dreg:$0x1];
	v26 =	vor.u32 $0x4A0, v16;
	_ =	strace $0x80000047;
	[tilespmem:$0x1FEE0] =	vst v25  }
0xb: {  	v27 =	vor.u32 $0x4B0, v16;
	[tilespmem:$0x1FEF0] =	vst v26  }
0xc: {  	v28 =	vor.u32 $0x4C0, v16;
	[tilespmem:$0x1FF00] =	vst v27  }
0xd: {  	v29 =	vor.u32 $0x4D0, v16;
	[tilespmem:$0x1FF10] =	vst v28  }
0xe: {  	v30 =	vor.u32 $0x4E0, v16;
	[tilespmem:$0x1FF20] =	vst v29  }
0xf: {  	s13 =	simm.s32 $0x900;
	s14 =	simm.s32 $0x1100;
	s15 =	simm.s32 $0x1900;
	v31 =	vor.u32 $0x4F0, v16;
	[tilespmem:$0x1FF30] =	vst v30  }
0x10: {  	vm0 =	vmmov $0xffff;
	s16 =	simm.s32 $0x2100;
	s17 =	simm.s32 $0x2900;
	s18 =	simm.s32 $0x3100;
	v34 =	vor.u32 $0x10, v16;
	v32 =	vor.u32 $0x100, v16;
	[tilespmem:$0x1FF40] =	vst v31  }
0x11: {  	s19 =	simm.s32 $0x3900;
	s20 =	simm.s32 $0x4100;
	v6 =	vor.u32 $0x20, v16;
	v7 =	vor.u32 $0x30, v16;
	v33 =	vor.u32 $0x110, v16;
	[tilespmem:$0x1FF50] =	vst v32  }
0x12: {  	s21 =	simm.s32 $0x4900;
	s22 =	simm.s32 $0x5100;
	v8 =	vor.u32 $0x40, v16;
	v9 =	vor.u32 $0x50, v16;
	v35 =	vor.u32 $0x120, v16;
	[tilespmem:$0x1FF60] =	vst v33  }
0x13: {  	s2 =	stileid.u32;
	s23 =	simm.s32 $0x5900;
	s24 =	simm.s32 $0x6100;
	v10 =	vor.u32 $0x60, v16;
	v11 =	vor.u32 $0x70, v16;
	v36 =	vor.u32 $0x130, v16;
	[tilespmem:$0x1FF70] =	vst v35  }
0x14: {  	s12 =	simm.s32 $0x100;
	s25 =	simm.s32 $0x6900;
	s26 =	simm.s32 $0x7100;
	v12 =	vor.u32 $0x400, v16;
	v13 =	vor.u32 $0x410, v16;
	v37 =	vor.u32 $0x140, v16;
	[tilespmem:$0x1FF80] =	vst v36  }
0x15: {  	s28 =	simm.s32 $0x7900;
	s29 =	simm.s32 $0x1;
	s7 =	sshll.u32 s2, $0x4;
	v14 =	vor.u32 $0x420, v16;
	v15 =	vor.u32 $0x430, v16;
	v38 =	vor.u32 $0x150, v16;
	[tilespmem:$0x1FF90] =	vst v37  }
0x16: {  	s30 =	simm.s32 $0x0;
	v0 =	vor.u32 $0x440, v16;
	v17 =	vor.u32 $0x450, v16;
	v39 =	vor.u32 $0x160, v16;
	s4 =	sshll.u32 s3, $0x4;
	s8 =	sadd.s32 s7, s6;
	[tilespmem:$0x1FFA0] =	vst v38  }
0x17: {  	v18 =	vor.u32 $0x460, v16;
	v19 =	vor.u32 $0x470, v16;
	v40 =	vor.u32 $0x170, v16;
	s10 =	ssub.s32 $0x2, s3;
	s3 =	sadd.s32 $0x3800, s6;
	s4 =	sor.u32 s2, s4;
	[tilespmem:$0x1FFB0] =	vst v39  }
0x18: {  	v59 =	vor.u32 $0x80, v16;
	v58 =	vor.u32 $0x90, v16;
	v41 =	vor.u32 $0x500, v16;
	s5 =	sadd.s32 s5, s7;
	s11 =	sshrl.u32 s10, $0x1;
	s9 =	smul.u32 $0x1A00, s4;
	[tilespmem:$0x1FFC0] =	vst v40  }
0x19: {  	v57 =	vor.u32 $0xA0, v16;
	v56 =	vor.u32 $0xB0, v16;
	v42 =	vor.u32 $0x510, v16;
	s4 =	sadd.s32 $0x6C00, s6;
	s10 =	ssub.s32 s10, s11;
	s11 =	simm.s32 $0x80;
	[tilespmem:$0x1FFD0] =	vst v41  }
0x1a: {  	v55 =	vor.u32 $0xC0, v16;
	v51 =	vor.u32 $0xD0, v16;
	v43 =	vor.u32 $0x520, v16;
	s9 =	sadd.s32 s9, s6;
	s6 =	sadd.s32 $0x3600, s8;
	s8 =	smax.u32 s10, $0x1;
	[tilespmem:$0x1FFE0] =	vst v42  }
0x1b: {  	v52 =	vor.u32 $0xE0, v16;
	v53 =	vor.u32 $0xF0, v16;
	v54 =	vor.u32 $0x480, v16;
	s10 =	simm.s32 $0x2;
	s7 =	sadd.s32 $0x8600, s9;
	s9 =	simm.s32 $0x8100;
	[tilespmem:$0x1FFF0] =	vst v43  }
.LBB2_1:
0x1c: {  	[tilespmem:s9], [sflag:$0x2] =	stream.linear.gather [hbm4b:s4+s1], $0xD000, $0x38;
	[tilespmem:$0x15100] =	vst v63  }
0x1d: {  	_ =	swait.ge [sflag:s10], $0xD000  }
0x1e: {  	[sflag:s10] =	ssyncset.done $0x0  }
0x1f: {  	[sflag:s10] =	ssyncadd.s32 $0xFFFF3000  }
0x20: {  	[tilespmem:s1], [sflag:$0x2] =	stream.linear.gather [hbm4b:s5+s1], $0x80, $0x38;
	[tilespmem:$0x15100] =	vst v63  }
0x21: {  	_ =	swait.ge [sflag:s10], $0x80  }
0x22: {  	[sflag:s10] =	ssyncset.done $0x0  }
0x23: {  	[sflag:s10] =	ssyncadd.s32 $0xFFFFFF80  }
0x24: {  	[tilespmem:s11], [sflag:$0x2] =	stream.linear.gather [hbm4b:s6+s1], $0x80, $0x38;
	[tilespmem:$0x15100] =	vst v63  }
0x25: {  	_ =	swait.ge [sflag:s10], $0x80  }
0x26: {  	[sflag:s10] =	ssyncset.done $0x0;
	v5 =	vld [tilespmem:$0x1FEA0]  }
0x27: {  	v24 =	vld [tilespmem:$0x1FEB0];
	[sflag:s10] =	ssyncadd.s32 $0xFFFFFF80  }
0x28: {  	v1 =	vld [tilespmem:$0x0]  }
0x29: {  	v62 =	vld [tilespmem:$0x1FEC0]  }
0x2a: {  	v63 =	vld [tilespmem:$0x1FED0]  }
0x2b: {  	v2 =	vld [tilespmem:$0x10]  }
0x2c: {  	v3 =	vld [tilespmem:$0x20]  }
0x2d: {  	v20 =	vld [tilespmem:$0x30];
	v4 =	vadd.s32 v5, v1  }
0x2e: {  	v21 =	vld [tilespmem:$0x40];
	v22 =	vshll.u32 v4, $0x1  }
0x2f: {  	v23 =	vld [tilespmem:$0x50];
	v1 =	vand.u32 $0x7, v1;
	v22 =	vand.u32 $0xFFFFFFF0, v22  }
0x30: {  	v2 =	vadd.s32 v5, v2;
	[tilespmem:$0x0] =	vst v4;
	v4 =	vld [tilespmem:$0x60];
	v1 =	vor.u32 v1, v22  }
0x31: {  	[tilespmem:$0x10] =	vst v2;
	v2 =	vadd.s32 v5, v3;
	v3 =	vld [tilespmem:$0x70];
	v22 =	vperm.xlane v1, v24  }
0x32: {  	[tilespmem:$0x20] =	vst v2;
	v2 =	vadd.s32 v5, v20  }
0x33: {  	[tilespmem:$0x30] =	vst v2;
	v2 =	vadd.s32 v5, v21;
	v1 =	vperm.xlane v1, v63;
	v20 =	vadd.s32 v62, v22  }
0x34: {  	[tilespmem:$0x40] =	vst v2;
	v2 =	vadd.s32 v5, v23  }
0x35: {  	[tilespmem:$0x50] =	vst v2;
	v2 =	vadd.s32 v5, v4;
	v1 =	vadd.s32 v62, v1  }
0x36: {  	[tilespmem:$0x60] =	vst v2;
	v2 =	vadd.s32 v5, v3  }
0x37: {  	[tilespmem:$0x70] =	vst v2  }
0x38: {  	[tilespmem:s12], [sflag:$0x1] =	stream.indirect_vreg.gather [hbm4b:s3+s1], $0x80, v20, vm0, $0xb8;
	[tilespmem:$0x15100] =	vst v63  }
0x39: {  	_ = 	snop  }
0x3a: {  	[tilespmem:s13], [sflag:$0x1] =	stream.indirect_vreg.gather [hbm4b:s3+s1], $0x80, v1, vm0, $0xb8;
	[tilespmem:$0x15100] =	vst v63  }
0x3b: {  	v1 =	vld [tilespmem:$0x10];
	_ =	sdelay $0x4  }
0x3c: {  	v2 =	vshll.u32 v1, $0x1  }
0x3d: {  	v1 =	vand.u32 $0x7, v1;
	v2 =	vand.u32 $0xFFFFFFF0, v2  }
0x3e: {  	v1 =	vor.u32 v1, v2  }
0x3f: {  	v2 =	vperm.xlane v1, v24;
	_ =	sdelay $0x1  }
0x40: {  	v1 =	vperm.xlane v1, v63;
	v2 =	vadd.s32 v62, v2;
	_ =	sdelay $0x1  }
0x41: {  	v1 =	vadd.s32 v62, v1;
	_ =	sdelay $0x2  }
0x42: {  	[tilespmem:s14], [sflag:$0x1] =	stream.indirect_vreg.gather [hbm4b:s3+s1], $0x80, v2, vm0, $0xb8;
	[tilespmem:$0x15100] =	vst v63  }
0x43: {  	_ = 	snop  }
0x44: {  	[tilespmem:s15], [sflag:$0x1] =	stream.indirect_vreg.gather [hbm4b:s3+s1], $0x80, v1, vm0, $0xb8;
	[tilespmem:$0x15100] =	vst v63  }
0x45: {  	v1 =	vld [tilespmem:$0x20];
	_ =	sdelay $0x4  }
0x46: {  	v2 =	vshll.u32 v1, $0x1  }
0x47: {  	v1 =	vand.u32 $0x7, v1;
	v2 =	vand.u32 $0xFFFFFFF0, v2  }
0x48: {  	v1 =	vor.u32 v1, v2  }
0x49: {  	v2 =	vperm.xlane v1, v24;
	_ =	sdelay $0x1  }
0x4a: {  	v1 =	vperm.xlane v1, v63;
	v2 =	vadd.s32 v62, v2;
	_ =	sdelay $0x1  }
0x4b: {  	v1 =	vadd.s32 v62, v1;
	_ =	sdelay $0x2  }
0x4c: {  	[tilespmem:s16], [sflag:$0x1] =	stream.indirect_vreg.gather [hbm4b:s3+s1], $0x80, v2, vm0, $0xb8;
	[tilespmem:$0x15100] =	vst v63  }
0x4d: {  	_ = 	snop  }
0x4e: {  	[tilespmem:s17], [sflag:$0x1] =	stream.indirect_vreg.gather [hbm4b:s3+s1], $0x80, v1, vm0, $0xb8;
	[tilespmem:$0x15100] =	vst v63  }
0x4f: {  	v1 =	vld [tilespmem:$0x30];
	_ =	sdelay $0x4  }
0x50: {  	v2 =	vshll.u32 v1, $0x1  }
0x51: {  	v1 =	vand.u32 $0x7, v1;
	v2 =	vand.u32 $0xFFFFFFF0, v2  }
0x52: {  	v1 =	vor.u32 v1, v2  }
0x53: {  	v2 =	vperm.xlane v1, v24;
	_ =	sdelay $0x1  }
0x54: {  	v1 =	vperm.xlane v1, v63;
	v2 =	vadd.s32 v62, v2;
	_ =	sdelay $0x1  }
0x55: {  	v1 =	vadd.s32 v62, v1;
	_ =	sdelay $0x2  }
0x56: {  	[tilespmem:s18], [sflag:$0x1] =	stream.indirect_vreg.gather [hbm4b:s3+s1], $0x80, v2, vm0, $0xb8;
	[tilespmem:$0x15100] =	vst v63  }
0x57: {  	_ = 	snop  }
0x58: {  	[tilespmem:s19], [sflag:$0x1] =	stream.indirect_vreg.gather [hbm4b:s3+s1], $0x80, v1, vm0, $0xb8;
	[tilespmem:$0x15100] =	vst v63  }
0x59: {  	v1 =	vld [tilespmem:$0x40];
	_ =	sdelay $0x4  }
0x5a: {  	v2 =	vshll.u32 v1, $0x1  }
0x5b: {  	v1 =	vand.u32 $0x7, v1;
	v2 =	vand.u32 $0xFFFFFFF0, v2  }
0x5c: {  	v1 =	vor.u32 v1, v2  }
0x5d: {  	v2 =	vperm.xlane v1, v24;
	_ =	sdelay $0x1  }
0x5e: {  	v1 =	vperm.xlane v1, v63;
	v2 =	vadd.s32 v62, v2;
	_ =	sdelay $0x1  }
0x5f: {  	v1 =	vadd.s32 v62, v1;
	_ =	sdelay $0x2  }
0x60: {  	[tilespmem:s20], [sflag:$0x1] =	stream.indirect_vreg.gather [hbm4b:s3+s1], $0x80, v2, vm0, $0xb8;
	[tilespmem:$0x15100] =	vst v63  }
0x61: {  	_ = 	snop  }
0x62: {  	[tilespmem:s21], [sflag:$0x1] =	stream.indirect_vreg.gather [hbm4b:s3+s1], $0x80, v1, vm0, $0xb8;
	[tilespmem:$0x15100] =	vst v63  }
0x63: {  	v1 =	vld [tilespmem:$0x50];
	_ =	sdelay $0x4  }
0x64: {  	v2 =	vshll.u32 v1, $0x1  }
0x65: {  	v1 =	vand.u32 $0x7, v1;
	v2 =	vand.u32 $0xFFFFFFF0, v2  }
0x66: {  	v1 =	vor.u32 v1, v2  }
0x67: {  	v2 =	vperm.xlane v1, v24;
	_ =	sdelay $0x1  }
0x68: {  	v1 =	vperm.xlane v1, v63;
	v2 =	vadd.s32 v62, v2;
	_ =	sdelay $0x1  }
0x69: {  	v1 =	vadd.s32 v62, v1;
	_ =	sdelay $0x2  }
0x6a: {  	[tilespmem:s22], [sflag:$0x1] =	stream.indirect_vreg.gather [hbm4b:s3+s1], $0x80, v2, vm0, $0xb8;
	[tilespmem:$0x15100] =	vst v63  }
0x6b: {  	_ = 	snop  }
0x6c: {  	[tilespmem:s23], [sflag:$0x1] =	stream.indirect_vreg.gather [hbm4b:s3+s1], $0x80, v1, vm0, $0xb8;
	[tilespmem:$0x15100] =	vst v63  }
0x6d: {  	v1 =	vld [tilespmem:$0x60];
	_ =	sdelay $0x4  }
0x6e: {  	v2 =	vshll.u32 v1, $0x1  }
0x6f: {  	v1 =	vand.u32 $0x7, v1;
	v2 =	vand.u32 $0xFFFFFFF0, v2  }
0x70: {  	v1 =	vor.u32 v1, v2  }
0x71: {  	v2 =	vperm.xlane v1, v24;
	_ =	sdelay $0x1  }
0x72: {  	v1 =	vperm.xlane v1, v63;
	v2 =	vadd.s32 v62, v2;
	_ =	sdelay $0x1  }
0x73: {  	v1 =	vadd.s32 v62, v1;
	_ =	sdelay $0x2  }
0x74: {  	[tilespmem:s24], [sflag:$0x1] =	stream.indirect_vreg.gather [hbm4b:s3+s1], $0x80, v2, vm0, $0xb8;
	[tilespmem:$0x15100] =	vst v63  }
0x75: {  	_ = 	snop  }
0x76: {  	[tilespmem:s25], [sflag:$0x1] =	stream.indirect_vreg.gather [hbm4b:s3+s1], $0x80, v1, vm0, $0xb8;
	[tilespmem:$0x15100] =	vst v63  }
0x77: {  	v1 =	vld [tilespmem:$0x70];
	_ =	sdelay $0x4  }
0x78: {  	v2 =	vshll.u32 v1, $0x1  }
0x79: {  	v1 =	vand.u32 $0x7, v1;
	v2 =	vand.u32 $0xFFFFFFF0, v2  }
0x7a: {  	v1 =	vor.u32 v1, v2  }
0x7b: {  	v2 =	vperm.xlane v1, v24;
	_ =	sdelay $0x1  }
0x7c: {  	v1 =	vperm.xlane v1, v63;
	v2 =	vadd.s32 v62, v2;
	_ =	sdelay $0x1  }
0x7d: {  	v1 =	vadd.s32 v62, v1;
	_ =	sdelay $0x2  }
0x7e: {  	[tilespmem:s26], [sflag:$0x1] =	stream.indirect_vreg.gather [hbm4b:s3+s1], $0x80, v2, vm0, $0xb8;
	[tilespmem:$0x15100] =	vst v63  }
0x7f: {  	_ = 	snop  }
0x80: {  	[tilespmem:s28], [sflag:$0x1] =	stream.indirect_vreg.gather [hbm4b:s3+s1], $0x80, v1, vm0, $0xb8;
	[tilespmem:$0x15100] =	vst v63  }
0x81: {  	_ =	swait.ge [sflag:s29], $0x8000  }
0x82: {  	[sflag:s29] =	ssyncset.done $0x0  }
0x83: {  	s31 =	simm.s32 $0xF;
	[sflag:s29] =	ssyncadd.s32 $0xFFFF8000  }
.LBB2_2:
0x84: {  	s0 =	sadd.s32 $0xFFFFFFF1, s31  }
0x85: {  	v1 =	vmov s0;
	_ =	sdelay $0x4  }
0x86: {  	v2 =	vld.idx.msk [tilespmem:v1+s11+$0x0], $0xffff;
	_ =	sdelay $0x1  }
0x87: {  	v1 =	vshll.u32 v1, $0x8  }
0x88: {  	v3 =	vor.u32 v16, v1;
	_ =	sdelay $0x1  }
0x89: {  	v4 =	vshll.u32 v2, $0x8;
	v2 =	vshll.u32 v2, $0x7  }
0x8a: {  	v4 =	vand.u32 $0xFFFFF800, v4;
	v2 =	vand.u32 $0x380, v2  }
0x8b: {  	v2 =	vor.u32 v2, v4  }
0x8c: {  	v3 =	vld.idx.msk [tilespmem:v3+s12+$0x0], $0xffff;
	v4 =	vor.u32 v16, v2  }
0x8d: {  	v20 =	vor.u32 v34, v1;
	_ =	sdelay $0x3  }
0x8e: {  	[tilespmem:v4+s9+$0x0] =	vst.idx.add.f32.msk $0xffff, v3  }
0x8f: {  	v4 =	vor.u32 v34, v2;
	v3 =	vld.idx.msk [tilespmem:v20+s12+$0x0], $0xffff  }
0x90: {  	v20 =	vor.u32 v6, v1;
	_ =	sdelay $0x3  }
0x91: {  	[tilespmem:v4+s9+$0x0] =	vst.idx.add.f32.msk $0xffff, v3  }
0x92: {  	v4 =	vor.u32 v6, v2;
	v3 =	vld.idx.msk [tilespmem:v20+s12+$0x0], $0xffff  }
0x93: {  	v20 =	vor.u32 v7, v1;
	_ =	sdelay $0x3  }
0x94: {  	[tilespmem:v4+s9+$0x0] =	vst.idx.add.f32.msk $0xffff, v3  }
0x95: {  	v4 =	vor.u32 v7, v2;
	v3 =	vld.idx.msk [tilespmem:v20+s12+$0x0], $0xffff  }
0x96: {  	v20 =	vor.u32 v8, v1;
	_ =	sdelay $0x3  }
0x97: {  	[tilespmem:v4+s9+$0x0] =	vst.idx.add.f32.msk $0xffff, v3  }
0x98: {  	v4 =	vor.u32 v8, v2;
	v3 =	vld.idx.msk [tilespmem:v20+s12+$0x0], $0xffff  }
0x99: {  	v20 =	vor.u32 v9, v1;
	_ =	sdelay $0x3  }
0x9a: {  	[tilespmem:v4+s9+$0x0] =	vst.idx.add.f32.msk $0xffff, v3  }
0x9b: {  	v4 =	vor.u32 v9, v2;
	v3 =	vld.idx.msk [tilespmem:v20+s12+$0x0], $0xffff  }
0x9c: {  	v20 =	vor.u32 v10, v1;
	_ =	sdelay $0x3  }
0x9d: {  	[tilespmem:v4+s9+$0x0] =	vst.idx.add.f32.msk $0xffff, v3  }
0x9e: {  	v4 =	vor.u32 v10, v2;
	v3 =	vld.idx.msk [tilespmem:v20+s12+$0x0], $0xffff  }
0x9f: {  	v20 =	vor.u32 v11, v1;
	_ =	sdelay $0x3  }
0xa0: {  	[tilespmem:v4+s9+$0x0] =	vst.idx.add.f32.msk $0xffff, v3  }
0xa1: {  	v4 =	vor.u32 v11, v2;
	v3 =	vld.idx.msk [tilespmem:v20+s12+$0x0], $0xffff  }
0xa2: {  	v20 =	vor.u32 v12, v1;
	_ =	sdelay $0x3  }
0xa3: {  	[tilespmem:v4+s9+$0x0] =	vst.idx.add.f32.msk $0xffff, v3  }
0xa4: {  	v4 =	vor.u32 v12, v2;
	v3 =	vld.idx.msk [tilespmem:v20+s12+$0x0], $0xffff  }
0xa5: {  	v20 =	vor.u32 v13, v1;
	_ =	sdelay $0x3  }
0xa6: {  	[tilespmem:v4+s9+$0x0] =	vst.idx.add.f32.msk $0xffff, v3  }
0xa7: {  	v4 =	vor.u32 v13, v2;
	v3 =	vld.idx.msk [tilespmem:v20+s12+$0x0], $0xffff  }
0xa8: {  	v20 =	vor.u32 v14, v1;
	_ =	sdelay $0x3  }
0xa9: {  	[tilespmem:v4+s9+$0x0] =	vst.idx.add.f32.msk $0xffff, v3  }
0xaa: {  	v4 =	vor.u32 v14, v2;
	v3 =	vld.idx.msk [tilespmem:v20+s12+$0x0], $0xffff  }
0xab: {  	v20 =	vor.u32 v15, v1;
	_ =	sdelay $0x3  }
0xac: {  	[tilespmem:v4+s9+$0x0] =	vst.idx.add.f32.msk $0xffff, v3  }
0xad: {  	v4 =	vor.u32 v15, v2;
	v3 =	vld.idx.msk [tilespmem:v20+s12+$0x0], $0xffff  }
0xae: {  	v20 =	vor.u32 v0, v1;
	_ =	sdelay $0x3  }
0xaf: {  	[tilespmem:v4+s9+$0x0] =	vst.idx.add.f32.msk $0xffff, v3  }
0xb0: {  	v4 =	vor.u32 v0, v2;
	v3 =	vld.idx.msk [tilespmem:v20+s12+$0x0], $0xffff  }
0xb1: {  	v20 =	vor.u32 v17, v1;
	_ =	sdelay $0x3  }
0xb2: {  	[tilespmem:v4+s9+$0x0] =	vst.idx.add.f32.msk $0xffff, v3  }
0xb3: {  	v4 =	vor.u32 v17, v2;
	v3 =	vld.idx.msk [tilespmem:v20+s12+$0x0], $0xffff  }
0xb4: {  	v20 =	vor.u32 v18, v1;
	_ =	sdelay $0x3  }
0xb5: {  	[tilespmem:v4+s9+$0x0] =	vst.idx.add.f32.msk $0xffff, v3  }
0xb6: {  	v4 =	vor.u32 v18, v2;
	v3 =	vld.idx.msk [tilespmem:v20+s12+$0x0], $0xffff  }
0xb7: {  	v1 =	vor.u32 v19, v1;
	_ =	sdelay $0x3  }
0xb8: {  	[tilespmem:v4+s9+$0x0] =	vst.idx.add.f32.msk $0xffff, v3  }
0xb9: {  	s0 =	sadd.s32 $0xFFFFFFF2, s31;
	v2 =	vor.u32 v19, v2;
	v1 =	vld.idx.msk [tilespmem:v1+s12+$0x0], $0xffff  }
0xba: {  	v3 =	vmov s0;
	_ =	sdelay $0x3  }
0xbb: {  	[tilespmem:v2+s9+$0x0] =	vst.idx.add.f32.msk $0xffff, v1  }
0xbc: {  	v1 =	vld.idx.msk [tilespmem:v3+s11+$0x0], $0xffff  }
0xbd: {  	v2 =	vshll.u32 v3, $0x8  }
0xbe: {  	v2 =	vand.u32 $0x7000, v2  }
0xbf: {  	v3 =	vor.u32 v59, v2;
	_ =	sdelay $0x1  }
0xc0: {  	v4 =	vshll.u32 v1, $0x8;
	v1 =	vshll.u32 v1, $0x7  }
0xc1: {  	v4 =	vand.u32 $0xFFFFF800, v4;
	v1 =	vand.u32 $0x380, v1  }
0xc2: {  	v1 =	vor.u32 v1, v4  }
0xc3: {  	v3 =	vld.idx.msk [tilespmem:v3+s12+$0x0], $0xffff;
	v4 =	vor.u32 v16, v1  }
0xc4: {  	v20 =	vor.u32 v58, v2;
	_ =	sdelay $0x3  }
0xc5: {  	[tilespmem:v4+s9+$0x0] =	vst.idx.add.f32.msk $0xffff, v3  }
0xc6: {  	v4 =	vor.u32 v34, v1;
	v3 =	vld.idx.msk [tilespmem:v20+s12+$0x0], $0xffff  }
0xc7: {  	v20 =	vor.u32 v57, v2;
	_ =	sdelay $0x3  }
0xc8: {  	[tilespmem:v4+s9+$0x0] =	vst.idx.add.f32.msk $0xffff, v3  }
0xc9: {  	v4 =	vor.u32 v6, v1;
	v3 =	vld.idx.msk [tilespmem:v20+s12+$0x0], $0xffff  }
0xca: {  	v20 =	vor.u32 v56, v2;
	_ =	sdelay $0x3  }
0xcb: {  	[tilespmem:v4+s9+$0x0] =	vst.idx.add.f32.msk $0xffff, v3  }
0xcc: {  	v4 =	vor.u32 v7, v1;
	v3 =	vld.idx.msk [tilespmem:v20+s12+$0x0], $0xffff  }
0xcd: {  	v20 =	vor.u32 v55, v2;
	_ =	sdelay $0x3  }
0xce: {  	[tilespmem:v4+s9+$0x0] =	vst.idx.add.f32.msk $0xffff, v3  }
0xcf: {  	v4 =	vor.u32 v8, v1;
	v3 =	vld.idx.msk [tilespmem:v20+s12+$0x0], $0xffff  }
0xd0: {  	v20 =	vor.u32 v51, v2;
	_ =	sdelay $0x3  }
0xd1: {  	[tilespmem:v4+s9+$0x0] =	vst.idx.add.f32.msk $0xffff, v3  }
0xd2: {  	v4 =	vor.u32 v9, v1;
	v3 =	vld.idx.msk [tilespmem:v20+s12+$0x0], $0xffff  }
0xd3: {  	v20 =	vor.u32 v52, v2;
	_ =	sdelay $0x3  }
0xd4: {  	[tilespmem:v4+s9+$0x0] =	vst.idx.add.f32.msk $0xffff, v3  }
0xd5: {  	v4 =	vor.u32 v10, v1;
	v3 =	vld.idx.msk [tilespmem:v20+s12+$0x0], $0xffff  }
0xd6: {  	v20 =	vor.u32 v53, v2;
	_ =	sdelay $0x3  }
0xd7: {  	[tilespmem:v4+s9+$0x0] =	vst.idx.add.f32.msk $0xffff, v3  }
0xd8: {  	v4 =	vor.u32 v11, v1;
	v3 =	vld.idx.msk [tilespmem:v20+s12+$0x0], $0xffff  }
0xd9: {  	v20 =	vor.u32 v54, v2;
	_ =	sdelay $0x3  }
0xda: {  	[tilespmem:v4+s9+$0x0] =	vst.idx.add.f32.msk $0xffff, v3  }
0xdb: {  	v4 =	vor.u32 v12, v1;
	v3 =	vld.idx.msk [tilespmem:v20+s12+$0x0], $0xffff  }
0xdc: {  	v20 =	vor.u32 v25, v2;
	_ =	sdelay $0x3  }
0xdd: {  	[tilespmem:v4+s9+$0x0] =	vst.idx.add.f32.msk $0xffff, v3  }
0xde: {  	v4 =	vor.u32 v13, v1;
	v3 =	vld.idx.msk [tilespmem:v20+s12+$0x0], $0xffff  }
0xdf: {  	v20 =	vor.u32 v26, v2;
	_ =	sdelay $0x3  }
0xe0: {  	[tilespmem:v4+s9+$0x0] =	vst.idx.add.f32.msk $0xffff, v3  }
0xe1: {  	v4 =	vor.u32 v14, v1;
	v3 =	vld.idx.msk [tilespmem:v20+s12+$0x0], $0xffff  }
0xe2: {  	v20 =	vor.u32 v27, v2;
	_ =	sdelay $0x3  }
0xe3: {  	[tilespmem:v4+s9+$0x0] =	vst.idx.add.f32.msk $0xffff, v3  }
0xe4: {  	v4 =	vor.u32 v15, v1;
	v3 =	vld.idx.msk [tilespmem:v20+s12+$0x0], $0xffff  }
0xe5: {  	v20 =	vor.u32 v28, v2;
	_ =	sdelay $0x3  }
0xe6: {  	[tilespmem:v4+s9+$0x0] =	vst.idx.add.f32.msk $0xffff, v3  }
0xe7: {  	v4 =	vor.u32 v0, v1;
	v3 =	vld.idx.msk [tilespmem:v20+s12+$0x0], $0xffff  }
0xe8: {  	v20 =	vor.u32 v29, v2;
	_ =	sdelay $0x3  }
0xe9: {  	[tilespmem:v4+s9+$0x0] =	vst.idx.add.f32.msk $0xffff, v3  }
0xea: {  	v4 =	vor.u32 v17, v1;
	v3 =	vld.idx.msk [tilespmem:v20+s12+$0x0], $0xffff  }
0xeb: {  	v20 =	vor.u32 v30, v2;
	_ =	sdelay $0x3  }
0xec: {  	[tilespmem:v4+s9+$0x0] =	vst.idx.add.f32.msk $0xffff, v3  }
0xed: {  	v4 =	vor.u32 v18, v1;
	v3 =	vld.idx.msk [tilespmem:v20+s12+$0x0], $0xffff  }
0xee: {  	v2 =	vor.u32 v31, v2;
	_ =	sdelay $0x3  }
0xef: {  	[tilespmem:v4+s9+$0x0] =	vst.idx.add.f32.msk $0xffff, v3  }
0xf0: {  	s0 =	sadd.s32 $0xFFFFFFF3, s31;
	v1 =	vor.u32 v19, v1;
	v2 =	vld.idx.msk [tilespmem:v2+s12+$0x0], $0xffff  }
0xf1: {  	v3 =	vmov s0;
	_ =	sdelay $0x3  }
0xf2: {  	[tilespmem:v1+s9+$0x0] =	vst.idx.add.f32.msk $0xffff, v2  }
0xf3: {  	v1 =	vld.idx.msk [tilespmem:v3+s11+$0x0], $0xffff  }
0xf4: {  	v2 =	vshll.u32 v3, $0x8  }
0xf5: {  	v2 =	vand.u32 $0x7000, v2  }
0xf6: {  	v3 =	vor.u32 v32, v2;
	_ =	sdelay $0x1  }
0xf7: {  	v4 =	vshll.u32 v1, $0x8;
	v1 =	vshll.u32 v1, $0x7  }
0xf8: {  	v4 =	vand.u32 $0xFFFFF800, v4;
	v1 =	vand.u32 $0x380, v1  }
0xf9: {  	v1 =	vor.u32 v1, v4  }
0xfa: {  	v3 =	vld.idx.msk [tilespmem:v3+s12+$0x0], $0xffff;
	v4 =	vor.u32 v16, v1  }
0xfb: {  	v20 =	vor.u32 v33, v2;
	_ =	sdelay $0x3  }
0xfc: {  	[tilespmem:v4+s9+$0x0] =	vst.idx.add.f32.msk $0xffff, v3  }
0xfd: {  	v4 =	vor.u32 v34, v1;
	v3 =	vld.idx.msk [tilespmem:v20+s12+$0x0], $0xffff  }
0xfe: {  	v20 =	vor.u32 v35, v2;
	_ =	sdelay $0x3  }
0xff: {  	[tilespmem:v4+s9+$0x0] =	vst.idx.add.f32.msk $0xffff, v3  }
0x100: {  	v4 =	vor.u32 v6, v1;
	v3 =	vld.idx.msk [tilespmem:v20+s12+$0x0], $0xffff  }
0x101: {  	v20 =	vor.u32 v36, v2;
	_ =	sdelay $0x3  }
0x102: {  	[tilespmem:v4+s9+$0x0] =	vst.idx.add.f32.msk $0xffff, v3  }
0x103: {  	v4 =	vor.u32 v7, v1;
	v3 =	vld.idx.msk [tilespmem:v20+s12+$0x0], $0xffff  }
0x104: {  	v20 =	vor.u32 v37, v2;
	_ =	sdelay $0x3  }
0x105: {  	[tilespmem:v4+s9+$0x0] =	vst.idx.add.f32.msk $0xffff, v3  }
0x106: {  	v4 =	vor.u32 v8, v1;
	v3 =	vld.idx.msk [tilespmem:v20+s12+$0x0], $0xffff  }
0x107: {  	v20 =	vor.u32 v38, v2;
	_ =	sdelay $0x3  }
0x108: {  	[tilespmem:v4+s9+$0x0] =	vst.idx.add.f32.msk $0xffff, v3  }
0x109: {  	v4 =	vor.u32 v9, v1;
	v3 =	vld.idx.msk [tilespmem:v20+s12+$0x0], $0xffff  }
0x10a: {  	v20 =	vor.u32 v39, v2;
	_ =	sdelay $0x3  }
0x10b: {  	[tilespmem:v4+s9+$0x0] =	vst.idx.add.f32.msk $0xffff, v3  }
0x10c: {  	v4 =	vor.u32 v10, v1;
	v3 =	vld.idx.msk [tilespmem:v20+s12+$0x0], $0xffff  }
0x10d: {  	v20 =	vor.u32 v40, v2;
	_ =	sdelay $0x3  }
0x10e: {  	[tilespmem:v4+s9+$0x0] =	vst.idx.add.f32.msk $0xffff, v3  }
0x10f: {  	v4 =	vor.u32 v11, v1;
	v3 =	vld.idx.msk [tilespmem:v20+s12+$0x0], $0xffff  }
0x110: {  	v20 =	vor.u32 v41, v2;
	_ =	sdelay $0x3  }
0x111: {  	[tilespmem:v4+s9+$0x0] =	vst.idx.add.f32.msk $0xffff, v3  }
0x112: {  	v4 =	vor.u32 v12, v1;
	v3 =	vld.idx.msk [tilespmem:v20+s12+$0x0], $0xffff  }
0x113: {  	v20 =	vor.u32 v42, v2;
	_ =	sdelay $0x3  }
0x114: {  	[tilespmem:v4+s9+$0x0] =	vst.idx.add.f32.msk $0xffff, v3  }
0x115: {  	v4 =	vor.u32 v13, v1;
	v3 =	vld.idx.msk [tilespmem:v20+s12+$0x0], $0xffff  }
0x116: {  	v20 =	vor.u32 v43, v2;
	_ =	sdelay $0x3  }
0x117: {  	[tilespmem:v4+s9+$0x0] =	vst.idx.add.f32.msk $0xffff, v3  }
0x118: {  	v5 =	vor.u32 $0x530, v16;
	v4 =	vor.u32 v14, v1;
	v3 =	vld.idx.msk [tilespmem:v20+s12+$0x0], $0xffff  }
0x119: {  	v20 =	vor.u32 v5, v2;
	_ =	sdelay $0x3  }
0x11a: {  	[tilespmem:v4+s9+$0x0] =	vst.idx.add.f32.msk $0xffff, v3  }
0x11b: {  	[tilespmem:$0x1FBE0] =	vst v5;
	v5 =	vor.u32 $0x540, v16;
	v4 =	vor.u32 v15, v1;
	v3 =	vld.idx.msk [tilespmem:v20+s12+$0x0], $0xffff  }
0x11c: {  	v20 =	vor.u32 v5, v2;
	_ =	sdelay $0x3  }
0x11d: {  	[tilespmem:v4+s9+$0x0] =	vst.idx.add.f32.msk $0xffff, v3  }
0x11e: {  	[tilespmem:$0x1FBF0] =	vst v5;
	v5 =	vor.u32 $0x550, v16;
	v4 =	vor.u32 v0, v1;
	v3 =	vld.idx.msk [tilespmem:v20+s12+$0x0], $0xffff  }
0x11f: {  	v20 =	vor.u32 v5, v2;
	_ =	sdelay $0x3  }
0x120: {  	[tilespmem:v4+s9+$0x0] =	vst.idx.add.f32.msk $0xffff, v3  }
0x121: {  	[tilespmem:$0x1FC00] =	vst v5;
	v5 =	vor.u32 $0x560, v16;
	v4 =	vor.u32 v17, v1;
	v3 =	vld.idx.msk [tilespmem:v20+s12+$0x0], $0xffff  }
0x122: {  	v20 =	vor.u32 v5, v2;
	_ =	sdelay $0x3  }
0x123: {  	[tilespmem:v4+s9+$0x0] =	vst.idx.add.f32.msk $0xffff, v3  }
0x124: {  	[tilespmem:$0x1FC10] =	vst v5;
	v5 =	vor.u32 $0x570, v16;
	v4 =	vor.u32 v18, v1;
	v3 =	vld.idx.msk [tilespmem:v20+s12+$0x0], $0xffff  }
0x125: {  	v2 =	vor.u32 v5, v2;
	_ =	sdelay $0x3  }
0x126: {  	[tilespmem:v4+s9+$0x0] =	vst.idx.add.f32.msk $0xffff, v3  }
0x127: {  	s0 =	sadd.s32 $0xFFFFFFF4, s31;
	v1 =	vor.u32 v19, v1;
	v2 =	vld.idx.msk [tilespmem:v2+s12+$0x0], $0xffff  }
0x128: {  	v3 =	vmov s0;
	_ =	sdelay $0x3  }
0x129: {  	[tilespmem:v1+s9+$0x0] =	vst.idx.add.f32.msk $0xffff, v2  }
0x12a: {  	v1 =	vld.idx.msk [tilespmem:v3+s11+$0x0], $0xffff  }
0x12b: {  	v2 =	vshll.u32 v3, $0x8  }
0x12c: {  	v2 =	vand.u32 $0x7000, v2;
	v3 =	vor.u32 $0x180, v16  }
0x12d: {  	[tilespmem:$0x1FC30] =	vst v3;
	v3 =	vor.u32 v3, v2;
	_ =	sdelay $0x1  }
0x12e: {  	v4 =	vshll.u32 v1, $0x8;
	v1 =	vshll.u32 v1, $0x7  }
0x12f: {  	v4 =	vand.u32 $0xFFFFF800, v4;
	v1 =	vand.u32 $0x380, v1  }
0x130: {  	v1 =	vor.u32 v1, v4  }
0x131: {  	[tilespmem:$0x1FC20] =	vst v5;
	v5 =	vor.u32 $0x190, v16;
	v3 =	vld.idx.msk [tilespmem:v3+s12+$0x0], $0xffff;
	v4 =	vor.u32 v16, v1  }
0x132: {  	v20 =	vor.u32 v5, v2;
	_ =	sdelay $0x3  }
0x133: {  	[tilespmem:v4+s9+$0x0] =	vst.idx.add.f32.msk $0xffff, v3  }
0x134: {  	[tilespmem:$0x1FC40] =	vst v5;
	v5 =	vor.u32 $0x1A0, v16;
	v4 =	vor.u32 v34, v1;
	v3 =	vld.idx.msk [tilespmem:v20+s12+$0x0], $0xffff  }
0x135: {  	v20 =	vor.u32 v5, v2;
	_ =	sdelay $0x3  }
0x136: {  	[tilespmem:v4+s9+$0x0] =	vst.idx.add.f32.msk $0xffff, v3  }
0x137: {  	[tilespmem:$0x1FC50] =	vst v5;
	v5 =	vor.u32 $0x1B0, v16;
	v4 =	vor.u32 v6, v1;
	v3 =	vld.idx.msk [tilespmem:v20+s12+$0x0], $0xffff  }
0x138: {  	v20 =	vor.u32 v5, v2;
	_ =	sdelay $0x3  }
0x139: {  	[tilespmem:v4+s9+$0x0] =	vst.idx.add.f32.msk $0xffff, v3  }
0x13a: {  	[tilespmem:$0x1FC60] =	vst v5;
	v5 =	vor.u32 $0x1C0, v16;
	v4 =	vor.u32 v7, v1;
	v3 =	vld.idx.msk [tilespmem:v20+s12+$0x0], $0xffff  }
0x13b: {  	v20 =	vor.u32 v5, v2;
	_ =	sdelay $0x3  }
0x13c: {  	[tilespmem:v4+s9+$0x0] =	vst.idx.add.f32.msk $0xffff, v3  }
0x13d: {  	[tilespmem:$0x1FC70] =	vst v5;
	v5 =	vor.u32 $0x1D0, v16;
	v4 =	vor.u32 v8, v1;
	v3 =	vld.idx.msk [tilespmem:v20+s12+$0x0], $0xffff  }
0x13e: {  	v20 =	vor.u32 v5, v2;
	_ =	sdelay $0x3  }
0x13f: {  	[tilespmem:v4+s9+$0x0] =	vst.idx.add.f32.msk $0xffff, v3  }
0x140: {  	[tilespmem:$0x1FC80] =	vst v5;
	v5 =	vor.u32 $0x1E0, v16;
	v4 =	vor.u32 v9, v1;
	v3 =	vld.idx.msk [tilespmem:v20+s12+$0x0], $0xffff  }
0x141: {  	v20 =	vor.u32 v5, v2;
	_ =	sdelay $0x3  }
0x142: {  	[tilespmem:v4+s9+$0x0] =	vst.idx.add.f32.msk $0xffff, v3  }
0x143: {  	[tilespmem:$0x1FC90] =	vst v5;
	v5 =	vor.u32 $0x1F0, v16;
	v4 =	vor.u32 v10, v1;
	v3 =	vld.idx.msk [tilespmem:v20+s12+$0x0], $0xffff  }
0x144: {  	v20 =	vor.u32 v5, v2;
	_ =	sdelay $0x3  }
0x145: {  	[tilespmem:v4+s9+$0x0] =	vst.idx.add.f32.msk $0xffff, v3  }
0x146: {  	[tilespmem:$0x1FCA0] =	vst v5;
	v5 =	vor.u32 $0x580, v16;
	v4 =	vor.u32 v11, v1;
	v3 =	vld.idx.msk [tilespmem:v20+s12+$0x0], $0xffff  }
0x147: {  	v20 =	vor.u32 v5, v2;
	_ =	sdelay $0x3  }
0x148: {  	[tilespmem:v4+s9+$0x0] =	vst.idx.add.f32.msk $0xffff, v3  }
0x149: {  	[tilespmem:$0x1FCB0] =	vst v5;
	v5 =	vor.u32 $0x590, v16;
	v4 =	vor.u32 v12, v1;
	v3 =	vld.idx.msk [tilespmem:v20+s12+$0x0], $0xffff  }
0x14a: {  	v20 =	vor.u32 v5, v2;
	_ =	sdelay $0x3  }
0x14b: {  	[tilespmem:v4+s9+$0x0] =	vst.idx.add.f32.msk $0xffff, v3  }
0x14c: {  	[tilespmem:$0x1FCC0] =	vst v5;
	v5 =	vor.u32 $0x5A0, v16;
	v4 =	vor.u32 v13, v1;
	v3 =	vld.idx.msk [tilespmem:v20+s12+$0x0], $0xffff  }
0x14d: {  	v20 =	vor.u32 v5, v2;
	_ =	sdelay $0x3  }
0x14e: {  	[tilespmem:v4+s9+$0x0] =	vst.idx.add.f32.msk $0xffff, v3  }
0x14f: {  	[tilespmem:$0x1FCD0] =	vst v5;
	v5 =	vor.u32 $0x5B0, v16;
	v4 =	vor.u32 v14, v1;
	v3 =	vld.idx.msk [tilespmem:v20+s12+$0x0], $0xffff  }
0x150: {  	v20 =	vor.u32 v5, v2;
	_ =	sdelay $0x3  }
0x151: {  	[tilespmem:v4+s9+$0x0] =	vst.idx.add.f32.msk $0xffff, v3  }
0x152: {  	[tilespmem:$0x1FCE0] =	vst v5;
	v5 =	vor.u32 $0x5C0, v16;
	v4 =	vor.u32 v15, v1;
	v3 =	vld.idx.msk [tilespmem:v20+s12+$0x0], $0xffff  }
0x153: {  	v20 =	vor.u32 v5, v2;
	_ =	sdelay $0x3  }
0x154: {  	[tilespmem:v4+s9+$0x0] =	vst.idx.add.f32.msk $0xffff, v3  }
0x155: {  	[tilespmem:$0x1FCF0] =	vst v5;
	v5 =	vor.u32 $0x5D0, v16;
	v4 =	vor.u32 v0, v1;
	v3 =	vld.idx.msk [tilespmem:v20+s12+$0x0], $0xffff  }
0x156: {  	v20 =	vor.u32 v5, v2;
	_ =	sdelay $0x3  }
0x157: {  	[tilespmem:v4+s9+$0x0] =	vst.idx.add.f32.msk $0xffff, v3  }
0x158: {  	[tilespmem:$0x1FD00] =	vst v5;
	v5 =	vor.u32 $0x5E0, v16;
	v4 =	vor.u32 v17, v1;
	v3 =	vld.idx.msk [tilespmem:v20+s12+$0x0], $0xffff  }
0x159: {  	v20 =	vor.u32 v5, v2;
	_ =	sdelay $0x3  }
0x15a: {  	[tilespmem:v4+s9+$0x0] =	vst.idx.add.f32.msk $0xffff, v3  }
0x15b: {  	[tilespmem:$0x1FD10] =	vst v5;
	v5 =	vor.u32 $0x5F0, v16;
	v4 =	vor.u32 v18, v1;
	v3 =	vld.idx.msk [tilespmem:v20+s12+$0x0], $0xffff  }
0x15c: {  	v2 =	vor.u32 v5, v2;
	_ =	sdelay $0x3  }
0x15d: {  	[tilespmem:v4+s9+$0x0] =	vst.idx.add.f32.msk $0xffff, v3  }
0x15e: {  	s0 =	sadd.s32 $0xFFFFFFF5, s31;
	v1 =	vor.u32 v19, v1;
	v2 =	vld.idx.msk [tilespmem:v2+s12+$0x0], $0xffff  }
0x15f: {  	v3 =	vmov s0;
	_ =	sdelay $0x2  }
0x160: {  	[tilespmem:$0x1FD20] =	vst v5  }
0x161: {  	[tilespmem:v1+s9+$0x0] =	vst.idx.add.f32.msk $0xffff, v2  }
0x162: {  	v1 =	vld.idx.msk [tilespmem:v3+s11+$0x0], $0xffff  }
0x163: {  	v2 =	vshll.u32 v3, $0x8  }
0x164: {  	v47 =	vor.u32 $0x200, v16;
	v3 =	vand.u32 $0x7000, v2  }
0x165: {  	v4 =	vor.u32 v47, v3;
	_ =	sdelay $0x1  }
0x166: {  	v20 =	vshll.u32 v1, $0x8;
	v1 =	vshll.u32 v1, $0x7  }
0x167: {  	v20 =	vand.u32 $0xFFFFF800, v20;
	v1 =	vand.u32 $0x380, v1  }
0x168: {  	v1 =	vor.u32 v1, v20  }
0x169: {  	v48 =	vor.u32 $0x210, v16;
	v4 =	vld.idx.msk [tilespmem:v4+s12+$0x0], $0xffff;
	v20 =	vor.u32 v16, v1  }
0x16a: {  	v21 =	vor.u32 v48, v3;
	_ =	sdelay $0x3  }
0x16b: {  	[tilespmem:v20+s9+$0x0] =	vst.idx.add.f32.msk $0xffff, v4  }
0x16c: {  	v49 =	vor.u32 $0x220, v16;
	v20 =	vor.u32 v34, v1;
	v4 =	vld.idx.msk [tilespmem:v21+s12+$0x0], $0xffff  }
0x16d: {  	v63 =	vor.u32 v49, v3;
	_ =	sdelay $0x3  }
0x16e: {  	[tilespmem:v20+s9+$0x0] =	vst.idx.add.f32.msk $0xffff, v4  }
0x16f: {  	v50 =	vor.u32 $0x230, v16;
	v20 =	vor.u32 v6, v1;
	v4 =	vld.idx.msk [tilespmem:v63+s12+$0x0], $0xffff  }
0x170: {  	v32 =	vor.u32 v50, v3;
	_ =	sdelay $0x3  }
0x171: {  	[tilespmem:v20+s9+$0x0] =	vst.idx.add.f32.msk $0xffff, v4  }
0x172: {  	v26 =	vor.u32 $0x240, v16;
	v20 =	vor.u32 v7, v1;
	v4 =	vld.idx.msk [tilespmem:v32+s12+$0x0], $0xffff  }
0x173: {  	v33 =	vor.u32 v26, v3;
	_ =	sdelay $0x3  }
0x174: {  	[tilespmem:v20+s9+$0x0] =	vst.idx.add.f32.msk $0xffff, v4  }
0x175: {  	v25 =	vor.u32 $0x250, v16;
	v20 =	vor.u32 v8, v1;
	v4 =	vld.idx.msk [tilespmem:v33+s12+$0x0], $0xffff  }
0x176: {  	v35 =	vor.u32 v25, v3;
	_ =	sdelay $0x3  }
0x177: {  	[tilespmem:v20+s9+$0x0] =	vst.idx.add.f32.msk $0xffff, v4  }
0x178: {  	v24 =	vor.u32 $0x260, v16;
	v20 =	vor.u32 v9, v1;
	v4 =	vld.idx.msk [tilespmem:v35+s12+$0x0], $0xffff  }
0x179: {  	v36 =	vor.u32 v24, v3;
	_ =	sdelay $0x3  }
0x17a: {  	[tilespmem:v20+s9+$0x0] =	vst.idx.add.f32.msk $0xffff, v4  }
0x17b: {  	v23 =	vor.u32 $0x270, v16;
	v20 =	vor.u32 v10, v1;
	v4 =	vld.idx.msk [tilespmem:v36+s12+$0x0], $0xffff  }
0x17c: {  	v3 =	vor.u32 v23, v3;
	_ =	sdelay $0x3  }
0x17d: {  	[tilespmem:v20+s9+$0x0] =	vst.idx.add.f32.msk $0xffff, v4  }
0x17e: {  	v4 =	vor.u32 v11, v1;
	v3 =	vld.idx.msk [tilespmem:v3+s12+$0x0], $0xffff  }
0x17f: {  	v20 =	vor.u32 v47, v2;
	_ =	sdelay $0x3  }
0x180: {  	[tilespmem:v4+s9+$0x0] =	vst.idx.add.f32.msk $0xffff, v3  }
0x181: {  	v4 =	vor.u32 v12, v1;
	v3 =	vld.idx.msk [tilespmem:v20+s12+$0x0], $0xffff  }
0x182: {  	v20 =	vor.u32 v48, v2;
	_ =	sdelay $0x3  }
0x183: {  	[tilespmem:v4+s9+$0x0] =	vst.idx.add.f32.msk $0xffff, v3  }
0x184: {  	v4 =	vor.u32 v13, v1;
	v3 =	vld.idx.msk [tilespmem:v20+s12+$0x0], $0xffff  }
0x185: {  	v20 =	vor.u32 v49, v2;
	_ =	sdelay $0x3  }
0x186: {  	[tilespmem:v4+s9+$0x0] =	vst.idx.add.f32.msk $0xffff, v3  }
0x187: {  	v4 =	vor.u32 v14, v1;
	v3 =	vld.idx.msk [tilespmem:v20+s12+$0x0], $0xffff  }
0x188: {  	v20 =	vor.u32 v50, v2;
	_ =	sdelay $0x3  }
0x189: {  	[tilespmem:v4+s9+$0x0] =	vst.idx.add.f32.msk $0xffff, v3  }
0x18a: {  	v4 =	vor.u32 v15, v1;
	v3 =	vld.idx.msk [tilespmem:v20+s12+$0x0], $0xffff  }
0x18b: {  	v20 =	vor.u32 v26, v2;
	_ =	sdelay $0x3  }
0x18c: {  	[tilespmem:v4+s9+$0x0] =	vst.idx.add.f32.msk $0xffff, v3  }
0x18d: {  	v4 =	vor.u32 v0, v1;
	v3 =	vld.idx.msk [tilespmem:v20+s12+$0x0], $0xffff  }
0x18e: {  	v20 =	vor.u32 v25, v2;
	_ =	sdelay $0x3  }
0x18f: {  	[tilespmem:v4+s9+$0x0] =	vst.idx.add.f32.msk $0xffff, v3  }
0x190: {  	v4 =	vor.u32 v17, v1;
	v3 =	vld.idx.msk [tilespmem:v20+s12+$0x0], $0xffff  }
0x191: {  	v20 =	vor.u32 v24, v2;
	_ =	sdelay $0x3  }
0x192: {  	[tilespmem:v4+s9+$0x0] =	vst.idx.add.f32.msk $0xffff, v3  }
0x193: {  	v4 =	vor.u32 v18, v1;
	v3 =	vld.idx.msk [tilespmem:v20+s12+$0x0], $0xffff  }
0x194: {  	v2 =	vor.u32 v23, v2;
	_ =	sdelay $0x3  }
0x195: {  	[tilespmem:v4+s9+$0x0] =	vst.idx.add.f32.msk $0xffff, v3  }
0x196: {  	s0 =	sadd.s32 $0xFFFFFFF6, s31;
	v1 =	vor.u32 v19, v1;
	v2 =	vld.idx.msk [tilespmem:v2+s12+$0x0], $0xffff  }
0x197: {  	v3 =	vmov s0;
	_ =	sdelay $0x3  }
0x198: {  	[tilespmem:v1+s9+$0x0] =	vst.idx.add.f32.msk $0xffff, v2  }
0x199: {  	v1 =	vld.idx.msk [tilespmem:v3+s11+$0x0], $0xffff  }
0x19a: {  	v2 =	vshll.u32 v3, $0x8  }
0x19b: {  	v2 =	vand.u32 $0x7000, v2;
	v3 =	vor.u32 $0x280, v16  }
0x19c: {  	[tilespmem:$0x1FD30] =	vst v3;
	v3 =	vor.u32 v3, v2;
	_ =	sdelay $0x1  }
0x19d: {  	v4 =	vshll.u32 v1, $0x8;
	v1 =	vshll.u32 v1, $0x7  }
0x19e: {  	v4 =	vand.u32 $0xFFFFF800, v4;
	v1 =	vand.u32 $0x380, v1  }
0x19f: {  	v1 =	vor.u32 v1, v4  }
0x1a0: {  	v5 =	vor.u32 $0x290, v16;
	v3 =	vld.idx.msk [tilespmem:v3+s12+$0x0], $0xffff;
	v4 =	vor.u32 v16, v1  }
0x1a1: {  	v20 =	vor.u32 v5, v2;
	_ =	sdelay $0x3  }
0x1a2: {  	[tilespmem:v4+s9+$0x0] =	vst.idx.add.f32.msk $0xffff, v3  }
0x1a3: {  	[tilespmem:$0x1FD40] =	vst v5;
	v5 =	vor.u32 $0x2A0, v16;
	v4 =	vor.u32 v34, v1;
	v3 =	vld.idx.msk [tilespmem:v20+s12+$0x0], $0xffff  }
0x1a4: {  	v20 =	vor.u32 v5, v2;
	_ =	sdelay $0x3  }
0x1a5: {  	[tilespmem:v4+s9+$0x0] =	vst.idx.add.f32.msk $0xffff, v3  }
0x1a6: {  	[tilespmem:$0x1FD50] =	vst v5;
	v5 =	vor.u32 $0x2B0, v16;
	v4 =	vor.u32 v6, v1;
	v3 =	vld.idx.msk [tilespmem:v20+s12+$0x0], $0xffff  }
0x1a7: {  	v20 =	vor.u32 v5, v2;
	_ =	sdelay $0x3  }
0x1a8: {  	[tilespmem:v4+s9+$0x0] =	vst.idx.add.f32.msk $0xffff, v3  }
0x1a9: {  	[tilespmem:$0x1FD60] =	vst v5;
	v5 =	vor.u32 $0x2C0, v16;
	v4 =	vor.u32 v7, v1;
	v3 =	vld.idx.msk [tilespmem:v20+s12+$0x0], $0xffff  }
0x1aa: {  	v20 =	vor.u32 v5, v2;
	_ =	sdelay $0x3  }
0x1ab: {  	[tilespmem:v4+s9+$0x0] =	vst.idx.add.f32.msk $0xffff, v3  }
0x1ac: {  	[tilespmem:$0x1FD70] =	vst v5;
	v5 =	vor.u32 $0x2D0, v16;
	v4 =	vor.u32 v8, v1;
	v3 =	vld.idx.msk [tilespmem:v20+s12+$0x0], $0xffff  }
0x1ad: {  	v20 =	vor.u32 v5, v2;
	_ =	sdelay $0x3  }
0x1ae: {  	[tilespmem:v4+s9+$0x0] =	vst.idx.add.f32.msk $0xffff, v3  }
0x1af: {  	[tilespmem:$0x1FD80] =	vst v5;
	v5 =	vor.u32 $0x2E0, v16;
	v4 =	vor.u32 v9, v1;
	v3 =	vld.idx.msk [tilespmem:v20+s12+$0x0], $0xffff  }
0x1b0: {  	v20 =	vor.u32 v5, v2;
	_ =	sdelay $0x3  }
0x1b1: {  	[tilespmem:v4+s9+$0x0] =	vst.idx.add.f32.msk $0xffff, v3  }
0x1b2: {  	[tilespmem:$0x1FD90] =	vst v5;
	v5 =	vor.u32 $0x2F0, v16;
	v4 =	vor.u32 v10, v1;
	v3 =	vld.idx.msk [tilespmem:v20+s12+$0x0], $0xffff  }
0x1b3: {  	v20 =	vor.u32 v5, v2;
	_ =	sdelay $0x3  }
0x1b4: {  	[tilespmem:v4+s9+$0x0] =	vst.idx.add.f32.msk $0xffff, v3  }
0x1b5: {  	[tilespmem:$0x1FDA0] =	vst v5;
	v5 =	vor.u32 $0x680, v16;
	v4 =	vor.u32 v11, v1;
	v3 =	vld.idx.msk [tilespmem:v20+s12+$0x0], $0xffff  }
0x1b6: {  	v20 =	vor.u32 v5, v2;
	_ =	sdelay $0x3  }
0x1b7: {  	[tilespmem:v4+s9+$0x0] =	vst.idx.add.f32.msk $0xffff, v3  }
0x1b8: {  	[tilespmem:$0x1FDB0] =	vst v5;
	v5 =	vor.u32 $0x690, v16;
	v4 =	vor.u32 v12, v1;
	v3 =	vld.idx.msk [tilespmem:v20+s12+$0x0], $0xffff  }
0x1b9: {  	v20 =	vor.u32 v5, v2;
	_ =	sdelay $0x3  }
0x1ba: {  	[tilespmem:v4+s9+$0x0] =	vst.idx.add.f32.msk $0xffff, v3  }
0x1bb: {  	[tilespmem:$0x1FDC0] =	vst v5;
	v5 =	vor.u32 $0x6A0, v16;
	v4 =	vor.u32 v13, v1;
	v3 =	vld.idx.msk [tilespmem:v20+s12+$0x0], $0xffff  }
0x1bc: {  	v20 =	vor.u32 v5, v2;
	_ =	sdelay $0x3  }
0x1bd: {  	[tilespmem:v4+s9+$0x0] =	vst.idx.add.f32.msk $0xffff, v3  }
0x1be: {  	[tilespmem:$0x1FDD0] =	vst v5;
	v5 =	vor.u32 $0x6B0, v16;
	v4 =	vor.u32 v14, v1;
	v3 =	vld.idx.msk [tilespmem:v20+s12+$0x0], $0xffff  }
0x1bf: {  	v20 =	vor.u32 v5, v2;
	_ =	sdelay $0x3  }
0x1c0: {  	[tilespmem:v4+s9+$0x0] =	vst.idx.add.f32.msk $0xffff, v3  }
0x1c1: {  	[tilespmem:$0x1FDE0] =	vst v5;
	v5 =	vor.u32 $0x6C0, v16;
	v4 =	vor.u32 v15, v1;
	v3 =	vld.idx.msk [tilespmem:v20+s12+$0x0], $0xffff  }
0x1c2: {  	v20 =	vor.u32 v5, v2;
	_ =	sdelay $0x3  }
0x1c3: {  	[tilespmem:v4+s9+$0x0] =	vst.idx.add.f32.msk $0xffff, v3  }
0x1c4: {  	[tilespmem:$0x1FDF0] =	vst v5;
	v5 =	vor.u32 $0x6D0, v16;
	v4 =	vor.u32 v0, v1;
	v3 =	vld.idx.msk [tilespmem:v20+s12+$0x0], $0xffff  }
0x1c5: {  	v20 =	vor.u32 v5, v2;
	_ =	sdelay $0x3  }
0x1c6: {  	[tilespmem:v4+s9+$0x0] =	vst.idx.add.f32.msk $0xffff, v3  }
0x1c7: {  	[tilespmem:$0x1FE00] =	vst v5;
	v5 =	vor.u32 $0x6E0, v16;
	v4 =	vor.u32 v17, v1;
	v3 =	vld.idx.msk [tilespmem:v20+s12+$0x0], $0xffff  }
0x1c8: {  	v20 =	vor.u32 v5, v2;
	_ =	sdelay $0x3  }
0x1c9: {  	[tilespmem:v4+s9+$0x0] =	vst.idx.add.f32.msk $0xffff, v3  }
0x1ca: {  	[tilespmem:$0x1FE10] =	vst v5;
	v5 =	vor.u32 $0x6F0, v16;
	v4 =	vor.u32 v18, v1;
	v3 =	vld.idx.msk [tilespmem:v20+s12+$0x0], $0xffff  }
0x1cb: {  	v2 =	vor.u32 v5, v2;
	_ =	sdelay $0x3  }
0x1cc: {  	[tilespmem:v4+s9+$0x0] =	vst.idx.add.f32.msk $0xffff, v3  }
0x1cd: {  	s0 =	sadd.s32 $0xFFFFFFF7, s31;
	v1 =	vor.u32 v19, v1;
	v2 =	vld.idx.msk [tilespmem:v2+s12+$0x0], $0xffff  }
0x1ce: {  	v3 =	vmov s0;
	_ =	sdelay $0x3  }
0x1cf: {  	[tilespmem:v1+s9+$0x0] =	vst.idx.add.f32.msk $0xffff, v2  }
0x1d0: {  	v1 =	vld.idx.msk [tilespmem:v3+s11+$0x0], $0xffff  }
0x1d1: {  	v2 =	vshll.u32 v3, $0x8  }
0x1d2: {  	v4 =	vor.u32 $0x300, v16;
	v3 =	vand.u32 $0x7000, v2  }
0x1d3: {  	[tilespmem:$0x1FE30] =	vst v4;
	v4 =	vor.u32 v4, v3;
	_ =	sdelay $0x1  }
0x1d4: {  	v20 =	vshll.u32 v1, $0x8;
	v1 =	vshll.u32 v1, $0x7  }
0x1d5: {  	v20 =	vand.u32 $0xFFFFF800, v20;
	v1 =	vand.u32 $0x380, v1  }
0x1d6: {  	v1 =	vor.u32 v1, v20  }
0x1d7: {  	v45 =	vor.u32 $0x310, v16;
	v4 =	vld.idx.msk [tilespmem:v4+s12+$0x0], $0xffff;
	v20 =	vor.u32 v16, v1  }
0x1d8: {  	v37 =	vor.u32 v45, v3;
	_ =	sdelay $0x3  }
0x1d9: {  	[tilespmem:v20+s9+$0x0] =	vst.idx.add.f32.msk $0xffff, v4  }
0x1da: {  	v46 =	vor.u32 $0x320, v16;
	v20 =	vor.u32 v34, v1;
	v4 =	vld.idx.msk [tilespmem:v37+s12+$0x0], $0xffff  }
0x1db: {  	v38 =	vor.u32 v46, v3;
	_ =	sdelay $0x3  }
0x1dc: {  	[tilespmem:v20+s9+$0x0] =	vst.idx.add.f32.msk $0xffff, v4  }
0x1dd: {  	v44 =	vor.u32 $0x330, v16;
	v20 =	vor.u32 v6, v1;
	v4 =	vld.idx.msk [tilespmem:v38+s12+$0x0], $0xffff  }
0x1de: {  	v39 =	vor.u32 v44, v3;
	_ =	sdelay $0x3  }
0x1df: {  	[tilespmem:v20+s9+$0x0] =	vst.idx.add.f32.msk $0xffff, v4  }
0x1e0: {  	v43 =	vor.u32 $0x340, v16;
	v20 =	vor.u32 v7, v1;
	v4 =	vld.idx.msk [tilespmem:v39+s12+$0x0], $0xffff  }
0x1e1: {  	v40 =	vor.u32 v43, v3;
	_ =	sdelay $0x3  }
0x1e2: {  	[tilespmem:v20+s9+$0x0] =	vst.idx.add.f32.msk $0xffff, v4  }
0x1e3: {  	v42 =	vor.u32 $0x350, v16;
	v20 =	vor.u32 v8, v1;
	v4 =	vld.idx.msk [tilespmem:v40+s12+$0x0], $0xffff  }
0x1e4: {  	v41 =	vor.u32 v42, v3;
	_ =	sdelay $0x3  }
0x1e5: {  	[tilespmem:v20+s9+$0x0] =	vst.idx.add.f32.msk $0xffff, v4  }
0x1e6: {  	v20 =	vor.u32 v9, v1;
	v4 =	vld.idx.msk [tilespmem:v41+s12+$0x0], $0xffff;
	v41 =	vor.u32 $0x360, v16  }
0x1e7: {  	v60 =	vor.u32 v41, v3;
	_ =	sdelay $0x3  }
0x1e8: {  	[tilespmem:v20+s9+$0x0] =	vst.idx.add.f32.msk $0xffff, v4  }
0x1e9: {  	v40 =	vor.u32 $0x370, v16;
	v20 =	vor.u32 v10, v1;
	v4 =	vld.idx.msk [tilespmem:v60+s12+$0x0], $0xffff  }
0x1ea: {  	v3 =	vor.u32 v40, v3;
	_ =	sdelay $0x3  }
0x1eb: {  	[tilespmem:v20+s9+$0x0] =	vst.idx.add.f32.msk $0xffff, v4  }
0x1ec: {  	v39 =	vor.u32 $0x700, v16;
	v4 =	vor.u32 v11, v1;
	v3 =	vld.idx.msk [tilespmem:v3+s12+$0x0], $0xffff  }
0x1ed: {  	v20 =	vor.u32 v39, v2;
	_ =	sdelay $0x3  }
0x1ee: {  	[tilespmem:v4+s9+$0x0] =	vst.idx.add.f32.msk $0xffff, v3  }
0x1ef: {  	v38 =	vor.u32 $0x710, v16;
	v4 =	vor.u32 v12, v1;
	v3 =	vld.idx.msk [tilespmem:v20+s12+$0x0], $0xffff  }
0x1f0: {  	v20 =	vor.u32 v38, v2;
	_ =	sdelay $0x3  }
0x1f1: {  	[tilespmem:v4+s9+$0x0] =	vst.idx.add.f32.msk $0xffff, v3  }
0x1f2: {  	v37 =	vor.u32 $0x720, v16;
	v4 =	vor.u32 v13, v1;
	v3 =	vld.idx.msk [tilespmem:v20+s12+$0x0], $0xffff  }
0x1f3: {  	v20 =	vor.u32 v37, v2;
	_ =	sdelay $0x3  }
0x1f4: {  	[tilespmem:v4+s9+$0x0] =	vst.idx.add.f32.msk $0xffff, v3  }
0x1f5: {  	v36 =	vor.u32 $0x730, v16;
	v4 =	vor.u32 v14, v1;
	v3 =	vld.idx.msk [tilespmem:v20+s12+$0x0], $0xffff  }
0x1f6: {  	v20 =	vor.u32 v36, v2;
	_ =	sdelay $0x3  }
0x1f7: {  	[tilespmem:v4+s9+$0x0] =	vst.idx.add.f32.msk $0xffff, v3  }
0x1f8: {  	v35 =	vor.u32 $0x740, v16;
	v4 =	vor.u32 v15, v1;
	v3 =	vld.idx.msk [tilespmem:v20+s12+$0x0], $0xffff  }
0x1f9: {  	v20 =	vor.u32 v35, v2;
	_ =	sdelay $0x2  }
0x1fa: {  	v21 =	vmov v15;
	v15 =	vmov v14;
	v14 =	vmov v13  }
0x1fb: {  	v13 =	vmovc v12;
	v12 =	vmovc v11;
	v11 =	vmov v10;
	v10 =	vmov v9;
	v9 =	vmov v8;
	[tilespmem:v4+s9+$0x0] =	vst.idx.add.f32.msk $0xffff, v3  }
0x1fc: {  	v8 =	vmovc v7;
	v7 =	vmovc v6;
	v6 =	vmov v34;
	v34 =	vor.u32 $0x750, v16;
	v4 =	vor.u32 v0, v1;
	v3 =	vld.idx.msk [tilespmem:v20+s12+$0x0], $0xffff  }
0x1fd: {  	v20 =	vor.u32 v34, v2;
	_ =	sdelay $0x3  }
0x1fe: {  	[tilespmem:v4+s9+$0x0] =	vst.idx.add.f32.msk $0xffff, v3  }
0x1ff: {  	v33 =	vor.u32 $0x760, v16;
	v4 =	vor.u32 v17, v1;
	v3 =	vld.idx.msk [tilespmem:v20+s12+$0x0], $0xffff  }
0x200: {  	v20 =	vor.u32 v33, v2;
	_ =	sdelay $0x3  }
0x201: {  	[tilespmem:v4+s9+$0x0] =	vst.idx.add.f32.msk $0xffff, v3  }
0x202: {  	v32 =	vor.u32 $0x770, v16;
	v4 =	vor.u32 v18, v1;
	v3 =	vld.idx.msk [tilespmem:v20+s12+$0x0], $0xffff  }
0x203: {  	v2 =	vor.u32 v32, v2;
	_ =	sdelay $0x3  }
0x204: {  	[tilespmem:v4+s9+$0x0] =	vst.idx.add.f32.msk $0xffff, v3  }
0x205: {  	s0 =	sadd.s32 $0xFFFFFFF8, s31;
	v1 =	vor.u32 v19, v1;
	v2 =	vld.idx.msk [tilespmem:v2+s12+$0x0], $0xffff  }
0x206: {  	v3 =	vmov s0;
	_ =	sdelay $0x3  }
0x207: {  	[tilespmem:v1+s9+$0x0] =	vst.idx.add.f32.msk $0xffff, v2  }
0x208: {  	v1 =	vld.idx.msk [tilespmem:v3+s11+$0x0], $0xffff  }
0x209: {  	[tilespmem:$0x1FE20] =	vst v5;
	v5 =	vshll.u32 v3, $0x8  }
0x20a: {  	v31 =	vor.u32 $0x380, v16;
	v2 =	vand.u32 $0x7000, v5  }
0x20b: {  	v3 =	vor.u32 v31, v2;
	_ =	sdelay $0x1  }
0x20c: {  	v4 =	vshll.u32 v1, $0x8;
	v1 =	vshll.u32 v1, $0x7  }
0x20d: {  	v4 =	vand.u32 $0xFFFFF800, v4;
	v1 =	vand.u32 $0x380, v1  }
0x20e: {  	v63 =	vor.u32 v1, v4  }
0x20f: {  	v30 =	vor.u32 $0x390, v16;
	v1 =	vld.idx.msk [tilespmem:v3+s12+$0x0], $0xffff;
	v3 =	vor.u32 v16, v63  }
0x210: {  	v4 =	vor.u32 v30, v2;
	_ =	sdelay $0x3  }
0x211: {  	[tilespmem:v3+s9+$0x0] =	vst.idx.add.f32.msk $0xffff, v1  }
0x212: {  	v29 =	vor.u32 $0x3A0, v16;
	v3 =	vor.u32 v6, v63;
	v1 =	vld.idx.msk [tilespmem:v4+s12+$0x0], $0xffff  }
0x213: {  	v4 =	vor.u32 v29, v2;
	_ =	sdelay $0x3  }
0x214: {  	[tilespmem:v3+s9+$0x0] =	vst.idx.add.f32.msk $0xffff, v1  }
0x215: {  	v28 =	vor.u32 $0x3B0, v16;
	v3 =	vor.u32 v7, v63;
	v1 =	vld.idx.msk [tilespmem:v4+s12+$0x0], $0xffff  }
0x216: {  	v4 =	vor.u32 v28, v2;
	_ =	sdelay $0x3  }
0x217: {  	[tilespmem:v3+s9+$0x0] =	vst.idx.add.f32.msk $0xffff, v1  }
0x218: {  	v27 =	vor.u32 $0x3C0, v16;
	v3 =	vor.u32 v8, v63;
	v1 =	vld.idx.msk [tilespmem:v4+s12+$0x0], $0xffff  }
0x219: {  	v4 =	vor.u32 v27, v2;
	_ =	sdelay $0x3  }
0x21a: {  	[tilespmem:v3+s9+$0x0] =	vst.idx.add.f32.msk $0xffff, v1  }
0x21b: {  	v22 =	vmov v0;
	v0 =	vor.u32 $0x3D0, v16;
	v3 =	vor.u32 v9, v63;
	v1 =	vld.idx.msk [tilespmem:v4+s12+$0x0], $0xffff  }
0x21c: {  	v4 =	vor.u32 v0, v2;
	_ =	sdelay $0x3  }
0x21d: {  	[tilespmem:v3+s9+$0x0] =	vst.idx.add.f32.msk $0xffff, v1  }
0x21e: {  	[tilespmem:$0x1FE40] =	vst v0;
	v0 =	vor.u32 $0x3E0, v16;
	v3 =	vor.u32 v10, v63;
	v1 =	vld.idx.msk [tilespmem:v4+s12+$0x0], $0xffff  }
0x21f: {  	v4 =	vor.u32 v0, v2;
	_ =	sdelay $0x3  }
0x220: {  	[tilespmem:v3+s9+$0x0] =	vst.idx.add.f32.msk $0xffff, v1  }
0x221: {  	[tilespmem:$0x1FE50] =	vst v0;
	v0 =	vor.u32 $0x3F0, v16;
	v3 =	vor.u32 v11, v63;
	v1 =	vld.idx.msk [tilespmem:v4+s12+$0x0], $0xffff  }
0x222: {  	v2 =	vor.u32 v0, v2;
	_ =	sdelay $0x3  }
0x223: {  	[tilespmem:v3+s9+$0x0] =	vst.idx.add.f32.msk $0xffff, v1  }
0x224: {  	[tilespmem:$0x1FE60] =	vst v0;
	v0 =	vor.u32 $0x780, v16;
	v1 =	vld.idx.msk [tilespmem:v2+s12+$0x0], $0xffff;
	v2 =	vor.u32 v12, v63  }
0x225: {  	v3 =	vor.u32 v0, v5;
	_ =	sdelay $0x3  }
0x226: {  	[tilespmem:v2+s9+$0x0] =	vst.idx.add.f32.msk $0xffff, v1  }
0x227: {  	[tilespmem:$0x1FE70] =	vst v0;
	v0 =	vor.u32 $0x790, v16;
	v2 =	vor.u32 v13, v63;
	v1 =	vld.idx.msk [tilespmem:v3+s12+$0x0], $0xffff  }
0x228: {  	v3 =	vor.u32 v0, v5;
	_ =	sdelay $0x3  }
0x229: {  	[tilespmem:v2+s9+$0x0] =	vst.idx.add.f32.msk $0xffff, v1  }
0x22a: {  	[tilespmem:$0x1FE80] =	vst v0;
	v0 =	vor.u32 $0x7A0, v16;
	v2 =	vor.u32 v14, v63;
	v1 =	vld.idx.msk [tilespmem:v3+s12+$0x0], $0xffff  }
0x22b: {  	v3 =	vor.u32 v0, v5;
	_ =	sdelay $0x3  }
0x22c: {  	[tilespmem:v2+s9+$0x0] =	vst.idx.add.f32.msk $0xffff, v1  }
0x22d: {  	v20 =	vor.u32 $0x7B0, v16;
	v2 =	vor.u32 v15, v63;
	v1 =	vld.idx.msk [tilespmem:v3+s12+$0x0], $0xffff  }
0x22e: {  	v3 =	vor.u32 v20, v5;
	_ =	sdelay $0x3  }
0x22f: {  	[tilespmem:v2+s9+$0x0] =	vst.idx.add.f32.msk $0xffff, v1  }
0x230: {  	v4 =	vor.u32 $0x7C0, v16;
	v2 =	vor.u32 v21, v63;
	v1 =	vld.idx.msk [tilespmem:v3+s12+$0x0], $0xffff  }
0x231: {  	v3 =	vor.u32 v4, v5;
	_ =	sdelay $0x3  }
0x232: {  	[tilespmem:v2+s9+$0x0] =	vst.idx.add.f32.msk $0xffff, v1  }
0x233: {  	v2 =	vor.u32 v22, v63;
	v1 =	vld.idx.msk [tilespmem:v3+s12+$0x0], $0xffff;
	v3 =	vor.u32 $0x7D0, v16  }
0x234: {  	v62 =	vor.u32 v3, v5;
	_ =	sdelay $0x3  }
0x235: {  	[tilespmem:v2+s9+$0x0] =	vst.idx.add.f32.msk $0xffff, v1  }
0x236: {  	v2 =	vor.u32 $0x7E0, v16;
	v1 =	vld.idx.msk [tilespmem:v62+s12+$0x0], $0xffff;
	v62 =	vor.u32 v17, v63  }
0x237: {  	v61 =	vor.u32 v2, v5;
	_ =	sdelay $0x3  }
0x238: {  	[tilespmem:v62+s9+$0x0] =	vst.idx.add.f32.msk $0xffff, v1  }
0x239: {  	v62 =	vor.u32 v18, v63;
	v1 =	vor.u32 $0x7F0, v16;
	v61 =	vld.idx.msk [tilespmem:v61+s12+$0x0], $0xffff  }
0x23a: {  	v5 =	vor.u32 v1, v5;
	_ =	sdelay $0x3  }
0x23b: {  	[tilespmem:v62+s9+$0x0] =	vst.idx.add.f32.msk $0xffff, v61  }
0x23c: {  	s0 =	sadd.s32 $0xFFFFFFF9, s31;
	v61 =	vor.u32 v19, v63;
	v5 =	vld.idx.msk [tilespmem:v5+s12+$0x0], $0xffff  }
0x23d: {  	v62 =	vmov s0;
	_ =	sdelay $0x3  }
0x23e: {  	[tilespmem:v61+s9+$0x0] =	vst.idx.add.f32.msk $0xffff, v5  }
0x23f: {  	v5 =	vld.idx.msk [tilespmem:v62+s11+$0x0], $0xffff;
	_ =	sdelay $0x1  }
0x240: {  	v61 =	vshll.u32 v62, $0x8  }
0x241: {  	v62 =	vor.u32 v16, v61;
	_ =	sdelay $0x1  }
0x242: {  	v63 =	vshll.u32 v5, $0x8;
	v5 =	vshll.u32 v5, $0x7  }
0x243: {  	v63 =	vand.u32 $0xFFFFF800, v63;
	v5 =	vand.u32 $0x380, v5  }
0x244: {  	v5 =	vor.u32 v5, v63  }
0x245: {  	v62 =	vld.idx.msk [tilespmem:v62+s12+$0x0], $0xffff;
	v63 =	vor.u32 v16, v5  }
0x246: {  	v60 =	vor.u32 v6, v61;
	_ =	sdelay $0x3  }
0x247: {  	[tilespmem:v63+s9+$0x0] =	vst.idx.add.f32.msk $0xffff, v62  }
0x248: {  	v62 =	vor.u32 v6, v5;
	v60 =	vld.idx.msk [tilespmem:v60+s12+$0x0], $0xffff  }
0x249: {  	v63 =	vor.u32 v7, v61;
	_ =	sdelay $0x3  }
0x24a: {  	[tilespmem:v62+s9+$0x0] =	vst.idx.add.f32.msk $0xffff, v60  }
0x24b: {  	v62 =	vor.u32 v7, v5;
	v60 =	vld.idx.msk [tilespmem:v63+s12+$0x0], $0xffff  }
0x24c: {  	v63 =	vor.u32 v8, v61;
	_ =	sdelay $0x3  }
0x24d: {  	[tilespmem:v62+s9+$0x0] =	vst.idx.add.f32.msk $0xffff, v60  }
0x24e: {  	v62 =	vor.u32 v8, v5;
	v60 =	vld.idx.msk [tilespmem:v63+s12+$0x0], $0xffff  }
0x24f: {  	v63 =	vor.u32 v9, v61;
	_ =	sdelay $0x3  }
0x250: {  	[tilespmem:v62+s9+$0x0] =	vst.idx.add.f32.msk $0xffff, v60  }
0x251: {  	v62 =	vor.u32 v9, v5;
	v60 =	vld.idx.msk [tilespmem:v63+s12+$0x0], $0xffff  }
0x252: {  	v63 =	vor.u32 v10, v61;
	_ =	sdelay $0x3  }
0x253: {  	[tilespmem:v62+s9+$0x0] =	vst.idx.add.f32.msk $0xffff, v60  }
0x254: {  	v62 =	vor.u32 v10, v5;
	v60 =	vld.idx.msk [tilespmem:v63+s12+$0x0], $0xffff  }
0x255: {  	v63 =	vor.u32 v11, v61;
	_ =	sdelay $0x3  }
0x256: {  	[tilespmem:v62+s9+$0x0] =	vst.idx.add.f32.msk $0xffff, v60  }
0x257: {  	v62 =	vor.u32 v11, v5;
	v60 =	vld.idx.msk [tilespmem:v63+s12+$0x0], $0xffff  }
0x258: {  	v63 =	vor.u32 v12, v61;
	_ =	sdelay $0x3  }
0x259: {  	[tilespmem:v62+s9+$0x0] =	vst.idx.add.f32.msk $0xffff, v60  }
0x25a: {  	v62 =	vor.u32 v12, v5;
	v60 =	vld.idx.msk [tilespmem:v63+s12+$0x0], $0xffff  }
0x25b: {  	v63 =	vor.u32 v13, v61;
	_ =	sdelay $0x3  }
0x25c: {  	[tilespmem:v62+s9+$0x0] =	vst.idx.add.f32.msk $0xffff, v60  }
0x25d: {  	v62 =	vor.u32 v13, v5;
	v60 =	vld.idx.msk [tilespmem:v63+s12+$0x0], $0xffff  }
0x25e: {  	v63 =	vor.u32 v14, v61;
	_ =	sdelay $0x3  }
0x25f: {  	[tilespmem:v62+s9+$0x0] =	vst.idx.add.f32.msk $0xffff, v60  }
0x260: {  	v62 =	vor.u32 v14, v5;
	v60 =	vld.idx.msk [tilespmem:v63+s12+$0x0], $0xffff  }
0x261: {  	v63 =	vor.u32 v15, v61;
	_ =	sdelay $0x3  }
0x262: {  	[tilespmem:v62+s9+$0x0] =	vst.idx.add.f32.msk $0xffff, v60  }
0x263: {  	v62 =	vor.u32 v15, v5;
	v60 =	vld.idx.msk [tilespmem:v63+s12+$0x0], $0xffff  }
0x264: {  	v63 =	vor.u32 v21, v61;
	_ =	sdelay $0x3  }
0x265: {  	[tilespmem:v62+s9+$0x0] =	vst.idx.add.f32.msk $0xffff, v60  }
0x266: {  	v62 =	vor.u32 v21, v5;
	v60 =	vld.idx.msk [tilespmem:v63+s12+$0x0], $0xffff  }
0x267: {  	v63 =	vor.u32 v22, v61;
	_ =	sdelay $0x3  }
0x268: {  	[tilespmem:v62+s9+$0x0] =	vst.idx.add.f32.msk $0xffff, v60  }
0x269: {  	v62 =	vor.u32 v22, v5;
	v60 =	vld.idx.msk [tilespmem:v63+s12+$0x0], $0xffff  }
0x26a: {  	v63 =	vor.u32 v17, v61;
	_ =	sdelay $0x3  }
0x26b: {  	[tilespmem:v62+s9+$0x0] =	vst.idx.add.f32.msk $0xffff, v60  }
0x26c: {  	v62 =	vor.u32 v17, v5;
	v60 =	vld.idx.msk [tilespmem:v63+s12+$0x0], $0xffff  }
0x26d: {  	v63 =	vor.u32 v18, v61;
	_ =	sdelay $0x3  }
0x26e: {  	[tilespmem:v62+s9+$0x0] =	vst.idx.add.f32.msk $0xffff, v60  }
0x26f: {  	v62 =	vor.u32 v18, v5;
	v60 =	vld.idx.msk [tilespmem:v63+s12+$0x0], $0xffff  }
0x270: {  	v61 =	vor.u32 v19, v61;
	_ =	sdelay $0x3  }
0x271: {  	[tilespmem:v62+s9+$0x0] =	vst.idx.add.f32.msk $0xffff, v60  }
0x272: {  	s0 =	sadd.s32 $0xFFFFFFFA, s31;
	v5 =	vor.u32 v19, v5;
	v60 =	vld.idx.msk [tilespmem:v61+s12+$0x0], $0xffff  }
0x273: {  	v61 =	vmov s0;
	_ =	sdelay $0x3  }
0x274: {  	[tilespmem:v5+s9+$0x0] =	vst.idx.add.f32.msk $0xffff, v60  }
0x275: {  	v5 =	vld.idx.msk [tilespmem:v61+s11+$0x0], $0xffff  }
0x276: {  	v60 =	vshll.u32 v61, $0x8  }
0x277: {  	v60 =	vand.u32 $0x7800, v60  }
0x278: {  	v61 =	vor.u32 v59, v60;
	_ =	sdelay $0x1  }
0x279: {  	v62 =	vshll.u32 v5, $0x8;
	v5 =	vshll.u32 v5, $0x7  }
0x27a: {  	v62 =	vand.u32 $0xFFFFF800, v62;
	v5 =	vand.u32 $0x380, v5  }
0x27b: {  	v5 =	vor.u32 v5, v62  }
0x27c: {  	v61 =	vld.idx.msk [tilespmem:v61+s12+$0x0], $0xffff;
	v62 =	vor.u32 v16, v5  }
0x27d: {  	v63 =	vor.u32 v58, v60;
	_ =	sdelay $0x3  }
0x27e: {  	[tilespmem:v62+s9+$0x0] =	vst.idx.add.f32.msk $0xffff, v61  }
0x27f: {  	v62 =	vor.u32 v6, v5;
	v61 =	vld.idx.msk [tilespmem:v63+s12+$0x0], $0xffff  }
0x280: {  	v63 =	vor.u32 v57, v60;
	_ =	sdelay $0x3  }
0x281: {  	[tilespmem:v62+s9+$0x0] =	vst.idx.add.f32.msk $0xffff, v61  }
0x282: {  	v62 =	vor.u32 v7, v5;
	v61 =	vld.idx.msk [tilespmem:v63+s12+$0x0], $0xffff  }
0x283: {  	v63 =	vor.u32 v56, v60;
	_ =	sdelay $0x3  }
0x284: {  	[tilespmem:v62+s9+$0x0] =	vst.idx.add.f32.msk $0xffff, v61  }
0x285: {  	v62 =	vor.u32 v8, v5;
	v61 =	vld.idx.msk [tilespmem:v63+s12+$0x0], $0xffff  }
0x286: {  	v63 =	vor.u32 v55, v60;
	_ =	sdelay $0x3  }
0x287: {  	[tilespmem:v62+s9+$0x0] =	vst.idx.add.f32.msk $0xffff, v61  }
0x288: {  	v62 =	vor.u32 v9, v5;
	v61 =	vld.idx.msk [tilespmem:v63+s12+$0x0], $0xffff  }
0x289: {  	v63 =	vor.u32 v51, v60;
	_ =	sdelay $0x3  }
0x28a: {  	[tilespmem:v62+s9+$0x0] =	vst.idx.add.f32.msk $0xffff, v61  }
0x28b: {  	v62 =	vor.u32 v10, v5;
	v61 =	vld.idx.msk [tilespmem:v63+s12+$0x0], $0xffff  }
0x28c: {  	v63 =	vor.u32 v52, v60;
	_ =	sdelay $0x3  }
0x28d: {  	[tilespmem:v62+s9+$0x0] =	vst.idx.add.f32.msk $0xffff, v61  }
0x28e: {  	v62 =	vor.u32 v11, v5;
	v61 =	vld.idx.msk [tilespmem:v63+s12+$0x0], $0xffff  }
0x28f: {  	v63 =	vor.u32 v53, v60;
	_ =	sdelay $0x3  }
0x290: {  	[tilespmem:v62+s9+$0x0] =	vst.idx.add.f32.msk $0xffff, v61  }
0x291: {  	v62 =	vor.u32 v12, v5;
	v61 =	vld.idx.msk [tilespmem:v63+s12+$0x0], $0xffff  }
0x292: {  	v63 =	vor.u32 v54, v60  }
0x293: {  	[tilespmem:$0x1FE90] =	vst v0;
	v0 =	vld [tilespmem:$0x1FEE0];
	_ =	sdelay $0x2  }
0x294: {  	[tilespmem:v62+s9+$0x0] =	vst.idx.add.f32.msk $0xffff, v61  }
0x295: {  	v62 =	vor.u32 v13, v5;
	v61 =	vld.idx.msk [tilespmem:v63+s12+$0x0], $0xffff  }
0x296: {  	v63 =	vor.u32 v0, v60  }
0x297: {  	v0 =	vld [tilespmem:$0x1FEF0];
	_ =	sdelay $0x2  }
0x298: {  	[tilespmem:v62+s9+$0x0] =	vst.idx.add.f32.msk $0xffff, v61  }
0x299: {  	v62 =	vor.u32 v14, v5;
	v61 =	vld.idx.msk [tilespmem:v63+s12+$0x0], $0xffff  }
0x29a: {  	v63 =	vor.u32 v0, v60  }
0x29b: {  	v0 =	vld [tilespmem:$0x1FF00];
	_ =	sdelay $0x2  }
0x29c: {  	[tilespmem:v62+s9+$0x0] =	vst.idx.add.f32.msk $0xffff, v61  }
0x29d: {  	v62 =	vor.u32 v15, v5;
	v61 =	vld.idx.msk [tilespmem:v63+s12+$0x0], $0xffff  }
0x29e: {  	v63 =	vor.u32 v0, v60  }
0x29f: {  	v0 =	vld [tilespmem:$0x1FF10];
	_ =	sdelay $0x2  }
0x2a0: {  	[tilespmem:v62+s9+$0x0] =	vst.idx.add.f32.msk $0xffff, v61  }
0x2a1: {  	v62 =	vor.u32 v21, v5;
	v61 =	vld.idx.msk [tilespmem:v63+s12+$0x0], $0xffff  }
0x2a2: {  	v63 =	vor.u32 v0, v60  }
0x2a3: {  	v0 =	vld [tilespmem:$0x1FF20];
	_ =	sdelay $0x2  }
0x2a4: {  	[tilespmem:v62+s9+$0x0] =	vst.idx.add.f32.msk $0xffff, v61  }
0x2a5: {  	v62 =	vor.u32 v22, v5;
	v61 =	vld.idx.msk [tilespmem:v63+s12+$0x0], $0xffff  }
0x2a6: {  	v63 =	vor.u32 v0, v60  }
0x2a7: {  	v0 =	vld [tilespmem:$0x1FF30];
	_ =	sdelay $0x2  }
0x2a8: {  	[tilespmem:v62+s9+$0x0] =	vst.idx.add.f32.msk $0xffff, v61  }
0x2a9: {  	v62 =	vor.u32 v17, v5;
	v61 =	vld.idx.msk [tilespmem:v63+s12+$0x0], $0xffff  }
0x2aa: {  	v63 =	vor.u32 v0, v60  }
0x2ab: {  	v0 =	vld [tilespmem:$0x1FF40];
	_ =	sdelay $0x2  }
0x2ac: {  	[tilespmem:v62+s9+$0x0] =	vst.idx.add.f32.msk $0xffff, v61  }
0x2ad: {  	v62 =	vor.u32 v18, v5;
	v61 =	vld.idx.msk [tilespmem:v63+s12+$0x0], $0xffff  }
0x2ae: {  	v60 =	vor.u32 v0, v60;
	_ =	sdelay $0x3  }
0x2af: {  	[tilespmem:v62+s9+$0x0] =	vst.idx.add.f32.msk $0xffff, v61  }
0x2b0: {  	s0 =	sadd.s32 $0xFFFFFFFB, s31;
	v5 =	vor.u32 v19, v5;
	v60 =	vld.idx.msk [tilespmem:v60+s12+$0x0], $0xffff  }
0x2b1: {  	v61 =	vmov s0;
	_ =	sdelay $0x2  }
0x2b2: {  	v0 =	vld [tilespmem:$0x1FF50]  }
0x2b3: {  	[tilespmem:v5+s9+$0x0] =	vst.idx.add.f32.msk $0xffff, v60  }
0x2b4: {  	v5 =	vld.idx.msk [tilespmem:v61+s11+$0x0], $0xffff  }
0x2b5: {  	v60 =	vshll.u32 v61, $0x8  }
0x2b6: {  	v60 =	vand.u32 $0x7800, v60  }
0x2b7: {  	v61 =	vor.u32 v0, v60  }
0x2b8: {  	v0 =	vld [tilespmem:$0x1FF60]  }
0x2b9: {  	v62 =	vshll.u32 v5, $0x8;
	v5 =	vshll.u32 v5, $0x7  }
0x2ba: {  	v62 =	vand.u32 $0xFFFFF800, v62;
	v5 =	vand.u32 $0x380, v5  }
0x2bb: {  	v5 =	vor.u32 v5, v62  }
0x2bc: {  	v61 =	vld.idx.msk [tilespmem:v61+s12+$0x0], $0xffff;
	v62 =	vor.u32 v16, v5  }
0x2bd: {  	v63 =	vor.u32 v0, v60  }
0x2be: {  	v0 =	vld [tilespmem:$0x1FF70];
	_ =	sdelay $0x2  }
0x2bf: {  	[tilespmem:v62+s9+$0x0] =	vst.idx.add.f32.msk $0xffff, v61  }
0x2c0: {  	v62 =	vor.u32 v6, v5;
	v61 =	vld.idx.msk [tilespmem:v63+s12+$0x0], $0xffff  }
0x2c1: {  	v63 =	vor.u32 v0, v60  }
0x2c2: {  	v0 =	vld [tilespmem:$0x1FF80];
	_ =	sdelay $0x2  }
0x2c3: {  	[tilespmem:v62+s9+$0x0] =	vst.idx.add.f32.msk $0xffff, v61  }
0x2c4: {  	v62 =	vor.u32 v7, v5;
	v61 =	vld.idx.msk [tilespmem:v63+s12+$0x0], $0xffff  }
0x2c5: {  	v63 =	vor.u32 v0, v60  }
0x2c6: {  	v0 =	vld [tilespmem:$0x1FF90];
	_ =	sdelay $0x2  }
0x2c7: {  	[tilespmem:v62+s9+$0x0] =	vst.idx.add.f32.msk $0xffff, v61  }
0x2c8: {  	v62 =	vor.u32 v8, v5;
	v61 =	vld.idx.msk [tilespmem:v63+s12+$0x0], $0xffff  }
0x2c9: {  	v63 =	vor.u32 v0, v60  }
0x2ca: {  	v0 =	vld [tilespmem:$0x1FFA0];
	_ =	sdelay $0x2  }
0x2cb: {  	[tilespmem:v62+s9+$0x0] =	vst.idx.add.f32.msk $0xffff, v61  }
0x2cc: {  	v62 =	vor.u32 v9, v5;
	v61 =	vld.idx.msk [tilespmem:v63+s12+$0x0], $0xffff  }
0x2cd: {  	v63 =	vor.u32 v0, v60  }
0x2ce: {  	v0 =	vld [tilespmem:$0x1FFB0];
	_ =	sdelay $0x2  }
0x2cf: {  	[tilespmem:v62+s9+$0x0] =	vst.idx.add.f32.msk $0xffff, v61  }
0x2d0: {  	v62 =	vor.u32 v10, v5;
	v61 =	vld.idx.msk [tilespmem:v63+s12+$0x0], $0xffff  }
0x2d1: {  	v63 =	vor.u32 v0, v60  }
0x2d2: {  	v0 =	vld [tilespmem:$0x1FFC0];
	_ =	sdelay $0x2  }
0x2d3: {  	[tilespmem:v62+s9+$0x0] =	vst.idx.add.f32.msk $0xffff, v61  }
0x2d4: {  	v62 =	vor.u32 v11, v5;
	v61 =	vld.idx.msk [tilespmem:v63+s12+$0x0], $0xffff  }
0x2d5: {  	v63 =	vor.u32 v0, v60  }
0x2d6: {  	v0 =	vld [tilespmem:$0x1FFD0];
	_ =	sdelay $0x2  }
0x2d7: {  	[tilespmem:v62+s9+$0x0] =	vst.idx.add.f32.msk $0xffff, v61  }
0x2d8: {  	v62 =	vor.u32 v12, v5;
	v61 =	vld.idx.msk [tilespmem:v63+s12+$0x0], $0xffff  }
0x2d9: {  	v63 =	vor.u32 v0, v60  }
0x2da: {  	v0 =	vld [tilespmem:$0x1FFE0];
	_ =	sdelay $0x2  }
0x2db: {  	[tilespmem:v62+s9+$0x0] =	vst.idx.add.f32.msk $0xffff, v61  }
0x2dc: {  	v62 =	vor.u32 v13, v5;
	v61 =	vld.idx.msk [tilespmem:v63+s12+$0x0], $0xffff  }
0x2dd: {  	v63 =	vor.u32 v0, v60  }
0x2de: {  	v0 =	vld [tilespmem:$0x1FFF0];
	_ =	sdelay $0x2  }
0x2df: {  	[tilespmem:v62+s9+$0x0] =	vst.idx.add.f32.msk $0xffff, v61  }
0x2e0: {  	v62 =	vor.u32 v14, v5;
	v61 =	vld.idx.msk [tilespmem:v63+s12+$0x0], $0xffff  }
0x2e1: {  	v63 =	vor.u32 v0, v60  }
0x2e2: {  	v0 =	vld [tilespmem:$0x1FBE0];
	_ =	sdelay $0x2  }
0x2e3: {  	[tilespmem:v62+s9+$0x0] =	vst.idx.add.f32.msk $0xffff, v61  }
0x2e4: {  	v62 =	vor.u32 v15, v5;
	v61 =	vld.idx.msk [tilespmem:v63+s12+$0x0], $0xffff  }
0x2e5: {  	v63 =	vor.u32 v0, v60  }
0x2e6: {  	v0 =	vld [tilespmem:$0x1FBF0];
	_ =	sdelay $0x2  }
0x2e7: {  	[tilespmem:v62+s9+$0x0] =	vst.idx.add.f32.msk $0xffff, v61  }
0x2e8: {  	v62 =	vor.u32 v21, v5;
	v61 =	vld.idx.msk [tilespmem:v63+s12+$0x0], $0xffff  }
0x2e9: {  	v63 =	vor.u32 v0, v60  }
0x2ea: {  	v0 =	vld [tilespmem:$0x1FC00];
	_ =	sdelay $0x2  }
0x2eb: {  	[tilespmem:v62+s9+$0x0] =	vst.idx.add.f32.msk $0xffff, v61  }
0x2ec: {  	v62 =	vor.u32 v22, v5;
	v61 =	vld.idx.msk [tilespmem:v63+s12+$0x0], $0xffff  }
0x2ed: {  	v63 =	vor.u32 v0, v60  }
0x2ee: {  	v0 =	vld [tilespmem:$0x1FC10];
	_ =	sdelay $0x2  }
0x2ef: {  	[tilespmem:v62+s9+$0x0] =	vst.idx.add.f32.msk $0xffff, v61  }
0x2f0: {  	v62 =	vor.u32 v17, v5;
	v61 =	vld.idx.msk [tilespmem:v63+s12+$0x0], $0xffff  }
0x2f1: {  	v63 =	vor.u32 v0, v60  }
0x2f2: {  	v0 =	vld [tilespmem:$0x1FC20];
	_ =	sdelay $0x2  }
0x2f3: {  	[tilespmem:v62+s9+$0x0] =	vst.idx.add.f32.msk $0xffff, v61  }
0x2f4: {  	v62 =	vor.u32 v18, v5;
	v61 =	vld.idx.msk [tilespmem:v63+s12+$0x0], $0xffff  }
0x2f5: {  	v60 =	vor.u32 v0, v60;
	_ =	sdelay $0x3  }
0x2f6: {  	[tilespmem:v62+s9+$0x0] =	vst.idx.add.f32.msk $0xffff, v61  }
0x2f7: {  	s0 =	sadd.s32 $0xFFFFFFFC, s31;
	v5 =	vor.u32 v19, v5;
	v60 =	vld.idx.msk [tilespmem:v60+s12+$0x0], $0xffff  }
0x2f8: {  	v61 =	vmov s0;
	_ =	sdelay $0x2  }
0x2f9: {  	v0 =	vld [tilespmem:$0x1FC30]  }
0x2fa: {  	[tilespmem:v5+s9+$0x0] =	vst.idx.add.f32.msk $0xffff, v60  }
0x2fb: {  	v5 =	vld.idx.msk [tilespmem:v61+s11+$0x0], $0xffff  }
0x2fc: {  	v60 =	vshll.u32 v61, $0x8  }
0x2fd: {  	v60 =	vand.u32 $0x7800, v60  }
0x2fe: {  	v61 =	vor.u32 v0, v60  }
0x2ff: {  	v0 =	vld [tilespmem:$0x1FC40]  }
0x300: {  	v62 =	vshll.u32 v5, $0x8;
	v5 =	vshll.u32 v5, $0x7  }
0x301: {  	v62 =	vand.u32 $0xFFFFF800, v62;
	v5 =	vand.u32 $0x380, v5  }
0x302: {  	v5 =	vor.u32 v5, v62  }
0x303: {  	v61 =	vld.idx.msk [tilespmem:v61+s12+$0x0], $0xffff;
	v62 =	vor.u32 v16, v5  }
0x304: {  	v63 =	vor.u32 v0, v60  }
0x305: {  	v0 =	vld [tilespmem:$0x1FC50];
	_ =	sdelay $0x2  }
0x306: {  	[tilespmem:v62+s9+$0x0] =	vst.idx.add.f32.msk $0xffff, v61  }
0x307: {  	v62 =	vor.u32 v6, v5;
	v61 =	vld.idx.msk [tilespmem:v63+s12+$0x0], $0xffff  }
0x308: {  	v63 =	vor.u32 v0, v60  }
0x309: {  	v0 =	vld [tilespmem:$0x1FC60];
	_ =	sdelay $0x2  }
0x30a: {  	[tilespmem:v62+s9+$0x0] =	vst.idx.add.f32.msk $0xffff, v61  }
0x30b: {  	v62 =	vor.u32 v7, v5;
	v61 =	vld.idx.msk [tilespmem:v63+s12+$0x0], $0xffff  }
0x30c: {  	v63 =	vor.u32 v0, v60  }
0x30d: {  	v0 =	vld [tilespmem:$0x1FC70];
	_ =	sdelay $0x2  }
0x30e: {  	[tilespmem:v62+s9+$0x0] =	vst.idx.add.f32.msk $0xffff, v61  }
0x30f: {  	v62 =	vor.u32 v8, v5;
	v61 =	vld.idx.msk [tilespmem:v63+s12+$0x0], $0xffff  }
0x310: {  	v63 =	vor.u32 v0, v60  }
0x311: {  	v0 =	vld [tilespmem:$0x1FC80];
	_ =	sdelay $0x2  }
0x312: {  	[tilespmem:v62+s9+$0x0] =	vst.idx.add.f32.msk $0xffff, v61  }
0x313: {  	v62 =	vor.u32 v9, v5;
	v61 =	vld.idx.msk [tilespmem:v63+s12+$0x0], $0xffff  }
0x314: {  	v63 =	vor.u32 v0, v60  }
0x315: {  	v0 =	vld [tilespmem:$0x1FC90];
	_ =	sdelay $0x2  }
0x316: {  	[tilespmem:v62+s9+$0x0] =	vst.idx.add.f32.msk $0xffff, v61  }
0x317: {  	v62 =	vor.u32 v10, v5;
	v61 =	vld.idx.msk [tilespmem:v63+s12+$0x0], $0xffff  }
0x318: {  	v63 =	vor.u32 v0, v60  }
0x319: {  	v0 =	vld [tilespmem:$0x1FCA0];
	_ =	sdelay $0x2  }
0x31a: {  	[tilespmem:v62+s9+$0x0] =	vst.idx.add.f32.msk $0xffff, v61  }
0x31b: {  	v62 =	vor.u32 v11, v5;
	v61 =	vld.idx.msk [tilespmem:v63+s12+$0x0], $0xffff  }
0x31c: {  	v63 =	vor.u32 v0, v60  }
0x31d: {  	v0 =	vld [tilespmem:$0x1FCB0];
	_ =	sdelay $0x2  }
0x31e: {  	[tilespmem:v62+s9+$0x0] =	vst.idx.add.f32.msk $0xffff, v61  }
0x31f: {  	v62 =	vor.u32 v12, v5;
	v61 =	vld.idx.msk [tilespmem:v63+s12+$0x0], $0xffff  }
0x320: {  	v63 =	vor.u32 v0, v60  }
0x321: {  	v0 =	vld [tilespmem:$0x1FCC0];
	_ =	sdelay $0x2  }
0x322: {  	[tilespmem:v62+s9+$0x0] =	vst.idx.add.f32.msk $0xffff, v61  }
0x323: {  	v62 =	vor.u32 v13, v5;
	v61 =	vld.idx.msk [tilespmem:v63+s12+$0x0], $0xffff  }
0x324: {  	v63 =	vor.u32 v0, v60  }
0x325: {  	v0 =	vld [tilespmem:$0x1FCD0];
	_ =	sdelay $0x2  }
0x326: {  	[tilespmem:v62+s9+$0x0] =	vst.idx.add.f32.msk $0xffff, v61  }
0x327: {  	v62 =	vor.u32 v14, v5;
	v61 =	vld.idx.msk [tilespmem:v63+s12+$0x0], $0xffff  }
0x328: {  	v63 =	vor.u32 v0, v60  }
0x329: {  	v0 =	vld [tilespmem:$0x1FCE0];
	_ =	sdelay $0x2  }
0x32a: {  	[tilespmem:v62+s9+$0x0] =	vst.idx.add.f32.msk $0xffff, v61  }
0x32b: {  	v62 =	vor.u32 v15, v5;
	v61 =	vld.idx.msk [tilespmem:v63+s12+$0x0], $0xffff  }
0x32c: {  	v63 =	vor.u32 v0, v60  }
0x32d: {  	v0 =	vld [tilespmem:$0x1FCF0];
	_ =	sdelay $0x2  }
0x32e: {  	[tilespmem:v62+s9+$0x0] =	vst.idx.add.f32.msk $0xffff, v61  }
0x32f: {  	v62 =	vor.u32 v21, v5;
	v61 =	vld.idx.msk [tilespmem:v63+s12+$0x0], $0xffff  }
0x330: {  	v63 =	vor.u32 v0, v60  }
0x331: {  	v0 =	vld [tilespmem:$0x1FD00];
	_ =	sdelay $0x2  }
0x332: {  	[tilespmem:v62+s9+$0x0] =	vst.idx.add.f32.msk $0xffff, v61  }
0x333: {  	v62 =	vor.u32 v22, v5;
	v61 =	vld.idx.msk [tilespmem:v63+s12+$0x0], $0xffff  }
0x334: {  	v63 =	vor.u32 v0, v60  }
0x335: {  	v0 =	vld [tilespmem:$0x1FD10];
	_ =	sdelay $0x2  }
0x336: {  	[tilespmem:v62+s9+$0x0] =	vst.idx.add.f32.msk $0xffff, v61  }
0x337: {  	v62 =	vor.u32 v17, v5;
	v61 =	vld.idx.msk [tilespmem:v63+s12+$0x0], $0xffff  }
0x338: {  	v63 =	vor.u32 v0, v60  }
0x339: {  	v0 =	vld [tilespmem:$0x1FD20];
	_ =	sdelay $0x2  }
0x33a: {  	[tilespmem:v62+s9+$0x0] =	vst.idx.add.f32.msk $0xffff, v61  }
0x33b: {  	v62 =	vor.u32 v18, v5;
	v61 =	vld.idx.msk [tilespmem:v63+s12+$0x0], $0xffff  }
0x33c: {  	v60 =	vor.u32 v0, v60;
	_ =	sdelay $0x3  }
0x33d: {  	[tilespmem:v62+s9+$0x0] =	vst.idx.add.f32.msk $0xffff, v61  }
0x33e: {  	s0 =	sadd.s32 $0xFFFFFFFD, s31;
	v5 =	vor.u32 v19, v5;
	v60 =	vld.idx.msk [tilespmem:v60+s12+$0x0], $0xffff  }
0x33f: {  	v61 =	vmov s0;
	_ =	sdelay $0x3  }
0x340: {  	[tilespmem:v5+s9+$0x0] =	vst.idx.add.f32.msk $0xffff, v60  }
0x341: {  	v5 =	vld.idx.msk [tilespmem:v61+s11+$0x0], $0xffff  }
0x342: {  	v60 =	vshll.u32 v61, $0x8  }
0x343: {  	v61 =	vand.u32 $0x7800, v60  }
0x344: {  	v62 =	vor.u32 v47, v61;
	_ =	sdelay $0x1  }
0x345: {  	v63 =	vshll.u32 v5, $0x8;
	v5 =	vshll.u32 v5, $0x7  }
0x346: {  	v63 =	vand.u32 $0xFFFFF800, v63;
	v5 =	vand.u32 $0x380, v5  }
0x347: {  	v0 =	vmov v54;
	v5 =	vor.u32 v5, v63  }
0x348: {  	v54 =	vmovc v53;
	v53 =	vmovc v52;
	v52 =	vmov v51;
	v51 =	vmov v55;
	v62 =	vld.idx.msk [tilespmem:v62+s12+$0x0], $0xffff;
	v63 =	vor.u32 v16, v5  }
0x349: {  	v55 =	vmovc v56;
	v56 =	vmovc v57;
	v57 =	vmov v58;
	v58 =	vmov v59;
	v59 =	vor.u32 v48, v61;
	_ =	sdelay $0x3  }
0x34a: {  	[tilespmem:v63+s9+$0x0] =	vst.idx.add.f32.msk $0xffff, v62  }
0x34b: {  	v62 =	vor.u32 v6, v5;
	v59 =	vld.idx.msk [tilespmem:v59+s12+$0x0], $0xffff  }
0x34c: {  	v63 =	vor.u32 v49, v61;
	_ =	sdelay $0x3  }
0x34d: {  	[tilespmem:v62+s9+$0x0] =	vst.idx.add.f32.msk $0xffff, v59  }
0x34e: {  	v62 =	vor.u32 v7, v5;
	v59 =	vld.idx.msk [tilespmem:v63+s12+$0x0], $0xffff  }
0x34f: {  	v63 =	vor.u32 v50, v61;
	_ =	sdelay $0x3  }
0x350: {  	[tilespmem:v62+s9+$0x0] =	vst.idx.add.f32.msk $0xffff, v59  }
0x351: {  	v62 =	vor.u32 v8, v5;
	v59 =	vld.idx.msk [tilespmem:v63+s12+$0x0], $0xffff  }
0x352: {  	v63 =	vor.u32 v26, v61;
	_ =	sdelay $0x3  }
0x353: {  	[tilespmem:v62+s9+$0x0] =	vst.idx.add.f32.msk $0xffff, v59  }
0x354: {  	v62 =	vor.u32 v9, v5;
	v59 =	vld.idx.msk [tilespmem:v63+s12+$0x0], $0xffff  }
0x355: {  	v63 =	vor.u32 v25, v61;
	_ =	sdelay $0x3  }
0x356: {  	[tilespmem:v62+s9+$0x0] =	vst.idx.add.f32.msk $0xffff, v59  }
0x357: {  	v62 =	vor.u32 v10, v5;
	v59 =	vld.idx.msk [tilespmem:v63+s12+$0x0], $0xffff  }
0x358: {  	v63 =	vor.u32 v24, v61;
	_ =	sdelay $0x3  }
0x359: {  	[tilespmem:v62+s9+$0x0] =	vst.idx.add.f32.msk $0xffff, v59  }
0x35a: {  	v62 =	vor.u32 v11, v5;
	v59 =	vld.idx.msk [tilespmem:v63+s12+$0x0], $0xffff  }
0x35b: {  	v61 =	vor.u32 v23, v61;
	_ =	sdelay $0x3  }
0x35c: {  	[tilespmem:v62+s9+$0x0] =	vst.idx.add.f32.msk $0xffff, v59  }
0x35d: {  	v59 =	vld.idx.msk [tilespmem:v61+s12+$0x0], $0xffff;
	v61 =	vor.u32 v12, v5  }
0x35e: {  	v47 =	vor.u32 v47, v60;
	_ =	sdelay $0x3  }
0x35f: {  	[tilespmem:v61+s9+$0x0] =	vst.idx.add.f32.msk $0xffff, v59  }
0x360: {  	v61 =	vor.u32 v13, v5;
	v47 =	vld.idx.msk [tilespmem:v47+s12+$0x0], $0xffff  }
0x361: {  	v48 =	vor.u32 v48, v60;
	_ =	sdelay $0x3  }
0x362: {  	[tilespmem:v61+s9+$0x0] =	vst.idx.add.f32.msk $0xffff, v47  }
0x363: {  	v62 =	vor.u32 v14, v5;
	v47 =	vld.idx.msk [tilespmem:v48+s12+$0x0], $0xffff  }
0x364: {  	v49 =	vor.u32 v49, v60;
	_ =	sdelay $0x3  }
0x365: {  	[tilespmem:v62+s9+$0x0] =	vst.idx.add.f32.msk $0xffff, v47  }
0x366: {  	v63 =	vor.u32 v15, v5;
	v47 =	vld.idx.msk [tilespmem:v49+s12+$0x0], $0xffff  }
0x367: {  	v61 =	vor.u32 v50, v60;
	_ =	sdelay $0x3  }
0x368: {  	[tilespmem:v63+s9+$0x0] =	vst.idx.add.f32.msk $0xffff, v47  }
0x369: {  	v62 =	vor.u32 v21, v5;
	v47 =	vld.idx.msk [tilespmem:v61+s12+$0x0], $0xffff  }
0x36a: {  	v63 =	vor.u32 v26, v60;
	_ =	sdelay $0x3  }
0x36b: {  	[tilespmem:v62+s9+$0x0] =	vst.idx.add.f32.msk $0xffff, v47  }
0x36c: {  	v61 =	vor.u32 v22, v5;
	v47 =	vld.idx.msk [tilespmem:v63+s12+$0x0], $0xffff  }
0x36d: {  	v62 =	vor.u32 v25, v60;
	_ =	sdelay $0x3  }
0x36e: {  	[tilespmem:v61+s9+$0x0] =	vst.idx.add.f32.msk $0xffff, v47  }
0x36f: {  	v63 =	vor.u32 v17, v5;
	v47 =	vld.idx.msk [tilespmem:v62+s12+$0x0], $0xffff  }
0x370: {  	v61 =	vor.u32 v24, v60;
	_ =	sdelay $0x3  }
0x371: {  	[tilespmem:v63+s9+$0x0] =	vst.idx.add.f32.msk $0xffff, v47  }
0x372: {  	v62 =	vor.u32 v18, v5;
	v47 =	vld.idx.msk [tilespmem:v61+s12+$0x0], $0xffff  }
0x373: {  	v63 =	vor.u32 v23, v60;
	_ =	sdelay $0x3  }
0x374: {  	[tilespmem:v62+s9+$0x0] =	vst.idx.add.f32.msk $0xffff, v47  }
0x375: {  	s0 =	sadd.s32 $0xFFFFFFFE, s31;
	v5 =	vor.u32 v19, v5;
	v47 =	vld.idx.msk [tilespmem:v63+s12+$0x0], $0xffff  }
0x376: {  	v23 =	vmov s0;
	_ =	sdelay $0x1  }
0x377: {  	v59 =	vmovc v58;
	v58 =	vmov v57;
	v57 =	vmov v56;
	v56 =	vmov v55  }
0x378: {  	v55 =	vmovc v51;
	v51 =	vmovc v52;
	v52 =	vmov v53;
	v53 =	vmov v54;
	v54 =	vmov v0;
	v0 =	vld [tilespmem:$0x1FD30]  }
0x379: {  	[tilespmem:v5+s9+$0x0] =	vst.idx.add.f32.msk $0xffff, v47  }
0x37a: {  	v5 =	vld.idx.msk [tilespmem:v23+s11+$0x0], $0xffff  }
0x37b: {  	v60 =	vshll.u32 v23, $0x8  }
0x37c: {  	v47 =	vand.u32 $0x7800, v60  }
0x37d: {  	v61 =	vor.u32 v0, v47  }
0x37e: {  	v0 =	vld [tilespmem:$0x1FD40]  }
0x37f: {  	v62 =	vshll.u32 v5, $0x8;
	v5 =	vshll.u32 v5, $0x7  }
0x380: {  	v49 =	vand.u32 $0xFFFFF800, v62;
	v5 =	vand.u32 $0x380, v5  }
0x381: {  	v5 =	vor.u32 v5, v49  }
0x382: {  	v48 =	vld.idx.msk [tilespmem:v61+s12+$0x0], $0xffff;
	v49 =	vor.u32 v16, v5  }
0x383: {  	v63 =	vor.u32 v0, v47  }
0x384: {  	v0 =	vld [tilespmem:$0x1FD50];
	_ =	sdelay $0x2  }
0x385: {  	[tilespmem:v49+s9+$0x0] =	vst.idx.add.f32.msk $0xffff, v48  }
0x386: {  	v23 =	vor.u32 v6, v5;
	v48 =	vld.idx.msk [tilespmem:v63+s12+$0x0], $0xffff  }
0x387: {  	v60 =	vor.u32 v0, v47  }
0x388: {  	v0 =	vld [tilespmem:$0x1FD60];
	_ =	sdelay $0x2  }
0x389: {  	[tilespmem:v23+s9+$0x0] =	vst.idx.add.f32.msk $0xffff, v48  }
0x38a: {  	v61 =	vor.u32 v7, v5;
	v48 =	vld.idx.msk [tilespmem:v60+s12+$0x0], $0xffff  }
0x38b: {  	v62 =	vor.u32 v0, v47  }
0x38c: {  	v0 =	vld [tilespmem:$0x1FD70];
	_ =	sdelay $0x2  }
0x38d: {  	[tilespmem:v61+s9+$0x0] =	vst.idx.add.f32.msk $0xffff, v48  }
0x38e: {  	v63 =	vor.u32 v8, v5;
	v48 =	vld.idx.msk [tilespmem:v62+s12+$0x0], $0xffff  }
0x38f: {  	v23 =	vor.u32 v0, v47  }
0x390: {  	v0 =	vld [tilespmem:$0x1FD80];
	_ =	sdelay $0x2  }
0x391: {  	[tilespmem:v63+s9+$0x0] =	vst.idx.add.f32.msk $0xffff, v48  }
0x392: {  	v60 =	vor.u32 v9, v5;
	v48 =	vld.idx.msk [tilespmem:v23+s12+$0x0], $0xffff  }
0x393: {  	v61 =	vor.u32 v0, v47  }
0x394: {  	v0 =	vld [tilespmem:$0x1FD90];
	_ =	sdelay $0x2  }
0x395: {  	[tilespmem:v60+s9+$0x0] =	vst.idx.add.f32.msk $0xffff, v48  }
0x396: {  	v62 =	vor.u32 v10, v5;
	v48 =	vld.idx.msk [tilespmem:v61+s12+$0x0], $0xffff  }
0x397: {  	v63 =	vor.u32 v0, v47  }
0x398: {  	v0 =	vld [tilespmem:$0x1FDA0];
	_ =	sdelay $0x2  }
0x399: {  	[tilespmem:v62+s9+$0x0] =	vst.idx.add.f32.msk $0xffff, v48  }
0x39a: {  	v23 =	vor.u32 v11, v5;
	v48 =	vld.idx.msk [tilespmem:v63+s12+$0x0], $0xffff  }
0x39b: {  	v60 =	vor.u32 v0, v47  }
0x39c: {  	v0 =	vld [tilespmem:$0x1FDB0];
	_ =	sdelay $0x2  }
0x39d: {  	[tilespmem:v23+s9+$0x0] =	vst.idx.add.f32.msk $0xffff, v48  }
0x39e: {  	v61 =	vor.u32 v12, v5;
	v48 =	vld.idx.msk [tilespmem:v60+s12+$0x0], $0xffff  }
0x39f: {  	v62 =	vor.u32 v0, v47  }
0x3a0: {  	v0 =	vld [tilespmem:$0x1FDC0];
	_ =	sdelay $0x2  }
0x3a1: {  	[tilespmem:v61+s9+$0x0] =	vst.idx.add.f32.msk $0xffff, v48  }
0x3a2: {  	v63 =	vor.u32 v13, v5;
	v48 =	vld.idx.msk [tilespmem:v62+s12+$0x0], $0xffff  }
0x3a3: {  	v23 =	vor.u32 v0, v47  }
0x3a4: {  	v0 =	vld [tilespmem:$0x1FDD0];
	_ =	sdelay $0x2  }
0x3a5: {  	[tilespmem:v63+s9+$0x0] =	vst.idx.add.f32.msk $0xffff, v48  }
0x3a6: {  	v60 =	vor.u32 v14, v5;
	v48 =	vld.idx.msk [tilespmem:v23+s12+$0x0], $0xffff  }
0x3a7: {  	v61 =	vor.u32 v0, v47  }
0x3a8: {  	v0 =	vld [tilespmem:$0x1FDE0];
	_ =	sdelay $0x2  }
0x3a9: {  	[tilespmem:v60+s9+$0x0] =	vst.idx.add.f32.msk $0xffff, v48  }
0x3aa: {  	v62 =	vor.u32 v15, v5;
	v48 =	vld.idx.msk [tilespmem:v61+s12+$0x0], $0xffff  }
0x3ab: {  	v63 =	vor.u32 v0, v47  }
0x3ac: {  	v0 =	vld [tilespmem:$0x1FDF0];
	_ =	sdelay $0x2  }
0x3ad: {  	[tilespmem:v62+s9+$0x0] =	vst.idx.add.f32.msk $0xffff, v48  }
0x3ae: {  	v23 =	vor.u32 v21, v5;
	v48 =	vld.idx.msk [tilespmem:v63+s12+$0x0], $0xffff  }
0x3af: {  	v60 =	vor.u32 v0, v47  }
0x3b0: {  	v0 =	vld [tilespmem:$0x1FE00];
	_ =	sdelay $0x2  }
0x3b1: {  	[tilespmem:v23+s9+$0x0] =	vst.idx.add.f32.msk $0xffff, v48  }
0x3b2: {  	v61 =	vor.u32 v22, v5;
	v48 =	vld.idx.msk [tilespmem:v60+s12+$0x0], $0xffff  }
0x3b3: {  	v62 =	vor.u32 v0, v47  }
0x3b4: {  	v0 =	vld [tilespmem:$0x1FE10];
	_ =	sdelay $0x2  }
0x3b5: {  	[tilespmem:v61+s9+$0x0] =	vst.idx.add.f32.msk $0xffff, v48  }
0x3b6: {  	v63 =	vor.u32 v17, v5;
	v48 =	vld.idx.msk [tilespmem:v62+s12+$0x0], $0xffff  }
0x3b7: {  	v23 =	vor.u32 v0, v47  }
0x3b8: {  	v0 =	vld [tilespmem:$0x1FE20];
	_ =	sdelay $0x2  }
0x3b9: {  	[tilespmem:v63+s9+$0x0] =	vst.idx.add.f32.msk $0xffff, v48  }
0x3ba: {  	v60 =	vor.u32 v18, v5;
	v48 =	vld.idx.msk [tilespmem:v23+s12+$0x0], $0xffff  }
0x3bb: {  	v47 =	vor.u32 v0, v47;
	_ =	sdelay $0x3  }
0x3bc: {  	[tilespmem:v60+s9+$0x0] =	vst.idx.add.f32.msk $0xffff, v48  }
0x3bd: {  	s0 =	sadd.s32 $0xFFFFFFFF, s31;
	v5 =	vor.u32 v19, v5;
	v47 =	vld.idx.msk [tilespmem:v47+s12+$0x0], $0xffff  }
0x3be: {  	v61 =	vmov s0;
	_ =	sdelay $0x2  }
0x3bf: {  	v0 =	vld [tilespmem:$0x1FE30]  }
0x3c0: {  	[tilespmem:v5+s9+$0x0] =	vst.idx.add.f32.msk $0xffff, v47  }
0x3c1: {  	v5 =	vld.idx.msk [tilespmem:v61+s11+$0x0], $0xffff  }
0x3c2: {  	v47 =	vshll.u32 v61, $0x8  }
0x3c3: {  	v48 =	vand.u32 $0x7800, v47  }
0x3c4: {  	v62 =	vor.u32 v0, v48;
	_ =	sdelay $0x1  }
0x3c5: {  	v63 =	vshll.u32 v5, $0x8;
	v5 =	vshll.u32 v5, $0x7  }
0x3c6: {  	v50 =	vand.u32 $0xFFFFF800, v63;
	v5 =	vand.u32 $0x380, v5  }
0x3c7: {  	v5 =	vor.u32 v5, v50  }
0x3c8: {  	v49 =	vld.idx.msk [tilespmem:v62+s12+$0x0], $0xffff;
	v50 =	vor.u32 v16, v5  }
0x3c9: {  	v45 =	vor.u32 v45, v48;
	_ =	sdelay $0x3  }
0x3ca: {  	[tilespmem:v50+s9+$0x0] =	vst.idx.add.f32.msk $0xffff, v49  }
0x3cb: {  	v23 =	vor.u32 v6, v5;
	v45 =	vld.idx.msk [tilespmem:v45+s12+$0x0], $0xffff  }
0x3cc: {  	v46 =	vor.u32 v46, v48;
	_ =	sdelay $0x3  }
0x3cd: {  	[tilespmem:v23+s9+$0x0] =	vst.idx.add.f32.msk $0xffff, v45  }
0x3ce: {  	v60 =	vor.u32 v7, v5;
	v45 =	vld.idx.msk [tilespmem:v46+s12+$0x0], $0xffff  }
0x3cf: {  	v44 =	vor.u32 v44, v48;
	_ =	sdelay $0x3  }
0x3d0: {  	[tilespmem:v60+s9+$0x0] =	vst.idx.add.f32.msk $0xffff, v45  }
0x3d1: {  	v61 =	vor.u32 v8, v5;
	v44 =	vld.idx.msk [tilespmem:v44+s12+$0x0], $0xffff  }
0x3d2: {  	v43 =	vor.u32 v43, v48;
	_ =	sdelay $0x3  }
0x3d3: {  	[tilespmem:v61+s9+$0x0] =	vst.idx.add.f32.msk $0xffff, v44  }
0x3d4: {  	v62 =	vor.u32 v9, v5;
	v43 =	vld.idx.msk [tilespmem:v43+s12+$0x0], $0xffff  }
0x3d5: {  	v42 =	vor.u32 v42, v48;
	_ =	sdelay $0x3  }
0x3d6: {  	[tilespmem:v62+s9+$0x0] =	vst.idx.add.f32.msk $0xffff, v43  }
0x3d7: {  	v63 =	vor.u32 v10, v5;
	v42 =	vld.idx.msk [tilespmem:v42+s12+$0x0], $0xffff  }
0x3d8: {  	v41 =	vor.u32 v41, v48;
	_ =	sdelay $0x3  }
0x3d9: {  	[tilespmem:v63+s9+$0x0] =	vst.idx.add.f32.msk $0xffff, v42  }
0x3da: {  	v23 =	vor.u32 v11, v5;
	v41 =	vld.idx.msk [tilespmem:v41+s12+$0x0], $0xffff  }
0x3db: {  	v40 =	vor.u32 v40, v48;
	_ =	sdelay $0x3  }
0x3dc: {  	[tilespmem:v23+s9+$0x0] =	vst.idx.add.f32.msk $0xffff, v41  }
0x3dd: {  	v45 =	vor.u32 v12, v5;
	v40 =	vld.idx.msk [tilespmem:v40+s12+$0x0], $0xffff  }
0x3de: {  	v39 =	vor.u32 v39, v47;
	_ =	sdelay $0x3  }
0x3df: {  	[tilespmem:v45+s9+$0x0] =	vst.idx.add.f32.msk $0xffff, v40  }
0x3e0: {  	v46 =	vor.u32 v13, v5;
	v39 =	vld.idx.msk [tilespmem:v39+s12+$0x0], $0xffff  }
0x3e1: {  	v38 =	vor.u32 v38, v47;
	_ =	sdelay $0x3  }
0x3e2: {  	[tilespmem:v46+s9+$0x0] =	vst.idx.add.f32.msk $0xffff, v39  }
0x3e3: {  	v48 =	vor.u32 v14, v5;
	v38 =	vld.idx.msk [tilespmem:v38+s12+$0x0], $0xffff  }
0x3e4: {  	v37 =	vor.u32 v37, v47;
	_ =	sdelay $0x3  }
0x3e5: {  	[tilespmem:v48+s9+$0x0] =	vst.idx.add.f32.msk $0xffff, v38  }
0x3e6: {  	v49 =	vor.u32 v15, v5;
	v37 =	vld.idx.msk [tilespmem:v37+s12+$0x0], $0xffff  }
0x3e7: {  	v36 =	vor.u32 v36, v47;
	_ =	sdelay $0x3  }
0x3e8: {  	[tilespmem:v49+s9+$0x0] =	vst.idx.add.f32.msk $0xffff, v37  }
0x3e9: {  	v50 =	vor.u32 v21, v5;
	v36 =	vld.idx.msk [tilespmem:v36+s12+$0x0], $0xffff  }
0x3ea: {  	v35 =	vor.u32 v35, v47;
	_ =	sdelay $0x3  }
0x3eb: {  	[tilespmem:v50+s9+$0x0] =	vst.idx.add.f32.msk $0xffff, v36  }
0x3ec: {  	v60 =	vor.u32 v22, v5;
	v35 =	vld.idx.msk [tilespmem:v35+s12+$0x0], $0xffff  }
0x3ed: {  	v34 =	vor.u32 v34, v47;
	_ =	sdelay $0x3  }
0x3ee: {  	[tilespmem:v60+s9+$0x0] =	vst.idx.add.f32.msk $0xffff, v35  }
0x3ef: {  	v61 =	vor.u32 v17, v5;
	v34 =	vld.idx.msk [tilespmem:v34+s12+$0x0], $0xffff  }
0x3f0: {  	v33 =	vor.u32 v33, v47;
	_ =	sdelay $0x3  }
0x3f1: {  	[tilespmem:v61+s9+$0x0] =	vst.idx.add.f32.msk $0xffff, v34  }
0x3f2: {  	v62 =	vor.u32 v18, v5;
	v33 =	vld.idx.msk [tilespmem:v33+s12+$0x0], $0xffff  }
0x3f3: {  	v32 =	vor.u32 v32, v47;
	_ =	sdelay $0x3  }
0x3f4: {  	[tilespmem:v62+s9+$0x0] =	vst.idx.add.f32.msk $0xffff, v33  }
0x3f5: {  	v5 =	vor.u32 v19, v5;
	v32 =	vld.idx.msk [tilespmem:v32+s12+$0x0], $0xffff  }
0x3f6: {  	v63 =	vmov s31;
	_ =	sdelay $0x3  }
0x3f7: {  	[tilespmem:v5+s9+$0x0] =	vst.idx.add.f32.msk $0xffff, v32  }
0x3f8: {  	v5 =	vld.idx.msk [tilespmem:v63+s11+$0x0], $0xffff  }
0x3f9: {  	v32 =	vshll.u32 v63, $0x8  }
0x3fa: {  	v33 =	vand.u32 $0x7800, v32  }
0x3fb: {  	v31 =	vor.u32 v31, v33;
	_ =	sdelay $0x1  }
0x3fc: {  	v23 =	vshll.u32 v5, $0x8;
	v5 =	vshll.u32 v5, $0x7  }
0x3fd: {  	v34 =	vand.u32 $0xFFFFF800, v23;
	v5 =	vand.u32 $0x380, v5  }
0x3fe: {  	v5 =	vor.u32 v5, v34  }
0x3ff: {  	v31 =	vld.idx.msk [tilespmem:v31+s12+$0x0], $0xffff;
	v34 =	vor.u32 v16, v5  }
0x400: {  	v30 =	vor.u32 v30, v33;
	_ =	sdelay $0x3  }
0x401: {  	[tilespmem:v34+s9+$0x0] =	vst.idx.add.f32.msk $0xffff, v31;
	v34 =	vmov v6  }
0x402: {  	v30 =	vld.idx.msk [tilespmem:v30+s12+$0x0], $0xffff;
	v31 =	vor.u32 v34, v5  }
0x403: {  	v29 =	vor.u32 v29, v33;
	_ =	sdelay $0x3  }
0x404: {  	v6 =	vmov v7;
	[tilespmem:v31+s9+$0x0] =	vst.idx.add.f32.msk $0xffff, v30  }
0x405: {  	v30 =	vor.u32 v6, v5;
	v29 =	vld.idx.msk [tilespmem:v29+s12+$0x0], $0xffff  }
0x406: {  	v28 =	vor.u32 v28, v33;
	_ =	sdelay $0x3  }
0x407: {  	v7 =	vmov v8;
	[tilespmem:v30+s9+$0x0] =	vst.idx.add.f32.msk $0xffff, v29  }
0x408: {  	v29 =	vor.u32 v7, v5;
	v28 =	vld.idx.msk [tilespmem:v28+s12+$0x0], $0xffff  }
0x409: {  	v27 =	vor.u32 v27, v33  }
0x40a: {  	v44 =	vld [tilespmem:$0x1FE40];
	_ =	sdelay $0x2  }
0x40b: {  	v8 =	vmov v9;
	[tilespmem:v29+s9+$0x0] =	vst.idx.add.f32.msk $0xffff, v28  }
0x40c: {  	v28 =	vor.u32 v8, v5;
	v27 =	vld.idx.msk [tilespmem:v27+s12+$0x0], $0xffff  }
0x40d: {  	v26 =	vor.u32 v44, v33  }
0x40e: {  	v45 =	vld [tilespmem:$0x1FE50];
	_ =	sdelay $0x2  }
0x40f: {  	v9 =	vmov v10;
	[tilespmem:v28+s9+$0x0] =	vst.idx.add.f32.msk $0xffff, v27  }
0x410: {  	v27 =	vor.u32 v9, v5;
	v26 =	vld.idx.msk [tilespmem:v26+s12+$0x0], $0xffff  }
0x411: {  	v25 =	vor.u32 v45, v33  }
0x412: {  	v46 =	vld [tilespmem:$0x1FE60];
	_ =	sdelay $0x2  }
0x413: {  	v10 =	vmov v11;
	[tilespmem:v27+s9+$0x0] =	vst.idx.add.f32.msk $0xffff, v26  }
0x414: {  	v26 =	vor.u32 v10, v5;
	v25 =	vld.idx.msk [tilespmem:v25+s12+$0x0], $0xffff  }
0x415: {  	v24 =	vor.u32 v46, v33  }
0x416: {  	v47 =	vld [tilespmem:$0x1FE70];
	_ =	sdelay $0x2  }
0x417: {  	v11 =	vmov v12;
	[tilespmem:v26+s9+$0x0] =	vst.idx.add.f32.msk $0xffff, v25  }
0x418: {  	v25 =	vor.u32 v11, v5;
	v24 =	vld.idx.msk [tilespmem:v24+s12+$0x0], $0xffff  }
0x419: {  	v48 =	vor.u32 v47, v32  }
0x41a: {  	v49 =	vld [tilespmem:$0x1FE80];
	_ =	sdelay $0x2  }
0x41b: {  	v12 =	vmov v13;
	[tilespmem:v25+s9+$0x0] =	vst.idx.add.f32.msk $0xffff, v24  }
0x41c: {  	v24 =	vor.u32 v12, v5;
	v23 =	vld.idx.msk [tilespmem:v48+s12+$0x0], $0xffff  }
0x41d: {  	v50 =	vor.u32 v49, v32  }
0x41e: {  	v61 =	vld [tilespmem:$0x1FE90];
	_ =	sdelay $0x2  }
0x41f: {  	v13 =	vmov v14;
	[tilespmem:v24+s9+$0x0] =	vst.idx.add.f32.msk $0xffff, v23  }
0x420: {  	v0 =	vmov v22;
	v60 =	vor.u32 v13, v5;
	v22 =	vld.idx.msk [tilespmem:v50+s12+$0x0], $0xffff  }
0x421: {  	v14 =	vmov v15;
	v15 =	vmov v21;
	v21 =	vor.u32 v61, v32;
	_ =	sdelay $0x3  }
0x422: {  	[tilespmem:v60+s9+$0x0] =	vst.idx.add.f32.msk $0xffff, v22  }
0x423: {  	v62 =	vor.u32 v14, v5;
	v21 =	vld.idx.msk [tilespmem:v21+s12+$0x0], $0xffff  }
0x424: {  	v20 =	vor.u32 v20, v32;
	_ =	sdelay $0x3  }
0x425: {  	[tilespmem:v62+s9+$0x0] =	vst.idx.add.f32.msk $0xffff, v21  }
0x426: {  	v63 =	vor.u32 v15, v5;
	v20 =	vld.idx.msk [tilespmem:v20+s12+$0x0], $0xffff  }
0x427: {  	v4 =	vor.u32 v4, v32;
	_ =	sdelay $0x1  }
0x428: {  	v43 =	vld [tilespmem:$0x1FFF0]  }
0x429: {  	v42 =	vld [tilespmem:$0x1FFE0]  }
0x42a: {  	[tilespmem:v63+s9+$0x0] =	vst.idx.add.f32.msk $0xffff, v20  }
0x42b: {  	v20 =	vor.u32 v0, v5;
	v4 =	vld.idx.msk [tilespmem:v4+s12+$0x0], $0xffff  }
0x42c: {  	v41 =	vld [tilespmem:$0x1FFD0];
	v3 =	vor.u32 v3, v32  }
0x42d: {  	v40 =	vld [tilespmem:$0x1FFC0]  }
0x42e: {  	v39 =	vld [tilespmem:$0x1FFB0]  }
0x42f: {  	v38 =	vld [tilespmem:$0x1FFA0]  }
0x430: {  	[tilespmem:v20+s9+$0x0] =	vst.idx.add.f32.msk $0xffff, v4  }
0x431: {  	v4 =	vor.u32 v17, v5;
	v3 =	vld.idx.msk [tilespmem:v3+s12+$0x0], $0xffff  }
0x432: {  	v37 =	vld [tilespmem:$0x1FF90];
	v2 =	vor.u32 v2, v32  }
0x433: {  	v36 =	vld [tilespmem:$0x1FF80]  }
0x434: {  	v35 =	vld [tilespmem:$0x1FF70]  }
0x435: {  	v33 =	vld [tilespmem:$0x1FF60]  }
0x436: {  	[tilespmem:v4+s9+$0x0] =	vst.idx.add.f32.msk $0xffff, v3  }
0x437: {  	v3 =	vor.u32 v18, v5;
	v2 =	vld.idx.msk [tilespmem:v2+s12+$0x0], $0xffff  }
0x438: {  	v1 =	vor.u32 v1, v32;
	v32 =	vld [tilespmem:$0x1FF50]  }
0x439: {  	v31 =	vld [tilespmem:$0x1FF40]  }
0x43a: {  	v30 =	vld [tilespmem:$0x1FF30]  }
0x43b: {  	v29 =	vld [tilespmem:$0x1FF20]  }
0x43c: {  	[tilespmem:v3+s9+$0x0] =	vst.idx.add.f32.msk $0xffff, v2  }
0x43d: {  	p0 =	sne.s32 s31, $0x7F;
	v2 =	vor.u32 v19, v5;
	v1 =	vld.idx.msk [tilespmem:v1+s12+$0x0], $0xffff  }
.Ltmp0:
0x43e: {  	v28 =	vld [tilespmem:$0x1FF10];
	(pc) =	sbr.rel @p0 .LBB2_2-.Ltmp0, $4  }
0x43f: {  	v27 =	vld [tilespmem:$0x1FF00]  }
0x440: {  	v26 =	vld [tilespmem:$0x1FEF0]  }
0x441: {  	v25 =	vld [tilespmem:$0x1FEE0]  }
0x442: {  	s31 =	sadd.s32 $0x10, s31;
	[tilespmem:v2+s9+$0x0] =	vst.idx.add.f32.msk $0xffff, v1  }
0x443: {  	s30 =	sadd.s32 $0x1, s30  }
0x444: {  	p0 =	sne.s32 s30, s8  }
.Ltmp1:
0x445: {  	_ = 	snop;
	(pc) =	sbr.rel @p0 .LBB2_1-.Ltmp1, $4  }
0x446: {  	[hbm4b:s7+s1] =	stream.linear.scatter [tilespmem:s9], [sflag:$0x2], $0xD000, $0x38;
	[tilespmem:$0x15100] =	vst v63  }
0x447: {  	_ =	swait.ge [sflag:s10], $0xD000  }
0x448: {  	[sflag:s10] =	ssyncset.done $0x0  }
0x449: {  	[sflag:s10] =	ssyncadd.s32 $0xFFFF3000  }
0x44a: {  	_ =	sfence.sel $0x180000  }
0x44b: {  	[bflag:$0x0] =	sbarrier.arrive $0xFFFF  }
0x44c: {  	_ =	strace $0x90000047  }
0x44d: {  	[bflag:$0x2] =	sbarrier.arrive $0xFFFF  }
0x44e: {  	p0 =	sne.s32 s2, $0x0;
	s0 =	rddreg [dreg:$0x2]  }
0x44f: {  	s0 =	sadd.s32 @!p0 $0x100000, s0  }
0x450: {  	[sflag:s0] =	ssyncadd.tile.s32 @!p0 $0x1;
	_ =	shalt  }
.Lfunc_end2:
_tile_overlayer_lowered:
.L_overlay_start_2:
0x451: {  	(tag) =	ssettag $0x2  }
0x452: {  	s0 =	rddreg [dreg:$0x0];
	s2 =	stileid.u32  }
0x453: {  	s1 =	rddreg [dreg:$0x1];
	p0 =	sne.s32 s2, $0x0  }
0x454: {  	s3 =	rddreg [dreg:$0x2];
	[bflag:$0x3] =	sbarrier.arrive $0xFFFF;
	s2 =	simm.s32 @!p0 $0x1C02  }
0x455: {  	[timem:s3], [sflag:s2] =	dma.local @!p0 [hbm:s0], s1  }
0x456: {  	s0 =	simm.s32 @!p0 $0x2  }
0x457: {  	_ =	swait.ge @!p0 [sflag:s0], s1  }
0x458: {  	s1 =	ssub.s32 @!p0 $0x0, s1;
	[sflag:s0] =	ssyncset.done @!p0 $0x0  }
0x459: {  	[sflag:s0] =	ssyncadd.s32 @!p0 s1  }
0x45a: {  	[bflag:$0x3] =	sbarrier.arrive $0xFFFF  }
0x45b: {  	_ =	shalt  }

</sc_bundles>
